<compile_context>
chip_gen: v7x
topology: tpu7x:2x2x1
jax: 0.10.2.dev20260603
libtpu: 0.0.44.dev20260713+nightly
codegen_flags: <defaults>
</compile_context>

<pallas_src>
import jax
import jax.numpy as jnp
from jax import lax
from jax.experimental import pallas as pl
from jax.experimental.pallas import tpu as pltpu
from jax.experimental.pallas import tpu_sc as plsc

NN = 10000
NE = 320000
DD = 128
HH = 64
NC = 2
NS = 16
SUB = 64
RP = 32
ROWS = NE // SUB
PAIRS = ROWS // 2
PPT = PAIRS // NS
PREM = PAIRS - PPT * NS
APT = 624


def _prep_body(x_ref, awt, ab, bwt, bb, dwt, db, ewt, eb,
               ax_ref, dtab_ref, ebtab_ref):
    x = x_ref[...]
    ax_ref[...] = jnp.dot(x, awt[...], preferred_element_type=jnp.float32) + ab[...]
    dx = jnp.dot(x, dwt[...], preferred_element_type=jnp.float32) + db[...]
    ex = jnp.dot(x, ewt[...], preferred_element_type=jnp.float32) + eb[...]
    bx = jnp.dot(x, bwt[...], preferred_element_type=jnp.float32) + bb[...]
    dtab_ref[0] = dx
    dtab_ref[1] = jnp.concatenate([dx[:, HH:], dx[:, :HH]], axis=1)
    ebtab_ref[0] = jnp.concatenate([ex[:, :HH], bx[:, :HH]], axis=1)
    ebtab_ref[1] = jnp.concatenate([ex[:, HH:], bx[:, HH:]], axis=1)


def _prep(x, awt, ab, bwt, bb, dwt, db, ewt, eb):
    rb = 2000
    grid = NN // rb
    wspec = pl.BlockSpec((DD, DD), lambda i: (0, 0))
    bspec = pl.BlockSpec((1, DD), lambda i: (0, 0))
    return pl.pallas_call(
        _prep_body,
        grid=(grid,),
        in_specs=[pl.BlockSpec((rb, DD), lambda i: (i, 0)),
                  wspec, bspec, wspec, bspec, wspec, bspec, wspec, bspec],
        out_specs=[pl.BlockSpec((rb, DD), lambda i: (i, 0)),
                   pl.BlockSpec((NC, rb, DD), lambda i: (0, i, 0)),
                   pl.BlockSpec((NC, rb, DD), lambda i: (0, i, 0))],
        out_shape=[jax.ShapeDtypeStruct((NN, DD), jnp.float32),
                   jax.ShapeDtypeStruct((NC, NN, DD), jnp.float32),
                   jax.ShapeDtypeStruct((NC, NN, DD), jnp.float32)],
    )(x, awt, ab, bwt, bb, dwt, db, ewt, eb)


def _ce_body(ea_ref, cwt, cb, ce_ref):
    cea = jnp.dot(ea_ref[0], cwt[...], preferred_element_type=jnp.float32) + cb[...]
    ceb = jnp.dot(ea_ref[1], cwt[...], preferred_element_type=jnp.float32) + cb[...]
    ce_ref[0] = jnp.concatenate([cea[:, :HH], ceb[:, :HH]], axis=1)
    ce_ref[1] = jnp.concatenate([cea[:, HH:], ceb[:, HH:]], axis=1)


def _ce(ea2, cwt, cb):
    be = 2000
    grid = (NE // 2) // be
    return pl.pallas_call(
        _ce_body,
        grid=(grid,),
        in_specs=[pl.BlockSpec((2, be, DD), lambda i: (0, i, 0)),
                  pl.BlockSpec((DD, DD), lambda i: (0, 0)),
                  pl.BlockSpec((1, DD), lambda i: (0, 0))],
        out_specs=[pl.BlockSpec((NC, be, DD), lambda i: (0, i, 0))],
        out_shape=[jax.ShapeDtypeStruct((NC, NE // 2, DD), jnp.float32)],
    )(ea2, cwt, cb)[0]


def _sc_edge_body(dtab, ebtab, ce, sd3d,
                  eij, acc, stats,
                  sdb0, gsrc0, gdst0, ebrows0, cebuf0, msgbuf0,
                  sdb1, gsrc1, gdst1, ebrows1, cebuf1, msgbuf1,
                  statv, shacc,
                  semg0, semc0, seme0, sems0, semg1, semc1, seme1, sems1):
    c = lax.axis_index("c")
    s = lax.axis_index("s")
    cn = c * NN
    f0 = jnp.zeros((16,), jnp.float32)

    buf0 = (sdb0, gsrc0, gdst0, ebrows0, cebuf0, msgbuf0, semg0, semc0, seme0, sems0)
    buf1 = (sdb1, gsrc1, gdst1, ebrows1, cebuf1, msgbuf1, semg1, semc1, seme1, sems1)

    @pl.loop(0, SUB)
    def _zero_msg(i):
        for j in range(8):
            msgbuf0[i, pl.ds(16 * j, 16)] = f0

    @pl.loop(0, 10)
    def _zero_q(q):
        pltpu.sync_copy(msgbuf0, shacc.at[pl.ds(s * APT + q * SUB, SUB)])
    plsc.subcore_barrier()

    def fire_g(r, buf):
        sdb, gsrc, gdst, ebrows, cebuf, msgbuf, semg, semc = buf[:8]
        pltpu.sync_copy(sd3d.at[r], sdb)
        for j in range(4):
            sl = pl.ds(16 * j, 16)
            gsrc[sl] = sdb[0, sl] + cn
            gdst[sl] = sdb[1, sl] + cn
        cp1 = pltpu.async_copy(dtab.at[gdst], msgbuf, semg)
        cp2 = pltpu.async_copy(ebtab.at[gsrc], ebrows, semg)
        cp3 = pltpu.async_copy(ce.at[c, pl.ds(r * RP, RP)], cebuf, semc)
        return (cp1, cp2, cp3)

    def fire_w(r, buf):
        sdb, cebuf, msgbuf, seme, sems = buf[0], buf[4], buf[5], buf[8], buf[9]
        cp1 = pltpu.async_copy(cebuf, eij.at[c, pl.ds(r * RP, RP)], seme)
        cp2 = pltpu.async_copy(msgbuf, shacc.at[sdb.at[1]], sems, add=True)
        return (cp1, cp2)

    def compute(buf, stat_c):
        ebrows, cebuf, msgbuf = buf[3], buf[4], buf[5]

        @plsc.parallel_loop(0, RP, unroll=2, carry=stat_c)
        def _row(p, cr):
            acc_ = list(cr)
            for half in range(2):
                i = p + RP * half
                for j in range(4):
                    sl = pl.ds(16 * j, 16)
                    sl2 = pl.ds(HH + 16 * j, 16)
                    cl = pl.ds(HH * half + 16 * j, 16)
                    e = msgbuf[i, sl] + ebrows[i, sl] + cebuf[p, cl]
                    cebuf[p, cl] = e
                    sg = 1.0 / (1.0 + jnp.exp(-e))
                    msgbuf[i, sl] = sg * ebrows[i, sl2]
                    msgbuf[i, sl2] = sg
                    acc_[j] = acc_[j] + e
                    acc_[4 + j] = acc_[4 + j] + e * e
            return tuple(acc_)

        return _row

    plo = s * PPT + jnp.minimum(s, PREM)
    phi = plo + PPT + jnp.where(s < PREM, 1, 0)

    @pl.loop(plo, phi, init_carry=(f0,) * 8)
    def _pair(g, stat_c):
        r0 = 2 * g
        r1 = 2 * g + 1
        g0 = fire_g(r0, buf0)
        g1 = fire_g(r1, buf1)
        for cp in g0:
            cp.wait()
        st1 = compute(buf0, stat_c)
        w0 = fire_w(r0, buf0)
        for cp in g1:
            cp.wait()
        st2 = compute(buf1, st1)
        w1 = fire_w(r1, buf1)
        for cp in w0 + w1:
            cp.wait()
        return st2

    for j in range(4):
        statv[0, pl.ds(16 * j, 16)] = _pair[j]
        statv[0, pl.ds(HH + 16 * j, 16)] = _pair[4 + j]
    pltpu.sync_copy(statv, stats.at[c, s])
    plsc.subcore_barrier()
    @pl.loop(0, 10)
    def _dump_q(q):
        pltpu.sync_copy(shacc.at[pl.ds(s * APT + q * SUB, SUB)], msgbuf0)
        pltpu.sync_copy(msgbuf0, acc.at[c, pl.ds(s * APT + q * SUB, SUB)])

    @pl.when(s == NS - 1)
    def _acc_tail():
        pltpu.sync_copy(shacc.at[pl.ds(NS * APT, 16)],
                        msgbuf0.at[pl.ds(0, 16)])
        pltpu.sync_copy(msgbuf0.at[pl.ds(0, 16)],
                        acc.at[c, pl.ds(NS * APT, 16)])


def _sc_edge(dtab2, ebtab2, ce, sd3d):
    mesh = plsc.VectorSubcoreMesh(core_axis_name="c", subcore_axis_name="s",
                                  num_cores=NC, num_subcores=NS)
    vb = [
        pltpu.VMEM((2, SUB), jnp.int32),
        pltpu.VMEM((SUB,), jnp.int32),
        pltpu.VMEM((SUB,), jnp.int32),
        pltpu.VMEM((SUB, DD), jnp.float32),
        pltpu.VMEM((RP, DD), jnp.float32),
        pltpu.VMEM((SUB, DD), jnp.float32),
    ]
    f = pl.kernel(
        _sc_edge_body,
        compiler_params=pltpu.CompilerParams(use_tc_tiling_on_sc=False),
        out_type=[jax.ShapeDtypeStruct((NC, NE // 2, DD), jnp.float32),
                  jax.ShapeDtypeStruct((NC, NN, DD), jnp.float32),
                  jax.ShapeDtypeStruct((NC, NS, 8, DD), jnp.float32)],
        mesh=mesh,
        scratch_types=vb + vb + [
            pltpu.VMEM((8, DD), jnp.float32),
            pltpu.VMEM_SHARED((NN, DD), jnp.float32),
        ] + [pltpu.SemaphoreType.DMA] * 8,
    )
    return f(dtab2, ebtab2, ce, sd3d)


def _eout_body(eij_ref, ea_ref, st_ref, g_ref, b_ref, out_ref):
    st = st_ref[...]
    row0 = st[:, 0, :]
    c0 = jnp.sum(row0[:NS], axis=0)
    c1 = jnp.sum(row0[NS:], axis=0)
    mean = jnp.concatenate([c0[:HH], c1[:HH]]) * (1.0 / NE)
    msq = jnp.concatenate([c0[HH:], c1[HH:]]) * (1.0 / NE)
    var = msq - mean * mean
    scale = lax.rsqrt(var + 1e-5)
    ea = jnp.concatenate([eij_ref[0][:, :HH], eij_ref[1][:, :HH]], axis=1)
    eb = jnp.concatenate([eij_ref[0][:, HH:], eij_ref[1][:, HH:]], axis=1)

    def fin(e, attr):
        bn = (e - mean[None, :]) * scale[None, :] * g_ref[...] + b_ref[...]
        return attr + jnp.maximum(bn, 0.0)

    out_ref[0] = fin(ea, ea_ref[0])
    out_ref[1] = fin(eb, ea_ref[1])


def _eout(eij, ea2, stats4, g, b):
    be = 2000
    grid = (NE // 2) // be
    return pl.pallas_call(
        _eout_body,
        grid=(grid,),
        in_specs=[pl.BlockSpec((NC, be, DD), lambda i: (0, i, 0)),
                  pl.BlockSpec((2, be, DD), lambda i: (0, i, 0)),
                  pl.BlockSpec((NC * NS, 8, DD), lambda i: (0, 0, 0)),
                  pl.BlockSpec((1, DD), lambda i: (0, 0)),
                  pl.BlockSpec((1, DD), lambda i: (0, 0))],
        out_specs=pl.BlockSpec((2, be, DD), lambda i: (0, i, 0)),
        out_shape=jax.ShapeDtypeStruct((2, NE // 2, DD), jnp.float32),
    )(eij, ea2, stats4, g, b)


def _bn_tc(v, g, b):
    m = jnp.mean(v, axis=0, keepdims=True)
    var = jnp.mean(v * v, axis=0, keepdims=True) - m * m
    return (v - m) * lax.rsqrt(var + 1e-5) * g + b


def _x_body(x_ref, ax_ref, acc_ref, bxg, bxb, n1g, n1b, n2g, n2b,
            f1wt, f1b, f2wt, f2b, out_ref):
    num = jnp.concatenate([acc_ref[0][:, :HH], acc_ref[1][:, :HH]], axis=1)
    den = jnp.concatenate([acc_ref[0][:, HH:], acc_ref[1][:, HH:]], axis=1)
    h = ax_ref[...] + num / (den + 1e-6)
    h = jnp.maximum(_bn_tc(h, bxg[...], bxb[...]), 0.0)
    h = x_ref[...] + h
    h = _bn_tc(h, n1g[...], n1b[...])
    ff = jnp.maximum(
        jnp.dot(h, f1wt[...], preferred_element_type=jnp.float32) + f1b[...], 0.0)
    h2 = h + jnp.dot(ff, f2wt[...], preferred_element_type=jnp.float32) + f2b[...]
    out_ref[...] = _bn_tc(h2, n2g[...], n2b[...])


def _xpipe(x, ax, acc, bxg, bxb, n1g, n1b, n2g, n2b, f1wt, f1b, f2wt, f2b):
    return pl.pallas_call(
        _x_body,
        out_shape=jax.ShapeDtypeStruct((NN, DD), jnp.float32),
    )(x, ax, acc, bxg, bxb, n1g, n1b, n2g, n2b, f1wt, f1b, f2wt, f2b)


def kernel(x, edge_attr, edge_index, A_w, A_b, B_w, B_b, C_w, C_b, D_w, D_b,
           E_w, E_b, ff1_w, ff1_b, ff2_w, ff2_b, bnx_g, bnx_b, bne_g, bne_b,
           n1_g, n1_b, n2_g, n2_b):
    r1 = lambda v: v.reshape(1, -1)
    sd3d = (edge_index.reshape(2, 2, ROWS, RP)
            .transpose(2, 0, 1, 3).reshape(ROWS, 2, SUB))

    ea2 = edge_attr.reshape(2, NE // 2, DD)
    ax, dtab, ebtab = _prep(x, A_w.T, r1(A_b), B_w.T, r1(B_b),
                            D_w.T, r1(D_b), E_w.T, r1(E_b))
    ce = _ce(ea2, C_w.T, r1(C_b))

    eij, acc, stats = _sc_edge(dtab.reshape(NC * NN, DD),
                               ebtab.reshape(NC * NN, DD),
                               ce, sd3d)

    e_out = _eout(eij, ea2, stats.reshape(NC * NS, 8, DD),
                  r1(bne_g), r1(bne_b)).reshape(NE, DD)
    x_out = _xpipe(x, ax, acc, r1(bnx_g), r1(bnx_b), r1(n1_g), r1(n1_b),
                   r1(n2_g), r1(n2_b), ff1_w.T, r1(ff1_b), ff2_w.T, r1(ff2_b))
    return (x_out, e_out)

# --- scband reference (transcript-rebuilt; emitter-appended) ---
"""Pipeline reference for scband-g2-lformer-15126874817104 (READ-ONLY COPY).

The authoritative reference and input builder live on the scoring server;
editing this copy changes nothing except your own understanding.
"""

import jax, jax.numpy as jnp
import numpy as np

N_NODES = 10000
N_EDGES = 320000
D = 128


def setup_inputs(seed: int = 0) -> dict:
    key = jax.random.key(seed)
    ks = jax.random.split(key, 20)
    s = 1.0 / np.sqrt(D)

    def lin_w(k, out_d, in_d):
        return jax.random.uniform(k, (out_d, in_d), minval=-s, maxval=s, dtype=jnp.float32)

    def lin_b(k, out_d):
        return jax.random.uniform(k, (out_d,), minval=-s, maxval=s, dtype=jnp.float32)

    inp = {
        "x": jax.random.normal(ks[0], (N_NODES, D), dtype=jnp.float32),
        "edge_attr": jax.random.normal(ks[1], (N_EDGES, D), dtype=jnp.float32),
        "edge_index": jax.random.randint(ks[2], (2, N_EDGES), 0, N_NODES, dtype=jnp.int32),
        "A_w": lin_w(ks[3], D, D), "A_b": lin_b(ks[4], D),
        "B_w": lin_w(ks[5], D, D), "B_b": lin_b(ks[6], D),
        "C_w": lin_w(ks[7], D, D), "C_b": lin_b(ks[8], D),
        "D_w": lin_w(ks[9], D, D), "D_b": lin_b(ks[10], D),
        "E_w": lin_w(ks[11], D, D), "E_b": lin_b(ks[12], D),
        "ff1_w": lin_w(ks[13], 2 * D, D), "ff1_b": lin_b(ks[14], 2 * D),
        "ff2_w": jax.random.uniform(ks[15], (D, 2 * D), minval=-1.0 / np.sqrt(2 * D), maxval=1.0 / np.sqrt(2 * D), dtype=jnp.float32),
        "ff2_b": jax.random.uniform(ks[16], (D,), minval=-1.0 / np.sqrt(2 * D), maxval=1.0 / np.sqrt(2 * D), dtype=jnp.float32),
        "bnx_g": jnp.ones((D,), jnp.float32), "bnx_b": jnp.zeros((D,), jnp.float32),
        "bne_g": jnp.ones((D,), jnp.float32), "bne_b": jnp.zeros((D,), jnp.float32),
        "n1_g": jnp.ones((D,), jnp.float32), "n1_b": jnp.zeros((D,), jnp.float32),
        "n2_g": jnp.ones((D,), jnp.float32), "n2_b": jnp.zeros((D,), jnp.float32),
    }
    return inp


def _bn(v, g, b):
    m = v.mean(axis=0)
    var = v.var(axis=0)
    return (v - m) / jnp.sqrt(var + 1e-5) * g + b


def reference(x, edge_attr, edge_index, A_w, A_b, B_w, B_b, C_w, C_b, D_w, D_b, E_w, E_b,
              ff1_w, ff1_b, ff2_w, ff2_b, bnx_g, bnx_b, bne_g, bne_b, n1_g, n1_b, n2_g, n2_b):
    src = edge_index[0]  # j (source)
    dst = edge_index[1]  # i (target)

    Ax = x @ A_w.T + A_b
    Bx = x @ B_w.T + B_b
    Ce = edge_attr @ C_w.T + C_b
    Dx = x @ D_w.T + D_b
    Ex = x @ E_w.T + E_b

    # message
    e_ij = Dx[dst] + Ex[src] + Ce
    sigma_ij = jax.nn.sigmoid(e_ij)

    # aggregate
    numerator = jax.ops.segment_sum(sigma_ij * Bx[src], dst, num_segments=N_NODES)
    denominator = jax.ops.segment_sum(sigma_ij, dst, num_segments=N_NODES)
    aggr = numerator / (denominator + 1e-6)

    # update
    x_out = Ax + aggr
    e_out = e_ij

    x_out = _bn(x_out, bnx_g, bnx_b)
    e_out = _bn(e_out, bne_g, bne_b)
    x_out = jax.nn.relu(x_out)
    e_out = jax.nn.relu(e_out)

    # residual (dropout=0.0)
    x_out = x + x_out
    e_out = edge_attr + e_out

    # FFN block
    x_out = _bn(x_out, n1_g, n1_b)
    h = jax.nn.relu(x_out @ ff1_w.T + ff1_b)
    x_out = x_out + (h @ ff2_w.T + ff2_b)
    x_out = _bn(x_out, n2_g, n2_b)

    return (x_out, e_out)

if __name__ == "__main__":
    import jax
    _d = setup_inputs()
    print(jax.jit(kernel)(*tuple(_d.values())))

</pallas_src>

<mosaic_0001>
#map = affine_map<(d0, d1) -> (0, 0)>
#map1 = affine_map<(d0, d1) -> (0, 0, 0)>
#map2 = affine_map<(d0, d1) -> (0, 0, 0, 0)>
module attributes {stable_mosaic.version = 14 : i64} {
  func.func @_sc_edge_body(%arg0: i32, %arg1: i32, %arg2: memref<20000x128xf32, #tpu.memory_space<hbm>>, %arg3: memref<20000x128xf32, #tpu.memory_space<hbm>>, %arg4: memref<2x160000x128xf32, #tpu.memory_space<hbm>>, %arg5: memref<5000x2x64xi32, #tpu.memory_space<hbm>>, %arg6: memref<2x160000x128xf32, #tpu.memory_space<hbm>>, %arg7: memref<2x10000x128xf32, #tpu.memory_space<hbm>>, %arg8: memref<2x16x8x128xf32, #tpu.memory_space<hbm>>, %arg9: memref<2x64xi32, #tpu.memory_space<vmem>>, %arg10: memref<64xi32, #tpu.memory_space<vmem>>, %arg11: memref<64xi32, #tpu.memory_space<vmem>>, %arg12: memref<64x128xf32, #tpu.memory_space<vmem>>, %arg13: memref<32x128xf32, #tpu.memory_space<vmem>>, %arg14: memref<64x128xf32, #tpu.memory_space<vmem>>, %arg15: memref<2x64xi32, #tpu.memory_space<vmem>>, %arg16: memref<64xi32, #tpu.memory_space<vmem>>, %arg17: memref<64xi32, #tpu.memory_space<vmem>>, %arg18: memref<64x128xf32, #tpu.memory_space<vmem>>, %arg19: memref<32x128xf32, #tpu.memory_space<vmem>>, %arg20: memref<64x128xf32, #tpu.memory_space<vmem>>, %arg21: memref<8x128xf32, #tpu.memory_space<vmem>>, %arg22: memref<10000x128xf32, #tpu.memory_space<vmem_shared>>, %arg23: memref<!tpu.dma_semaphore, #tpu.memory_space<semaphore_mem>>, %arg24: memref<!tpu.dma_semaphore, #tpu.memory_space<semaphore_mem>>, %arg25: memref<!tpu.dma_semaphore, #tpu.memory_space<semaphore_mem>>, %arg26: memref<!tpu.dma_semaphore, #tpu.memory_space<semaphore_mem>>, %arg27: memref<!tpu.dma_semaphore, #tpu.memory_space<semaphore_mem>>, %arg28: memref<!tpu.dma_semaphore, #tpu.memory_space<semaphore_mem>>, %arg29: memref<!tpu.dma_semaphore, #tpu.memory_space<semaphore_mem>>, %arg30: memref<!tpu.dma_semaphore, #tpu.memory_space<semaphore_mem>>) attributes {dimension_semantics = [#tpu.dimension_semantics<core_parallel>, #tpu.dimension_semantics<subcore_parallel>], iteration_bounds = array<i64: 2, 16>, scalar_prefetch = 0 : i64, scratch_operands = 22 : i64, tpu.core_type = #tpu.core_type<sc_vector_subcore>, window_params = [{transform_indices = #map}, {transform_indices = #map}, {transform_indices = #map1}, {transform_indices = #map1}, {transform_indices = #map1}, {transform_indices = #map1}, {transform_indices = #map2}]} {
    %mul3A = arith.constant 10000 : i32
    %mul3A_0 = arith.muli %arg0, %mul3A : i32
    %broadcast_in_dim3A = arith.constant 0.000000e+00 : f32
    %broadcast_in_dim3A_1 = vector.broadcast %broadcast_in_dim3A : f32 to vector<16xf32>
    %scan3A = arith.constant 0 : i32
    %scan3A_2 = arith.constant 64 : i32
    %scan3A_3 = arith.addi %scan3A, %scan3A_2 : i32
    %scan3A_4 = arith.constant 1 : i32
    scf.for %scan3A_90 = %scan3A to %scan3A_3 step %scan3A_4  : i32 {
      %mul3A_91 = arith.constant 1 : i32
      %mul3A_92 = arith.muli %scan3A_90, %mul3A_91 : i32
      %add3A_93 = arith.constant 0 : i32
      %add3A_94 = arith.addi %add3A_93, %mul3A_92 : i32
      %swap3A_95 = arith.index_cast %add3A_94 : i32 to index
      %swap3A_96 = arith.constant 0 : index
      %swap3A_97 = tpu.vector_load %arg14[%swap3A_95, %swap3A_96] {strides = array<i32>} : memref<64x128xf32, #tpu.memory_space<vmem>>, vector<1x16xf32>,
      %swap3A_98 = vector.shape_cast %swap3A_97 : vector<1x16xf32> to vector<16xf32>
      %swap3A_99 = vector.shape_cast %broadcast_in_dim3A_1 : vector<16xf32> to vector<1x16xf32>
      tpu.vector_store %arg14[%swap3A_95, %swap3A_96], %swap3A_99 {strides = array<i32>} : memref<64x128xf32, #tpu.memory_space<vmem>>, vector<1x16xf32>,
      %swap3A_100 = arith.index_cast %add3A_94 : i32 to index
      %swap3A_101 = arith.constant 16 : index
      %swap3A_102 = tpu.vector_load %arg14[%swap3A_100, %swap3A_101] {strides = array<i32>} : memref<64x128xf32, #tpu.memory_space<vmem>>, vector<1x16xf32>,
      %swap3A_103 = vector.shape_cast %swap3A_102 : vector<1x16xf32> to vector<16xf32>
      %swap3A_104 = vector.shape_cast %broadcast_in_dim3A_1 : vector<16xf32> to vector<1x16xf32>
      tpu.vector_store %arg14[%swap3A_100, %swap3A_101], %swap3A_104 {strides = array<i32>} : memref<64x128xf32, #tpu.memory_space<vmem>>, vector<1x16xf32>,
      %swap3A_105 = arith.index_cast %add3A_94 : i32 to index
      %swap3A_106 = arith.constant 32 : index
      %swap3A_107 = tpu.vector_load %arg14[%swap3A_105, %swap3A_106] {strides = array<i32>} : memref<64x128xf32, #tpu.memory_space<vmem>>, vector<1x16xf32>,
      %swap3A_108 = vector.shape_cast %swap3A_107 : vector<1x16xf32> to vector<16xf32>
      %swap3A_109 = vector.shape_cast %broadcast_in_dim3A_1 : vector<16xf32> to vector<1x16xf32>
      tpu.vector_store %arg14[%swap3A_105, %swap3A_106], %swap3A_109 {strides = array<i32>} : memref<64x128xf32, #tpu.memory_space<vmem>>, vector<1x16xf32>,
      %swap3A_110 = arith.index_cast %add3A_94 : i32 to index
      %swap3A_111 = arith.constant 48 : index
      %swap3A_112 = tpu.vector_load %arg14[%swap3A_110, %swap3A_111] {strides = array<i32>} : memref<64x128xf32, #tpu.memory_space<vmem>>, vector<1x16xf32>,
      %swap3A_113 = vector.shape_cast %swap3A_112 : vector<1x16xf32> to vector<16xf32>
      %swap3A_114 = vector.shape_cast %broadcast_in_dim3A_1 : vector<16xf32> to vector<1x16xf32>
      tpu.vector_store %arg14[%swap3A_110, %swap3A_111], %swap3A_114 {strides = array<i32>} : memref<64x128xf32, #tpu.memory_space<vmem>>, vector<1x16xf32>,
      %swap3A_115 = arith.index_cast %add3A_94 : i32 to index
      %swap3A_116 = arith.constant 64 : index
      %swap3A_117 = tpu.vector_load %arg14[%swap3A_115, %swap3A_116] {strides = array<i32>} : memref<64x128xf32, #tpu.memory_space<vmem>>, vector<1x16xf32>,
      %swap3A_118 = vector.shape_cast %swap3A_117 : vector<1x16xf32> to vector<16xf32>
      %swap3A_119 = vector.shape_cast %broadcast_in_dim3A_1 : vector<16xf32> to vector<1x16xf32>
      tpu.vector_store %arg14[%swap3A_115, %swap3A_116], %swap3A_119 {strides = array<i32>} : memref<64x128xf32, #tpu.memory_space<vmem>>, vector<1x16xf32>,
      %swap3A_120 = arith.index_cast %add3A_94 : i32 to index
      %swap3A_121 = arith.constant 80 : index
      %swap3A_122 = tpu.vector_load %arg14[%swap3A_120, %swap3A_121] {strides = array<i32>} : memref<64x128xf32, #tpu.memory_space<vmem>>, vector<1x16xf32>,
      %swap3A_123 = vector.shape_cast %swap3A_122 : vector<1x16xf32> to vector<16xf32>
      %swap3A_124 = vector.shape_cast %broadcast_in_dim3A_1 : vector<16xf32> to vector<1x16xf32>
      tpu.vector_store %arg14[%swap3A_120, %swap3A_121], %swap3A_124 {strides = array<i32>} : memref<64x128xf32, #tpu.memory_space<vmem>>, vector<1x16xf32>,
      %swap3A_125 = arith.index_cast %add3A_94 : i32 to index
      %swap3A_126 = arith.constant 96 : index
      %swap3A_127 = tpu.vector_load %arg14[%swap3A_125, %swap3A_126] {strides = array<i32>} : memref<64x128xf32, #tpu.memory_space<vmem>>, vector<1x16xf32>,
      %swap3A_128 = vector.shape_cast %swap3A_127 : vector<1x16xf32> to vector<16xf32>
      %swap3A_129 = vector.shape_cast %broadcast_in_dim3A_1 : vector<16xf32> to vector<1x16xf32>
      tpu.vector_store %arg14[%swap3A_125, %swap3A_126], %swap3A_129 {strides = array<i32>} : memref<64x128xf32, #tpu.memory_space<vmem>>, vector<1x16xf32>,
      %swap3A_130 = arith.index_cast %add3A_94 : i32 to index
      %swap3A_131 = arith.constant 112 : index
      %swap3A_132 = tpu.vector_load %arg14[%swap3A_130, %swap3A_131] {strides = array<i32>} : memref<64x128xf32, #tpu.memory_space<vmem>>, vector<1x16xf32>,
      %swap3A_133 = vector.shape_cast %swap3A_132 : vector<1x16xf32> to vector<16xf32>
      %swap3A_134 = vector.shape_cast %broadcast_in_dim3A_1 : vector<16xf32> to vector<1x16xf32>
      tpu.vector_store %arg14[%swap3A_130, %swap3A_131], %swap3A_134 {strides = array<i32>} : memref<64x128xf32, #tpu.memory_space<vmem>>, vector<1x16xf32>,
    }
    %scan3A_5 = arith.constant 64 : i32
    %scan3A_6 = arith.constant 0 : i32
    %scan3A_7 = arith.constant 10 : i32
    %scan3A_8 = arith.addi %scan3A_6, %scan3A_7 : i32
    %scan3A_9 = arith.constant 1 : i32
    scf.for %scan3A_90 = %scan3A_6 to %scan3A_8 step %scan3A_9  : i32 {
      %mul3A_91 = arith.constant 1 : i32
      %mul3A_92 = arith.muli %scan3A_90, %mul3A_91 : i32
      %add3A_93 = arith.constant 0 : i32
      %add3A_94 = arith.addi %add3A_93, %mul3A_92 : i32
      %mul3A_95 = arith.constant 624 : i32
      %mul3A_96 = arith.muli %arg1, %mul3A_95 : i32
      %mul3A_97 = arith.constant 64 : i32
      %mul3A_98 = arith.muli %add3A_94, %mul3A_97 : i32
      %add3A_99 = arith.addi %mul3A_96, %mul3A_98 : i32
      "tpu.region"() ({
        %run_scoped3A = tpu.sem_alloc : memref<!tpu.dma_semaphore, #tpu.memory_space<semaphore_mem>>
        %dma_start3A = arith.constant 0 : i32
        %dma_start3A_100 = tpu.memref_slice %arg22[%add3A_99, %dma_start3A] : memref<10000x128xf32, #tpu.memory_space<vmem_shared>> -> memref<64x128xf32, #tpu.memory_space<vmem_shared>>
        %dma_start3A_101 = arith.constant 0 : i32
        %dma_start3A_102 = tpu.memref_slice %arg22[%add3A_99, %dma_start3A_101] : memref<10000x128xf32, #tpu.memory_space<vmem_shared>> -> memref<64x128xf32, #tpu.memory_space<vmem_shared>>
        tpu.enqueue_dma source(%arg14 : memref<64x128xf32, #tpu.memory_space<vmem>>) target(%dma_start3A_102 : memref<64x128xf32, #tpu.memory_space<vmem_shared>>) target_semaphore(%run_scoped3A : memref<!tpu.dma_semaphore, #tpu.memory_space<semaphore_mem>>)
        %dma_wait3A = arith.constant 0 : i32
        %dma_wait3A_103 = tpu.memref_slice %arg22[%add3A_99, %dma_wait3A] : memref<10000x128xf32, #tpu.memory_space<vmem_shared>> -> memref<64x128xf32, #tpu.memory_space<vmem_shared>>
        %dma_wait3A_104 = arith.constant 0 : i32
        %dma_wait3A_105 = tpu.memref_slice %arg22[%add3A_99, %dma_wait3A_104] : memref<10000x128xf32, #tpu.memory_space<vmem_shared>> -> memref<64x128xf32, #tpu.memory_space<vmem_shared>>
        tpu.wait_dma2 semaphore(%run_scoped3A : memref<!tpu.dma_semaphore, #tpu.memory_space<semaphore_mem>>) src(%arg14 : memref<64x128xf32, #tpu.memory_space<vmem>>) dst(%dma_wait3A_105 : memref<64x128xf32, #tpu.memory_space<vmem_shared>>)
        tpu.yield
      }) : () -> ()
    }
    %scan3A_10 = arith.constant 10 : i32
    %barrier3A = arith.constant 0 : index
    tpu.barrier barrier_id(%barrier3A)
    %mul3A_11 = arith.constant 156 : i32
    %mul3A_12 = arith.muli %arg1, %mul3A_11 : i32
    %min3A = arith.constant 4 : i32
    %min3A_13 = arith.minsi %arg1, %min3A : i32
    %add3A = arith.addi %mul3A_12, %min3A_13 : i32
    %add3A_14 = arith.constant 156 : i32
    %add3A_15 = arith.addi %add3A, %add3A_14 : i32
    %lt3A = arith.constant 4 : i32
    %lt3A_16 = arith.cmpi slt, %arg1, %lt3A : i32
    %jit3A = arith.constant 1 : i32
    %jit3A_17 = arith.constant 0 : i32
    %select_n3A = arith.select %lt3A_16, %jit3A, %jit3A_17 : i32
    %add3A_18 = arith.addi %add3A_15, %select_n3A : i32
    %sub3A = arith.subi %add3A_18, %add3A : i32
    %sub3A_19 = arith.constant 1 : i32
    %sub3A_20 = arith.constant 1 : i32
    %sub3A_21 = arith.subi %sub3A_19, %sub3A_20 : i32
    %add3A_22 = arith.addi %sub3A, %sub3A_21 : i32
    %div3A = arith.constant 1 : i32
    %div3A_23 = arith.divsi %add3A_22, %div3A : i32
    %while3A = arith.constant 1 : i32
    %while3A_24 = arith.constant 0 : i32
    %while3A_25 = arith.subi %div3A_23, %while3A_24 : i32
    %while3A_26 = arith.addi %while3A_24, %while3A_25 : i32
    %while3A_27 = arith.constant 1 : i32
    %while3A_28 = arith.divsi %while3A_25, %while3A_27 : i32
    %while3A_29 = arith.muli %while3A_28, %while3A_27 : i32
    %while3A_30 = arith.addi %while3A_24, %while3A_29 : i32
    %while3A_31 = arith.constant 1 : i32
    %while3A_32:8 = scf.for %while3A_90 = %while3A_24 to %while3A_30 step %while3A_31 iter_args(%while3A_91 = %broadcast_in_dim3A_1, %while3A_92 = %broadcast_in_dim3A_1, %while3A_93 = %broadcast_in_dim3A_1, %while3A_94 = %broadcast_in_dim3A_1, %while3A_95 = %broadcast_in_dim3A_1, %while3A_96 = %broadcast_in_dim3A_1, %while3A_97 = %broadcast_in_dim3A_1, %while3A_98 = %broadcast_in_dim3A_1) -> (vector<16xf32>, vector<16xf32>, vector<16xf32>, vector<16xf32>, vector<16xf32>, vector<16xf32>, vector<16xf32>, vector<16xf32>)  : i32 {
      %mul3A_99 = arith.muli %while3A_90, %while3A : i32
      %add3A_100 = arith.addi %add3A, %mul3A_99 : i32
      %mul3A_101 = arith.constant 2 : i32
      %mul3A_102 = arith.muli %mul3A_101, %add3A_100 : i32
      %mul3A_103 = arith.constant 2 : i32
      %mul3A_104 = arith.muli %mul3A_103, %add3A_100 : i32
      %add3A_105 = arith.constant 1 : i32
      %add3A_106 = arith.addi %mul3A_104, %add3A_105 : i32
      "tpu.region"() ({
        %run_scoped3A = tpu.sem_alloc : memref<!tpu.dma_semaphore, #tpu.memory_space<semaphore_mem>>
        %dma_start3A_395 = arith.constant 0 : i32
        %dma_start3A_396 = arith.constant 0 : i32
        %dma_start3A_397 = tpu.memref_slice %arg5[%mul3A_102, %dma_start3A_395, %dma_start3A_396] : memref<5000x2x64xi32, #tpu.memory_space<hbm>> -> memref<1x2x64xi32, #tpu.memory_space<hbm>>
        %dma_start3A_398 = tpu.memref_squeeze %dma_start3A_397 : memref<1x2x64xi32, #tpu.memory_space<hbm>> -> memref<2x64xi32, #tpu.memory_space<hbm>>
        %dma_start3A_399 = arith.constant 0 : i32
        %dma_start3A_400 = arith.constant 0 : i32
        %dma_start3A_401 = tpu.memref_slice %arg5[%mul3A_102, %dma_start3A_399, %dma_start3A_400] : memref<5000x2x64xi32, #tpu.memory_space<hbm>> -> memref<1x2x64xi32, #tpu.memory_space<hbm>>
        %dma_start3A_402 = tpu.memref_squeeze %dma_start3A_401 : memref<1x2x64xi32, #tpu.memory_space<hbm>> -> memref<2x64xi32, #tpu.memory_space<hbm>>
        tpu.enqueue_dma source(%dma_start3A_402 : memref<2x64xi32, #tpu.memory_space<hbm>>) target(%arg9 : memref<2x64xi32, #tpu.memory_space<vmem>>) target_semaphore(%run_scoped3A : memref<!tpu.dma_semaphore, #tpu.memory_space<semaphore_mem>>)
        %dma_wait3A_403 = arith.constant 0 : i32
        %dma_wait3A_404 = arith.constant 0 : i32
        %dma_wait3A_405 = tpu.memref_slice %arg5[%mul3A_102, %dma_wait3A_403, %dma_wait3A_404] : memref<5000x2x64xi32, #tpu.memory_space<hbm>> -> memref<1x2x64xi32, #tpu.memory_space<hbm>>
        %dma_wait3A_406 = tpu.memref_squeeze %dma_wait3A_405 : memref<1x2x64xi32, #tpu.memory_space<hbm>> -> memref<2x64xi32, #tpu.memory_space<hbm>>
        %dma_wait3A_407 = arith.constant 0 : i32
        %dma_wait3A_408 = arith.constant 0 : i32
        %dma_wait3A_409 = tpu.memref_slice %arg5[%mul3A_102, %dma_wait3A_407, %dma_wait3A_408] : memref<5000x2x64xi32, #tpu.memory_space<hbm>> -> memref<1x2x64xi32, #tpu.memory_space<hbm>>
        %dma_wait3A_410 = tpu.memref_squeeze %dma_wait3A_409 : memref<1x2x64xi32, #tpu.memory_space<hbm>> -> memref<2x64xi32, #tpu.memory_space<hbm>>
        tpu.wait_dma2 semaphore(%run_scoped3A : memref<!tpu.dma_semaphore, #tpu.memory_space<semaphore_mem>>) src(%dma_wait3A_410 : memref<2x64xi32, #tpu.memory_space<hbm>>) dst(%arg9 : memref<2x64xi32, #tpu.memory_space<vmem>>)
        tpu.yield
      }) : () -> ()
      %get3A = arith.constant 0 : i32
      %get3A_107 = arith.index_cast %get3A : i32 to index
      %get3A_108 = arith.constant 0 : index
      %get3A_109 = tpu.vector_load %arg9[%get3A_107, %get3A_108] {strides = array<i32>} : memref<2x64xi32, #tpu.memory_space<vmem>>, vector<1x16xi32>,
      %get3A_110 = vector.shape_cast %get3A_109 : vector<1x16xi32> to vector<16xi32>
      %add3A_111 = vector.broadcast %mul3A_0 : i32 to vector<16xi32>
      %add3A_112 = arith.addi %get3A_110, %add3A_111 : vector<16xi32>
      %swap3A_113 = arith.constant 0 : index
      %swap3A_114 = tpu.vector_load %arg10[%swap3A_113] {strides = array<i32>} : memref<64xi32, #tpu.memory_space<vmem>>, vector<16xi32>,
      %swap3A_115 = vector.shape_cast %swap3A_114 : vector<16xi32> to vector<16xi32>
      %swap3A_116 = vector.shape_cast %add3A_112 : vector<16xi32> to vector<16xi32>
      tpu.vector_store %arg10[%swap3A_113], %swap3A_116 {strides = array<i32>} : memref<64xi32, #tpu.memory_space<vmem>>, vector<16xi32>,
      %get3A_117 = arith.constant 1 : i32
      %get3A_118 = arith.index_cast %get3A_117 : i32 to index
      %get3A_119 = arith.constant 0 : index
      %get3A_120 = tpu.vector_load %arg9[%get3A_118, %get3A_119] {strides = array<i32>} : memref<2x64xi32, #tpu.memory_space<vmem>>, vector<1x16xi32>,
      %get3A_121 = vector.shape_cast %get3A_120 : vector<1x16xi32> to vector<16xi32>
      %add3A_122 = vector.broadcast %mul3A_0 : i32 to vector<16xi32>
      %add3A_123 = arith.addi %get3A_121, %add3A_122 : vector<16xi32>
      %swap3A_124 = arith.constant 0 : index
      %swap3A_125 = tpu.vector_load %arg11[%swap3A_124] {strides = array<i32>} : memref<64xi32, #tpu.memory_space<vmem>>, vector<16xi32>,
      %swap3A_126 = vector.shape_cast %swap3A_125 : vector<16xi32> to vector<16xi32>
      %swap3A_127 = vector.shape_cast %add3A_123 : vector<16xi32> to vector<16xi32>
      tpu.vector_store %arg11[%swap3A_124], %swap3A_127 {strides = array<i32>} : memref<64xi32, #tpu.memory_space<vmem>>, vector<16xi32>,
      %get3A_128 = arith.constant 0 : i32
      %get3A_129 = arith.index_cast %get3A_128 : i32 to index
      %get3A_130 = arith.constant 16 : index
      %get3A_131 = tpu.vector_load %arg9[%get3A_129, %get3A_130] {strides = array<i32>} : memref<2x64xi32, #tpu.memory_space<vmem>>, vector<1x16xi32>,
      %get3A_132 = vector.shape_cast %get3A_131 : vector<1x16xi32> to vector<16xi32>
      %add3A_133 = vector.broadcast %mul3A_0 : i32 to vector<16xi32>
      %add3A_134 = arith.addi %get3A_132, %add3A_133 : vector<16xi32>
      %swap3A_135 = arith.constant 16 : index
      %swap3A_136 = tpu.vector_load %arg10[%swap3A_135] {strides = array<i32>} : memref<64xi32, #tpu.memory_space<vmem>>, vector<16xi32>,
      %swap3A_137 = vector.shape_cast %swap3A_136 : vector<16xi32> to vector<16xi32>
      %swap3A_138 = vector.shape_cast %add3A_134 : vector<16xi32> to vector<16xi32>
      tpu.vector_store %arg10[%swap3A_135], %swap3A_138 {strides = array<i32>} : memref<64xi32, #tpu.memory_space<vmem>>, vector<16xi32>,
      %get3A_139 = arith.constant 1 : i32
      %get3A_140 = arith.index_cast %get3A_139 : i32 to index
      %get3A_141 = arith.constant 16 : index
      %get3A_142 = tpu.vector_load %arg9[%get3A_140, %get3A_141] {strides = array<i32>} : memref<2x64xi32, #tpu.memory_space<vmem>>, vector<1x16xi32>,
      %get3A_143 = vector.shape_cast %get3A_142 : vector<1x16xi32> to vector<16xi32>
      %add3A_144 = vector.broadcast %mul3A_0 : i32 to vector<16xi32>
      %add3A_145 = arith.addi %get3A_143, %add3A_144 : vector<16xi32>
      %swap3A_146 = arith.constant 16 : index
      %swap3A_147 = tpu.vector_load %arg11[%swap3A_146] {strides = array<i32>} : memref<64xi32, #tpu.memory_space<vmem>>, vector<16xi32>,
      %swap3A_148 = vector.shape_cast %swap3A_147 : vector<16xi32> to vector<16xi32>
      %swap3A_149 = vector.shape_cast %add3A_145 : vector<16xi32> to vector<16xi32>
      tpu.vector_store %arg11[%swap3A_146], %swap3A_149 {strides = array<i32>} : memref<64xi32, #tpu.memory_space<vmem>>, vector<16xi32>,
      %get3A_150 = arith.constant 0 : i32
      %get3A_151 = arith.index_cast %get3A_150 : i32 to index
      %get3A_152 = arith.constant 32 : index
      %get3A_153 = tpu.vector_load %arg9[%get3A_151, %get3A_152] {strides = array<i32>} : memref<2x64xi32, #tpu.memory_space<vmem>>, vector<1x16xi32>,
      %get3A_154 = vector.shape_cast %get3A_153 : vector<1x16xi32> to vector<16xi32>
      %add3A_155 = vector.broadcast %mul3A_0 : i32 to vector<16xi32>
      %add3A_156 = arith.addi %get3A_154, %add3A_155 : vector<16xi32>
      %swap3A_157 = arith.constant 32 : index
      %swap3A_158 = tpu.vector_load %arg10[%swap3A_157] {strides = array<i32>} : memref<64xi32, #tpu.memory_space<vmem>>, vector<16xi32>,
      %swap3A_159 = vector.shape_cast %swap3A_158 : vector<16xi32> to vector<16xi32>
      %swap3A_160 = vector.shape_cast %add3A_156 : vector<16xi32> to vector<16xi32>
      tpu.vector_store %arg10[%swap3A_157], %swap3A_160 {strides = array<i32>} : memref<64xi32, #tpu.memory_space<vmem>>, vector<16xi32>,
      %get3A_161 = arith.constant 1 : i32
      %get3A_162 = arith.index_cast %get3A_161 : i32 to index
      %get3A_163 = arith.constant 32 : index
      %get3A_164 = tpu.vector_load %arg9[%get3A_162, %get3A_163] {strides = array<i32>} : memref<2x64xi32, #tpu.memory_space<vmem>>, vector<1x16xi32>,
      %get3A_165 = vector.shape_cast %get3A_164 : vector<1x16xi32> to vector<16xi32>
      %add3A_166 = vector.broadcast %mul3A_0 : i32 to vector<16xi32>
      %add3A_167 = arith.addi %get3A_165, %add3A_166 : vector<16xi32>
      %swap3A_168 = arith.constant 32 : index
      %swap3A_169 = tpu.vector_load %arg11[%swap3A_168] {strides = array<i32>} : memref<64xi32, #tpu.memory_space<vmem>>, vector<16xi32>,
      %swap3A_170 = vector.shape_cast %swap3A_169 : vector<16xi32> to vector<16xi32>
      %swap3A_171 = vector.shape_cast %add3A_167 : vector<16xi32> to vector<16xi32>
      tpu.vector_store %arg11[%swap3A_168], %swap3A_171 {strides = array<i32>} : memref<64xi32, #tpu.memory_space<vmem>>, vector<16xi32>,
      %get3A_172 = arith.constant 0 : i32
      %get3A_173 = arith.index_cast %get3A_172 : i32 to index
      %get3A_174 = arith.constant 48 : index
      %get3A_175 = tpu.vector_load %arg9[%get3A_173, %get3A_174] {strides = array<i32>} : memref<2x64xi32, #tpu.memory_space<vmem>>, vector<1x16xi32>,
      %get3A_176 = vector.shape_cast %get3A_175 : vector<1x16xi32> to vector<16xi32>
      %add3A_177 = vector.broadcast %mul3A_0 : i32 to vector<16xi32>
      %add3A_178 = arith.addi %get3A_176, %add3A_177 : vector<16xi32>
      %swap3A_179 = arith.constant 48 : index
      %swap3A_180 = tpu.vector_load %arg10[%swap3A_179] {strides = array<i32>} : memref<64xi32, #tpu.memory_space<vmem>>, vector<16xi32>,
      %swap3A_181 = vector.shape_cast %swap3A_180 : vector<16xi32> to vector<16xi32>
      %swap3A_182 = vector.shape_cast %add3A_178 : vector<16xi32> to vector<16xi32>
      tpu.vector_store %arg10[%swap3A_179], %swap3A_182 {strides = array<i32>} : memref<64xi32, #tpu.memory_space<vmem>>, vector<16xi32>,
      %get3A_183 = arith.constant 1 : i32
      %get3A_184 = arith.index_cast %get3A_183 : i32 to index
      %get3A_185 = arith.constant 48 : index
      %get3A_186 = tpu.vector_load %arg9[%get3A_184, %get3A_185] {strides = array<i32>} : memref<2x64xi32, #tpu.memory_space<vmem>>, vector<1x16xi32>,
      %get3A_187 = vector.shape_cast %get3A_186 : vector<1x16xi32> to vector<16xi32>
      %add3A_188 = vector.broadcast %mul3A_0 : i32 to vector<16xi32>
      %add3A_189 = arith.addi %get3A_187, %add3A_188 : vector<16xi32>
      %swap3A_190 = arith.constant 48 : index
      %swap3A_191 = tpu.vector_load %arg11[%swap3A_190] {strides = array<i32>} : memref<64xi32, #tpu.memory_space<vmem>>, vector<16xi32>,
      %swap3A_192 = vector.shape_cast %swap3A_191 : vector<16xi32> to vector<16xi32>
      %swap3A_193 = vector.shape_cast %add3A_189 : vector<16xi32> to vector<16xi32>
      tpu.vector_store %arg11[%swap3A_190], %swap3A_193 {strides = array<i32>} : memref<64xi32, #tpu.memory_space<vmem>>, vector<16xi32>,
      %dma_start3A = arith.constant 0 : i32
      %dma_start3A_194 = arith.constant 0 : i32
      %dma_start3A_195 = tpu.memref_slice %arg2[%dma_start3A, %dma_start3A_194] : memref<20000x128xf32, #tpu.memory_space<hbm>> -> memref<20000x128xf32, #tpu.memory_space<hbm>>
      tpu.enqueue_indirect_dma source(%dma_start3A_195 : memref<20000x128xf32, #tpu.memory_space<hbm>>) target(%arg14 : memref<64x128xf32, #tpu.memory_space<vmem>>) offsets(%arg11 : memref<64xi32, #tpu.memory_space<vmem>>) semaphore(%arg23 : memref<!tpu.dma_semaphore, #tpu.memory_space<semaphore_mem>>)
      %dma_start3A_196 = arith.constant 0 : i32
      %dma_start3A_197 = arith.constant 0 : i32
      %dma_start3A_198 = tpu.memref_slice %arg3[%dma_start3A_196, %dma_start3A_197] : memref<20000x128xf32, #tpu.memory_space<hbm>> -> memref<20000x128xf32, #tpu.memory_space<hbm>>
      tpu.enqueue_indirect_dma source(%dma_start3A_198 : memref<20000x128xf32, #tpu.memory_space<hbm>>) target(%arg12 : memref<64x128xf32, #tpu.memory_space<vmem>>) offsets(%arg10 : memref<64xi32, #tpu.memory_space<vmem>>) semaphore(%arg23 : memref<!tpu.dma_semaphore, #tpu.memory_space<semaphore_mem>>)
      %mul3A_199 = arith.constant 32 : i32
      %mul3A_200 = arith.muli %mul3A_102, %mul3A_199 : i32
      %dma_start3A_201 = arith.constant 0 : i32
      %dma_start3A_202 = tpu.memref_slice %arg4[%arg0, %mul3A_200, %dma_start3A_201] : memref<2x160000x128xf32, #tpu.memory_space<hbm>> -> memref<1x32x128xf32, #tpu.memory_space<hbm>>
      %dma_start3A_203 = tpu.memref_squeeze %dma_start3A_202 : memref<1x32x128xf32, #tpu.memory_space<hbm>> -> memref<32x128xf32, #tpu.memory_space<hbm>>
      %dma_start3A_204 = arith.constant 0 : i32
      %dma_start3A_205 = tpu.memref_slice %arg4[%arg0, %mul3A_200, %dma_start3A_204] : memref<2x160000x128xf32, #tpu.memory_space<hbm>> -> memref<1x32x128xf32, #tpu.memory_space<hbm>>
      %dma_start3A_206 = tpu.memref_squeeze %dma_start3A_205 : memref<1x32x128xf32, #tpu.memory_space<hbm>> -> memref<32x128xf32, #tpu.memory_space<hbm>>
      tpu.enqueue_dma source(%dma_start3A_206 : memref<32x128xf32, #tpu.memory_space<hbm>>) target(%arg13 : memref<32x128xf32, #tpu.memory_space<vmem>>) target_semaphore(%arg24 : memref<!tpu.dma_semaphore, #tpu.memory_space<semaphore_mem>>)
      "tpu.region"() ({
        %run_scoped3A = tpu.sem_alloc : memref<!tpu.dma_semaphore, #tpu.memory_space<semaphore_mem>>
        %dma_start3A_395 = arith.constant 0 : i32
        %dma_start3A_396 = arith.constant 0 : i32
        %dma_start3A_397 = tpu.memref_slice %arg5[%add3A_106, %dma_start3A_395, %dma_start3A_396] : memref<5000x2x64xi32, #tpu.memory_space<hbm>> -> memref<1x2x64xi32, #tpu.memory_space<hbm>>
        %dma_start3A_398 = tpu.memref_squeeze %dma_start3A_397 : memref<1x2x64xi32, #tpu.memory_space<hbm>> -> memref<2x64xi32, #tpu.memory_space<hbm>>
        %dma_start3A_399 = arith.constant 0 : i32
        %dma_start3A_400 = arith.constant 0 : i32
        %dma_start3A_401 = tpu.memref_slice %arg5[%add3A_106, %dma_start3A_399, %dma_start3A_400] : memref<5000x2x64xi32, #tpu.memory_space<hbm>> -> memref<1x2x64xi32, #tpu.memory_space<hbm>>
        %dma_start3A_402 = tpu.memref_squeeze %dma_start3A_401 : memref<1x2x64xi32, #tpu.memory_space<hbm>> -> memref<2x64xi32, #tpu.memory_space<hbm>>
        tpu.enqueue_dma source(%dma_start3A_402 : memref<2x64xi32, #tpu.memory_space<hbm>>) target(%arg15 : memref<2x64xi32, #tpu.memory_space<vmem>>) target_semaphore(%run_scoped3A : memref<!tpu.dma_semaphore, #tpu.memory_space<semaphore_mem>>)
        %dma_wait3A_403 = arith.constant 0 : i32
        %dma_wait3A_404 = arith.constant 0 : i32
        %dma_wait3A_405 = tpu.memref_slice %arg5[%add3A_106, %dma_wait3A_403, %dma_wait3A_404] : memref<5000x2x64xi32, #tpu.memory_space<hbm>> -> memref<1x2x64xi32, #tpu.memory_space<hbm>>
        %dma_wait3A_406 = tpu.memref_squeeze %dma_wait3A_405 : memref<1x2x64xi32, #tpu.memory_space<hbm>> -> memref<2x64xi32, #tpu.memory_space<hbm>>
        %dma_wait3A_407 = arith.constant 0 : i32
        %dma_wait3A_408 = arith.constant 0 : i32
        %dma_wait3A_409 = tpu.memref_slice %arg5[%add3A_106, %dma_wait3A_407, %dma_wait3A_408] : memref<5000x2x64xi32, #tpu.memory_space<hbm>> -> memref<1x2x64xi32, #tpu.memory_space<hbm>>
        %dma_wait3A_410 = tpu.memref_squeeze %dma_wait3A_409 : memref<1x2x64xi32, #tpu.memory_space<hbm>> -> memref<2x64xi32, #tpu.memory_space<hbm>>
        tpu.wait_dma2 semaphore(%run_scoped3A : memref<!tpu.dma_semaphore, #tpu.memory_space<semaphore_mem>>) src(%dma_wait3A_410 : memref<2x64xi32, #tpu.memory_space<hbm>>) dst(%arg15 : memref<2x64xi32, #tpu.memory_space<vmem>>)
        tpu.yield
      }) : () -> ()
      %get3A_207 = arith.constant 0 : i32
      %get3A_208 = arith.index_cast %get3A_207 : i32 to index
      %get3A_209 = arith.constant 0 : index
      %get3A_210 = tpu.vector_load %arg15[%get3A_208, %get3A_209] {strides = array<i32>} : memref<2x64xi32, #tpu.memory_space<vmem>>, vector<1x16xi32>,
      %get3A_211 = vector.shape_cast %get3A_210 : vector<1x16xi32> to vector<16xi32>
      %add3A_212 = vector.broadcast %mul3A_0 : i32 to vector<16xi32>
      %add3A_213 = arith.addi %get3A_211, %add3A_212 : vector<16xi32>
      %swap3A_214 = arith.constant 0 : index
      %swap3A_215 = tpu.vector_load %arg16[%swap3A_214] {strides = array<i32>} : memref<64xi32, #tpu.memory_space<vmem>>, vector<16xi32>,
      %swap3A_216 = vector.shape_cast %swap3A_215 : vector<16xi32> to vector<16xi32>
      %swap3A_217 = vector.shape_cast %add3A_213 : vector<16xi32> to vector<16xi32>
      tpu.vector_store %arg16[%swap3A_214], %swap3A_217 {strides = array<i32>} : memref<64xi32, #tpu.memory_space<vmem>>, vector<16xi32>,
      %get3A_218 = arith.constant 1 : i32
      %get3A_219 = arith.index_cast %get3A_218 : i32 to index
      %get3A_220 = arith.constant 0 : index
      %get3A_221 = tpu.vector_load %arg15[%get3A_219, %get3A_220] {strides = array<i32>} : memref<2x64xi32, #tpu.memory_space<vmem>>, vector<1x16xi32>,
      %get3A_222 = vector.shape_cast %get3A_221 : vector<1x16xi32> to vector<16xi32>
      %add3A_223 = vector.broadcast %mul3A_0 : i32 to vector<16xi32>
      %add3A_224 = arith.addi %get3A_222, %add3A_223 : vector<16xi32>
      %swap3A_225 = arith.constant 0 : index
      %swap3A_226 = tpu.vector_load %arg17[%swap3A_225] {strides = array<i32>} : memref<64xi32, #tpu.memory_space<vmem>>, vector<16xi32>,
      %swap3A_227 = vector.shape_cast %swap3A_226 : vector<16xi32> to vector<16xi32>
      %swap3A_228 = vector.shape_cast %add3A_224 : vector<16xi32> to vector<16xi32>
      tpu.vector_store %arg17[%swap3A_225], %swap3A_228 {strides = array<i32>} : memref<64xi32, #tpu.memory_space<vmem>>, vector<16xi32>,
      %get3A_229 = arith.constant 0 : i32
      %get3A_230 = arith.index_cast %get3A_229 : i32 to index
      %get3A_231 = arith.constant 16 : index
      %get3A_232 = tpu.vector_load %arg15[%get3A_230, %get3A_231] {strides = array<i32>} : memref<2x64xi32, #tpu.memory_space<vmem>>, vector<1x16xi32>,
      %get3A_233 = vector.shape_cast %get3A_232 : vector<1x16xi32> to vector<16xi32>
      %add3A_234 = vector.broadcast %mul3A_0 : i32 to vector<16xi32>
      %add3A_235 = arith.addi %get3A_233, %add3A_234 : vector<16xi32>
      %swap3A_236 = arith.constant 16 : index
      %swap3A_237 = tpu.vector_load %arg16[%swap3A_236] {strides = array<i32>} : memref<64xi32, #tpu.memory_space<vmem>>, vector<16xi32>,
      %swap3A_238 = vector.shape_cast %swap3A_237 : vector<16xi32> to vector<16xi32>
      %swap3A_239 = vector.shape_cast %add3A_235 : vector<16xi32> to vector<16xi32>
      tpu.vector_store %arg16[%swap3A_236], %swap3A_239 {strides = array<i32>} : memref<64xi32, #tpu.memory_space<vmem>>, vector<16xi32>,
      %get3A_240 = arith.constant 1 : i32
      %get3A_241 = arith.index_cast %get3A_240 : i32 to index
      %get3A_242 = arith.constant 16 : index
      %get3A_243 = tpu.vector_load %arg15[%get3A_241, %get3A_242] {strides = array<i32>} : memref<2x64xi32, #tpu.memory_space<vmem>>, vector<1x16xi32>,
      %get3A_244 = vector.shape_cast %get3A_243 : vector<1x16xi32> to vector<16xi32>
      %add3A_245 = vector.broadcast %mul3A_0 : i32 to vector<16xi32>
      %add3A_246 = arith.addi %get3A_244, %add3A_245 : vector<16xi32>
      %swap3A_247 = arith.constant 16 : index
      %swap3A_248 = tpu.vector_load %arg17[%swap3A_247] {strides = array<i32>} : memref<64xi32, #tpu.memory_space<vmem>>, vector<16xi32>,
      %swap3A_249 = vector.shape_cast %swap3A_248 : vector<16xi32> to vector<16xi32>
      %swap3A_250 = vector.shape_cast %add3A_246 : vector<16xi32> to vector<16xi32>
      tpu.vector_store %arg17[%swap3A_247], %swap3A_250 {strides = array<i32>} : memref<64xi32, #tpu.memory_space<vmem>>, vector<16xi32>,
      %get3A_251 = arith.constant 0 : i32
      %get3A_252 = arith.index_cast %get3A_251 : i32 to index
      %get3A_253 = arith.constant 32 : index
      %get3A_254 = tpu.vector_load %arg15[%get3A_252, %get3A_253] {strides = array<i32>} : memref<2x64xi32, #tpu.memory_space<vmem>>, vector<1x16xi32>,
      %get3A_255 = vector.shape_cast %get3A_254 : vector<1x16xi32> to vector<16xi32>
      %add3A_256 = vector.broadcast %mul3A_0 : i32 to vector<16xi32>
      %add3A_257 = arith.addi %get3A_255, %add3A_256 : vector<16xi32>
      %swap3A_258 = arith.constant 32 : index
      %swap3A_259 = tpu.vector_load %arg16[%swap3A_258] {strides = array<i32>} : memref<64xi32, #tpu.memory_space<vmem>>, vector<16xi32>,
      %swap3A_260 = vector.shape_cast %swap3A_259 : vector<16xi32> to vector<16xi32>
      %swap3A_261 = vector.shape_cast %add3A_257 : vector<16xi32> to vector<16xi32>
      tpu.vector_store %arg16[%swap3A_258], %swap3A_261 {strides = array<i32>} : memref<64xi32, #tpu.memory_space<vmem>>, vector<16xi32>,
      %get3A_262 = arith.constant 1 : i32
      %get3A_263 = arith.index_cast %get3A_262 : i32 to index
      %get3A_264 = arith.constant 32 : index
      %get3A_265 = tpu.vector_load %arg15[%get3A_263, %get3A_264] {strides = array<i32>} : memref<2x64xi32, #tpu.memory_space<vmem>>, vector<1x16xi32>,
      %get3A_266 = vector.shape_cast %get3A_265 : vector<1x16xi32> to vector<16xi32>
      %add3A_267 = vector.broadcast %mul3A_0 : i32 to vector<16xi32>
      %add3A_268 = arith.addi %get3A_266, %add3A_267 : vector<16xi32>
      %swap3A_269 = arith.constant 32 : index
      %swap3A_270 = tpu.vector_load %arg17[%swap3A_269] {strides = array<i32>} : memref<64xi32, #tpu.memory_space<vmem>>, vector<16xi32>,
      %swap3A_271 = vector.shape_cast %swap3A_270 : vector<16xi32> to vector<16xi32>
      %swap3A_272 = vector.shape_cast %add3A_268 : vector<16xi32> to vector<16xi32>
      tpu.vector_store %arg17[%swap3A_269], %swap3A_272 {strides = array<i32>} : memref<64xi32, #tpu.memory_space<vmem>>, vector<16xi32>,
      %get3A_273 = arith.constant 0 : i32
      %get3A_274 = arith.index_cast %get3A_273 : i32 to index
      %get3A_275 = arith.constant 48 : index
      %get3A_276 = tpu.vector_load %arg15[%get3A_274, %get3A_275] {strides = array<i32>} : memref<2x64xi32, #tpu.memory_space<vmem>>, vector<1x16xi32>,
      %get3A_277 = vector.shape_cast %get3A_276 : vector<1x16xi32> to vector<16xi32>
      %add3A_278 = vector.broadcast %mul3A_0 : i32 to vector<16xi32>
      %add3A_279 = arith.addi %get3A_277, %add3A_278 : vector<16xi32>
      %swap3A_280 = arith.constant 48 : index
      %swap3A_281 = tpu.vector_load %arg16[%swap3A_280] {strides = array<i32>} : memref<64xi32, #tpu.memory_space<vmem>>, vector<16xi32>,
      %swap3A_282 = vector.shape_cast %swap3A_281 : vector<16xi32> to vector<16xi32>
      %swap3A_283 = vector.shape_cast %add3A_279 : vector<16xi32> to vector<16xi32>
      tpu.vector_store %arg16[%swap3A_280], %swap3A_283 {strides = array<i32>} : memref<64xi32, #tpu.memory_space<vmem>>, vector<16xi32>,
      %get3A_284 = arith.constant 1 : i32
      %get3A_285 = arith.index_cast %get3A_284 : i32 to index
      %get3A_286 = arith.constant 48 : index
      %get3A_287 = tpu.vector_load %arg15[%get3A_285, %get3A_286] {strides = array<i32>} : memref<2x64xi32, #tpu.memory_space<vmem>>, vector<1x16xi32>,
      %get3A_288 = vector.shape_cast %get3A_287 : vector<1x16xi32> to vector<16xi32>
      %add3A_289 = vector.broadcast %mul3A_0 : i32 to vector<16xi32>
      %add3A_290 = arith.addi %get3A_288, %add3A_289 : vector<16xi32>
      %swap3A_291 = arith.constant 48 : index
      %swap3A_292 = tpu.vector_load %arg17[%swap3A_291] {strides = array<i32>} : memref<64xi32, #tpu.memory_space<vmem>>, vector<16xi32>,
      %swap3A_293 = vector.shape_cast %swap3A_292 : vector<16xi32> to vector<16xi32>
      %swap3A_294 = vector.shape_cast %add3A_290 : vector<16xi32> to vector<16xi32>
      tpu.vector_store %arg17[%swap3A_291], %swap3A_294 {strides = array<i32>} : memref<64xi32, #tpu.memory_space<vmem>>, vector<16xi32>,
      %dma_start3A_295 = arith.constant 0 : i32
      %dma_start3A_296 = arith.constant 0 : i32
      %dma_start3A_297 = tpu.memref_slice %arg2[%dma_start3A_295, %dma_start3A_296] : memref<20000x128xf32, #tpu.memory_space<hbm>> -> memref<20000x128xf32, #tpu.memory_space<hbm>>
      tpu.enqueue_indirect_dma source(%dma_start3A_297 : memref<20000x128xf32, #tpu.memory_space<hbm>>) target(%arg20 : memref<64x128xf32, #tpu.memory_space<vmem>>) offsets(%arg17 : memref<64xi32, #tpu.memory_space<vmem>>) semaphore(%arg27 : memref<!tpu.dma_semaphore, #tpu.memory_space<semaphore_mem>>)
      %dma_start3A_298 = arith.constant 0 : i32
      %dma_start3A_299 = arith.constant 0 : i32
      %dma_start3A_300 = tpu.memref_slice %arg3[%dma_start3A_298, %dma_start3A_299] : memref<20000x128xf32, #tpu.memory_space<hbm>> -> memref<20000x128xf32, #tpu.memory_space<hbm>>
      tpu.enqueue_indirect_dma source(%dma_start3A_300 : memref<20000x128xf32, #tpu.memory_space<hbm>>) target(%arg18 : memref<64x128xf32, #tpu.memory_space<vmem>>) offsets(%arg16 : memref<64xi32, #tpu.memory_space<vmem>>) semaphore(%arg27 : memref<!tpu.dma_semaphore, #tpu.memory_space<semaphore_mem>>)
      %mul3A_301 = arith.constant 32 : i32
      %mul3A_302 = arith.muli %add3A_106, %mul3A_301 : i32
      %dma_start3A_303 = arith.constant 0 : i32
      %dma_start3A_304 = tpu.memref_slice %arg4[%arg0, %mul3A_302, %dma_start3A_303] : memref<2x160000x128xf32, #tpu.memory_space<hbm>> -> memref<1x32x128xf32, #tpu.memory_space<hbm>>
      %dma_start3A_305 = tpu.memref_squeeze %dma_start3A_304 : memref<1x32x128xf32, #tpu.memory_space<hbm>> -> memref<32x128xf32, #tpu.memory_space<hbm>>
      %dma_start3A_306 = arith.constant 0 : i32
      %dma_start3A_307 = tpu.memref_slice %arg4[%arg0, %mul3A_302, %dma_start3A_306] : memref<2x160000x128xf32, #tpu.memory_space<hbm>> -> memref<1x32x128xf32, #tpu.memory_space<hbm>>
      %dma_start3A_308 = tpu.memref_squeeze %dma_start3A_307 : memref<1x32x128xf32, #tpu.memory_space<hbm>> -> memref<32x128xf32, #tpu.memory_space<hbm>>
      tpu.enqueue_dma source(%dma_start3A_308 : memref<32x128xf32, #tpu.memory_space<hbm>>) target(%arg19 : memref<32x128xf32, #tpu.memory_space<vmem>>) target_semaphore(%arg28 : memref<!tpu.dma_semaphore, #tpu.memory_space<semaphore_mem>>)
      %dma_wait3A = arith.constant 0 : i32
      %dma_wait3A_309 = arith.constant 0 : i32
      %dma_wait3A_310 = tpu.memref_slice %arg2[%dma_wait3A, %dma_wait3A_309] : memref<20000x128xf32, #tpu.memory_space<hbm>> -> memref<20000x128xf32, #tpu.memory_space<hbm>>
      tpu.wait_indirect_dma semaphore(%arg23 : memref<!tpu.dma_semaphore, #tpu.memory_space<semaphore_mem>>) src(%dma_wait3A_310 : memref<20000x128xf32, #tpu.memory_space<hbm>>) dst(%arg14 : memref<64x128xf32, #tpu.memory_space<vmem>>)
      %dma_wait3A_311 = arith.constant 0 : i32
      %dma_wait3A_312 = arith.constant 0 : i32
      %dma_wait3A_313 = tpu.memref_slice %arg3[%dma_wait3A_311, %dma_wait3A_312] : memref<20000x128xf32, #tpu.memory_space<hbm>> -> memref<20000x128xf32, #tpu.memory_space<hbm>>
      tpu.wait_indirect_dma semaphore(%arg23 : memref<!tpu.dma_semaphore, #tpu.memory_space<semaphore_mem>>) src(%dma_wait3A_313 : memref<20000x128xf32, #tpu.memory_space<hbm>>) dst(%arg12 : memref<64x128xf32, #tpu.memory_space<vmem>>)
      %dma_wait3A_314 = arith.constant 0 : i32
      %dma_wait3A_315 = tpu.memref_slice %arg4[%arg0, %mul3A_200, %dma_wait3A_314] : memref<2x160000x128xf32, #tpu.memory_space<hbm>> -> memref<1x32x128xf32, #tpu.memory_space<hbm>>
      %dma_wait3A_316 = tpu.memref_squeeze %dma_wait3A_315 : memref<1x32x128xf32, #tpu.memory_space<hbm>> -> memref<32x128xf32, #tpu.memory_space<hbm>>
      %dma_wait3A_317 = arith.constant 0 : i32
      %dma_wait3A_318 = tpu.memref_slice %arg4[%arg0, %mul3A_200, %dma_wait3A_317] : memref<2x160000x128xf32, #tpu.memory_space<hbm>> -> memref<1x32x128xf32, #tpu.memory_space<hbm>>
      %dma_wait3A_319 = tpu.memref_squeeze %dma_wait3A_318 : memref<1x32x128xf32, #tpu.memory_space<hbm>> -> memref<32x128xf32, #tpu.memory_space<hbm>>
      tpu.wait_dma2 semaphore(%arg24 : memref<!tpu.dma_semaphore, #tpu.memory_space<semaphore_mem>>) src(%dma_wait3A_319 : memref<32x128xf32, #tpu.memory_space<hbm>>) dst(%arg13 : memref<32x128xf32, #tpu.memory_space<vmem>>)
      %parallel_loop3A = arith.constant 0 : i32
      %parallel_loop3A_320 = arith.constant 32 : i32
      %parallel_loop3A_321 = arith.constant 1 : i32
      %parallel_loop3A_322:8 = scf.for %parallel_loop3A_395 = %parallel_loop3A to %parallel_loop3A_320 step %parallel_loop3A_321 iter_args(%parallel_loop3A_396 = %while3A_91, %parallel_loop3A_397 = %while3A_92, %parallel_loop3A_398 = %while3A_93, %parallel_loop3A_399 = %while3A_94, %parallel_loop3A_400 = %while3A_95, %parallel_loop3A_401 = %while3A_96, %parallel_loop3A_402 = %while3A_97, %parallel_loop3A_403 = %while3A_98) -> (vector<16xf32>, vector<16xf32>, vector<16xf32>, vector<16xf32>, vector<16xf32>, vector<16xf32>, vector<16xf32>, vector<16xf32>)  : i32 {
        %parallel_loop3A_404 = arith.constant 0 : i32
        %parallel_loop3A_405 = arith.addi %parallel_loop3A_395, %parallel_loop3A_404 : i32
        %parallel_loop3A_406 = arith.index_cast %parallel_loop3A_405 : i32 to index
        %parallel_loop3A_407 = arith.constant 0 : index
        %parallel_loop3A_408 = tpu.vector_load %arg14[%parallel_loop3A_406, %parallel_loop3A_407] {strides = array<i32>} : memref<64x128xf32, #tpu.memory_space<vmem>>, vector<1x16xf32>,
        %parallel_loop3A_409 = vector.shape_cast %parallel_loop3A_408 : vector<1x16xf32> to vector<16xf32>
        %parallel_loop3A_410 = arith.index_cast %parallel_loop3A_405 : i32 to index
        %parallel_loop3A_411 = arith.constant 0 : index
        %parallel_loop3A_412 = tpu.vector_load %arg12[%parallel_loop3A_410, %parallel_loop3A_411] {strides = array<i32>} : memref<64x128xf32, #tpu.memory_space<vmem>>, vector<1x16xf32>,
        %parallel_loop3A_413 = vector.shape_cast %parallel_loop3A_412 : vector<1x16xf32> to vector<16xf32>
        %parallel_loop3A_414 = arith.addf %parallel_loop3A_409, %parallel_loop3A_413 : vector<16xf32>
        %parallel_loop3A_415 = arith.index_cast %parallel_loop3A_395 : i32 to index
        %parallel_loop3A_416 = arith.constant 0 : index
        %parallel_loop3A_417 = tpu.vector_load %arg13[%parallel_loop3A_415, %parallel_loop3A_416] {strides = array<i32>} : memref<32x128xf32, #tpu.memory_space<vmem>>, vector<1x16xf32>,
        %parallel_loop3A_418 = vector.shape_cast %parallel_loop3A_417 : vector<1x16xf32> to vector<16xf32>
        %parallel_loop3A_419 = arith.addf %parallel_loop3A_414, %parallel_loop3A_418 : vector<16xf32>
        %parallel_loop3A_420 = arith.index_cast %parallel_loop3A_395 : i32 to index
        %parallel_loop3A_421 = arith.constant 0 : index
        %parallel_loop3A_422 = tpu.vector_load %arg13[%parallel_loop3A_420, %parallel_loop3A_421] {strides = array<i32>} : memref<32x128xf32, #tpu.memory_space<vmem>>, vector<1x16xf32>,
        %parallel_loop3A_423 = vector.shape_cast %parallel_loop3A_422 : vector<1x16xf32> to vector<16xf32>
        %parallel_loop3A_424 = vector.shape_cast %parallel_loop3A_419 : vector<16xf32> to vector<1x16xf32>
        tpu.vector_store %arg13[%parallel_loop3A_420, %parallel_loop3A_421], %parallel_loop3A_424 {strides = array<i32>} : memref<32x128xf32, #tpu.memory_space<vmem>>, vector<1x16xf32>,
        %parallel_loop3A_425 = arith.constant 0.000000e+00 : f32
        %parallel_loop3A_426 = vector.broadcast %parallel_loop3A_425 : f32 to vector<16xf32>
        %parallel_loop3A_427 = arith.subf %parallel_loop3A_426, %parallel_loop3A_419 : vector<16xf32>
        %parallel_loop3A_428 = math.exp %parallel_loop3A_427 : vector<16xf32>
        %parallel_loop3A_429 = arith.constant 1.000000e+00 : f32
        %parallel_loop3A_430 = vector.broadcast %parallel_loop3A_429 : f32 to vector<16xf32>
        %parallel_loop3A_431 = arith.addf %parallel_loop3A_430, %parallel_loop3A_428 : vector<16xf32>
        %parallel_loop3A_432 = arith.constant 1.000000e+00 : f32
        %parallel_loop3A_433 = vector.broadcast %parallel_loop3A_432 : f32 to vector<16xf32>
        %parallel_loop3A_434 = arith.divf %parallel_loop3A_433, %parallel_loop3A_431 : vector<16xf32>
        %parallel_loop3A_435 = arith.index_cast %parallel_loop3A_405 : i32 to index
        %parallel_loop3A_436 = arith.constant 64 : index
        %parallel_loop3A_437 = tpu.vector_load %arg12[%parallel_loop3A_435, %parallel_loop3A_436] {strides = array<i32>} : memref<64x128xf32, #tpu.memory_space<vmem>>, vector<1x16xf32>,
        %parallel_loop3A_438 = vector.shape_cast %parallel_loop3A_437 : vector<1x16xf32> to vector<16xf32>
        %parallel_loop3A_439 = arith.mulf %parallel_loop3A_434, %parallel_loop3A_438 : vector<16xf32>
        %parallel_loop3A_440 = arith.index_cast %parallel_loop3A_405 : i32 to index
        %parallel_loop3A_441 = arith.constant 0 : index
        %parallel_loop3A_442 = tpu.vector_load %arg14[%parallel_loop3A_440, %parallel_loop3A_441] {strides = array<i32>} : memref<64x128xf32, #tpu.memory_space<vmem>>, vector<1x16xf32>,
        %parallel_loop3A_443 = vector.shape_cast %parallel_loop3A_442 : vector<1x16xf32> to vector<16xf32>
        %parallel_loop3A_444 = vector.shape_cast %parallel_loop3A_439 : vector<16xf32> to vector<1x16xf32>
        tpu.vector_store %arg14[%parallel_loop3A_440, %parallel_loop3A_441], %parallel_loop3A_444 {strides = array<i32>} : memref<64x128xf32, #tpu.memory_space<vmem>>, vector<1x16xf32>,
        %parallel_loop3A_445 = arith.index_cast %parallel_loop3A_405 : i32 to index
        %parallel_loop3A_446 = arith.constant 64 : index
        %parallel_loop3A_447 = tpu.vector_load %arg14[%parallel_loop3A_445, %parallel_loop3A_446] {strides = array<i32>} : memref<64x128xf32, #tpu.memory_space<vmem>>, vector<1x16xf32>,
        %parallel_loop3A_448 = vector.shape_cast %parallel_loop3A_447 : vector<1x16xf32> to vector<16xf32>
        %parallel_loop3A_449 = vector.shape_cast %parallel_loop3A_434 : vector<16xf32> to vector<1x16xf32>
        tpu.vector_store %arg14[%parallel_loop3A_445, %parallel_loop3A_446], %parallel_loop3A_449 {strides = array<i32>} : memref<64x128xf32, #tpu.memory_space<vmem>>, vector<1x16xf32>,
        %parallel_loop3A_450 = arith.addf %parallel_loop3A_396, %parallel_loop3A_419 : vector<16xf32>
        %parallel_loop3A_451 = arith.mulf %parallel_loop3A_419, %parallel_loop3A_419 : vector<16xf32>
        %parallel_loop3A_452 = arith.addf %parallel_loop3A_400, %parallel_loop3A_451 : vector<16xf32>
        %parallel_loop3A_453 = arith.index_cast %parallel_loop3A_405 : i32 to index
        %parallel_loop3A_454 = arith.constant 16 : index
        %parallel_loop3A_455 = tpu.vector_load %arg14[%parallel_loop3A_453, %parallel_loop3A_454] {strides = array<i32>} : memref<64x128xf32, #tpu.memory_space<vmem>>, vector<1x16xf32>,
        %parallel_loop3A_456 = vector.shape_cast %parallel_loop3A_455 : vector<1x16xf32> to vector<16xf32>
        %parallel_loop3A_457 = arith.index_cast %parallel_loop3A_405 : i32 to index
        %parallel_loop3A_458 = arith.constant 16 : index
        %parallel_loop3A_459 = tpu.vector_load %arg12[%parallel_loop3A_457, %parallel_loop3A_458] {strides = array<i32>} : memref<64x128xf32, #tpu.memory_space<vmem>>, vector<1x16xf32>,
        %parallel_loop3A_460 = vector.shape_cast %parallel_loop3A_459 : vector<1x16xf32> to vector<16xf32>
        %parallel_loop3A_461 = arith.addf %parallel_loop3A_456, %parallel_loop3A_460 : vector<16xf32>
        %parallel_loop3A_462 = arith.index_cast %parallel_loop3A_395 : i32 to index
        %parallel_loop3A_463 = arith.constant 16 : index
        %parallel_loop3A_464 = tpu.vector_load %arg13[%parallel_loop3A_462, %parallel_loop3A_463] {strides = array<i32>} : memref<32x128xf32, #tpu.memory_space<vmem>>, vector<1x16xf32>,
        %parallel_loop3A_465 = vector.shape_cast %parallel_loop3A_464 : vector<1x16xf32> to vector<16xf32>
        %parallel_loop3A_466 = arith.addf %parallel_loop3A_461, %parallel_loop3A_465 : vector<16xf32>
        %parallel_loop3A_467 = arith.index_cast %parallel_loop3A_395 : i32 to index
        %parallel_loop3A_468 = arith.constant 16 : index
        %parallel_loop3A_469 = tpu.vector_load %arg13[%parallel_loop3A_467, %parallel_loop3A_468] {strides = array<i32>} : memref<32x128xf32, #tpu.memory_space<vmem>>, vector<1x16xf32>,
        %parallel_loop3A_470 = vector.shape_cast %parallel_loop3A_469 : vector<1x16xf32> to vector<16xf32>
        %parallel_loop3A_471 = vector.shape_cast %parallel_loop3A_466 : vector<16xf32> to vector<1x16xf32>
        tpu.vector_store %arg13[%parallel_loop3A_467, %parallel_loop3A_468], %parallel_loop3A_471 {strides = array<i32>} : memref<32x128xf32, #tpu.memory_space<vmem>>, vector<1x16xf32>,
        %parallel_loop3A_472 = arith.constant 0.000000e+00 : f32
        %parallel_loop3A_473 = vector.broadcast %parallel_loop3A_472 : f32 to vector<16xf32>
        %parallel_loop3A_474 = arith.subf %parallel_loop3A_473, %parallel_loop3A_466 : vector<16xf32>
        %parallel_loop3A_475 = math.exp %parallel_loop3A_474 : vector<16xf32>
        %parallel_loop3A_476 = arith.constant 1.000000e+00 : f32
        %parallel_loop3A_477 = vector.broadcast %parallel_loop3A_476 : f32 to vector<16xf32>
        %parallel_loop3A_478 = arith.addf %parallel_loop3A_477, %parallel_loop3A_475 : vector<16xf32>
        %parallel_loop3A_479 = arith.constant 1.000000e+00 : f32
        %parallel_loop3A_480 = vector.broadcast %parallel_loop3A_479 : f32 to vector<16xf32>
        %parallel_loop3A_481 = arith.divf %parallel_loop3A_480, %parallel_loop3A_478 : vector<16xf32>
        %parallel_loop3A_482 = arith.index_cast %parallel_loop3A_405 : i32 to index
        %parallel_loop3A_483 = arith.constant 80 : index
        %parallel_loop3A_484 = tpu.vector_load %arg12[%parallel_loop3A_482, %parallel_loop3A_483] {strides = array<i32>} : memref<64x128xf32, #tpu.memory_space<vmem>>, vector<1x16xf32>,
        %parallel_loop3A_485 = vector.shape_cast %parallel_loop3A_484 : vector<1x16xf32> to vector<16xf32>
        %parallel_loop3A_486 = arith.mulf %parallel_loop3A_481, %parallel_loop3A_485 : vector<16xf32>
        %parallel_loop3A_487 = arith.index_cast %parallel_loop3A_405 : i32 to index
        %parallel_loop3A_488 = arith.constant 16 : index
        %parallel_loop3A_489 = tpu.vector_load %arg14[%parallel_loop3A_487, %parallel_loop3A_488] {strides = array<i32>} : memref<64x128xf32, #tpu.memory_space<vmem>>, vector<1x16xf32>,
        %parallel_loop3A_490 = vector.shape_cast %parallel_loop3A_489 : vector<1x16xf32> to vector<16xf32>
        %parallel_loop3A_491 = vector.shape_cast %parallel_loop3A_486 : vector<16xf32> to vector<1x16xf32>
        tpu.vector_store %arg14[%parallel_loop3A_487, %parallel_loop3A_488], %parallel_loop3A_491 {strides = array<i32>} : memref<64x128xf32, #tpu.memory_space<vmem>>, vector<1x16xf32>,
        %parallel_loop3A_492 = arith.index_cast %parallel_loop3A_405 : i32 to index
        %parallel_loop3A_493 = arith.constant 80 : index
        %parallel_loop3A_494 = tpu.vector_load %arg14[%parallel_loop3A_492, %parallel_loop3A_493] {strides = array<i32>} : memref<64x128xf32, #tpu.memory_space<vmem>>, vector<1x16xf32>,
        %parallel_loop3A_495 = vector.shape_cast %parallel_loop3A_494 : vector<1x16xf32> to vector<16xf32>
        %parallel_loop3A_496 = vector.shape_cast %parallel_loop3A_481 : vector<16xf32> to vector<1x16xf32>
        tpu.vector_store %arg14[%parallel_loop3A_492, %parallel_loop3A_493], %parallel_loop3A_496 {strides = array<i32>} : memref<64x128xf32, #tpu.memory_space<vmem>>, vector<1x16xf32>,
        %parallel_loop3A_497 = arith.addf %parallel_loop3A_397, %parallel_loop3A_466 : vector<16xf32>
        %parallel_loop3A_498 = arith.mulf %parallel_loop3A_466, %parallel_loop3A_466 : vector<16xf32>
        %parallel_loop3A_499 = arith.addf %parallel_loop3A_401, %parallel_loop3A_498 : vector<16xf32>
        %parallel_loop3A_500 = arith.index_cast %parallel_loop3A_405 : i32 to index
        %parallel_loop3A_501 = arith.constant 32 : index
        %parallel_loop3A_502 = tpu.vector_load %arg14[%parallel_loop3A_500, %parallel_loop3A_501] {strides = array<i32>} : memref<64x128xf32, #tpu.memory_space<vmem>>, vector<1x16xf32>,
        %parallel_loop3A_503 = vector.shape_cast %parallel_loop3A_502 : vector<1x16xf32> to vector<16xf32>
        %parallel_loop3A_504 = arith.index_cast %parallel_loop3A_405 : i32 to index
        %parallel_loop3A_505 = arith.constant 32 : index
        %parallel_loop3A_506 = tpu.vector_load %arg12[%parallel_loop3A_504, %parallel_loop3A_505] {strides = array<i32>} : memref<64x128xf32, #tpu.memory_space<vmem>>, vector<1x16xf32>,
        %parallel_loop3A_507 = vector.shape_cast %parallel_loop3A_506 : vector<1x16xf32> to vector<16xf32>
        %parallel_loop3A_508 = arith.addf %parallel_loop3A_503, %parallel_loop3A_507 : vector<16xf32>
        %parallel_loop3A_509 = arith.index_cast %parallel_loop3A_395 : i32 to index
        %parallel_loop3A_510 = arith.constant 32 : index
        %parallel_loop3A_511 = tpu.vector_load %arg13[%parallel_loop3A_509, %parallel_loop3A_510] {strides = array<i32>} : memref<32x128xf32, #tpu.memory_space<vmem>>, vector<1x16xf32>,
        %parallel_loop3A_512 = vector.shape_cast %parallel_loop3A_511 : vector<1x16xf32> to vector<16xf32>
        %parallel_loop3A_513 = arith.addf %parallel_loop3A_508, %parallel_loop3A_512 : vector<16xf32>
        %parallel_loop3A_514 = arith.index_cast %parallel_loop3A_395 : i32 to index
        %parallel_loop3A_515 = arith.constant 32 : index
        %parallel_loop3A_516 = tpu.vector_load %arg13[%parallel_loop3A_514, %parallel_loop3A_515] {strides = array<i32>} : memref<32x128xf32, #tpu.memory_space<vmem>>, vector<1x16xf32>,
        %parallel_loop3A_517 = vector.shape_cast %parallel_loop3A_516 : vector<1x16xf32> to vector<16xf32>
        %parallel_loop3A_518 = vector.shape_cast %parallel_loop3A_513 : vector<16xf32> to vector<1x16xf32>
        tpu.vector_store %arg13[%parallel_loop3A_514, %parallel_loop3A_515], %parallel_loop3A_518 {strides = array<i32>} : memref<32x128xf32, #tpu.memory_space<vmem>>, vector<1x16xf32>,
        %parallel_loop3A_519 = arith.constant 0.000000e+00 : f32
        %parallel_loop3A_520 = vector.broadcast %parallel_loop3A_519 : f32 to vector<16xf32>
        %parallel_loop3A_521 = arith.subf %parallel_loop3A_520, %parallel_loop3A_513 : vector<16xf32>
        %parallel_loop3A_522 = math.exp %parallel_loop3A_521 : vector<16xf32>
        %parallel_loop3A_523 = arith.constant 1.000000e+00 : f32
        %parallel_loop3A_524 = vector.broadcast %parallel_loop3A_523 : f32 to vector<16xf32>
        %parallel_loop3A_525 = arith.addf %parallel_loop3A_524, %parallel_loop3A_522 : vector<16xf32>
        %parallel_loop3A_526 = arith.constant 1.000000e+00 : f32
        %parallel_loop3A_527 = vector.broadcast %parallel_loop3A_526 : f32 to vector<16xf32>
        %parallel_loop3A_528 = arith.divf %parallel_loop3A_527, %parallel_loop3A_525 : vector<16xf32>
        %parallel_loop3A_529 = arith.index_cast %parallel_loop3A_405 : i32 to index
        %parallel_loop3A_530 = arith.constant 96 : index
        %parallel_loop3A_531 = tpu.vector_load %arg12[%parallel_loop3A_529, %parallel_loop3A_530] {strides = array<i32>} : memref<64x128xf32, #tpu.memory_space<vmem>>, vector<1x16xf32>,
        %parallel_loop3A_532 = vector.shape_cast %parallel_loop3A_531 : vector<1x16xf32> to vector<16xf32>
        %parallel_loop3A_533 = arith.mulf %parallel_loop3A_528, %parallel_loop3A_532 : vector<16xf32>
        %parallel_loop3A_534 = arith.index_cast %parallel_loop3A_405 : i32 to index
        %parallel_loop3A_535 = arith.constant 32 : index
        %parallel_loop3A_536 = tpu.vector_load %arg14[%parallel_loop3A_534, %parallel_loop3A_535] {strides = array<i32>} : memref<64x128xf32, #tpu.memory_space<vmem>>, vector<1x16xf32>,
        %parallel_loop3A_537 = vector.shape_cast %parallel_loop3A_536 : vector<1x16xf32> to vector<16xf32>
        %parallel_loop3A_538 = vector.shape_cast %parallel_loop3A_533 : vector<16xf32> to vector<1x16xf32>
        tpu.vector_store %arg14[%parallel_loop3A_534, %parallel_loop3A_535], %parallel_loop3A_538 {strides = array<i32>} : memref<64x128xf32, #tpu.memory_space<vmem>>, vector<1x16xf32>,
        %parallel_loop3A_539 = arith.index_cast %parallel_loop3A_405 : i32 to index
        %parallel_loop3A_540 = arith.constant 96 : index
        %parallel_loop3A_541 = tpu.vector_load %arg14[%parallel_loop3A_539, %parallel_loop3A_540] {strides = array<i32>} : memref<64x128xf32, #tpu.memory_space<vmem>>, vector<1x16xf32>,
        %parallel_loop3A_542 = vector.shape_cast %parallel_loop3A_541 : vector<1x16xf32> to vector<16xf32>
        %parallel_loop3A_543 = vector.shape_cast %parallel_loop3A_528 : vector<16xf32> to vector<1x16xf32>
        tpu.vector_store %arg14[%parallel_loop3A_539, %parallel_loop3A_540], %parallel_loop3A_543 {strides = array<i32>} : memref<64x128xf32, #tpu.memory_space<vmem>>, vector<1x16xf32>,
        %parallel_loop3A_544 = arith.addf %parallel_loop3A_398, %parallel_loop3A_513 : vector<16xf32>
        %parallel_loop3A_545 = arith.mulf %parallel_loop3A_513, %parallel_loop3A_513 : vector<16xf32>
        %parallel_loop3A_546 = arith.addf %parallel_loop3A_402, %parallel_loop3A_545 : vector<16xf32>
        %parallel_loop3A_547 = arith.index_cast %parallel_loop3A_405 : i32 to index
        %parallel_loop3A_548 = arith.constant 48 : index
        %parallel_loop3A_549 = tpu.vector_load %arg14[%parallel_loop3A_547, %parallel_loop3A_548] {strides = array<i32>} : memref<64x128xf32, #tpu.memory_space<vmem>>, vector<1x16xf32>,
        %parallel_loop3A_550 = vector.shape_cast %parallel_loop3A_549 : vector<1x16xf32> to vector<16xf32>
        %parallel_loop3A_551 = arith.index_cast %parallel_loop3A_405 : i32 to index
        %parallel_loop3A_552 = arith.constant 48 : index
        %parallel_loop3A_553 = tpu.vector_load %arg12[%parallel_loop3A_551, %parallel_loop3A_552] {strides = array<i32>} : memref<64x128xf32, #tpu.memory_space<vmem>>, vector<1x16xf32>,
        %parallel_loop3A_554 = vector.shape_cast %parallel_loop3A_553 : vector<1x16xf32> to vector<16xf32>
        %parallel_loop3A_555 = arith.addf %parallel_loop3A_550, %parallel_loop3A_554 : vector<16xf32>
        %parallel_loop3A_556 = arith.index_cast %parallel_loop3A_395 : i32 to index
        %parallel_loop3A_557 = arith.constant 48 : index
        %parallel_loop3A_558 = tpu.vector_load %arg13[%parallel_loop3A_556, %parallel_loop3A_557] {strides = array<i32>} : memref<32x128xf32, #tpu.memory_space<vmem>>, vector<1x16xf32>,
        %parallel_loop3A_559 = vector.shape_cast %parallel_loop3A_558 : vector<1x16xf32> to vector<16xf32>
        %parallel_loop3A_560 = arith.addf %parallel_loop3A_555, %parallel_loop3A_559 : vector<16xf32>
        %parallel_loop3A_561 = arith.index_cast %parallel_loop3A_395 : i32 to index
        %parallel_loop3A_562 = arith.constant 48 : index
        %parallel_loop3A_563 = tpu.vector_load %arg13[%parallel_loop3A_561, %parallel_loop3A_562] {strides = array<i32>} : memref<32x128xf32, #tpu.memory_space<vmem>>, vector<1x16xf32>,
        %parallel_loop3A_564 = vector.shape_cast %parallel_loop3A_563 : vector<1x16xf32> to vector<16xf32>
        %parallel_loop3A_565 = vector.shape_cast %parallel_loop3A_560 : vector<16xf32> to vector<1x16xf32>
        tpu.vector_store %arg13[%parallel_loop3A_561, %parallel_loop3A_562], %parallel_loop3A_565 {strides = array<i32>} : memref<32x128xf32, #tpu.memory_space<vmem>>, vector<1x16xf32>,
        %parallel_loop3A_566 = arith.constant 0.000000e+00 : f32
        %parallel_loop3A_567 = vector.broadcast %parallel_loop3A_566 : f32 to vector<16xf32>
        %parallel_loop3A_568 = arith.subf %parallel_loop3A_567, %parallel_loop3A_560 : vector<16xf32>
        %parallel_loop3A_569 = math.exp %parallel_loop3A_568 : vector<16xf32>
        %parallel_loop3A_570 = arith.constant 1.000000e+00 : f32
        %parallel_loop3A_571 = vector.broadcast %parallel_loop3A_570 : f32 to vector<16xf32>
        %parallel_loop3A_572 = arith.addf %parallel_loop3A_571, %parallel_loop3A_569 : vector<16xf32>
        %parallel_loop3A_573 = arith.constant 1.000000e+00 : f32
        %parallel_loop3A_574 = vector.broadcast %parallel_loop3A_573 : f32 to vector<16xf32>
        %parallel_loop3A_575 = arith.divf %parallel_loop3A_574, %parallel_loop3A_572 : vector<16xf32>
        %parallel_loop3A_576 = arith.index_cast %parallel_loop3A_405 : i32 to index
        %parallel_loop3A_577 = arith.constant 112 : index
        %parallel_loop3A_578 = tpu.vector_load %arg12[%parallel_loop3A_576, %parallel_loop3A_577] {strides = array<i32>} : memref<64x128xf32, #tpu.memory_space<vmem>>, vector<1x16xf32>,
        %parallel_loop3A_579 = vector.shape_cast %parallel_loop3A_578 : vector<1x16xf32> to vector<16xf32>
        %parallel_loop3A_580 = arith.mulf %parallel_loop3A_575, %parallel_loop3A_579 : vector<16xf32>
        %parallel_loop3A_581 = arith.index_cast %parallel_loop3A_405 : i32 to index
        %parallel_loop3A_582 = arith.constant 48 : index
        %parallel_loop3A_583 = tpu.vector_load %arg14[%parallel_loop3A_581, %parallel_loop3A_582] {strides = array<i32>} : memref<64x128xf32, #tpu.memory_space<vmem>>, vector<1x16xf32>,
        %parallel_loop3A_584 = vector.shape_cast %parallel_loop3A_583 : vector<1x16xf32> to vector<16xf32>
        %parallel_loop3A_585 = vector.shape_cast %parallel_loop3A_580 : vector<16xf32> to vector<1x16xf32>
        tpu.vector_store %arg14[%parallel_loop3A_581, %parallel_loop3A_582], %parallel_loop3A_585 {strides = array<i32>} : memref<64x128xf32, #tpu.memory_space<vmem>>, vector<1x16xf32>,
        %parallel_loop3A_586 = arith.index_cast %parallel_loop3A_405 : i32 to index
        %parallel_loop3A_587 = arith.constant 112 : index
        %parallel_loop3A_588 = tpu.vector_load %arg14[%parallel_loop3A_586, %parallel_loop3A_587] {strides = array<i32>} : memref<64x128xf32, #tpu.memory_space<vmem>>, vector<1x16xf32>,
        %parallel_loop3A_589 = vector.shape_cast %parallel_loop3A_588 : vector<1x16xf32> to vector<16xf32>
        %parallel_loop3A_590 = vector.shape_cast %parallel_loop3A_575 : vector<16xf32> to vector<1x16xf32>
        tpu.vector_store %arg14[%parallel_loop3A_586, %parallel_loop3A_587], %parallel_loop3A_590 {strides = array<i32>} : memref<64x128xf32, #tpu.memory_space<vmem>>, vector<1x16xf32>,
        %parallel_loop3A_591 = arith.addf %parallel_loop3A_399, %parallel_loop3A_560 : vector<16xf32>
        %parallel_loop3A_592 = arith.mulf %parallel_loop3A_560, %parallel_loop3A_560 : vector<16xf32>
        %parallel_loop3A_593 = arith.addf %parallel_loop3A_403, %parallel_loop3A_592 : vector<16xf32>
        %parallel_loop3A_594 = arith.constant 32 : i32
        %parallel_loop3A_595 = arith.addi %parallel_loop3A_395, %parallel_loop3A_594 : i32
        %parallel_loop3A_596 = arith.index_cast %parallel_loop3A_595 : i32 to index
        %parallel_loop3A_597 = arith.constant 0 : index
        %parallel_loop3A_598 = tpu.vector_load %arg14[%parallel_loop3A_596, %parallel_loop3A_597] {strides = array<i32>} : memref<64x128xf32, #tpu.memory_space<vmem>>, vector<1x16xf32>,
        %parallel_loop3A_599 = vector.shape_cast %parallel_loop3A_598 : vector<1x16xf32> to vector<16xf32>
        %parallel_loop3A_600 = arith.index_cast %parallel_loop3A_595 : i32 to index
        %parallel_loop3A_601 = arith.constant 0 : index
        %parallel_loop3A_602 = tpu.vector_load %arg12[%parallel_loop3A_600, %parallel_loop3A_601] {strides = array<i32>} : memref<64x128xf32, #tpu.memory_space<vmem>>, vector<1x16xf32>,
        %parallel_loop3A_603 = vector.shape_cast %parallel_loop3A_602 : vector<1x16xf32> to vector<16xf32>
        %parallel_loop3A_604 = arith.addf %parallel_loop3A_599, %parallel_loop3A_603 : vector<16xf32>
        %parallel_loop3A_605 = arith.index_cast %parallel_loop3A_395 : i32 to index
        %parallel_loop3A_606 = arith.constant 64 : index
        %parallel_loop3A_607 = tpu.vector_load %arg13[%parallel_loop3A_605, %parallel_loop3A_606] {strides = array<i32>} : memref<32x128xf32, #tpu.memory_space<vmem>>, vector<1x16xf32>,
        %parallel_loop3A_608 = vector.shape_cast %parallel_loop3A_607 : vector<1x16xf32> to vector<16xf32>
        %parallel_loop3A_609 = arith.addf %parallel_loop3A_604, %parallel_loop3A_608 : vector<16xf32>
        %parallel_loop3A_610 = arith.index_cast %parallel_loop3A_395 : i32 to index
        %parallel_loop3A_611 = arith.constant 64 : index
        %parallel_loop3A_612 = tpu.vector_load %arg13[%parallel_loop3A_610, %parallel_loop3A_611] {strides = array<i32>} : memref<32x128xf32, #tpu.memory_space<vmem>>, vector<1x16xf32>,
        %parallel_loop3A_613 = vector.shape_cast %parallel_loop3A_612 : vector<1x16xf32> to vector<16xf32>
        %parallel_loop3A_614 = vector.shape_cast %parallel_loop3A_609 : vector<16xf32> to vector<1x16xf32>
        tpu.vector_store %arg13[%parallel_loop3A_610, %parallel_loop3A_611], %parallel_loop3A_614 {strides = array<i32>} : memref<32x128xf32, #tpu.memory_space<vmem>>, vector<1x16xf32>,
        %parallel_loop3A_615 = arith.constant 0.000000e+00 : f32
        %parallel_loop3A_616 = vector.broadcast %parallel_loop3A_615 : f32 to vector<16xf32>
        %parallel_loop3A_617 = arith.subf %parallel_loop3A_616, %parallel_loop3A_609 : vector<16xf32>
        %parallel_loop3A_618 = math.exp %parallel_loop3A_617 : vector<16xf32>
        %parallel_loop3A_619 = arith.constant 1.000000e+00 : f32
        %parallel_loop3A_620 = vector.broadcast %parallel_loop3A_619 : f32 to vector<16xf32>
        %parallel_loop3A_621 = arith.addf %parallel_loop3A_620, %parallel_loop3A_618 : vector<16xf32>
        %parallel_loop3A_622 = arith.constant 1.000000e+00 : f32
        %parallel_loop3A_623 = vector.broadcast %parallel_loop3A_622 : f32 to vector<16xf32>
        %parallel_loop3A_624 = arith.divf %parallel_loop3A_623, %parallel_loop3A_621 : vector<16xf32>
        %parallel_loop3A_625 = arith.index_cast %parallel_loop3A_595 : i32 to index
        %parallel_loop3A_626 = arith.constant 64 : index
        %parallel_loop3A_627 = tpu.vector_load %arg12[%parallel_loop3A_625, %parallel_loop3A_626] {strides = array<i32>} : memref<64x128xf32, #tpu.memory_space<vmem>>, vector<1x16xf32>,
        %parallel_loop3A_628 = vector.shape_cast %parallel_loop3A_627 : vector<1x16xf32> to vector<16xf32>
        %parallel_loop3A_629 = arith.mulf %parallel_loop3A_624, %parallel_loop3A_628 : vector<16xf32>
        %parallel_loop3A_630 = arith.index_cast %parallel_loop3A_595 : i32 to index
        %parallel_loop3A_631 = arith.constant 0 : index
        %parallel_loop3A_632 = tpu.vector_load %arg14[%parallel_loop3A_630, %parallel_loop3A_631] {strides = array<i32>} : memref<64x128xf32, #tpu.memory_space<vmem>>, vector<1x16xf32>,
        %parallel_loop3A_633 = vector.shape_cast %parallel_loop3A_632 : vector<1x16xf32> to vector<16xf32>
        %parallel_loop3A_634 = vector.shape_cast %parallel_loop3A_629 : vector<16xf32> to vector<1x16xf32>
        tpu.vector_store %arg14[%parallel_loop3A_630, %parallel_loop3A_631], %parallel_loop3A_634 {strides = array<i32>} : memref<64x128xf32, #tpu.memory_space<vmem>>, vector<1x16xf32>,
        %parallel_loop3A_635 = arith.index_cast %parallel_loop3A_595 : i32 to index
        %parallel_loop3A_636 = arith.constant 64 : index
        %parallel_loop3A_637 = tpu.vector_load %arg14[%parallel_loop3A_635, %parallel_loop3A_636] {strides = array<i32>} : memref<64x128xf32, #tpu.memory_space<vmem>>, vector<1x16xf32>,
        %parallel_loop3A_638 = vector.shape_cast %parallel_loop3A_637 : vector<1x16xf32> to vector<16xf32>
        %parallel_loop3A_639 = vector.shape_cast %parallel_loop3A_624 : vector<16xf32> to vector<1x16xf32>
        tpu.vector_store %arg14[%parallel_loop3A_635, %parallel_loop3A_636], %parallel_loop3A_639 {strides = array<i32>} : memref<64x128xf32, #tpu.memory_space<vmem>>, vector<1x16xf32>,
        %parallel_loop3A_640 = arith.addf %parallel_loop3A_450, %parallel_loop3A_609 : vector<16xf32>
        %parallel_loop3A_641 = arith.mulf %parallel_loop3A_609, %parallel_loop3A_609 : vector<16xf32>
        %parallel_loop3A_642 = arith.addf %parallel_loop3A_452, %parallel_loop3A_641 : vector<16xf32>
        %parallel_loop3A_643 = arith.index_cast %parallel_loop3A_595 : i32 to index
        %parallel_loop3A_644 = arith.constant 16 : index
        %parallel_loop3A_645 = tpu.vector_load %arg14[%parallel_loop3A_643, %parallel_loop3A_644] {strides = array<i32>} : memref<64x128xf32, #tpu.memory_space<vmem>>, vector<1x16xf32>,
        %parallel_loop3A_646 = vector.shape_cast %parallel_loop3A_645 : vector<1x16xf32> to vector<16xf32>
        %parallel_loop3A_647 = arith.index_cast %parallel_loop3A_595 : i32 to index
        %parallel_loop3A_648 = arith.constant 16 : index
        %parallel_loop3A_649 = tpu.vector_load %arg12[%parallel_loop3A_647, %parallel_loop3A_648] {strides = array<i32>} : memref<64x128xf32, #tpu.memory_space<vmem>>, vector<1x16xf32>,
        %parallel_loop3A_650 = vector.shape_cast %parallel_loop3A_649 : vector<1x16xf32> to vector<16xf32>
        %parallel_loop3A_651 = arith.addf %parallel_loop3A_646, %parallel_loop3A_650 : vector<16xf32>
        %parallel_loop3A_652 = arith.index_cast %parallel_loop3A_395 : i32 to index
        %parallel_loop3A_653 = arith.constant 80 : index
        %parallel_loop3A_654 = tpu.vector_load %arg13[%parallel_loop3A_652, %parallel_loop3A_653] {strides = array<i32>} : memref<32x128xf32, #tpu.memory_space<vmem>>, vector<1x16xf32>,
        %parallel_loop3A_655 = vector.shape_cast %parallel_loop3A_654 : vector<1x16xf32> to vector<16xf32>
        %parallel_loop3A_656 = arith.addf %parallel_loop3A_651, %parallel_loop3A_655 : vector<16xf32>
        %parallel_loop3A_657 = arith.index_cast %parallel_loop3A_395 : i32 to index
        %parallel_loop3A_658 = arith.constant 80 : index
        %parallel_loop3A_659 = tpu.vector_load %arg13[%parallel_loop3A_657, %parallel_loop3A_658] {strides = array<i32>} : memref<32x128xf32, #tpu.memory_space<vmem>>, vector<1x16xf32>,
        %parallel_loop3A_660 = vector.shape_cast %parallel_loop3A_659 : vector<1x16xf32> to vector<16xf32>
        %parallel_loop3A_661 = vector.shape_cast %parallel_loop3A_656 : vector<16xf32> to vector<1x16xf32>
        tpu.vector_store %arg13[%parallel_loop3A_657, %parallel_loop3A_658], %parallel_loop3A_661 {strides = array<i32>} : memref<32x128xf32, #tpu.memory_space<vmem>>, vector<1x16xf32>,
        %parallel_loop3A_662 = arith.constant 0.000000e+00 : f32
        %parallel_loop3A_663 = vector.broadcast %parallel_loop3A_662 : f32 to vector<16xf32>
        %parallel_loop3A_664 = arith.subf %parallel_loop3A_663, %parallel_loop3A_656 : vector<16xf32>
        %parallel_loop3A_665 = math.exp %parallel_loop3A_664 : vector<16xf32>
        %parallel_loop3A_666 = arith.constant 1.000000e+00 : f32
        %parallel_loop3A_667 = vector.broadcast %parallel_loop3A_666 : f32 to vector<16xf32>
        %parallel_loop3A_668 = arith.addf %parallel_loop3A_667, %parallel_loop3A_665 : vector<16xf32>
        %parallel_loop3A_669 = arith.constant 1.000000e+00 : f32
        %parallel_loop3A_670 = vector.broadcast %parallel_loop3A_669 : f32 to vector<16xf32>
        %parallel_loop3A_671 = arith.divf %parallel_loop3A_670, %parallel_loop3A_668 : vector<16xf32>
        %parallel_loop3A_672 = arith.index_cast %parallel_loop3A_595 : i32 to index
        %parallel_loop3A_673 = arith.constant 80 : index
        %parallel_loop3A_674 = tpu.vector_load %arg12[%parallel_loop3A_672, %parallel_loop3A_673] {strides = array<i32>} : memref<64x128xf32, #tpu.memory_space<vmem>>, vector<1x16xf32>,
        %parallel_loop3A_675 = vector.shape_cast %parallel_loop3A_674 : vector<1x16xf32> to vector<16xf32>
        %parallel_loop3A_676 = arith.mulf %parallel_loop3A_671, %parallel_loop3A_675 : vector<16xf32>
        %parallel_loop3A_677 = arith.index_cast %parallel_loop3A_595 : i32 to index
        %parallel_loop3A_678 = arith.constant 16 : index
        %parallel_loop3A_679 = tpu.vector_load %arg14[%parallel_loop3A_677, %parallel_loop3A_678] {strides = array<i32>} : memref<64x128xf32, #tpu.memory_space<vmem>>, vector<1x16xf32>,
        %parallel_loop3A_680 = vector.shape_cast %parallel_loop3A_679 : vector<1x16xf32> to vector<16xf32>
        %parallel_loop3A_681 = vector.shape_cast %parallel_loop3A_676 : vector<16xf32> to vector<1x16xf32>
        tpu.vector_store %arg14[%parallel_loop3A_677, %parallel_loop3A_678], %parallel_loop3A_681 {strides = array<i32>} : memref<64x128xf32, #tpu.memory_space<vmem>>, vector<1x16xf32>,
        %parallel_loop3A_682 = arith.index_cast %parallel_loop3A_595 : i32 to index
        %parallel_loop3A_683 = arith.constant 80 : index
        %parallel_loop3A_684 = tpu.vector_load %arg14[%parallel_loop3A_682, %parallel_loop3A_683] {strides = array<i32>} : memref<64x128xf32, #tpu.memory_space<vmem>>, vector<1x16xf32>,
        %parallel_loop3A_685 = vector.shape_cast %parallel_loop3A_684 : vector<1x16xf32> to vector<16xf32>
        %parallel_loop3A_686 = vector.shape_cast %parallel_loop3A_671 : vector<16xf32> to vector<1x16xf32>
        tpu.vector_store %arg14[%parallel_loop3A_682, %parallel_loop3A_683], %parallel_loop3A_686 {strides = array<i32>} : memref<64x128xf32, #tpu.memory_space<vmem>>, vector<1x16xf32>,
        %parallel_loop3A_687 = arith.addf %parallel_loop3A_497, %parallel_loop3A_656 : vector<16xf32>
        %parallel_loop3A_688 = arith.mulf %parallel_loop3A_656, %parallel_loop3A_656 : vector<16xf32>
        %parallel_loop3A_689 = arith.addf %parallel_loop3A_499, %parallel_loop3A_688 : vector<16xf32>
        %parallel_loop3A_690 = arith.index_cast %parallel_loop3A_595 : i32 to index
        %parallel_loop3A_691 = arith.constant 32 : index
        %parallel_loop3A_692 = tpu.vector_load %arg14[%parallel_loop3A_690, %parallel_loop3A_691] {strides = array<i32>} : memref<64x128xf32, #tpu.memory_space<vmem>>, vector<1x16xf32>,
        %parallel_loop3A_693 = vector.shape_cast %parallel_loop3A_692 : vector<1x16xf32> to vector<16xf32>
        %parallel_loop3A_694 = arith.index_cast %parallel_loop3A_595 : i32 to index
        %parallel_loop3A_695 = arith.constant 32 : index
        %parallel_loop3A_696 = tpu.vector_load %arg12[%parallel_loop3A_694, %parallel_loop3A_695] {strides = array<i32>} : memref<64x128xf32, #tpu.memory_space<vmem>>, vector<1x16xf32>,
        %parallel_loop3A_697 = vector.shape_cast %parallel_loop3A_696 : vector<1x16xf32> to vector<16xf32>
        %parallel_loop3A_698 = arith.addf %parallel_loop3A_693, %parallel_loop3A_697 : vector<16xf32>
        %parallel_loop3A_699 = arith.index_cast %parallel_loop3A_395 : i32 to index
        %parallel_loop3A_700 = arith.constant 96 : index
        %parallel_loop3A_701 = tpu.vector_load %arg13[%parallel_loop3A_699, %parallel_loop3A_700] {strides = array<i32>} : memref<32x128xf32, #tpu.memory_space<vmem>>, vector<1x16xf32>,
        %parallel_loop3A_702 = vector.shape_cast %parallel_loop3A_701 : vector<1x16xf32> to vector<16xf32>
        %parallel_loop3A_703 = arith.addf %parallel_loop3A_698, %parallel_loop3A_702 : vector<16xf32>
        %parallel_loop3A_704 = arith.index_cast %parallel_loop3A_395 : i32 to index
        %parallel_loop3A_705 = arith.constant 96 : index
        %parallel_loop3A_706 = tpu.vector_load %arg13[%parallel_loop3A_704, %parallel_loop3A_705] {strides = array<i32>} : memref<32x128xf32, #tpu.memory_space<vmem>>, vector<1x16xf32>,
        %parallel_loop3A_707 = vector.shape_cast %parallel_loop3A_706 : vector<1x16xf32> to vector<16xf32>
        %parallel_loop3A_708 = vector.shape_cast %parallel_loop3A_703 : vector<16xf32> to vector<1x16xf32>
        tpu.vector_store %arg13[%parallel_loop3A_704, %parallel_loop3A_705], %parallel_loop3A_708 {strides = array<i32>} : memref<32x128xf32, #tpu.memory_space<vmem>>, vector<1x16xf32>,
        %parallel_loop3A_709 = arith.constant 0.000000e+00 : f32
        %parallel_loop3A_710 = vector.broadcast %parallel_loop3A_709 : f32 to vector<16xf32>
        %parallel_loop3A_711 = arith.subf %parallel_loop3A_710, %parallel_loop3A_703 : vector<16xf32>
        %parallel_loop3A_712 = math.exp %parallel_loop3A_711 : vector<16xf32>
        %parallel_loop3A_713 = arith.constant 1.000000e+00 : f32
        %parallel_loop3A_714 = vector.broadcast %parallel_loop3A_713 : f32 to vector<16xf32>
        %parallel_loop3A_715 = arith.addf %parallel_loop3A_714, %parallel_loop3A_712 : vector<16xf32>
        %parallel_loop3A_716 = arith.constant 1.000000e+00 : f32
        %parallel_loop3A_717 = vector.broadcast %parallel_loop3A_716 : f32 to vector<16xf32>
        %parallel_loop3A_718 = arith.divf %parallel_loop3A_717, %parallel_loop3A_715 : vector<16xf32>
        %parallel_loop3A_719 = arith.index_cast %parallel_loop3A_595 : i32 to index
        %parallel_loop3A_720 = arith.constant 96 : index
        %parallel_loop3A_721 = tpu.vector_load %arg12[%parallel_loop3A_719, %parallel_loop3A_720] {strides = array<i32>} : memref<64x128xf32, #tpu.memory_space<vmem>>, vector<1x16xf32>,
        %parallel_loop3A_722 = vector.shape_cast %parallel_loop3A_721 : vector<1x16xf32> to vector<16xf32>
        %parallel_loop3A_723 = arith.mulf %parallel_loop3A_718, %parallel_loop3A_722 : vector<16xf32>
        %parallel_loop3A_724 = arith.index_cast %parallel_loop3A_595 : i32 to index
        %parallel_loop3A_725 = arith.constant 32 : index
        %parallel_loop3A_726 = tpu.vector_load %arg14[%parallel_loop3A_724, %parallel_loop3A_725] {strides = array<i32>} : memref<64x128xf32, #tpu.memory_space<vmem>>, vector<1x16xf32>,
        %parallel_loop3A_727 = vector.shape_cast %parallel_loop3A_726 : vector<1x16xf32> to vector<16xf32>
        %parallel_loop3A_728 = vector.shape_cast %parallel_loop3A_723 : vector<16xf32> to vector<1x16xf32>
        tpu.vector_store %arg14[%parallel_loop3A_724, %parallel_loop3A_725], %parallel_loop3A_728 {strides = array<i32>} : memref<64x128xf32, #tpu.memory_space<vmem>>, vector<1x16xf32>,
        %parallel_loop3A_729 = arith.index_cast %parallel_loop3A_595 : i32 to index
        %parallel_loop3A_730 = arith.constant 96 : index
        %parallel_loop3A_731 = tpu.vector_load %arg14[%parallel_loop3A_729, %parallel_loop3A_730] {strides = array<i32>} : memref<64x128xf32, #tpu.memory_space<vmem>>, vector<1x16xf32>,
        %parallel_loop3A_732 = vector.shape_cast %parallel_loop3A_731 : vector<1x16xf32> to vector<16xf32>
        %parallel_loop3A_733 = vector.shape_cast %parallel_loop3A_718 : vector<16xf32> to vector<1x16xf32>
        tpu.vector_store %arg14[%parallel_loop3A_729, %parallel_loop3A_730], %parallel_loop3A_733 {strides = array<i32>} : memref<64x128xf32, #tpu.memory_space<vmem>>, vector<1x16xf32>,
        %parallel_loop3A_734 = arith.addf %parallel_loop3A_544, %parallel_loop3A_703 : vector<16xf32>
        %parallel_loop3A_735 = arith.mulf %parallel_loop3A_703, %parallel_loop3A_703 : vector<16xf32>
        %parallel_loop3A_736 = arith.addf %parallel_loop3A_546, %parallel_loop3A_735 : vector<16xf32>
        %parallel_loop3A_737 = arith.index_cast %parallel_loop3A_595 : i32 to index
        %parallel_loop3A_738 = arith.constant 48 : index
        %parallel_loop3A_739 = tpu.vector_load %arg14[%parallel_loop3A_737, %parallel_loop3A_738] {strides = array<i32>} : memref<64x128xf32, #tpu.memory_space<vmem>>, vector<1x16xf32>,
        %parallel_loop3A_740 = vector.shape_cast %parallel_loop3A_739 : vector<1x16xf32> to vector<16xf32>
        %parallel_loop3A_741 = arith.index_cast %parallel_loop3A_595 : i32 to index
        %parallel_loop3A_742 = arith.constant 48 : index
        %parallel_loop3A_743 = tpu.vector_load %arg12[%parallel_loop3A_741, %parallel_loop3A_742] {strides = array<i32>} : memref<64x128xf32, #tpu.memory_space<vmem>>, vector<1x16xf32>,
        %parallel_loop3A_744 = vector.shape_cast %parallel_loop3A_743 : vector<1x16xf32> to vector<16xf32>
        %parallel_loop3A_745 = arith.addf %parallel_loop3A_740, %parallel_loop3A_744 : vector<16xf32>
        %parallel_loop3A_746 = arith.index_cast %parallel_loop3A_395 : i32 to index
        %parallel_loop3A_747 = arith.constant 112 : index
        %parallel_loop3A_748 = tpu.vector_load %arg13[%parallel_loop3A_746, %parallel_loop3A_747] {strides = array<i32>} : memref<32x128xf32, #tpu.memory_space<vmem>>, vector<1x16xf32>,
        %parallel_loop3A_749 = vector.shape_cast %parallel_loop3A_748 : vector<1x16xf32> to vector<16xf32>
        %parallel_loop3A_750 = arith.addf %parallel_loop3A_745, %parallel_loop3A_749 : vector<16xf32>
        %parallel_loop3A_751 = arith.index_cast %parallel_loop3A_395 : i32 to index
        %parallel_loop3A_752 = arith.constant 112 : index
        %parallel_loop3A_753 = tpu.vector_load %arg13[%parallel_loop3A_751, %parallel_loop3A_752] {strides = array<i32>} : memref<32x128xf32, #tpu.memory_space<vmem>>, vector<1x16xf32>,
        %parallel_loop3A_754 = vector.shape_cast %parallel_loop3A_753 : vector<1x16xf32> to vector<16xf32>
        %parallel_loop3A_755 = vector.shape_cast %parallel_loop3A_750 : vector<16xf32> to vector<1x16xf32>
        tpu.vector_store %arg13[%parallel_loop3A_751, %parallel_loop3A_752], %parallel_loop3A_755 {strides = array<i32>} : memref<32x128xf32, #tpu.memory_space<vmem>>, vector<1x16xf32>,
        %parallel_loop3A_756 = arith.constant 0.000000e+00 : f32
        %parallel_loop3A_757 = vector.broadcast %parallel_loop3A_756 : f32 to vector<16xf32>
        %parallel_loop3A_758 = arith.subf %parallel_loop3A_757, %parallel_loop3A_750 : vector<16xf32>
        %parallel_loop3A_759 = math.exp %parallel_loop3A_758 : vector<16xf32>
        %parallel_loop3A_760 = arith.constant 1.000000e+00 : f32
        %parallel_loop3A_761 = vector.broadcast %parallel_loop3A_760 : f32 to vector<16xf32>
        %parallel_loop3A_762 = arith.addf %parallel_loop3A_761, %parallel_loop3A_759 : vector<16xf32>
        %parallel_loop3A_763 = arith.constant 1.000000e+00 : f32
        %parallel_loop3A_764 = vector.broadcast %parallel_loop3A_763 : f32 to vector<16xf32>
        %parallel_loop3A_765 = arith.divf %parallel_loop3A_764, %parallel_loop3A_762 : vector<16xf32>
        %parallel_loop3A_766 = arith.index_cast %parallel_loop3A_595 : i32 to index
        %parallel_loop3A_767 = arith.constant 112 : index
        %parallel_loop3A_768 = tpu.vector_load %arg12[%parallel_loop3A_766, %parallel_loop3A_767] {strides = array<i32>} : memref<64x128xf32, #tpu.memory_space<vmem>>, vector<1x16xf32>,
        %parallel_loop3A_769 = vector.shape_cast %parallel_loop3A_768 : vector<1x16xf32> to vector<16xf32>
        %parallel_loop3A_770 = arith.mulf %parallel_loop3A_765, %parallel_loop3A_769 : vector<16xf32>
        %parallel_loop3A_771 = arith.index_cast %parallel_loop3A_595 : i32 to index
        %parallel_loop3A_772 = arith.constant 48 : index
        %parallel_loop3A_773 = tpu.vector_load %arg14[%parallel_loop3A_771, %parallel_loop3A_772] {strides = array<i32>} : memref<64x128xf32, #tpu.memory_space<vmem>>, vector<1x16xf32>,
        %parallel_loop3A_774 = vector.shape_cast %parallel_loop3A_773 : vector<1x16xf32> to vector<16xf32>
        %parallel_loop3A_775 = vector.shape_cast %parallel_loop3A_770 : vector<16xf32> to vector<1x16xf32>
        tpu.vector_store %arg14[%parallel_loop3A_771, %parallel_loop3A_772], %parallel_loop3A_775 {strides = array<i32>} : memref<64x128xf32, #tpu.memory_space<vmem>>, vector<1x16xf32>,
        %parallel_loop3A_776 = arith.index_cast %parallel_loop3A_595 : i32 to index
        %parallel_loop3A_777 = arith.constant 112 : index
        %parallel_loop3A_778 = tpu.vector_load %arg14[%parallel_loop3A_776, %parallel_loop3A_777] {strides = array<i32>} : memref<64x128xf32, #tpu.memory_space<vmem>>, vector<1x16xf32>,
        %parallel_loop3A_779 = vector.shape_cast %parallel_loop3A_778 : vector<1x16xf32> to vector<16xf32>
        %parallel_loop3A_780 = vector.shape_cast %parallel_loop3A_765 : vector<16xf32> to vector<1x16xf32>
        tpu.vector_store %arg14[%parallel_loop3A_776, %parallel_loop3A_777], %parallel_loop3A_780 {strides = array<i32>} : memref<64x128xf32, #tpu.memory_space<vmem>>, vector<1x16xf32>,
        %parallel_loop3A_781 = arith.addf %parallel_loop3A_591, %parallel_loop3A_750 : vector<16xf32>
        %parallel_loop3A_782 = arith.mulf %parallel_loop3A_750, %parallel_loop3A_750 : vector<16xf32>
        %parallel_loop3A_783 = arith.addf %parallel_loop3A_593, %parallel_loop3A_782 : vector<16xf32>
        scf.yield %parallel_loop3A_640, %parallel_loop3A_687, %parallel_loop3A_734, %parallel_loop3A_781, %parallel_loop3A_642, %parallel_loop3A_689, %parallel_loop3A_736, %parallel_loop3A_783 : vector<16xf32>, vector<16xf32>, vector<16xf32>, vector<16xf32>, vector<16xf32>, vector<16xf32>, vector<16xf32>, vector<16xf32>
      } {sc.loop_unroll_factor = 2 : i64, sc.parallel_access}
      %mul3A_323 = arith.constant 32 : i32
      %mul3A_324 = arith.muli %mul3A_102, %mul3A_323 : i32
      %dma_start3A_325 = arith.constant 0 : i32
      %dma_start3A_326 = tpu.memref_slice %arg6[%arg0, %mul3A_324, %dma_start3A_325] : memref<2x160000x128xf32, #tpu.memory_space<hbm>> -> memref<1x32x128xf32, #tpu.memory_space<hbm>>
      %dma_start3A_327 = tpu.memref_squeeze %dma_start3A_326 : memref<1x32x128xf32, #tpu.memory_space<hbm>> -> memref<32x128xf32, #tpu.memory_space<hbm>>
      %dma_start3A_328 = arith.constant 0 : i32
      %dma_start3A_329 = tpu.memref_slice %arg6[%arg0, %mul3A_324, %dma_start3A_328] : memref<2x160000x128xf32, #tpu.memory_space<hbm>> -> memref<1x32x128xf32, #tpu.memory_space<hbm>>
      %dma_start3A_330 = tpu.memref_squeeze %dma_start3A_329 : memref<1x32x128xf32, #tpu.memory_space<hbm>> -> memref<32x128xf32, #tpu.memory_space<hbm>>
      tpu.enqueue_dma source(%arg13 : memref<32x128xf32, #tpu.memory_space<vmem>>) target(%dma_start3A_330 : memref<32x128xf32, #tpu.memory_space<hbm>>) target_semaphore(%arg25 : memref<!tpu.dma_semaphore, #tpu.memory_space<semaphore_mem>>)
      %dma_start3A_331 = arith.constant 1 : i32
      %dma_start3A_332 = arith.constant 0 : i32
      %dma_start3A_333 = tpu.memref_slice %arg9[%dma_start3A_331, %dma_start3A_332] : memref<2x64xi32, #tpu.memory_space<vmem>> -> memref<1x64xi32, #tpu.memory_space<vmem>>
      %dma_start3A_334 = tpu.memref_squeeze %dma_start3A_333 : memref<1x64xi32, #tpu.memory_space<vmem>> -> memref<64xi32, #tpu.memory_space<vmem>>
      %dma_start3A_335 = arith.constant 0 : i32
      %dma_start3A_336 = arith.constant 0 : i32
      %dma_start3A_337 = tpu.memref_slice %arg22[%dma_start3A_335, %dma_start3A_336] : memref<10000x128xf32, #tpu.memory_space<vmem_shared>> -> memref<10000x128xf32, #tpu.memory_space<vmem_shared>>
      tpu.enqueue_indirect_dma source(%arg14 : memref<64x128xf32, #tpu.memory_space<vmem>>) target(%dma_start3A_337 : memref<10000x128xf32, #tpu.memory_space<vmem_shared>>) offsets(%dma_start3A_334 : memref<64xi32, #tpu.memory_space<vmem>>) semaphore(%arg26 : memref<!tpu.dma_semaphore, #tpu.memory_space<semaphore_mem>>) {add = true}
      %dma_wait3A_338 = arith.constant 0 : i32
      %dma_wait3A_339 = arith.constant 0 : i32
      %dma_wait3A_340 = tpu.memref_slice %arg2[%dma_wait3A_338, %dma_wait3A_339] : memref<20000x128xf32, #tpu.memory_space<hbm>> -> memref<20000x128xf32, #tpu.memory_space<hbm>>
      tpu.wait_indirect_dma semaphore(%arg27 : memref<!tpu.dma_semaphore, #tpu.memory_space<semaphore_mem>>) src(%dma_wait3A_340 : memref<20000x128xf32, #tpu.memory_space<hbm>>) dst(%arg20 : memref<64x128xf32, #tpu.memory_space<vmem>>)
      %dma_wait3A_341 = arith.constant 0 : i32
      %dma_wait3A_342 = arith.constant 0 : i32
      %dma_wait3A_343 = tpu.memref_slice %arg3[%dma_wait3A_341, %dma_wait3A_342] : memref<20000x128xf32, #tpu.memory_space<hbm>> -> memref<20000x128xf32, #tpu.memory_space<hbm>>
      tpu.wait_indirect_dma semaphore(%arg27 : memref<!tpu.dma_semaphore, #tpu.memory_space<semaphore_mem>>) src(%dma_wait3A_343 : memref<20000x128xf32, #tpu.memory_space<hbm>>) dst(%arg18 : memref<64x128xf32, #tpu.memory_space<vmem>>)
      %dma_wait3A_344 = arith.constant 0 : i32
      %dma_wait3A_345 = tpu.memref_slice %arg4[%arg0, %mul3A_302, %dma_wait3A_344] : memref<2x160000x128xf32, #tpu.memory_space<hbm>> -> memref<1x32x128xf32, #tpu.memory_space<hbm>>
      %dma_wait3A_346 = tpu.memref_squeeze %dma_wait3A_345 : memref<1x32x128xf32, #tpu.memory_space<hbm>> -> memref<32x128xf32, #tpu.memory_space<hbm>>
      %dma_wait3A_347 = arith.constant 0 : i32
      %dma_wait3A_348 = tpu.memref_slice %arg4[%arg0, %mul3A_302, %dma_wait3A_347] : memref<2x160000x128xf32, #tpu.memory_space<hbm>> -> memref<1x32x128xf32, #tpu.memory_space<hbm>>
      %dma_wait3A_349 = tpu.memref_squeeze %dma_wait3A_348 : memref<1x32x128xf32, #tpu.memory_space<hbm>> -> memref<32x128xf32, #tpu.memory_space<hbm>>
      tpu.wait_dma2 semaphore(%arg28 : memref<!tpu.dma_semaphore, #tpu.memory_space<semaphore_mem>>) src(%dma_wait3A_349 : memref<32x128xf32, #tpu.memory_space<hbm>>) dst(%arg19 : memref<32x128xf32, #tpu.memory_space<vmem>>)
      %parallel_loop3A_350 = arith.constant 0 : i32
      %parallel_loop3A_351 = arith.constant 32 : i32
      %parallel_loop3A_352 = arith.constant 1 : i32
      %parallel_loop3A_353:8 = scf.for %parallel_loop3A_395 = %parallel_loop3A_350 to %parallel_loop3A_351 step %parallel_loop3A_352 iter_args(%parallel_loop3A_396 = %parallel_loop3A_322#0, %parallel_loop3A_397 = %parallel_loop3A_322#1, %parallel_loop3A_398 = %parallel_loop3A_322#2, %parallel_loop3A_399 = %parallel_loop3A_322#3, %parallel_loop3A_400 = %parallel_loop3A_322#4, %parallel_loop3A_401 = %parallel_loop3A_322#5, %parallel_loop3A_402 = %parallel_loop3A_322#6, %parallel_loop3A_403 = %parallel_loop3A_322#7) -> (vector<16xf32>, vector<16xf32>, vector<16xf32>, vector<16xf32>, vector<16xf32>, vector<16xf32>, vector<16xf32>, vector<16xf32>)  : i32 {
        %parallel_loop3A_404 = arith.constant 0 : i32
        %parallel_loop3A_405 = arith.addi %parallel_loop3A_395, %parallel_loop3A_404 : i32
        %parallel_loop3A_406 = arith.index_cast %parallel_loop3A_405 : i32 to index
        %parallel_loop3A_407 = arith.constant 0 : index
        %parallel_loop3A_408 = tpu.vector_load %arg20[%parallel_loop3A_406, %parallel_loop3A_407] {strides = array<i32>} : memref<64x128xf32, #tpu.memory_space<vmem>>, vector<1x16xf32>,
        %parallel_loop3A_409 = vector.shape_cast %parallel_loop3A_408 : vector<1x16xf32> to vector<16xf32>
        %parallel_loop3A_410 = arith.index_cast %parallel_loop3A_405 : i32 to index
        %parallel_loop3A_411 = arith.constant 0 : index
        %parallel_loop3A_412 = tpu.vector_load %arg18[%parallel_loop3A_410, %parallel_loop3A_411] {strides = array<i32>} : memref<64x128xf32, #tpu.memory_space<vmem>>, vector<1x16xf32>,
        %parallel_loop3A_413 = vector.shape_cast %parallel_loop3A_412 : vector<1x16xf32> to vector<16xf32>
        %parallel_loop3A_414 = arith.addf %parallel_loop3A_409, %parallel_loop3A_413 : vector<16xf32>
        %parallel_loop3A_415 = arith.index_cast %parallel_loop3A_395 : i32 to index
        %parallel_loop3A_416 = arith.constant 0 : index
        %parallel_loop3A_417 = tpu.vector_load %arg19[%parallel_loop3A_415, %parallel_loop3A_416] {strides = array<i32>} : memref<32x128xf32, #tpu.memory_space<vmem>>, vector<1x16xf32>,
        %parallel_loop3A_418 = vector.shape_cast %parallel_loop3A_417 : vector<1x16xf32> to vector<16xf32>
        %parallel_loop3A_419 = arith.addf %parallel_loop3A_414, %parallel_loop3A_418 : vector<16xf32>
        %parallel_loop3A_420 = arith.index_cast %parallel_loop3A_395 : i32 to index
        %parallel_loop3A_421 = arith.constant 0 : index
        %parallel_loop3A_422 = tpu.vector_load %arg19[%parallel_loop3A_420, %parallel_loop3A_421] {strides = array<i32>} : memref<32x128xf32, #tpu.memory_space<vmem>>, vector<1x16xf32>,
        %parallel_loop3A_423 = vector.shape_cast %parallel_loop3A_422 : vector<1x16xf32> to vector<16xf32>
        %parallel_loop3A_424 = vector.shape_cast %parallel_loop3A_419 : vector<16xf32> to vector<1x16xf32>
        tpu.vector_store %arg19[%parallel_loop3A_420, %parallel_loop3A_421], %parallel_loop3A_424 {strides = array<i32>} : memref<32x128xf32, #tpu.memory_space<vmem>>, vector<1x16xf32>,
        %parallel_loop3A_425 = arith.constant 0.000000e+00 : f32
        %parallel_loop3A_426 = vector.broadcast %parallel_loop3A_425 : f32 to vector<16xf32>
        %parallel_loop3A_427 = arith.subf %parallel_loop3A_426, %parallel_loop3A_419 : vector<16xf32>
        %parallel_loop3A_428 = math.exp %parallel_loop3A_427 : vector<16xf32>
        %parallel_loop3A_429 = arith.constant 1.000000e+00 : f32
        %parallel_loop3A_430 = vector.broadcast %parallel_loop3A_429 : f32 to vector<16xf32>
        %parallel_loop3A_431 = arith.addf %parallel_loop3A_430, %parallel_loop3A_428 : vector<16xf32>
        %parallel_loop3A_432 = arith.constant 1.000000e+00 : f32
        %parallel_loop3A_433 = vector.broadcast %parallel_loop3A_432 : f32 to vector<16xf32>
        %parallel_loop3A_434 = arith.divf %parallel_loop3A_433, %parallel_loop3A_431 : vector<16xf32>
        %parallel_loop3A_435 = arith.index_cast %parallel_loop3A_405 : i32 to index
        %parallel_loop3A_436 = arith.constant 64 : index
        %parallel_loop3A_437 = tpu.vector_load %arg18[%parallel_loop3A_435, %parallel_loop3A_436] {strides = array<i32>} : memref<64x128xf32, #tpu.memory_space<vmem>>, vector<1x16xf32>,
        %parallel_loop3A_438 = vector.shape_cast %parallel_loop3A_437 : vector<1x16xf32> to vector<16xf32>
        %parallel_loop3A_439 = arith.mulf %parallel_loop3A_434, %parallel_loop3A_438 : vector<16xf32>
        %parallel_loop3A_440 = arith.index_cast %parallel_loop3A_405 : i32 to index
        %parallel_loop3A_441 = arith.constant 0 : index
        %parallel_loop3A_442 = tpu.vector_load %arg20[%parallel_loop3A_440, %parallel_loop3A_441] {strides = array<i32>} : memref<64x128xf32, #tpu.memory_space<vmem>>, vector<1x16xf32>,
        %parallel_loop3A_443 = vector.shape_cast %parallel_loop3A_442 : vector<1x16xf32> to vector<16xf32>
        %parallel_loop3A_444 = vector.shape_cast %parallel_loop3A_439 : vector<16xf32> to vector<1x16xf32>
        tpu.vector_store %arg20[%parallel_loop3A_440, %parallel_loop3A_441], %parallel_loop3A_444 {strides = array<i32>} : memref<64x128xf32, #tpu.memory_space<vmem>>, vector<1x16xf32>,
        %parallel_loop3A_445 = arith.index_cast %parallel_loop3A_405 : i32 to index
        %parallel_loop3A_446 = arith.constant 64 : index
        %parallel_loop3A_447 = tpu.vector_load %arg20[%parallel_loop3A_445, %parallel_loop3A_446] {strides = array<i32>} : memref<64x128xf32, #tpu.memory_space<vmem>>, vector<1x16xf32>,
        %parallel_loop3A_448 = vector.shape_cast %parallel_loop3A_447 : vector<1x16xf32> to vector<16xf32>
        %parallel_loop3A_449 = vector.shape_cast %parallel_loop3A_434 : vector<16xf32> to vector<1x16xf32>
        tpu.vector_store %arg20[%parallel_loop3A_445, %parallel_loop3A_446], %parallel_loop3A_449 {strides = array<i32>} : memref<64x128xf32, #tpu.memory_space<vmem>>, vector<1x16xf32>,
        %parallel_loop3A_450 = arith.addf %parallel_loop3A_396, %parallel_loop3A_419 : vector<16xf32>
        %parallel_loop3A_451 = arith.mulf %parallel_loop3A_419, %parallel_loop3A_419 : vector<16xf32>
        %parallel_loop3A_452 = arith.addf %parallel_loop3A_400, %parallel_loop3A_451 : vector<16xf32>
        %parallel_loop3A_453 = arith.index_cast %parallel_loop3A_405 : i32 to index
        %parallel_loop3A_454 = arith.constant 16 : index
        %parallel_loop3A_455 = tpu.vector_load %arg20[%parallel_loop3A_453, %parallel_loop3A_454] {strides = array<i32>} : memref<64x128xf32, #tpu.memory_space<vmem>>, vector<1x16xf32>,
        %parallel_loop3A_456 = vector.shape_cast %parallel_loop3A_455 : vector<1x16xf32> to vector<16xf32>
        %parallel_loop3A_457 = arith.index_cast %parallel_loop3A_405 : i32 to index
        %parallel_loop3A_458 = arith.constant 16 : index
        %parallel_loop3A_459 = tpu.vector_load %arg18[%parallel_loop3A_457, %parallel_loop3A_458] {strides = array<i32>} : memref<64x128xf32, #tpu.memory_space<vmem>>, vector<1x16xf32>,
        %parallel_loop3A_460 = vector.shape_cast %parallel_loop3A_459 : vector<1x16xf32> to vector<16xf32>
        %parallel_loop3A_461 = arith.addf %parallel_loop3A_456, %parallel_loop3A_460 : vector<16xf32>
        %parallel_loop3A_462 = arith.index_cast %parallel_loop3A_395 : i32 to index
        %parallel_loop3A_463 = arith.constant 16 : index
        %parallel_loop3A_464 = tpu.vector_load %arg19[%parallel_loop3A_462, %parallel_loop3A_463] {strides = array<i32>} : memref<32x128xf32, #tpu.memory_space<vmem>>, vector<1x16xf32>,
        %parallel_loop3A_465 = vector.shape_cast %parallel_loop3A_464 : vector<1x16xf32> to vector<16xf32>
        %parallel_loop3A_466 = arith.addf %parallel_loop3A_461, %parallel_loop3A_465 : vector<16xf32>
        %parallel_loop3A_467 = arith.index_cast %parallel_loop3A_395 : i32 to index
        %parallel_loop3A_468 = arith.constant 16 : index
        %parallel_loop3A_469 = tpu.vector_load %arg19[%parallel_loop3A_467, %parallel_loop3A_468] {strides = array<i32>} : memref<32x128xf32, #tpu.memory_space<vmem>>, vector<1x16xf32>,
        %parallel_loop3A_470 = vector.shape_cast %parallel_loop3A_469 : vector<1x16xf32> to vector<16xf32>
        %parallel_loop3A_471 = vector.shape_cast %parallel_loop3A_466 : vector<16xf32> to vector<1x16xf32>
        tpu.vector_store %arg19[%parallel_loop3A_467, %parallel_loop3A_468], %parallel_loop3A_471 {strides = array<i32>} : memref<32x128xf32, #tpu.memory_space<vmem>>, vector<1x16xf32>,
        %parallel_loop3A_472 = arith.constant 0.000000e+00 : f32
        %parallel_loop3A_473 = vector.broadcast %parallel_loop3A_472 : f32 to vector<16xf32>
        %parallel_loop3A_474 = arith.subf %parallel_loop3A_473, %parallel_loop3A_466 : vector<16xf32>
        %parallel_loop3A_475 = math.exp %parallel_loop3A_474 : vector<16xf32>
        %parallel_loop3A_476 = arith.constant 1.000000e+00 : f32
        %parallel_loop3A_477 = vector.broadcast %parallel_loop3A_476 : f32 to vector<16xf32>
        %parallel_loop3A_478 = arith.addf %parallel_loop3A_477, %parallel_loop3A_475 : vector<16xf32>
        %parallel_loop3A_479 = arith.constant 1.000000e+00 : f32
        %parallel_loop3A_480 = vector.broadcast %parallel_loop3A_479 : f32 to vector<16xf32>
        %parallel_loop3A_481 = arith.divf %parallel_loop3A_480, %parallel_loop3A_478 : vector<16xf32>
        %parallel_loop3A_482 = arith.index_cast %parallel_loop3A_405 : i32 to index
        %parallel_loop3A_483 = arith.constant 80 : index
        %parallel_loop3A_484 = tpu.vector_load %arg18[%parallel_loop3A_482, %parallel_loop3A_483] {strides = array<i32>} : memref<64x128xf32, #tpu.memory_space<vmem>>, vector<1x16xf32>,
        %parallel_loop3A_485 = vector.shape_cast %parallel_loop3A_484 : vector<1x16xf32> to vector<16xf32>
        %parallel_loop3A_486 = arith.mulf %parallel_loop3A_481, %parallel_loop3A_485 : vector<16xf32>
        %parallel_loop3A_487 = arith.index_cast %parallel_loop3A_405 : i32 to index
        %parallel_loop3A_488 = arith.constant 16 : index
        %parallel_loop3A_489 = tpu.vector_load %arg20[%parallel_loop3A_487, %parallel_loop3A_488] {strides = array<i32>} : memref<64x128xf32, #tpu.memory_space<vmem>>, vector<1x16xf32>,
        %parallel_loop3A_490 = vector.shape_cast %parallel_loop3A_489 : vector<1x16xf32> to vector<16xf32>
        %parallel_loop3A_491 = vector.shape_cast %parallel_loop3A_486 : vector<16xf32> to vector<1x16xf32>
        tpu.vector_store %arg20[%parallel_loop3A_487, %parallel_loop3A_488], %parallel_loop3A_491 {strides = array<i32>} : memref<64x128xf32, #tpu.memory_space<vmem>>, vector<1x16xf32>,
        %parallel_loop3A_492 = arith.index_cast %parallel_loop3A_405 : i32 to index
        %parallel_loop3A_493 = arith.constant 80 : index
        %parallel_loop3A_494 = tpu.vector_load %arg20[%parallel_loop3A_492, %parallel_loop3A_493] {strides = array<i32>} : memref<64x128xf32, #tpu.memory_space<vmem>>, vector<1x16xf32>,
        %parallel_loop3A_495 = vector.shape_cast %parallel_loop3A_494 : vector<1x16xf32> to vector<16xf32>
        %parallel_loop3A_496 = vector.shape_cast %parallel_loop3A_481 : vector<16xf32> to vector<1x16xf32>
        tpu.vector_store %arg20[%parallel_loop3A_492, %parallel_loop3A_493], %parallel_loop3A_496 {strides = array<i32>} : memref<64x128xf32, #tpu.memory_space<vmem>>, vector<1x16xf32>,
        %parallel_loop3A_497 = arith.addf %parallel_loop3A_397, %parallel_loop3A_466 : vector<16xf32>
        %parallel_loop3A_498 = arith.mulf %parallel_loop3A_466, %parallel_loop3A_466 : vector<16xf32>
        %parallel_loop3A_499 = arith.addf %parallel_loop3A_401, %parallel_loop3A_498 : vector<16xf32>
        %parallel_loop3A_500 = arith.index_cast %parallel_loop3A_405 : i32 to index
        %parallel_loop3A_501 = arith.constant 32 : index
        %parallel_loop3A_502 = tpu.vector_load %arg20[%parallel_loop3A_500, %parallel_loop3A_501] {strides = array<i32>} : memref<64x128xf32, #tpu.memory_space<vmem>>, vector<1x16xf32>,
        %parallel_loop3A_503 = vector.shape_cast %parallel_loop3A_502 : vector<1x16xf32> to vector<16xf32>
        %parallel_loop3A_504 = arith.index_cast %parallel_loop3A_405 : i32 to index
        %parallel_loop3A_505 = arith.constant 32 : index
        %parallel_loop3A_506 = tpu.vector_load %arg18[%parallel_loop3A_504, %parallel_loop3A_505] {strides = array<i32>} : memref<64x128xf32, #tpu.memory_space<vmem>>, vector<1x16xf32>,
        %parallel_loop3A_507 = vector.shape_cast %parallel_loop3A_506 : vector<1x16xf32> to vector<16xf32>
        %parallel_loop3A_508 = arith.addf %parallel_loop3A_503, %parallel_loop3A_507 : vector<16xf32>
        %parallel_loop3A_509 = arith.index_cast %parallel_loop3A_395 : i32 to index
        %parallel_loop3A_510 = arith.constant 32 : index
        %parallel_loop3A_511 = tpu.vector_load %arg19[%parallel_loop3A_509, %parallel_loop3A_510] {strides = array<i32>} : memref<32x128xf32, #tpu.memory_space<vmem>>, vector<1x16xf32>,
        %parallel_loop3A_512 = vector.shape_cast %parallel_loop3A_511 : vector<1x16xf32> to vector<16xf32>
        %parallel_loop3A_513 = arith.addf %parallel_loop3A_508, %parallel_loop3A_512 : vector<16xf32>
        %parallel_loop3A_514 = arith.index_cast %parallel_loop3A_395 : i32 to index
        %parallel_loop3A_515 = arith.constant 32 : index
        %parallel_loop3A_516 = tpu.vector_load %arg19[%parallel_loop3A_514, %parallel_loop3A_515] {strides = array<i32>} : memref<32x128xf32, #tpu.memory_space<vmem>>, vector<1x16xf32>,
        %parallel_loop3A_517 = vector.shape_cast %parallel_loop3A_516 : vector<1x16xf32> to vector<16xf32>
        %parallel_loop3A_518 = vector.shape_cast %parallel_loop3A_513 : vector<16xf32> to vector<1x16xf32>
        tpu.vector_store %arg19[%parallel_loop3A_514, %parallel_loop3A_515], %parallel_loop3A_518 {strides = array<i32>} : memref<32x128xf32, #tpu.memory_space<vmem>>, vector<1x16xf32>,
        %parallel_loop3A_519 = arith.constant 0.000000e+00 : f32
        %parallel_loop3A_520 = vector.broadcast %parallel_loop3A_519 : f32 to vector<16xf32>
        %parallel_loop3A_521 = arith.subf %parallel_loop3A_520, %parallel_loop3A_513 : vector<16xf32>
        %parallel_loop3A_522 = math.exp %parallel_loop3A_521 : vector<16xf32>
        %parallel_loop3A_523 = arith.constant 1.000000e+00 : f32
        %parallel_loop3A_524 = vector.broadcast %parallel_loop3A_523 : f32 to vector<16xf32>
        %parallel_loop3A_525 = arith.addf %parallel_loop3A_524, %parallel_loop3A_522 : vector<16xf32>
        %parallel_loop3A_526 = arith.constant 1.000000e+00 : f32
        %parallel_loop3A_527 = vector.broadcast %parallel_loop3A_526 : f32 to vector<16xf32>
        %parallel_loop3A_528 = arith.divf %parallel_loop3A_527, %parallel_loop3A_525 : vector<16xf32>
        %parallel_loop3A_529 = arith.index_cast %parallel_loop3A_405 : i32 to index
        %parallel_loop3A_530 = arith.constant 96 : index
        %parallel_loop3A_531 = tpu.vector_load %arg18[%parallel_loop3A_529, %parallel_loop3A_530] {strides = array<i32>} : memref<64x128xf32, #tpu.memory_space<vmem>>, vector<1x16xf32>,
        %parallel_loop3A_532 = vector.shape_cast %parallel_loop3A_531 : vector<1x16xf32> to vector<16xf32>
        %parallel_loop3A_533 = arith.mulf %parallel_loop3A_528, %parallel_loop3A_532 : vector<16xf32>
        %parallel_loop3A_534 = arith.index_cast %parallel_loop3A_405 : i32 to index
        %parallel_loop3A_535 = arith.constant 32 : index
        %parallel_loop3A_536 = tpu.vector_load %arg20[%parallel_loop3A_534, %parallel_loop3A_535] {strides = array<i32>} : memref<64x128xf32, #tpu.memory_space<vmem>>, vector<1x16xf32>,
        %parallel_loop3A_537 = vector.shape_cast %parallel_loop3A_536 : vector<1x16xf32> to vector<16xf32>
        %parallel_loop3A_538 = vector.shape_cast %parallel_loop3A_533 : vector<16xf32> to vector<1x16xf32>
        tpu.vector_store %arg20[%parallel_loop3A_534, %parallel_loop3A_535], %parallel_loop3A_538 {strides = array<i32>} : memref<64x128xf32, #tpu.memory_space<vmem>>, vector<1x16xf32>,
        %parallel_loop3A_539 = arith.index_cast %parallel_loop3A_405 : i32 to index
        %parallel_loop3A_540 = arith.constant 96 : index
        %parallel_loop3A_541 = tpu.vector_load %arg20[%parallel_loop3A_539, %parallel_loop3A_540] {strides = array<i32>} : memref<64x128xf32, #tpu.memory_space<vmem>>, vector<1x16xf32>,
        %parallel_loop3A_542 = vector.shape_cast %parallel_loop3A_541 : vector<1x16xf32> to vector<16xf32>
        %parallel_loop3A_543 = vector.shape_cast %parallel_loop3A_528 : vector<16xf32> to vector<1x16xf32>
        tpu.vector_store %arg20[%parallel_loop3A_539, %parallel_loop3A_540], %parallel_loop3A_543 {strides = array<i32>} : memref<64x128xf32, #tpu.memory_space<vmem>>, vector<1x16xf32>,
        %parallel_loop3A_544 = arith.addf %parallel_loop3A_398, %parallel_loop3A_513 : vector<16xf32>
        %parallel_loop3A_545 = arith.mulf %parallel_loop3A_513, %parallel_loop3A_513 : vector<16xf32>
        %parallel_loop3A_546 = arith.addf %parallel_loop3A_402, %parallel_loop3A_545 : vector<16xf32>
        %parallel_loop3A_547 = arith.index_cast %parallel_loop3A_405 : i32 to index
        %parallel_loop3A_548 = arith.constant 48 : index
        %parallel_loop3A_549 = tpu.vector_load %arg20[%parallel_loop3A_547, %parallel_loop3A_548] {strides = array<i32>} : memref<64x128xf32, #tpu.memory_space<vmem>>, vector<1x16xf32>,
        %parallel_loop3A_550 = vector.shape_cast %parallel_loop3A_549 : vector<1x16xf32> to vector<16xf32>
        %parallel_loop3A_551 = arith.index_cast %parallel_loop3A_405 : i32 to index
        %parallel_loop3A_552 = arith.constant 48 : index
        %parallel_loop3A_553 = tpu.vector_load %arg18[%parallel_loop3A_551, %parallel_loop3A_552] {strides = array<i32>} : memref<64x128xf32, #tpu.memory_space<vmem>>, vector<1x16xf32>,
        %parallel_loop3A_554 = vector.shape_cast %parallel_loop3A_553 : vector<1x16xf32> to vector<16xf32>
        %parallel_loop3A_555 = arith.addf %parallel_loop3A_550, %parallel_loop3A_554 : vector<16xf32>
        %parallel_loop3A_556 = arith.index_cast %parallel_loop3A_395 : i32 to index
        %parallel_loop3A_557 = arith.constant 48 : index
        %parallel_loop3A_558 = tpu.vector_load %arg19[%parallel_loop3A_556, %parallel_loop3A_557] {strides = array<i32>} : memref<32x128xf32, #tpu.memory_space<vmem>>, vector<1x16xf32>,
        %parallel_loop3A_559 = vector.shape_cast %parallel_loop3A_558 : vector<1x16xf32> to vector<16xf32>
        %parallel_loop3A_560 = arith.addf %parallel_loop3A_555, %parallel_loop3A_559 : vector<16xf32>
        %parallel_loop3A_561 = arith.index_cast %parallel_loop3A_395 : i32 to index
        %parallel_loop3A_562 = arith.constant 48 : index
        %parallel_loop3A_563 = tpu.vector_load %arg19[%parallel_loop3A_561, %parallel_loop3A_562] {strides = array<i32>} : memref<32x128xf32, #tpu.memory_space<vmem>>, vector<1x16xf32>,
        %parallel_loop3A_564 = vector.shape_cast %parallel_loop3A_563 : vector<1x16xf32> to vector<16xf32>
        %parallel_loop3A_565 = vector.shape_cast %parallel_loop3A_560 : vector<16xf32> to vector<1x16xf32>
        tpu.vector_store %arg19[%parallel_loop3A_561, %parallel_loop3A_562], %parallel_loop3A_565 {strides = array<i32>} : memref<32x128xf32, #tpu.memory_space<vmem>>, vector<1x16xf32>,
        %parallel_loop3A_566 = arith.constant 0.000000e+00 : f32
        %parallel_loop3A_567 = vector.broadcast %parallel_loop3A_566 : f32 to vector<16xf32>
        %parallel_loop3A_568 = arith.subf %parallel_loop3A_567, %parallel_loop3A_560 : vector<16xf32>
        %parallel_loop3A_569 = math.exp %parallel_loop3A_568 : vector<16xf32>
        %parallel_loop3A_570 = arith.constant 1.000000e+00 : f32
        %parallel_loop3A_571 = vector.broadcast %parallel_loop3A_570 : f32 to vector<16xf32>
        %parallel_loop3A_572 = arith.addf %parallel_loop3A_571, %parallel_loop3A_569 : vector<16xf32>
        %parallel_loop3A_573 = arith.constant 1.000000e+00 : f32
        %parallel_loop3A_574 = vector.broadcast %parallel_loop3A_573 : f32 to vector<16xf32>
        %parallel_loop3A_575 = arith.divf %parallel_loop3A_574, %parallel_loop3A_572 : vector<16xf32>
        %parallel_loop3A_576 = arith.index_cast %parallel_loop3A_405 : i32 to index
        %parallel_loop3A_577 = arith.constant 112 : index
        %parallel_loop3A_578 = tpu.vector_load %arg18[%parallel_loop3A_576, %parallel_loop3A_577] {strides = array<i32>} : memref<64x128xf32, #tpu.memory_space<vmem>>, vector<1x16xf32>,
        %parallel_loop3A_579 = vector.shape_cast %parallel_loop3A_578 : vector<1x16xf32> to vector<16xf32>
        %parallel_loop3A_580 = arith.mulf %parallel_loop3A_575, %parallel_loop3A_579 : vector<16xf32>
        %parallel_loop3A_581 = arith.index_cast %parallel_loop3A_405 : i32 to index
        %parallel_loop3A_582 = arith.constant 48 : index
        %parallel_loop3A_583 = tpu.vector_load %arg20[%parallel_loop3A_581, %parallel_loop3A_582] {strides = array<i32>} : memref<64x128xf32, #tpu.memory_space<vmem>>, vector<1x16xf32>,
        %parallel_loop3A_584 = vector.shape_cast %parallel_loop3A_583 : vector<1x16xf32> to vector<16xf32>
        %parallel_loop3A_585 = vector.shape_cast %parallel_loop3A_580 : vector<16xf32> to vector<1x16xf32>
        tpu.vector_store %arg20[%parallel_loop3A_581, %parallel_loop3A_582], %parallel_loop3A_585 {strides = array<i32>} : memref<64x128xf32, #tpu.memory_space<vmem>>, vector<1x16xf32>,
        %parallel_loop3A_586 = arith.index_cast %parallel_loop3A_405 : i32 to index
        %parallel_loop3A_587 = arith.constant 112 : index
        %parallel_loop3A_588 = tpu.vector_load %arg20[%parallel_loop3A_586, %parallel_loop3A_587] {strides = array<i32>} : memref<64x128xf32, #tpu.memory_space<vmem>>, vector<1x16xf32>,
        %parallel_loop3A_589 = vector.shape_cast %parallel_loop3A_588 : vector<1x16xf32> to vector<16xf32>
        %parallel_loop3A_590 = vector.shape_cast %parallel_loop3A_575 : vector<16xf32> to vector<1x16xf32>
        tpu.vector_store %arg20[%parallel_loop3A_586, %parallel_loop3A_587], %parallel_loop3A_590 {strides = array<i32>} : memref<64x128xf32, #tpu.memory_space<vmem>>, vector<1x16xf32>,
        %parallel_loop3A_591 = arith.addf %parallel_loop3A_399, %parallel_loop3A_560 : vector<16xf32>
        %parallel_loop3A_592 = arith.mulf %parallel_loop3A_560, %parallel_loop3A_560 : vector<16xf32>
        %parallel_loop3A_593 = arith.addf %parallel_loop3A_403, %parallel_loop3A_592 : vector<16xf32>
        %parallel_loop3A_594 = arith.constant 32 : i32
        %parallel_loop3A_595 = arith.addi %parallel_loop3A_395, %parallel_loop3A_594 : i32
        %parallel_loop3A_596 = arith.index_cast %parallel_loop3A_595 : i32 to index
        %parallel_loop3A_597 = arith.constant 0 : index
        %parallel_loop3A_598 = tpu.vector_load %arg20[%parallel_loop3A_596, %parallel_loop3A_597] {strides = array<i32>} : memref<64x128xf32, #tpu.memory_space<vmem>>, vector<1x16xf32>,
        %parallel_loop3A_599 = vector.shape_cast %parallel_loop3A_598 : vector<1x16xf32> to vector<16xf32>
        %parallel_loop3A_600 = arith.index_cast %parallel_loop3A_595 : i32 to index
        %parallel_loop3A_601 = arith.constant 0 : index
        %parallel_loop3A_602 = tpu.vector_load %arg18[%parallel_loop3A_600, %parallel_loop3A_601] {strides = array<i32>} : memref<64x128xf32, #tpu.memory_space<vmem>>, vector<1x16xf32>,
        %parallel_loop3A_603 = vector.shape_cast %parallel_loop3A_602 : vector<1x16xf32> to vector<16xf32>
        %parallel_loop3A_604 = arith.addf %parallel_loop3A_599, %parallel_loop3A_603 : vector<16xf32>
        %parallel_loop3A_605 = arith.index_cast %parallel_loop3A_395 : i32 to index
        %parallel_loop3A_606 = arith.constant 64 : index
        %parallel_loop3A_607 = tpu.vector_load %arg19[%parallel_loop3A_605, %parallel_loop3A_606] {strides = array<i32>} : memref<32x128xf32, #tpu.memory_space<vmem>>, vector<1x16xf32>,
        %parallel_loop3A_608 = vector.shape_cast %parallel_loop3A_607 : vector<1x16xf32> to vector<16xf32>
        %parallel_loop3A_609 = arith.addf %parallel_loop3A_604, %parallel_loop3A_608 : vector<16xf32>
        %parallel_loop3A_610 = arith.index_cast %parallel_loop3A_395 : i32 to index
        %parallel_loop3A_611 = arith.constant 64 : index
        %parallel_loop3A_612 = tpu.vector_load %arg19[%parallel_loop3A_610, %parallel_loop3A_611] {strides = array<i32>} : memref<32x128xf32, #tpu.memory_space<vmem>>, vector<1x16xf32>,
        %parallel_loop3A_613 = vector.shape_cast %parallel_loop3A_612 : vector<1x16xf32> to vector<16xf32>
        %parallel_loop3A_614 = vector.shape_cast %parallel_loop3A_609 : vector<16xf32> to vector<1x16xf32>
        tpu.vector_store %arg19[%parallel_loop3A_610, %parallel_loop3A_611], %parallel_loop3A_614 {strides = array<i32>} : memref<32x128xf32, #tpu.memory_space<vmem>>, vector<1x16xf32>,
        %parallel_loop3A_615 = arith.constant 0.000000e+00 : f32
        %parallel_loop3A_616 = vector.broadcast %parallel_loop3A_615 : f32 to vector<16xf32>
        %parallel_loop3A_617 = arith.subf %parallel_loop3A_616, %parallel_loop3A_609 : vector<16xf32>
        %parallel_loop3A_618 = math.exp %parallel_loop3A_617 : vector<16xf32>
        %parallel_loop3A_619 = arith.constant 1.000000e+00 : f32
        %parallel_loop3A_620 = vector.broadcast %parallel_loop3A_619 : f32 to vector<16xf32>
        %parallel_loop3A_621 = arith.addf %parallel_loop3A_620, %parallel_loop3A_618 : vector<16xf32>
        %parallel_loop3A_622 = arith.constant 1.000000e+00 : f32
        %parallel_loop3A_623 = vector.broadcast %parallel_loop3A_622 : f32 to vector<16xf32>
        %parallel_loop3A_624 = arith.divf %parallel_loop3A_623, %parallel_loop3A_621 : vector<16xf32>
        %parallel_loop3A_625 = arith.index_cast %parallel_loop3A_595 : i32 to index
        %parallel_loop3A_626 = arith.constant 64 : index
        %parallel_loop3A_627 = tpu.vector_load %arg18[%parallel_loop3A_625, %parallel_loop3A_626] {strides = array<i32>} : memref<64x128xf32, #tpu.memory_space<vmem>>, vector<1x16xf32>,
        %parallel_loop3A_628 = vector.shape_cast %parallel_loop3A_627 : vector<1x16xf32> to vector<16xf32>
        %parallel_loop3A_629 = arith.mulf %parallel_loop3A_624, %parallel_loop3A_628 : vector<16xf32>
        %parallel_loop3A_630 = arith.index_cast %parallel_loop3A_595 : i32 to index
        %parallel_loop3A_631 = arith.constant 0 : index
        %parallel_loop3A_632 = tpu.vector_load %arg20[%parallel_loop3A_630, %parallel_loop3A_631] {strides = array<i32>} : memref<64x128xf32, #tpu.memory_space<vmem>>, vector<1x16xf32>,
        %parallel_loop3A_633 = vector.shape_cast %parallel_loop3A_632 : vector<1x16xf32> to vector<16xf32>
        %parallel_loop3A_634 = vector.shape_cast %parallel_loop3A_629 : vector<16xf32> to vector<1x16xf32>
        tpu.vector_store %arg20[%parallel_loop3A_630, %parallel_loop3A_631], %parallel_loop3A_634 {strides = array<i32>} : memref<64x128xf32, #tpu.memory_space<vmem>>, vector<1x16xf32>,
        %parallel_loop3A_635 = arith.index_cast %parallel_loop3A_595 : i32 to index
        %parallel_loop3A_636 = arith.constant 64 : index
        %parallel_loop3A_637 = tpu.vector_load %arg20[%parallel_loop3A_635, %parallel_loop3A_636] {strides = array<i32>} : memref<64x128xf32, #tpu.memory_space<vmem>>, vector<1x16xf32>,
        %parallel_loop3A_638 = vector.shape_cast %parallel_loop3A_637 : vector<1x16xf32> to vector<16xf32>
        %parallel_loop3A_639 = vector.shape_cast %parallel_loop3A_624 : vector<16xf32> to vector<1x16xf32>
        tpu.vector_store %arg20[%parallel_loop3A_635, %parallel_loop3A_636], %parallel_loop3A_639 {strides = array<i32>} : memref<64x128xf32, #tpu.memory_space<vmem>>, vector<1x16xf32>,
        %parallel_loop3A_640 = arith.addf %parallel_loop3A_450, %parallel_loop3A_609 : vector<16xf32>
        %parallel_loop3A_641 = arith.mulf %parallel_loop3A_609, %parallel_loop3A_609 : vector<16xf32>
        %parallel_loop3A_642 = arith.addf %parallel_loop3A_452, %parallel_loop3A_641 : vector<16xf32>
        %parallel_loop3A_643 = arith.index_cast %parallel_loop3A_595 : i32 to index
        %parallel_loop3A_644 = arith.constant 16 : index
        %parallel_loop3A_645 = tpu.vector_load %arg20[%parallel_loop3A_643, %parallel_loop3A_644] {strides = array<i32>} : memref<64x128xf32, #tpu.memory_space<vmem>>, vector<1x16xf32>,
        %parallel_loop3A_646 = vector.shape_cast %parallel_loop3A_645 : vector<1x16xf32> to vector<16xf32>
        %parallel_loop3A_647 = arith.index_cast %parallel_loop3A_595 : i32 to index
        %parallel_loop3A_648 = arith.constant 16 : index
        %parallel_loop3A_649 = tpu.vector_load %arg18[%parallel_loop3A_647, %parallel_loop3A_648] {strides = array<i32>} : memref<64x128xf32, #tpu.memory_space<vmem>>, vector<1x16xf32>,
        %parallel_loop3A_650 = vector.shape_cast %parallel_loop3A_649 : vector<1x16xf32> to vector<16xf32>
        %parallel_loop3A_651 = arith.addf %parallel_loop3A_646, %parallel_loop3A_650 : vector<16xf32>
        %parallel_loop3A_652 = arith.index_cast %parallel_loop3A_395 : i32 to index
        %parallel_loop3A_653 = arith.constant 80 : index
        %parallel_loop3A_654 = tpu.vector_load %arg19[%parallel_loop3A_652, %parallel_loop3A_653] {strides = array<i32>} : memref<32x128xf32, #tpu.memory_space<vmem>>, vector<1x16xf32>,
        %parallel_loop3A_655 = vector.shape_cast %parallel_loop3A_654 : vector<1x16xf32> to vector<16xf32>
        %parallel_loop3A_656 = arith.addf %parallel_loop3A_651, %parallel_loop3A_655 : vector<16xf32>
        %parallel_loop3A_657 = arith.index_cast %parallel_loop3A_395 : i32 to index
        %parallel_loop3A_658 = arith.constant 80 : index
        %parallel_loop3A_659 = tpu.vector_load %arg19[%parallel_loop3A_657, %parallel_loop3A_658] {strides = array<i32>} : memref<32x128xf32, #tpu.memory_space<vmem>>, vector<1x16xf32>,
        %parallel_loop3A_660 = vector.shape_cast %parallel_loop3A_659 : vector<1x16xf32> to vector<16xf32>
        %parallel_loop3A_661 = vector.shape_cast %parallel_loop3A_656 : vector<16xf32> to vector<1x16xf32>
        tpu.vector_store %arg19[%parallel_loop3A_657, %parallel_loop3A_658], %parallel_loop3A_661 {strides = array<i32>} : memref<32x128xf32, #tpu.memory_space<vmem>>, vector<1x16xf32>,
        %parallel_loop3A_662 = arith.constant 0.000000e+00 : f32
        %parallel_loop3A_663 = vector.broadcast %parallel_loop3A_662 : f32 to vector<16xf32>
        %parallel_loop3A_664 = arith.subf %parallel_loop3A_663, %parallel_loop3A_656 : vector<16xf32>
        %parallel_loop3A_665 = math.exp %parallel_loop3A_664 : vector<16xf32>
        %parallel_loop3A_666 = arith.constant 1.000000e+00 : f32
        %parallel_loop3A_667 = vector.broadcast %parallel_loop3A_666 : f32 to vector<16xf32>
        %parallel_loop3A_668 = arith.addf %parallel_loop3A_667, %parallel_loop3A_665 : vector<16xf32>
        %parallel_loop3A_669 = arith.constant 1.000000e+00 : f32
        %parallel_loop3A_670 = vector.broadcast %parallel_loop3A_669 : f32 to vector<16xf32>
        %parallel_loop3A_671 = arith.divf %parallel_loop3A_670, %parallel_loop3A_668 : vector<16xf32>
        %parallel_loop3A_672 = arith.index_cast %parallel_loop3A_595 : i32 to index
        %parallel_loop3A_673 = arith.constant 80 : index
        %parallel_loop3A_674 = tpu.vector_load %arg18[%parallel_loop3A_672, %parallel_loop3A_673] {strides = array<i32>} : memref<64x128xf32, #tpu.memory_space<vmem>>, vector<1x16xf32>,
        %parallel_loop3A_675 = vector.shape_cast %parallel_loop3A_674 : vector<1x16xf32> to vector<16xf32>
        %parallel_loop3A_676 = arith.mulf %parallel_loop3A_671, %parallel_loop3A_675 : vector<16xf32>
        %parallel_loop3A_677 = arith.index_cast %parallel_loop3A_595 : i32 to index
        %parallel_loop3A_678 = arith.constant 16 : index
        %parallel_loop3A_679 = tpu.vector_load %arg20[%parallel_loop3A_677, %parallel_loop3A_678] {strides = array<i32>} : memref<64x128xf32, #tpu.memory_space<vmem>>, vector<1x16xf32>,
        %parallel_loop3A_680 = vector.shape_cast %parallel_loop3A_679 : vector<1x16xf32> to vector<16xf32>
        %parallel_loop3A_681 = vector.shape_cast %parallel_loop3A_676 : vector<16xf32> to vector<1x16xf32>
        tpu.vector_store %arg20[%parallel_loop3A_677, %parallel_loop3A_678], %parallel_loop3A_681 {strides = array<i32>} : memref<64x128xf32, #tpu.memory_space<vmem>>, vector<1x16xf32>,
        %parallel_loop3A_682 = arith.index_cast %parallel_loop3A_595 : i32 to index
        %parallel_loop3A_683 = arith.constant 80 : index
        %parallel_loop3A_684 = tpu.vector_load %arg20[%parallel_loop3A_682, %parallel_loop3A_683] {strides = array<i32>} : memref<64x128xf32, #tpu.memory_space<vmem>>, vector<1x16xf32>,
        %parallel_loop3A_685 = vector.shape_cast %parallel_loop3A_684 : vector<1x16xf32> to vector<16xf32>
        %parallel_loop3A_686 = vector.shape_cast %parallel_loop3A_671 : vector<16xf32> to vector<1x16xf32>
        tpu.vector_store %arg20[%parallel_loop3A_682, %parallel_loop3A_683], %parallel_loop3A_686 {strides = array<i32>} : memref<64x128xf32, #tpu.memory_space<vmem>>, vector<1x16xf32>,
        %parallel_loop3A_687 = arith.addf %parallel_loop3A_497, %parallel_loop3A_656 : vector<16xf32>
        %parallel_loop3A_688 = arith.mulf %parallel_loop3A_656, %parallel_loop3A_656 : vector<16xf32>
        %parallel_loop3A_689 = arith.addf %parallel_loop3A_499, %parallel_loop3A_688 : vector<16xf32>
        %parallel_loop3A_690 = arith.index_cast %parallel_loop3A_595 : i32 to index
        %parallel_loop3A_691 = arith.constant 32 : index
        %parallel_loop3A_692 = tpu.vector_load %arg20[%parallel_loop3A_690, %parallel_loop3A_691] {strides = array<i32>} : memref<64x128xf32, #tpu.memory_space<vmem>>, vector<1x16xf32>,
        %parallel_loop3A_693 = vector.shape_cast %parallel_loop3A_692 : vector<1x16xf32> to vector<16xf32>
        %parallel_loop3A_694 = arith.index_cast %parallel_loop3A_595 : i32 to index
        %parallel_loop3A_695 = arith.constant 32 : index
        %parallel_loop3A_696 = tpu.vector_load %arg18[%parallel_loop3A_694, %parallel_loop3A_695] {strides = array<i32>} : memref<64x128xf32, #tpu.memory_space<vmem>>, vector<1x16xf32>,
        %parallel_loop3A_697 = vector.shape_cast %parallel_loop3A_696 : vector<1x16xf32> to vector<16xf32>
        %parallel_loop3A_698 = arith.addf %parallel_loop3A_693, %parallel_loop3A_697 : vector<16xf32>
        %parallel_loop3A_699 = arith.index_cast %parallel_loop3A_395 : i32 to index
        %parallel_loop3A_700 = arith.constant 96 : index
        %parallel_loop3A_701 = tpu.vector_load %arg19[%parallel_loop3A_699, %parallel_loop3A_700] {strides = array<i32>} : memref<32x128xf32, #tpu.memory_space<vmem>>, vector<1x16xf32>,
        %parallel_loop3A_702 = vector.shape_cast %parallel_loop3A_701 : vector<1x16xf32> to vector<16xf32>
        %parallel_loop3A_703 = arith.addf %parallel_loop3A_698, %parallel_loop3A_702 : vector<16xf32>
        %parallel_loop3A_704 = arith.index_cast %parallel_loop3A_395 : i32 to index
        %parallel_loop3A_705 = arith.constant 96 : index
        %parallel_loop3A_706 = tpu.vector_load %arg19[%parallel_loop3A_704, %parallel_loop3A_705] {strides = array<i32>} : memref<32x128xf32, #tpu.memory_space<vmem>>, vector<1x16xf32>,
        %parallel_loop3A_707 = vector.shape_cast %parallel_loop3A_706 : vector<1x16xf32> to vector<16xf32>
        %parallel_loop3A_708 = vector.shape_cast %parallel_loop3A_703 : vector<16xf32> to vector<1x16xf32>
        tpu.vector_store %arg19[%parallel_loop3A_704, %parallel_loop3A_705], %parallel_loop3A_708 {strides = array<i32>} : memref<32x128xf32, #tpu.memory_space<vmem>>, vector<1x16xf32>,
        %parallel_loop3A_709 = arith.constant 0.000000e+00 : f32
        %parallel_loop3A_710 = vector.broadcast %parallel_loop3A_709 : f32 to vector<16xf32>
        %parallel_loop3A_711 = arith.subf %parallel_loop3A_710, %parallel_loop3A_703 : vector<16xf32>
        %parallel_loop3A_712 = math.exp %parallel_loop3A_711 : vector<16xf32>
        %parallel_loop3A_713 = arith.constant 1.000000e+00 : f32
        %parallel_loop3A_714 = vector.broadcast %parallel_loop3A_713 : f32 to vector<16xf32>
        %parallel_loop3A_715 = arith.addf %parallel_loop3A_714, %parallel_loop3A_712 : vector<16xf32>
        %parallel_loop3A_716 = arith.constant 1.000000e+00 : f32
        %parallel_loop3A_717 = vector.broadcast %parallel_loop3A_716 : f32 to vector<16xf32>
        %parallel_loop3A_718 = arith.divf %parallel_loop3A_717, %parallel_loop3A_715 : vector<16xf32>
        %parallel_loop3A_719 = arith.index_cast %parallel_loop3A_595 : i32 to index
        %parallel_loop3A_720 = arith.constant 96 : index
        %parallel_loop3A_721 = tpu.vector_load %arg18[%parallel_loop3A_719, %parallel_loop3A_720] {strides = array<i32>} : memref<64x128xf32, #tpu.memory_space<vmem>>, vector<1x16xf32>,
        %parallel_loop3A_722 = vector.shape_cast %parallel_loop3A_721 : vector<1x16xf32> to vector<16xf32>
        %parallel_loop3A_723 = arith.mulf %parallel_loop3A_718, %parallel_loop3A_722 : vector<16xf32>
        %parallel_loop3A_724 = arith.index_cast %parallel_loop3A_595 : i32 to index
        %parallel_loop3A_725 = arith.constant 32 : index
        %parallel_loop3A_726 = tpu.vector_load %arg20[%parallel_loop3A_724, %parallel_loop3A_725] {strides = array<i32>} : memref<64x128xf32, #tpu.memory_space<vmem>>, vector<1x16xf32>,
        %parallel_loop3A_727 = vector.shape_cast %parallel_loop3A_726 : vector<1x16xf32> to vector<16xf32>
        %parallel_loop3A_728 = vector.shape_cast %parallel_loop3A_723 : vector<16xf32> to vector<1x16xf32>
        tpu.vector_store %arg20[%parallel_loop3A_724, %parallel_loop3A_725], %parallel_loop3A_728 {strides = array<i32>} : memref<64x128xf32, #tpu.memory_space<vmem>>, vector<1x16xf32>,
        %parallel_loop3A_729 = arith.index_cast %parallel_loop3A_595 : i32 to index
        %parallel_loop3A_730 = arith.constant 96 : index
        %parallel_loop3A_731 = tpu.vector_load %arg20[%parallel_loop3A_729, %parallel_loop3A_730] {strides = array<i32>} : memref<64x128xf32, #tpu.memory_space<vmem>>, vector<1x16xf32>,
        %parallel_loop3A_732 = vector.shape_cast %parallel_loop3A_731 : vector<1x16xf32> to vector<16xf32>
        %parallel_loop3A_733 = vector.shape_cast %parallel_loop3A_718 : vector<16xf32> to vector<1x16xf32>
        tpu.vector_store %arg20[%parallel_loop3A_729, %parallel_loop3A_730], %parallel_loop3A_733 {strides = array<i32>} : memref<64x128xf32, #tpu.memory_space<vmem>>, vector<1x16xf32>,
        %parallel_loop3A_734 = arith.addf %parallel_loop3A_544, %parallel_loop3A_703 : vector<16xf32>
        %parallel_loop3A_735 = arith.mulf %parallel_loop3A_703, %parallel_loop3A_703 : vector<16xf32>
        %parallel_loop3A_736 = arith.addf %parallel_loop3A_546, %parallel_loop3A_735 : vector<16xf32>
        %parallel_loop3A_737 = arith.index_cast %parallel_loop3A_595 : i32 to index
        %parallel_loop3A_738 = arith.constant 48 : index
        %parallel_loop3A_739 = tpu.vector_load %arg20[%parallel_loop3A_737, %parallel_loop3A_738] {strides = array<i32>} : memref<64x128xf32, #tpu.memory_space<vmem>>, vector<1x16xf32>,
        %parallel_loop3A_740 = vector.shape_cast %parallel_loop3A_739 : vector<1x16xf32> to vector<16xf32>
        %parallel_loop3A_741 = arith.index_cast %parallel_loop3A_595 : i32 to index
        %parallel_loop3A_742 = arith.constant 48 : index
        %parallel_loop3A_743 = tpu.vector_load %arg18[%parallel_loop3A_741, %parallel_loop3A_742] {strides = array<i32>} : memref<64x128xf32, #tpu.memory_space<vmem>>, vector<1x16xf32>,
        %parallel_loop3A_744 = vector.shape_cast %parallel_loop3A_743 : vector<1x16xf32> to vector<16xf32>
        %parallel_loop3A_745 = arith.addf %parallel_loop3A_740, %parallel_loop3A_744 : vector<16xf32>
        %parallel_loop3A_746 = arith.index_cast %parallel_loop3A_395 : i32 to index
        %parallel_loop3A_747 = arith.constant 112 : index
        %parallel_loop3A_748 = tpu.vector_load %arg19[%parallel_loop3A_746, %parallel_loop3A_747] {strides = array<i32>} : memref<32x128xf32, #tpu.memory_space<vmem>>, vector<1x16xf32>,
        %parallel_loop3A_749 = vector.shape_cast %parallel_loop3A_748 : vector<1x16xf32> to vector<16xf32>
        %parallel_loop3A_750 = arith.addf %parallel_loop3A_745, %parallel_loop3A_749 : vector<16xf32>
        %parallel_loop3A_751 = arith.index_cast %parallel_loop3A_395 : i32 to index
        %parallel_loop3A_752 = arith.constant 112 : index
        %parallel_loop3A_753 = tpu.vector_load %arg19[%parallel_loop3A_751, %parallel_loop3A_752] {strides = array<i32>} : memref<32x128xf32, #tpu.memory_space<vmem>>, vector<1x16xf32>,
        %parallel_loop3A_754 = vector.shape_cast %parallel_loop3A_753 : vector<1x16xf32> to vector<16xf32>
        %parallel_loop3A_755 = vector.shape_cast %parallel_loop3A_750 : vector<16xf32> to vector<1x16xf32>
        tpu.vector_store %arg19[%parallel_loop3A_751, %parallel_loop3A_752], %parallel_loop3A_755 {strides = array<i32>} : memref<32x128xf32, #tpu.memory_space<vmem>>, vector<1x16xf32>,
        %parallel_loop3A_756 = arith.constant 0.000000e+00 : f32
        %parallel_loop3A_757 = vector.broadcast %parallel_loop3A_756 : f32 to vector<16xf32>
        %parallel_loop3A_758 = arith.subf %parallel_loop3A_757, %parallel_loop3A_750 : vector<16xf32>
        %parallel_loop3A_759 = math.exp %parallel_loop3A_758 : vector<16xf32>
        %parallel_loop3A_760 = arith.constant 1.000000e+00 : f32
        %parallel_loop3A_761 = vector.broadcast %parallel_loop3A_760 : f32 to vector<16xf32>
        %parallel_loop3A_762 = arith.addf %parallel_loop3A_761, %parallel_loop3A_759 : vector<16xf32>
        %parallel_loop3A_763 = arith.constant 1.000000e+00 : f32
        %parallel_loop3A_764 = vector.broadcast %parallel_loop3A_763 : f32 to vector<16xf32>
        %parallel_loop3A_765 = arith.divf %parallel_loop3A_764, %parallel_loop3A_762 : vector<16xf32>
        %parallel_loop3A_766 = arith.index_cast %parallel_loop3A_595 : i32 to index
        %parallel_loop3A_767 = arith.constant 112 : index
        %parallel_loop3A_768 = tpu.vector_load %arg18[%parallel_loop3A_766, %parallel_loop3A_767] {strides = array<i32>} : memref<64x128xf32, #tpu.memory_space<vmem>>, vector<1x16xf32>,
        %parallel_loop3A_769 = vector.shape_cast %parallel_loop3A_768 : vector<1x16xf32> to vector<16xf32>
        %parallel_loop3A_770 = arith.mulf %parallel_loop3A_765, %parallel_loop3A_769 : vector<16xf32>
        %parallel_loop3A_771 = arith.index_cast %parallel_loop3A_595 : i32 to index
        %parallel_loop3A_772 = arith.constant 48 : index
        %parallel_loop3A_773 = tpu.vector_load %arg20[%parallel_loop3A_771, %parallel_loop3A_772] {strides = array<i32>} : memref<64x128xf32, #tpu.memory_space<vmem>>, vector<1x16xf32>,
        %parallel_loop3A_774 = vector.shape_cast %parallel_loop3A_773 : vector<1x16xf32> to vector<16xf32>
        %parallel_loop3A_775 = vector.shape_cast %parallel_loop3A_770 : vector<16xf32> to vector<1x16xf32>
        tpu.vector_store %arg20[%parallel_loop3A_771, %parallel_loop3A_772], %parallel_loop3A_775 {strides = array<i32>} : memref<64x128xf32, #tpu.memory_space<vmem>>, vector<1x16xf32>,
        %parallel_loop3A_776 = arith.index_cast %parallel_loop3A_595 : i32 to index
        %parallel_loop3A_777 = arith.constant 112 : index
        %parallel_loop3A_778 = tpu.vector_load %arg20[%parallel_loop3A_776, %parallel_loop3A_777] {strides = array<i32>} : memref<64x128xf32, #tpu.memory_space<vmem>>, vector<1x16xf32>,
        %parallel_loop3A_779 = vector.shape_cast %parallel_loop3A_778 : vector<1x16xf32> to vector<16xf32>
        %parallel_loop3A_780 = vector.shape_cast %parallel_loop3A_765 : vector<16xf32> to vector<1x16xf32>
        tpu.vector_store %arg20[%parallel_loop3A_776, %parallel_loop3A_777], %parallel_loop3A_780 {strides = array<i32>} : memref<64x128xf32, #tpu.memory_space<vmem>>, vector<1x16xf32>,
        %parallel_loop3A_781 = arith.addf %parallel_loop3A_591, %parallel_loop3A_750 : vector<16xf32>
        %parallel_loop3A_782 = arith.mulf %parallel_loop3A_750, %parallel_loop3A_750 : vector<16xf32>
        %parallel_loop3A_783 = arith.addf %parallel_loop3A_593, %parallel_loop3A_782 : vector<16xf32>
        scf.yield %parallel_loop3A_640, %parallel_loop3A_687, %parallel_loop3A_734, %parallel_loop3A_781, %parallel_loop3A_642, %parallel_loop3A_689, %parallel_loop3A_736, %parallel_loop3A_783 : vector<16xf32>, vector<16xf32>, vector<16xf32>, vector<16xf32>, vector<16xf32>, vector<16xf32>, vector<16xf32>, vector<16xf32>
      } {sc.loop_unroll_factor = 2 : i64, sc.parallel_access}
      %mul3A_354 = arith.constant 32 : i32
      %mul3A_355 = arith.muli %add3A_106, %mul3A_354 : i32
      %dma_start3A_356 = arith.constant 0 : i32
      %dma_start3A_357 = tpu.memref_slice %arg6[%arg0, %mul3A_355, %dma_start3A_356] : memref<2x160000x128xf32, #tpu.memory_space<hbm>> -> memref<1x32x128xf32, #tpu.memory_space<hbm>>
      %dma_start3A_358 = tpu.memref_squeeze %dma_start3A_357 : memref<1x32x128xf32, #tpu.memory_space<hbm>> -> memref<32x128xf32, #tpu.memory_space<hbm>>
      %dma_start3A_359 = arith.constant 0 : i32
      %dma_start3A_360 = tpu.memref_slice %arg6[%arg0, %mul3A_355, %dma_start3A_359] : memref<2x160000x128xf32, #tpu.memory_space<hbm>> -> memref<1x32x128xf32, #tpu.memory_space<hbm>>
      %dma_start3A_361 = tpu.memref_squeeze %dma_start3A_360 : memref<1x32x128xf32, #tpu.memory_space<hbm>> -> memref<32x128xf32, #tpu.memory_space<hbm>>
      tpu.enqueue_dma source(%arg19 : memref<32x128xf32, #tpu.memory_space<vmem>>) target(%dma_start3A_361 : memref<32x128xf32, #tpu.memory_space<hbm>>) target_semaphore(%arg29 : memref<!tpu.dma_semaphore, #tpu.memory_space<semaphore_mem>>)
      %dma_start3A_362 = arith.constant 1 : i32
      %dma_start3A_363 = arith.constant 0 : i32
      %dma_start3A_364 = tpu.memref_slice %arg15[%dma_start3A_362, %dma_start3A_363] : memref<2x64xi32, #tpu.memory_space<vmem>> -> memref<1x64xi32, #tpu.memory_space<vmem>>
      %dma_start3A_365 = tpu.memref_squeeze %dma_start3A_364 : memref<1x64xi32, #tpu.memory_space<vmem>> -> memref<64xi32, #tpu.memory_space<vmem>>
      %dma_start3A_366 = arith.constant 0 : i32
      %dma_start3A_367 = arith.constant 0 : i32
      %dma_start3A_368 = tpu.memref_slice %arg22[%dma_start3A_366, %dma_start3A_367] : memref<10000x128xf32, #tpu.memory_space<vmem_shared>> -> memref<10000x128xf32, #tpu.memory_space<vmem_shared>>
      tpu.enqueue_indirect_dma source(%arg20 : memref<64x128xf32, #tpu.memory_space<vmem>>) target(%dma_start3A_368 : memref<10000x128xf32, #tpu.memory_space<vmem_shared>>) offsets(%dma_start3A_365 : memref<64xi32, #tpu.memory_space<vmem>>) semaphore(%arg30 : memref<!tpu.dma_semaphore, #tpu.memory_space<semaphore_mem>>) {add = true}
      %dma_wait3A_369 = arith.constant 0 : i32
      %dma_wait3A_370 = tpu.memref_slice %arg6[%arg0, %mul3A_324, %dma_wait3A_369] : memref<2x160000x128xf32, #tpu.memory_space<hbm>> -> memref<1x32x128xf32, #tpu.memory_space<hbm>>
      %dma_wait3A_371 = tpu.memref_squeeze %dma_wait3A_370 : memref<1x32x128xf32, #tpu.memory_space<hbm>> -> memref<32x128xf32, #tpu.memory_space<hbm>>
      %dma_wait3A_372 = arith.constant 0 : i32
      %dma_wait3A_373 = tpu.memref_slice %arg6[%arg0, %mul3A_324, %dma_wait3A_372] : memref<2x160000x128xf32, #tpu.memory_space<hbm>> -> memref<1x32x128xf32, #tpu.memory_space<hbm>>
      %dma_wait3A_374 = tpu.memref_squeeze %dma_wait3A_373 : memref<1x32x128xf32, #tpu.memory_space<hbm>> -> memref<32x128xf32, #tpu.memory_space<hbm>>
      tpu.wait_dma2 semaphore(%arg25 : memref<!tpu.dma_semaphore, #tpu.memory_space<semaphore_mem>>) src(%arg13 : memref<32x128xf32, #tpu.memory_space<vmem>>) dst(%dma_wait3A_374 : memref<32x128xf32, #tpu.memory_space<hbm>>)
      %dma_wait3A_375 = arith.constant 1 : i32
      %dma_wait3A_376 = arith.constant 0 : i32
      %dma_wait3A_377 = tpu.memref_slice %arg9[%dma_wait3A_375, %dma_wait3A_376] : memref<2x64xi32, #tpu.memory_space<vmem>> -> memref<1x64xi32, #tpu.memory_space<vmem>>
      %dma_wait3A_378 = tpu.memref_squeeze %dma_wait3A_377 : memref<1x64xi32, #tpu.memory_space<vmem>> -> memref<64xi32, #tpu.memory_space<vmem>>
      %dma_wait3A_379 = arith.constant 0 : i32
      %dma_wait3A_380 = arith.constant 0 : i32
      %dma_wait3A_381 = tpu.memref_slice %arg22[%dma_wait3A_379, %dma_wait3A_380] : memref<10000x128xf32, #tpu.memory_space<vmem_shared>> -> memref<10000x128xf32, #tpu.memory_space<vmem_shared>>
      tpu.wait_indirect_dma semaphore(%arg26 : memref<!tpu.dma_semaphore, #tpu.memory_space<semaphore_mem>>) src(%arg14 : memref<64x128xf32, #tpu.memory_space<vmem>>) dst(%dma_wait3A_381 : memref<10000x128xf32, #tpu.memory_space<vmem_shared>>)
      %dma_wait3A_382 = arith.constant 0 : i32
      %dma_wait3A_383 = tpu.memref_slice %arg6[%arg0, %mul3A_355, %dma_wait3A_382] : memref<2x160000x128xf32, #tpu.memory_space<hbm>> -> memref<1x32x128xf32, #tpu.memory_space<hbm>>
      %dma_wait3A_384 = tpu.memref_squeeze %dma_wait3A_383 : memref<1x32x128xf32, #tpu.memory_space<hbm>> -> memref<32x128xf32, #tpu.memory_space<hbm>>
      %dma_wait3A_385 = arith.constant 0 : i32
      %dma_wait3A_386 = tpu.memref_slice %arg6[%arg0, %mul3A_355, %dma_wait3A_385] : memref<2x160000x128xf32, #tpu.memory_space<hbm>> -> memref<1x32x128xf32, #tpu.memory_space<hbm>>
      %dma_wait3A_387 = tpu.memref_squeeze %dma_wait3A_386 : memref<1x32x128xf32, #tpu.memory_space<hbm>> -> memref<32x128xf32, #tpu.memory_space<hbm>>
      tpu.wait_dma2 semaphore(%arg29 : memref<!tpu.dma_semaphore, #tpu.memory_space<semaphore_mem>>) src(%arg19 : memref<32x128xf32, #tpu.memory_space<vmem>>) dst(%dma_wait3A_387 : memref<32x128xf32, #tpu.memory_space<hbm>>)
      %dma_wait3A_388 = arith.constant 1 : i32
      %dma_wait3A_389 = arith.constant 0 : i32
      %dma_wait3A_390 = tpu.memref_slice %arg15[%dma_wait3A_388, %dma_wait3A_389] : memref<2x64xi32, #tpu.memory_space<vmem>> -> memref<1x64xi32, #tpu.memory_space<vmem>>
      %dma_wait3A_391 = tpu.memref_squeeze %dma_wait3A_390 : memref<1x64xi32, #tpu.memory_space<vmem>> -> memref<64xi32, #tpu.memory_space<vmem>>
      %dma_wait3A_392 = arith.constant 0 : i32
      %dma_wait3A_393 = arith.constant 0 : i32
      %dma_wait3A_394 = tpu.memref_slice %arg22[%dma_wait3A_392, %dma_wait3A_393] : memref<10000x128xf32, #tpu.memory_space<vmem_shared>> -> memref<10000x128xf32, #tpu.memory_space<vmem_shared>>
      tpu.wait_indirect_dma semaphore(%arg30 : memref<!tpu.dma_semaphore, #tpu.memory_space<semaphore_mem>>) src(%arg20 : memref<64x128xf32, #tpu.memory_space<vmem>>) dst(%dma_wait3A_394 : memref<10000x128xf32, #tpu.memory_space<vmem_shared>>)
      scf.yield %parallel_loop3A_353#0, %parallel_loop3A_353#1, %parallel_loop3A_353#2, %parallel_loop3A_353#3, %parallel_loop3A_353#4, %parallel_loop3A_353#5, %parallel_loop3A_353#6, %parallel_loop3A_353#7 : vector<16xf32>, vector<16xf32>, vector<16xf32>, vector<16xf32>, vector<16xf32>, vector<16xf32>, vector<16xf32>, vector<16xf32>
    }
    %while3A_33 = arith.constant 1 : i32
    %while3A_34:8 = scf.for %while3A_90 = %while3A_30 to %while3A_26 step %while3A_33 iter_args(%while3A_91 = %while3A_32#0, %while3A_92 = %while3A_32#1, %while3A_93 = %while3A_32#2, %while3A_94 = %while3A_32#3, %while3A_95 = %while3A_32#4, %while3A_96 = %while3A_32#5, %while3A_97 = %while3A_32#6, %while3A_98 = %while3A_32#7) -> (vector<16xf32>, vector<16xf32>, vector<16xf32>, vector<16xf32>, vector<16xf32>, vector<16xf32>, vector<16xf32>, vector<16xf32>)  : i32 {
      %mul3A_99 = arith.muli %while3A_90, %while3A : i32
      %add3A_100 = arith.addi %add3A, %mul3A_99 : i32
      %mul3A_101 = arith.constant 2 : i32
      %mul3A_102 = arith.muli %mul3A_101, %add3A_100 : i32
      %mul3A_103 = arith.constant 2 : i32
      %mul3A_104 = arith.muli %mul3A_103, %add3A_100 : i32
      %add3A_105 = arith.constant 1 : i32
      %add3A_106 = arith.addi %mul3A_104, %add3A_105 : i32
      "tpu.region"() ({
        %run_scoped3A = tpu.sem_alloc : memref<!tpu.dma_semaphore, #tpu.memory_space<semaphore_mem>>
        %dma_start3A_395 = arith.constant 0 : i32
        %dma_start3A_396 = arith.constant 0 : i32
        %dma_start3A_397 = tpu.memref_slice %arg5[%mul3A_102, %dma_start3A_395, %dma_start3A_396] : memref<5000x2x64xi32, #tpu.memory_space<hbm>> -> memref<1x2x64xi32, #tpu.memory_space<hbm>>
        %dma_start3A_398 = tpu.memref_squeeze %dma_start3A_397 : memref<1x2x64xi32, #tpu.memory_space<hbm>> -> memref<2x64xi32, #tpu.memory_space<hbm>>
        %dma_start3A_399 = arith.constant 0 : i32
        %dma_start3A_400 = arith.constant 0 : i32
        %dma_start3A_401 = tpu.memref_slice %arg5[%mul3A_102, %dma_start3A_399, %dma_start3A_400] : memref<5000x2x64xi32, #tpu.memory_space<hbm>> -> memref<1x2x64xi32, #tpu.memory_space<hbm>>
        %dma_start3A_402 = tpu.memref_squeeze %dma_start3A_401 : memref<1x2x64xi32, #tpu.memory_space<hbm>> -> memref<2x64xi32, #tpu.memory_space<hbm>>
        tpu.enqueue_dma source(%dma_start3A_402 : memref<2x64xi32, #tpu.memory_space<hbm>>) target(%arg9 : memref<2x64xi32, #tpu.memory_space<vmem>>) target_semaphore(%run_scoped3A : memref<!tpu.dma_semaphore, #tpu.memory_space<semaphore_mem>>)
        %dma_wait3A_403 = arith.constant 0 : i32
        %dma_wait3A_404 = arith.constant 0 : i32
        %dma_wait3A_405 = tpu.memref_slice %arg5[%mul3A_102, %dma_wait3A_403, %dma_wait3A_404] : memref<5000x2x64xi32, #tpu.memory_space<hbm>> -> memref<1x2x64xi32, #tpu.memory_space<hbm>>
        %dma_wait3A_406 = tpu.memref_squeeze %dma_wait3A_405 : memref<1x2x64xi32, #tpu.memory_space<hbm>> -> memref<2x64xi32, #tpu.memory_space<hbm>>
        %dma_wait3A_407 = arith.constant 0 : i32
        %dma_wait3A_408 = arith.constant 0 : i32
        %dma_wait3A_409 = tpu.memref_slice %arg5[%mul3A_102, %dma_wait3A_407, %dma_wait3A_408] : memref<5000x2x64xi32, #tpu.memory_space<hbm>> -> memref<1x2x64xi32, #tpu.memory_space<hbm>>
        %dma_wait3A_410 = tpu.memref_squeeze %dma_wait3A_409 : memref<1x2x64xi32, #tpu.memory_space<hbm>> -> memref<2x64xi32, #tpu.memory_space<hbm>>
        tpu.wait_dma2 semaphore(%run_scoped3A : memref<!tpu.dma_semaphore, #tpu.memory_space<semaphore_mem>>) src(%dma_wait3A_410 : memref<2x64xi32, #tpu.memory_space<hbm>>) dst(%arg9 : memref<2x64xi32, #tpu.memory_space<vmem>>)
        tpu.yield
      }) : () -> ()
      %get3A = arith.constant 0 : i32
      %get3A_107 = arith.index_cast %get3A : i32 to index
      %get3A_108 = arith.constant 0 : index
      %get3A_109 = tpu.vector_load %arg9[%get3A_107, %get3A_108] {strides = array<i32>} : memref<2x64xi32, #tpu.memory_space<vmem>>, vector<1x16xi32>,
      %get3A_110 = vector.shape_cast %get3A_109 : vector<1x16xi32> to vector<16xi32>
      %add3A_111 = vector.broadcast %mul3A_0 : i32 to vector<16xi32>
      %add3A_112 = arith.addi %get3A_110, %add3A_111 : vector<16xi32>
      %swap3A_113 = arith.constant 0 : index
      %swap3A_114 = tpu.vector_load %arg10[%swap3A_113] {strides = array<i32>} : memref<64xi32, #tpu.memory_space<vmem>>, vector<16xi32>,
      %swap3A_115 = vector.shape_cast %swap3A_114 : vector<16xi32> to vector<16xi32>
      %swap3A_116 = vector.shape_cast %add3A_112 : vector<16xi32> to vector<16xi32>
      tpu.vector_store %arg10[%swap3A_113], %swap3A_116 {strides = array<i32>} : memref<64xi32, #tpu.memory_space<vmem>>, vector<16xi32>,
      %get3A_117 = arith.constant 1 : i32
      %get3A_118 = arith.index_cast %get3A_117 : i32 to index
      %get3A_119 = arith.constant 0 : index
      %get3A_120 = tpu.vector_load %arg9[%get3A_118, %get3A_119] {strides = array<i32>} : memref<2x64xi32, #tpu.memory_space<vmem>>, vector<1x16xi32>,
      %get3A_121 = vector.shape_cast %get3A_120 : vector<1x16xi32> to vector<16xi32>
      %add3A_122 = vector.broadcast %mul3A_0 : i32 to vector<16xi32>
      %add3A_123 = arith.addi %get3A_121, %add3A_122 : vector<16xi32>
      %swap3A_124 = arith.constant 0 : index
      %swap3A_125 = tpu.vector_load %arg11[%swap3A_124] {strides = array<i32>} : memref<64xi32, #tpu.memory_space<vmem>>, vector<16xi32>,
      %swap3A_126 = vector.shape_cast %swap3A_125 : vector<16xi32> to vector<16xi32>
      %swap3A_127 = vector.shape_cast %add3A_123 : vector<16xi32> to vector<16xi32>
      tpu.vector_store %arg11[%swap3A_124], %swap3A_127 {strides = array<i32>} : memref<64xi32, #tpu.memory_space<vmem>>, vector<16xi32>,
      %get3A_128 = arith.constant 0 : i32
      %get3A_129 = arith.index_cast %get3A_128 : i32 to index
      %get3A_130 = arith.constant 16 : index
      %get3A_131 = tpu.vector_load %arg9[%get3A_129, %get3A_130] {strides = array<i32>} : memref<2x64xi32, #tpu.memory_space<vmem>>, vector<1x16xi32>,
      %get3A_132 = vector.shape_cast %get3A_131 : vector<1x16xi32> to vector<16xi32>
      %add3A_133 = vector.broadcast %mul3A_0 : i32 to vector<16xi32>
      %add3A_134 = arith.addi %get3A_132, %add3A_133 : vector<16xi32>
      %swap3A_135 = arith.constant 16 : index
      %swap3A_136 = tpu.vector_load %arg10[%swap3A_135] {strides = array<i32>} : memref<64xi32, #tpu.memory_space<vmem>>, vector<16xi32>,
      %swap3A_137 = vector.shape_cast %swap3A_136 : vector<16xi32> to vector<16xi32>
      %swap3A_138 = vector.shape_cast %add3A_134 : vector<16xi32> to vector<16xi32>
      tpu.vector_store %arg10[%swap3A_135], %swap3A_138 {strides = array<i32>} : memref<64xi32, #tpu.memory_space<vmem>>, vector<16xi32>,
      %get3A_139 = arith.constant 1 : i32
      %get3A_140 = arith.index_cast %get3A_139 : i32 to index
      %get3A_141 = arith.constant 16 : index
      %get3A_142 = tpu.vector_load %arg9[%get3A_140, %get3A_141] {strides = array<i32>} : memref<2x64xi32, #tpu.memory_space<vmem>>, vector<1x16xi32>,
      %get3A_143 = vector.shape_cast %get3A_142 : vector<1x16xi32> to vector<16xi32>
      %add3A_144 = vector.broadcast %mul3A_0 : i32 to vector<16xi32>
      %add3A_145 = arith.addi %get3A_143, %add3A_144 : vector<16xi32>
      %swap3A_146 = arith.constant 16 : index
      %swap3A_147 = tpu.vector_load %arg11[%swap3A_146] {strides = array<i32>} : memref<64xi32, #tpu.memory_space<vmem>>, vector<16xi32>,
      %swap3A_148 = vector.shape_cast %swap3A_147 : vector<16xi32> to vector<16xi32>
      %swap3A_149 = vector.shape_cast %add3A_145 : vector<16xi32> to vector<16xi32>
      tpu.vector_store %arg11[%swap3A_146], %swap3A_149 {strides = array<i32>} : memref<64xi32, #tpu.memory_space<vmem>>, vector<16xi32>,
      %get3A_150 = arith.constant 0 : i32
      %get3A_151 = arith.index_cast %get3A_150 : i32 to index
      %get3A_152 = arith.constant 32 : index
      %get3A_153 = tpu.vector_load %arg9[%get3A_151, %get3A_152] {strides = array<i32>} : memref<2x64xi32, #tpu.memory_space<vmem>>, vector<1x16xi32>,
      %get3A_154 = vector.shape_cast %get3A_153 : vector<1x16xi32> to vector<16xi32>
      %add3A_155 = vector.broadcast %mul3A_0 : i32 to vector<16xi32>
      %add3A_156 = arith.addi %get3A_154, %add3A_155 : vector<16xi32>
      %swap3A_157 = arith.constant 32 : index
      %swap3A_158 = tpu.vector_load %arg10[%swap3A_157] {strides = array<i32>} : memref<64xi32, #tpu.memory_space<vmem>>, vector<16xi32>,
      %swap3A_159 = vector.shape_cast %swap3A_158 : vector<16xi32> to vector<16xi32>
      %swap3A_160 = vector.shape_cast %add3A_156 : vector<16xi32> to vector<16xi32>
      tpu.vector_store %arg10[%swap3A_157], %swap3A_160 {strides = array<i32>} : memref<64xi32, #tpu.memory_space<vmem>>, vector<16xi32>,
      %get3A_161 = arith.constant 1 : i32
      %get3A_162 = arith.index_cast %get3A_161 : i32 to index
      %get3A_163 = arith.constant 32 : index
      %get3A_164 = tpu.vector_load %arg9[%get3A_162, %get3A_163] {strides = array<i32>} : memref<2x64xi32, #tpu.memory_space<vmem>>, vector<1x16xi32>,
      %get3A_165 = vector.shape_cast %get3A_164 : vector<1x16xi32> to vector<16xi32>
      %add3A_166 = vector.broadcast %mul3A_0 : i32 to vector<16xi32>
      %add3A_167 = arith.addi %get3A_165, %add3A_166 : vector<16xi32>
      %swap3A_168 = arith.constant 32 : index
      %swap3A_169 = tpu.vector_load %arg11[%swap3A_168] {strides = array<i32>} : memref<64xi32, #tpu.memory_space<vmem>>, vector<16xi32>,
      %swap3A_170 = vector.shape_cast %swap3A_169 : vector<16xi32> to vector<16xi32>
      %swap3A_171 = vector.shape_cast %add3A_167 : vector<16xi32> to vector<16xi32>
      tpu.vector_store %arg11[%swap3A_168], %swap3A_171 {strides = array<i32>} : memref<64xi32, #tpu.memory_space<vmem>>, vector<16xi32>,
      %get3A_172 = arith.constant 0 : i32
      %get3A_173 = arith.index_cast %get3A_172 : i32 to index
      %get3A_174 = arith.constant 48 : index
      %get3A_175 = tpu.vector_load %arg9[%get3A_173, %get3A_174] {strides = array<i32>} : memref<2x64xi32, #tpu.memory_space<vmem>>, vector<1x16xi32>,
      %get3A_176 = vector.shape_cast %get3A_175 : vector<1x16xi32> to vector<16xi32>
      %add3A_177 = vector.broadcast %mul3A_0 : i32 to vector<16xi32>
      %add3A_178 = arith.addi %get3A_176, %add3A_177 : vector<16xi32>
      %swap3A_179 = arith.constant 48 : index
      %swap3A_180 = tpu.vector_load %arg10[%swap3A_179] {strides = array<i32>} : memref<64xi32, #tpu.memory_space<vmem>>, vector<16xi32>,
      %swap3A_181 = vector.shape_cast %swap3A_180 : vector<16xi32> to vector<16xi32>
      %swap3A_182 = vector.shape_cast %add3A_178 : vector<16xi32> to vector<16xi32>
      tpu.vector_store %arg10[%swap3A_179], %swap3A_182 {strides = array<i32>} : memref<64xi32, #tpu.memory_space<vmem>>, vector<16xi32>,
      %get3A_183 = arith.constant 1 : i32
      %get3A_184 = arith.index_cast %get3A_183 : i32 to index
      %get3A_185 = arith.constant 48 : index
      %get3A_186 = tpu.vector_load %arg9[%get3A_184, %get3A_185] {strides = array<i32>} : memref<2x64xi32, #tpu.memory_space<vmem>>, vector<1x16xi32>,
      %get3A_187 = vector.shape_cast %get3A_186 : vector<1x16xi32> to vector<16xi32>
      %add3A_188 = vector.broadcast %mul3A_0 : i32 to vector<16xi32>
      %add3A_189 = arith.addi %get3A_187, %add3A_188 : vector<16xi32>
      %swap3A_190 = arith.constant 48 : index
      %swap3A_191 = tpu.vector_load %arg11[%swap3A_190] {strides = array<i32>} : memref<64xi32, #tpu.memory_space<vmem>>, vector<16xi32>,
      %swap3A_192 = vector.shape_cast %swap3A_191 : vector<16xi32> to vector<16xi32>
      %swap3A_193 = vector.shape_cast %add3A_189 : vector<16xi32> to vector<16xi32>
      tpu.vector_store %arg11[%swap3A_190], %swap3A_193 {strides = array<i32>} : memref<64xi32, #tpu.memory_space<vmem>>, vector<16xi32>,
      %dma_start3A = arith.constant 0 : i32
      %dma_start3A_194 = arith.constant 0 : i32
      %dma_start3A_195 = tpu.memref_slice %arg2[%dma_start3A, %dma_start3A_194] : memref<20000x128xf32, #tpu.memory_space<hbm>> -> memref<20000x128xf32, #tpu.memory_space<hbm>>
      tpu.enqueue_indirect_dma source(%dma_start3A_195 : memref<20000x128xf32, #tpu.memory_space<hbm>>) target(%arg14 : memref<64x128xf32, #tpu.memory_space<vmem>>) offsets(%arg11 : memref<64xi32, #tpu.memory_space<vmem>>) semaphore(%arg23 : memref<!tpu.dma_semaphore, #tpu.memory_space<semaphore_mem>>)
      %dma_start3A_196 = arith.constant 0 : i32
      %dma_start3A_197 = arith.constant 0 : i32
      %dma_start3A_198 = tpu.memref_slice %arg3[%dma_start3A_196, %dma_start3A_197] : memref<20000x128xf32, #tpu.memory_space<hbm>> -> memref<20000x128xf32, #tpu.memory_space<hbm>>
      tpu.enqueue_indirect_dma source(%dma_start3A_198 : memref<20000x128xf32, #tpu.memory_space<hbm>>) target(%arg12 : memref<64x128xf32, #tpu.memory_space<vmem>>) offsets(%arg10 : memref<64xi32, #tpu.memory_space<vmem>>) semaphore(%arg23 : memref<!tpu.dma_semaphore, #tpu.memory_space<semaphore_mem>>)
      %mul3A_199 = arith.constant 32 : i32
      %mul3A_200 = arith.muli %mul3A_102, %mul3A_199 : i32
      %dma_start3A_201 = arith.constant 0 : i32
      %dma_start3A_202 = tpu.memref_slice %arg4[%arg0, %mul3A_200, %dma_start3A_201] : memref<2x160000x128xf32, #tpu.memory_space<hbm>> -> memref<1x32x128xf32, #tpu.memory_space<hbm>>
      %dma_start3A_203 = tpu.memref_squeeze %dma_start3A_202 : memref<1x32x128xf32, #tpu.memory_space<hbm>> -> memref<32x128xf32, #tpu.memory_space<hbm>>
      %dma_start3A_204 = arith.constant 0 : i32
      %dma_start3A_205 = tpu.memref_slice %arg4[%arg0, %mul3A_200, %dma_start3A_204] : memref<2x160000x128xf32, #tpu.memory_space<hbm>> -> memref<1x32x128xf32, #tpu.memory_space<hbm>>
      %dma_start3A_206 = tpu.memref_squeeze %dma_start3A_205 : memref<1x32x128xf32, #tpu.memory_space<hbm>> -> memref<32x128xf32, #tpu.memory_space<hbm>>
      tpu.enqueue_dma source(%dma_start3A_206 : memref<32x128xf32, #tpu.memory_space<hbm>>) target(%arg13 : memref<32x128xf32, #tpu.memory_space<vmem>>) target_semaphore(%arg24 : memref<!tpu.dma_semaphore, #tpu.memory_space<semaphore_mem>>)
      "tpu.region"() ({
        %run_scoped3A = tpu.sem_alloc : memref<!tpu.dma_semaphore, #tpu.memory_space<semaphore_mem>>
        %dma_start3A_395 = arith.constant 0 : i32
        %dma_start3A_396 = arith.constant 0 : i32
        %dma_start3A_397 = tpu.memref_slice %arg5[%add3A_106, %dma_start3A_395, %dma_start3A_396] : memref<5000x2x64xi32, #tpu.memory_space<hbm>> -> memref<1x2x64xi32, #tpu.memory_space<hbm>>
        %dma_start3A_398 = tpu.memref_squeeze %dma_start3A_397 : memref<1x2x64xi32, #tpu.memory_space<hbm>> -> memref<2x64xi32, #tpu.memory_space<hbm>>
        %dma_start3A_399 = arith.constant 0 : i32
        %dma_start3A_400 = arith.constant 0 : i32
        %dma_start3A_401 = tpu.memref_slice %arg5[%add3A_106, %dma_start3A_399, %dma_start3A_400] : memref<5000x2x64xi32, #tpu.memory_space<hbm>> -> memref<1x2x64xi32, #tpu.memory_space<hbm>>
        %dma_start3A_402 = tpu.memref_squeeze %dma_start3A_401 : memref<1x2x64xi32, #tpu.memory_space<hbm>> -> memref<2x64xi32, #tpu.memory_space<hbm>>
        tpu.enqueue_dma source(%dma_start3A_402 : memref<2x64xi32, #tpu.memory_space<hbm>>) target(%arg15 : memref<2x64xi32, #tpu.memory_space<vmem>>) target_semaphore(%run_scoped3A : memref<!tpu.dma_semaphore, #tpu.memory_space<semaphore_mem>>)
        %dma_wait3A_403 = arith.constant 0 : i32
        %dma_wait3A_404 = arith.constant 0 : i32
        %dma_wait3A_405 = tpu.memref_slice %arg5[%add3A_106, %dma_wait3A_403, %dma_wait3A_404] : memref<5000x2x64xi32, #tpu.memory_space<hbm>> -> memref<1x2x64xi32, #tpu.memory_space<hbm>>
        %dma_wait3A_406 = tpu.memref_squeeze %dma_wait3A_405 : memref<1x2x64xi32, #tpu.memory_space<hbm>> -> memref<2x64xi32, #tpu.memory_space<hbm>>
        %dma_wait3A_407 = arith.constant 0 : i32
        %dma_wait3A_408 = arith.constant 0 : i32
        %dma_wait3A_409 = tpu.memref_slice %arg5[%add3A_106, %dma_wait3A_407, %dma_wait3A_408] : memref<5000x2x64xi32, #tpu.memory_space<hbm>> -> memref<1x2x64xi32, #tpu.memory_space<hbm>>
        %dma_wait3A_410 = tpu.memref_squeeze %dma_wait3A_409 : memref<1x2x64xi32, #tpu.memory_space<hbm>> -> memref<2x64xi32, #tpu.memory_space<hbm>>
        tpu.wait_dma2 semaphore(%run_scoped3A : memref<!tpu.dma_semaphore, #tpu.memory_space<semaphore_mem>>) src(%dma_wait3A_410 : memref<2x64xi32, #tpu.memory_space<hbm>>) dst(%arg15 : memref<2x64xi32, #tpu.memory_space<vmem>>)
        tpu.yield
      }) : () -> ()
      %get3A_207 = arith.constant 0 : i32
      %get3A_208 = arith.index_cast %get3A_207 : i32 to index
      %get3A_209 = arith.constant 0 : index
      %get3A_210 = tpu.vector_load %arg15[%get3A_208, %get3A_209] {strides = array<i32>} : memref<2x64xi32, #tpu.memory_space<vmem>>, vector<1x16xi32>,
      %get3A_211 = vector.shape_cast %get3A_210 : vector<1x16xi32> to vector<16xi32>
      %add3A_212 = vector.broadcast %mul3A_0 : i32 to vector<16xi32>
      %add3A_213 = arith.addi %get3A_211, %add3A_212 : vector<16xi32>
      %swap3A_214 = arith.constant 0 : index
      %swap3A_215 = tpu.vector_load %arg16[%swap3A_214] {strides = array<i32>} : memref<64xi32, #tpu.memory_space<vmem>>, vector<16xi32>,
      %swap3A_216 = vector.shape_cast %swap3A_215 : vector<16xi32> to vector<16xi32>
      %swap3A_217 = vector.shape_cast %add3A_213 : vector<16xi32> to vector<16xi32>
      tpu.vector_store %arg16[%swap3A_214], %swap3A_217 {strides = array<i32>} : memref<64xi32, #tpu.memory_space<vmem>>, vector<16xi32>,
      %get3A_218 = arith.constant 1 : i32
      %get3A_219 = arith.index_cast %get3A_218 : i32 to index
      %get3A_220 = arith.constant 0 : index
      %get3A_221 = tpu.vector_load %arg15[%get3A_219, %get3A_220] {strides = array<i32>} : memref<2x64xi32, #tpu.memory_space<vmem>>, vector<1x16xi32>,
      %get3A_222 = vector.shape_cast %get3A_221 : vector<1x16xi32> to vector<16xi32>
      %add3A_223 = vector.broadcast %mul3A_0 : i32 to vector<16xi32>
      %add3A_224 = arith.addi %get3A_222, %add3A_223 : vector<16xi32>
      %swap3A_225 = arith.constant 0 : index
      %swap3A_226 = tpu.vector_load %arg17[%swap3A_225] {strides = array<i32>} : memref<64xi32, #tpu.memory_space<vmem>>, vector<16xi32>,
      %swap3A_227 = vector.shape_cast %swap3A_226 : vector<16xi32> to vector<16xi32>
      %swap3A_228 = vector.shape_cast %add3A_224 : vector<16xi32> to vector<16xi32>
      tpu.vector_store %arg17[%swap3A_225], %swap3A_228 {strides = array<i32>} : memref<64xi32, #tpu.memory_space<vmem>>, vector<16xi32>,
      %get3A_229 = arith.constant 0 : i32
      %get3A_230 = arith.index_cast %get3A_229 : i32 to index
      %get3A_231 = arith.constant 16 : index
      %get3A_232 = tpu.vector_load %arg15[%get3A_230, %get3A_231] {strides = array<i32>} : memref<2x64xi32, #tpu.memory_space<vmem>>, vector<1x16xi32>,
      %get3A_233 = vector.shape_cast %get3A_232 : vector<1x16xi32> to vector<16xi32>
      %add3A_234 = vector.broadcast %mul3A_0 : i32 to vector<16xi32>
      %add3A_235 = arith.addi %get3A_233, %add3A_234 : vector<16xi32>
      %swap3A_236 = arith.constant 16 : index
      %swap3A_237 = tpu.vector_load %arg16[%swap3A_236] {strides = array<i32>} : memref<64xi32, #tpu.memory_space<vmem>>, vector<16xi32>,
      %swap3A_238 = vector.shape_cast %swap3A_237 : vector<16xi32> to vector<16xi32>
      %swap3A_239 = vector.shape_cast %add3A_235 : vector<16xi32> to vector<16xi32>
      tpu.vector_store %arg16[%swap3A_236], %swap3A_239 {strides = array<i32>} : memref<64xi32, #tpu.memory_space<vmem>>, vector<16xi32>,
      %get3A_240 = arith.constant 1 : i32
      %get3A_241 = arith.index_cast %get3A_240 : i32 to index
      %get3A_242 = arith.constant 16 : index
      %get3A_243 = tpu.vector_load %arg15[%get3A_241, %get3A_242] {strides = array<i32>} : memref<2x64xi32, #tpu.memory_space<vmem>>, vector<1x16xi32>,
      %get3A_244 = vector.shape_cast %get3A_243 : vector<1x16xi32> to vector<16xi32>
      %add3A_245 = vector.broadcast %mul3A_0 : i32 to vector<16xi32>
      %add3A_246 = arith.addi %get3A_244, %add3A_245 : vector<16xi32>
      %swap3A_247 = arith.constant 16 : index
      %swap3A_248 = tpu.vector_load %arg17[%swap3A_247] {strides = array<i32>} : memref<64xi32, #tpu.memory_space<vmem>>, vector<16xi32>,
      %swap3A_249 = vector.shape_cast %swap3A_248 : vector<16xi32> to vector<16xi32>
      %swap3A_250 = vector.shape_cast %add3A_246 : vector<16xi32> to vector<16xi32>
      tpu.vector_store %arg17[%swap3A_247], %swap3A_250 {strides = array<i32>} : memref<64xi32, #tpu.memory_space<vmem>>, vector<16xi32>,
      %get3A_251 = arith.constant 0 : i32
      %get3A_252 = arith.index_cast %get3A_251 : i32 to index
      %get3A_253 = arith.constant 32 : index
      %get3A_254 = tpu.vector_load %arg15[%get3A_252, %get3A_253] {strides = array<i32>} : memref<2x64xi32, #tpu.memory_space<vmem>>, vector<1x16xi32>,
      %get3A_255 = vector.shape_cast %get3A_254 : vector<1x16xi32> to vector<16xi32>
      %add3A_256 = vector.broadcast %mul3A_0 : i32 to vector<16xi32>
      %add3A_257 = arith.addi %get3A_255, %add3A_256 : vector<16xi32>
      %swap3A_258 = arith.constant 32 : index
      %swap3A_259 = tpu.vector_load %arg16[%swap3A_258] {strides = array<i32>} : memref<64xi32, #tpu.memory_space<vmem>>, vector<16xi32>,
      %swap3A_260 = vector.shape_cast %swap3A_259 : vector<16xi32> to vector<16xi32>
      %swap3A_261 = vector.shape_cast %add3A_257 : vector<16xi32> to vector<16xi32>
      tpu.vector_store %arg16[%swap3A_258], %swap3A_261 {strides = array<i32>} : memref<64xi32, #tpu.memory_space<vmem>>, vector<16xi32>,
      %get3A_262 = arith.constant 1 : i32
      %get3A_263 = arith.index_cast %get3A_262 : i32 to index
      %get3A_264 = arith.constant 32 : index
      %get3A_265 = tpu.vector_load %arg15[%get3A_263, %get3A_264] {strides = array<i32>} : memref<2x64xi32, #tpu.memory_space<vmem>>, vector<1x16xi32>,
      %get3A_266 = vector.shape_cast %get3A_265 : vector<1x16xi32> to vector<16xi32>
      %add3A_267 = vector.broadcast %mul3A_0 : i32 to vector<16xi32>
      %add3A_268 = arith.addi %get3A_266, %add3A_267 : vector<16xi32>
      %swap3A_269 = arith.constant 32 : index
      %swap3A_270 = tpu.vector_load %arg17[%swap3A_269] {strides = array<i32>} : memref<64xi32, #tpu.memory_space<vmem>>, vector<16xi32>,
      %swap3A_271 = vector.shape_cast %swap3A_270 : vector<16xi32> to vector<16xi32>
      %swap3A_272 = vector.shape_cast %add3A_268 : vector<16xi32> to vector<16xi32>
      tpu.vector_store %arg17[%swap3A_269], %swap3A_272 {strides = array<i32>} : memref<64xi32, #tpu.memory_space<vmem>>, vector<16xi32>,
      %get3A_273 = arith.constant 0 : i32
      %get3A_274 = arith.index_cast %get3A_273 : i32 to index
      %get3A_275 = arith.constant 48 : index
      %get3A_276 = tpu.vector_load %arg15[%get3A_274, %get3A_275] {strides = array<i32>} : memref<2x64xi32, #tpu.memory_space<vmem>>, vector<1x16xi32>,
      %get3A_277 = vector.shape_cast %get3A_276 : vector<1x16xi32> to vector<16xi32>
      %add3A_278 = vector.broadcast %mul3A_0 : i32 to vector<16xi32>
      %add3A_279 = arith.addi %get3A_277, %add3A_278 : vector<16xi32>
      %swap3A_280 = arith.constant 48 : index
      %swap3A_281 = tpu.vector_load %arg16[%swap3A_280] {strides = array<i32>} : memref<64xi32, #tpu.memory_space<vmem>>, vector<16xi32>,
      %swap3A_282 = vector.shape_cast %swap3A_281 : vector<16xi32> to vector<16xi32>
      %swap3A_283 = vector.shape_cast %add3A_279 : vector<16xi32> to vector<16xi32>
      tpu.vector_store %arg16[%swap3A_280], %swap3A_283 {strides = array<i32>} : memref<64xi32, #tpu.memory_space<vmem>>, vector<16xi32>,
      %get3A_284 = arith.constant 1 : i32
      %get3A_285 = arith.index_cast %get3A_284 : i32 to index
      %get3A_286 = arith.constant 48 : index
      %get3A_287 = tpu.vector_load %arg15[%get3A_285, %get3A_286] {strides = array<i32>} : memref<2x64xi32, #tpu.memory_space<vmem>>, vector<1x16xi32>,
      %get3A_288 = vector.shape_cast %get3A_287 : vector<1x16xi32> to vector<16xi32>
      %add3A_289 = vector.broadcast %mul3A_0 : i32 to vector<16xi32>
      %add3A_290 = arith.addi %get3A_288, %add3A_289 : vector<16xi32>
      %swap3A_291 = arith.constant 48 : index
      %swap3A_292 = tpu.vector_load %arg17[%swap3A_291] {strides = array<i32>} : memref<64xi32, #tpu.memory_space<vmem>>, vector<16xi32>,
      %swap3A_293 = vector.shape_cast %swap3A_292 : vector<16xi32> to vector<16xi32>
      %swap3A_294 = vector.shape_cast %add3A_290 : vector<16xi32> to vector<16xi32>
      tpu.vector_store %arg17[%swap3A_291], %swap3A_294 {strides = array<i32>} : memref<64xi32, #tpu.memory_space<vmem>>, vector<16xi32>,
      %dma_start3A_295 = arith.constant 0 : i32
      %dma_start3A_296 = arith.constant 0 : i32
      %dma_start3A_297 = tpu.memref_slice %arg2[%dma_start3A_295, %dma_start3A_296] : memref<20000x128xf32, #tpu.memory_space<hbm>> -> memref<20000x128xf32, #tpu.memory_space<hbm>>
      tpu.enqueue_indirect_dma source(%dma_start3A_297 : memref<20000x128xf32, #tpu.memory_space<hbm>>) target(%arg20 : memref<64x128xf32, #tpu.memory_space<vmem>>) offsets(%arg17 : memref<64xi32, #tpu.memory_space<vmem>>) semaphore(%arg27 : memref<!tpu.dma_semaphore, #tpu.memory_space<semaphore_mem>>)
      %dma_start3A_298 = arith.constant 0 : i32
      %dma_start3A_299 = arith.constant 0 : i32
      %dma_start3A_300 = tpu.memref_slice %arg3[%dma_start3A_298, %dma_start3A_299] : memref<20000x128xf32, #tpu.memory_space<hbm>> -> memref<20000x128xf32, #tpu.memory_space<hbm>>
      tpu.enqueue_indirect_dma source(%dma_start3A_300 : memref<20000x128xf32, #tpu.memory_space<hbm>>) target(%arg18 : memref<64x128xf32, #tpu.memory_space<vmem>>) offsets(%arg16 : memref<64xi32, #tpu.memory_space<vmem>>) semaphore(%arg27 : memref<!tpu.dma_semaphore, #tpu.memory_space<semaphore_mem>>)
      %mul3A_301 = arith.constant 32 : i32
      %mul3A_302 = arith.muli %add3A_106, %mul3A_301 : i32
      %dma_start3A_303 = arith.constant 0 : i32
      %dma_start3A_304 = tpu.memref_slice %arg4[%arg0, %mul3A_302, %dma_start3A_303] : memref<2x160000x128xf32, #tpu.memory_space<hbm>> -> memref<1x32x128xf32, #tpu.memory_space<hbm>>
      %dma_start3A_305 = tpu.memref_squeeze %dma_start3A_304 : memref<1x32x128xf32, #tpu.memory_space<hbm>> -> memref<32x128xf32, #tpu.memory_space<hbm>>
      %dma_start3A_306 = arith.constant 0 : i32
      %dma_start3A_307 = tpu.memref_slice %arg4[%arg0, %mul3A_302, %dma_start3A_306] : memref<2x160000x128xf32, #tpu.memory_space<hbm>> -> memref<1x32x128xf32, #tpu.memory_space<hbm>>
      %dma_start3A_308 = tpu.memref_squeeze %dma_start3A_307 : memref<1x32x128xf32, #tpu.memory_space<hbm>> -> memref<32x128xf32, #tpu.memory_space<hbm>>
      tpu.enqueue_dma source(%dma_start3A_308 : memref<32x128xf32, #tpu.memory_space<hbm>>) target(%arg19 : memref<32x128xf32, #tpu.memory_space<vmem>>) target_semaphore(%arg28 : memref<!tpu.dma_semaphore, #tpu.memory_space<semaphore_mem>>)
      %dma_wait3A = arith.constant 0 : i32
      %dma_wait3A_309 = arith.constant 0 : i32
      %dma_wait3A_310 = tpu.memref_slice %arg2[%dma_wait3A, %dma_wait3A_309] : memref<20000x128xf32, #tpu.memory_space<hbm>> -> memref<20000x128xf32, #tpu.memory_space<hbm>>
      tpu.wait_indirect_dma semaphore(%arg23 : memref<!tpu.dma_semaphore, #tpu.memory_space<semaphore_mem>>) src(%dma_wait3A_310 : memref<20000x128xf32, #tpu.memory_space<hbm>>) dst(%arg14 : memref<64x128xf32, #tpu.memory_space<vmem>>)
      %dma_wait3A_311 = arith.constant 0 : i32
      %dma_wait3A_312 = arith.constant 0 : i32
      %dma_wait3A_313 = tpu.memref_slice %arg3[%dma_wait3A_311, %dma_wait3A_312] : memref<20000x128xf32, #tpu.memory_space<hbm>> -> memref<20000x128xf32, #tpu.memory_space<hbm>>
      tpu.wait_indirect_dma semaphore(%arg23 : memref<!tpu.dma_semaphore, #tpu.memory_space<semaphore_mem>>) src(%dma_wait3A_313 : memref<20000x128xf32, #tpu.memory_space<hbm>>) dst(%arg12 : memref<64x128xf32, #tpu.memory_space<vmem>>)
      %dma_wait3A_314 = arith.constant 0 : i32
      %dma_wait3A_315 = tpu.memref_slice %arg4[%arg0, %mul3A_200, %dma_wait3A_314] : memref<2x160000x128xf32, #tpu.memory_space<hbm>> -> memref<1x32x128xf32, #tpu.memory_space<hbm>>
      %dma_wait3A_316 = tpu.memref_squeeze %dma_wait3A_315 : memref<1x32x128xf32, #tpu.memory_space<hbm>> -> memref<32x128xf32, #tpu.memory_space<hbm>>
      %dma_wait3A_317 = arith.constant 0 : i32
      %dma_wait3A_318 = tpu.memref_slice %arg4[%arg0, %mul3A_200, %dma_wait3A_317] : memref<2x160000x128xf32, #tpu.memory_space<hbm>> -> memref<1x32x128xf32, #tpu.memory_space<hbm>>
      %dma_wait3A_319 = tpu.memref_squeeze %dma_wait3A_318 : memref<1x32x128xf32, #tpu.memory_space<hbm>> -> memref<32x128xf32, #tpu.memory_space<hbm>>
      tpu.wait_dma2 semaphore(%arg24 : memref<!tpu.dma_semaphore, #tpu.memory_space<semaphore_mem>>) src(%dma_wait3A_319 : memref<32x128xf32, #tpu.memory_space<hbm>>) dst(%arg13 : memref<32x128xf32, #tpu.memory_space<vmem>>)
      %parallel_loop3A = arith.constant 0 : i32
      %parallel_loop3A_320 = arith.constant 32 : i32
      %parallel_loop3A_321 = arith.constant 1 : i32
      %parallel_loop3A_322:8 = scf.for %parallel_loop3A_395 = %parallel_loop3A to %parallel_loop3A_320 step %parallel_loop3A_321 iter_args(%parallel_loop3A_396 = %while3A_91, %parallel_loop3A_397 = %while3A_92, %parallel_loop3A_398 = %while3A_93, %parallel_loop3A_399 = %while3A_94, %parallel_loop3A_400 = %while3A_95, %parallel_loop3A_401 = %while3A_96, %parallel_loop3A_402 = %while3A_97, %parallel_loop3A_403 = %while3A_98) -> (vector<16xf32>, vector<16xf32>, vector<16xf32>, vector<16xf32>, vector<16xf32>, vector<16xf32>, vector<16xf32>, vector<16xf32>)  : i32 {
        %parallel_loop3A_404 = arith.constant 0 : i32
        %parallel_loop3A_405 = arith.addi %parallel_loop3A_395, %parallel_loop3A_404 : i32
        %parallel_loop3A_406 = arith.index_cast %parallel_loop3A_405 : i32 to index
        %parallel_loop3A_407 = arith.constant 0 : index
        %parallel_loop3A_408 = tpu.vector_load %arg14[%parallel_loop3A_406, %parallel_loop3A_407] {strides = array<i32>} : memref<64x128xf32, #tpu.memory_space<vmem>>, vector<1x16xf32>,
        %parallel_loop3A_409 = vector.shape_cast %parallel_loop3A_408 : vector<1x16xf32> to vector<16xf32>
        %parallel_loop3A_410 = arith.index_cast %parallel_loop3A_405 : i32 to index
        %parallel_loop3A_411 = arith.constant 0 : index
        %parallel_loop3A_412 = tpu.vector_load %arg12[%parallel_loop3A_410, %parallel_loop3A_411] {strides = array<i32>} : memref<64x128xf32, #tpu.memory_space<vmem>>, vector<1x16xf32>,
        %parallel_loop3A_413 = vector.shape_cast %parallel_loop3A_412 : vector<1x16xf32> to vector<16xf32>
        %parallel_loop3A_414 = arith.addf %parallel_loop3A_409, %parallel_loop3A_413 : vector<16xf32>
        %parallel_loop3A_415 = arith.index_cast %parallel_loop3A_395 : i32 to index
        %parallel_loop3A_416 = arith.constant 0 : index
        %parallel_loop3A_417 = tpu.vector_load %arg13[%parallel_loop3A_415, %parallel_loop3A_416] {strides = array<i32>} : memref<32x128xf32, #tpu.memory_space<vmem>>, vector<1x16xf32>,
        %parallel_loop3A_418 = vector.shape_cast %parallel_loop3A_417 : vector<1x16xf32> to vector<16xf32>
        %parallel_loop3A_419 = arith.addf %parallel_loop3A_414, %parallel_loop3A_418 : vector<16xf32>
        %parallel_loop3A_420 = arith.index_cast %parallel_loop3A_395 : i32 to index
        %parallel_loop3A_421 = arith.constant 0 : index
        %parallel_loop3A_422 = tpu.vector_load %arg13[%parallel_loop3A_420, %parallel_loop3A_421] {strides = array<i32>} : memref<32x128xf32, #tpu.memory_space<vmem>>, vector<1x16xf32>,
        %parallel_loop3A_423 = vector.shape_cast %parallel_loop3A_422 : vector<1x16xf32> to vector<16xf32>
        %parallel_loop3A_424 = vector.shape_cast %parallel_loop3A_419 : vector<16xf32> to vector<1x16xf32>
        tpu.vector_store %arg13[%parallel_loop3A_420, %parallel_loop3A_421], %parallel_loop3A_424 {strides = array<i32>} : memref<32x128xf32, #tpu.memory_space<vmem>>, vector<1x16xf32>,
        %parallel_loop3A_425 = arith.constant 0.000000e+00 : f32
        %parallel_loop3A_426 = vector.broadcast %parallel_loop3A_425 : f32 to vector<16xf32>
        %parallel_loop3A_427 = arith.subf %parallel_loop3A_426, %parallel_loop3A_419 : vector<16xf32>
        %parallel_loop3A_428 = math.exp %parallel_loop3A_427 : vector<16xf32>
        %parallel_loop3A_429 = arith.constant 1.000000e+00 : f32
        %parallel_loop3A_430 = vector.broadcast %parallel_loop3A_429 : f32 to vector<16xf32>
        %parallel_loop3A_431 = arith.addf %parallel_loop3A_430, %parallel_loop3A_428 : vector<16xf32>
        %parallel_loop3A_432 = arith.constant 1.000000e+00 : f32
        %parallel_loop3A_433 = vector.broadcast %parallel_loop3A_432 : f32 to vector<16xf32>
        %parallel_loop3A_434 = arith.divf %parallel_loop3A_433, %parallel_loop3A_431 : vector<16xf32>
        %parallel_loop3A_435 = arith.index_cast %parallel_loop3A_405 : i32 to index
        %parallel_loop3A_436 = arith.constant 64 : index
        %parallel_loop3A_437 = tpu.vector_load %arg12[%parallel_loop3A_435, %parallel_loop3A_436] {strides = array<i32>} : memref<64x128xf32, #tpu.memory_space<vmem>>, vector<1x16xf32>,
        %parallel_loop3A_438 = vector.shape_cast %parallel_loop3A_437 : vector<1x16xf32> to vector<16xf32>
        %parallel_loop3A_439 = arith.mulf %parallel_loop3A_434, %parallel_loop3A_438 : vector<16xf32>
        %parallel_loop3A_440 = arith.index_cast %parallel_loop3A_405 : i32 to index
        %parallel_loop3A_441 = arith.constant 0 : index
        %parallel_loop3A_442 = tpu.vector_load %arg14[%parallel_loop3A_440, %parallel_loop3A_441] {strides = array<i32>} : memref<64x128xf32, #tpu.memory_space<vmem>>, vector<1x16xf32>,
        %parallel_loop3A_443 = vector.shape_cast %parallel_loop3A_442 : vector<1x16xf32> to vector<16xf32>
        %parallel_loop3A_444 = vector.shape_cast %parallel_loop3A_439 : vector<16xf32> to vector<1x16xf32>
        tpu.vector_store %arg14[%parallel_loop3A_440, %parallel_loop3A_441], %parallel_loop3A_444 {strides = array<i32>} : memref<64x128xf32, #tpu.memory_space<vmem>>, vector<1x16xf32>,
        %parallel_loop3A_445 = arith.index_cast %parallel_loop3A_405 : i32 to index
        %parallel_loop3A_446 = arith.constant 64 : index
        %parallel_loop3A_447 = tpu.vector_load %arg14[%parallel_loop3A_445, %parallel_loop3A_446] {strides = array<i32>} : memref<64x128xf32, #tpu.memory_space<vmem>>, vector<1x16xf32>,
        %parallel_loop3A_448 = vector.shape_cast %parallel_loop3A_447 : vector<1x16xf32> to vector<16xf32>
        %parallel_loop3A_449 = vector.shape_cast %parallel_loop3A_434 : vector<16xf32> to vector<1x16xf32>
        tpu.vector_store %arg14[%parallel_loop3A_445, %parallel_loop3A_446], %parallel_loop3A_449 {strides = array<i32>} : memref<64x128xf32, #tpu.memory_space<vmem>>, vector<1x16xf32>,
        %parallel_loop3A_450 = arith.addf %parallel_loop3A_396, %parallel_loop3A_419 : vector<16xf32>
        %parallel_loop3A_451 = arith.mulf %parallel_loop3A_419, %parallel_loop3A_419 : vector<16xf32>
        %parallel_loop3A_452 = arith.addf %parallel_loop3A_400, %parallel_loop3A_451 : vector<16xf32>
        %parallel_loop3A_453 = arith.index_cast %parallel_loop3A_405 : i32 to index
        %parallel_loop3A_454 = arith.constant 16 : index
        %parallel_loop3A_455 = tpu.vector_load %arg14[%parallel_loop3A_453, %parallel_loop3A_454] {strides = array<i32>} : memref<64x128xf32, #tpu.memory_space<vmem>>, vector<1x16xf32>,
        %parallel_loop3A_456 = vector.shape_cast %parallel_loop3A_455 : vector<1x16xf32> to vector<16xf32>
        %parallel_loop3A_457 = arith.index_cast %parallel_loop3A_405 : i32 to index
        %parallel_loop3A_458 = arith.constant 16 : index
        %parallel_loop3A_459 = tpu.vector_load %arg12[%parallel_loop3A_457, %parallel_loop3A_458] {strides = array<i32>} : memref<64x128xf32, #tpu.memory_space<vmem>>, vector<1x16xf32>,
        %parallel_loop3A_460 = vector.shape_cast %parallel_loop3A_459 : vector<1x16xf32> to vector<16xf32>
        %parallel_loop3A_461 = arith.addf %parallel_loop3A_456, %parallel_loop3A_460 : vector<16xf32>
        %parallel_loop3A_462 = arith.index_cast %parallel_loop3A_395 : i32 to index
        %parallel_loop3A_463 = arith.constant 16 : index
        %parallel_loop3A_464 = tpu.vector_load %arg13[%parallel_loop3A_462, %parallel_loop3A_463] {strides = array<i32>} : memref<32x128xf32, #tpu.memory_space<vmem>>, vector<1x16xf32>,
        %parallel_loop3A_465 = vector.shape_cast %parallel_loop3A_464 : vector<1x16xf32> to vector<16xf32>
        %parallel_loop3A_466 = arith.addf %parallel_loop3A_461, %parallel_loop3A_465 : vector<16xf32>
        %parallel_loop3A_467 = arith.index_cast %parallel_loop3A_395 : i32 to index
        %parallel_loop3A_468 = arith.constant 16 : index
        %parallel_loop3A_469 = tpu.vector_load %arg13[%parallel_loop3A_467, %parallel_loop3A_468] {strides = array<i32>} : memref<32x128xf32, #tpu.memory_space<vmem>>, vector<1x16xf32>,
        %parallel_loop3A_470 = vector.shape_cast %parallel_loop3A_469 : vector<1x16xf32> to vector<16xf32>
        %parallel_loop3A_471 = vector.shape_cast %parallel_loop3A_466 : vector<16xf32> to vector<1x16xf32>
        tpu.vector_store %arg13[%parallel_loop3A_467, %parallel_loop3A_468], %parallel_loop3A_471 {strides = array<i32>} : memref<32x128xf32, #tpu.memory_space<vmem>>, vector<1x16xf32>,
        %parallel_loop3A_472 = arith.constant 0.000000e+00 : f32
        %parallel_loop3A_473 = vector.broadcast %parallel_loop3A_472 : f32 to vector<16xf32>
        %parallel_loop3A_474 = arith.subf %parallel_loop3A_473, %parallel_loop3A_466 : vector<16xf32>
        %parallel_loop3A_475 = math.exp %parallel_loop3A_474 : vector<16xf32>
        %parallel_loop3A_476 = arith.constant 1.000000e+00 : f32
        %parallel_loop3A_477 = vector.broadcast %parallel_loop3A_476 : f32 to vector<16xf32>
        %parallel_loop3A_478 = arith.addf %parallel_loop3A_477, %parallel_loop3A_475 : vector<16xf32>
        %parallel_loop3A_479 = arith.constant 1.000000e+00 : f32
        %parallel_loop3A_480 = vector.broadcast %parallel_loop3A_479 : f32 to vector<16xf32>
        %parallel_loop3A_481 = arith.divf %parallel_loop3A_480, %parallel_loop3A_478 : vector<16xf32>
        %parallel_loop3A_482 = arith.index_cast %parallel_loop3A_405 : i32 to index
        %parallel_loop3A_483 = arith.constant 80 : index
        %parallel_loop3A_484 = tpu.vector_load %arg12[%parallel_loop3A_482, %parallel_loop3A_483] {strides = array<i32>} : memref<64x128xf32, #tpu.memory_space<vmem>>, vector<1x16xf32>,
        %parallel_loop3A_485 = vector.shape_cast %parallel_loop3A_484 : vector<1x16xf32> to vector<16xf32>
        %parallel_loop3A_486 = arith.mulf %parallel_loop3A_481, %parallel_loop3A_485 : vector<16xf32>
        %parallel_loop3A_487 = arith.index_cast %parallel_loop3A_405 : i32 to index
        %parallel_loop3A_488 = arith.constant 16 : index
        %parallel_loop3A_489 = tpu.vector_load %arg14[%parallel_loop3A_487, %parallel_loop3A_488] {strides = array<i32>} : memref<64x128xf32, #tpu.memory_space<vmem>>, vector<1x16xf32>,
        %parallel_loop3A_490 = vector.shape_cast %parallel_loop3A_489 : vector<1x16xf32> to vector<16xf32>
        %parallel_loop3A_491 = vector.shape_cast %parallel_loop3A_486 : vector<16xf32> to vector<1x16xf32>
        tpu.vector_store %arg14[%parallel_loop3A_487, %parallel_loop3A_488], %parallel_loop3A_491 {strides = array<i32>} : memref<64x128xf32, #tpu.memory_space<vmem>>, vector<1x16xf32>,
        %parallel_loop3A_492 = arith.index_cast %parallel_loop3A_405 : i32 to index
        %parallel_loop3A_493 = arith.constant 80 : index
        %parallel_loop3A_494 = tpu.vector_load %arg14[%parallel_loop3A_492, %parallel_loop3A_493] {strides = array<i32>} : memref<64x128xf32, #tpu.memory_space<vmem>>, vector<1x16xf32>,
        %parallel_loop3A_495 = vector.shape_cast %parallel_loop3A_494 : vector<1x16xf32> to vector<16xf32>
        %parallel_loop3A_496 = vector.shape_cast %parallel_loop3A_481 : vector<16xf32> to vector<1x16xf32>
        tpu.vector_store %arg14[%parallel_loop3A_492, %parallel_loop3A_493], %parallel_loop3A_496 {strides = array<i32>} : memref<64x128xf32, #tpu.memory_space<vmem>>, vector<1x16xf32>,
        %parallel_loop3A_497 = arith.addf %parallel_loop3A_397, %parallel_loop3A_466 : vector<16xf32>
        %parallel_loop3A_498 = arith.mulf %parallel_loop3A_466, %parallel_loop3A_466 : vector<16xf32>
        %parallel_loop3A_499 = arith.addf %parallel_loop3A_401, %parallel_loop3A_498 : vector<16xf32>
        %parallel_loop3A_500 = arith.index_cast %parallel_loop3A_405 : i32 to index
        %parallel_loop3A_501 = arith.constant 32 : index
        %parallel_loop3A_502 = tpu.vector_load %arg14[%parallel_loop3A_500, %parallel_loop3A_501] {strides = array<i32>} : memref<64x128xf32, #tpu.memory_space<vmem>>, vector<1x16xf32>,
        %parallel_loop3A_503 = vector.shape_cast %parallel_loop3A_502 : vector<1x16xf32> to vector<16xf32>
        %parallel_loop3A_504 = arith.index_cast %parallel_loop3A_405 : i32 to index
        %parallel_loop3A_505 = arith.constant 32 : index
        %parallel_loop3A_506 = tpu.vector_load %arg12[%parallel_loop3A_504, %parallel_loop3A_505] {strides = array<i32>} : memref<64x128xf32, #tpu.memory_space<vmem>>, vector<1x16xf32>,
        %parallel_loop3A_507 = vector.shape_cast %parallel_loop3A_506 : vector<1x16xf32> to vector<16xf32>
        %parallel_loop3A_508 = arith.addf %parallel_loop3A_503, %parallel_loop3A_507 : vector<16xf32>
        %parallel_loop3A_509 = arith.index_cast %parallel_loop3A_395 : i32 to index
        %parallel_loop3A_510 = arith.constant 32 : index
        %parallel_loop3A_511 = tpu.vector_load %arg13[%parallel_loop3A_509, %parallel_loop3A_510] {strides = array<i32>} : memref<32x128xf32, #tpu.memory_space<vmem>>, vector<1x16xf32>,
        %parallel_loop3A_512 = vector.shape_cast %parallel_loop3A_511 : vector<1x16xf32> to vector<16xf32>
        %parallel_loop3A_513 = arith.addf %parallel_loop3A_508, %parallel_loop3A_512 : vector<16xf32>
        %parallel_loop3A_514 = arith.index_cast %parallel_loop3A_395 : i32 to index
        %parallel_loop3A_515 = arith.constant 32 : index
        %parallel_loop3A_516 = tpu.vector_load %arg13[%parallel_loop3A_514, %parallel_loop3A_515] {strides = array<i32>} : memref<32x128xf32, #tpu.memory_space<vmem>>, vector<1x16xf32>,
        %parallel_loop3A_517 = vector.shape_cast %parallel_loop3A_516 : vector<1x16xf32> to vector<16xf32>
        %parallel_loop3A_518 = vector.shape_cast %parallel_loop3A_513 : vector<16xf32> to vector<1x16xf32>
        tpu.vector_store %arg13[%parallel_loop3A_514, %parallel_loop3A_515], %parallel_loop3A_518 {strides = array<i32>} : memref<32x128xf32, #tpu.memory_space<vmem>>, vector<1x16xf32>,
        %parallel_loop3A_519 = arith.constant 0.000000e+00 : f32
        %parallel_loop3A_520 = vector.broadcast %parallel_loop3A_519 : f32 to vector<16xf32>
        %parallel_loop3A_521 = arith.subf %parallel_loop3A_520, %parallel_loop3A_513 : vector<16xf32>
        %parallel_loop3A_522 = math.exp %parallel_loop3A_521 : vector<16xf32>
        %parallel_loop3A_523 = arith.constant 1.000000e+00 : f32
        %parallel_loop3A_524 = vector.broadcast %parallel_loop3A_523 : f32 to vector<16xf32>
        %parallel_loop3A_525 = arith.addf %parallel_loop3A_524, %parallel_loop3A_522 : vector<16xf32>
        %parallel_loop3A_526 = arith.constant 1.000000e+00 : f32
        %parallel_loop3A_527 = vector.broadcast %parallel_loop3A_526 : f32 to vector<16xf32>
        %parallel_loop3A_528 = arith.divf %parallel_loop3A_527, %parallel_loop3A_525 : vector<16xf32>
        %parallel_loop3A_529 = arith.index_cast %parallel_loop3A_405 : i32 to index
        %parallel_loop3A_530 = arith.constant 96 : index
        %parallel_loop3A_531 = tpu.vector_load %arg12[%parallel_loop3A_529, %parallel_loop3A_530] {strides = array<i32>} : memref<64x128xf32, #tpu.memory_space<vmem>>, vector<1x16xf32>,
        %parallel_loop3A_532 = vector.shape_cast %parallel_loop3A_531 : vector<1x16xf32> to vector<16xf32>
        %parallel_loop3A_533 = arith.mulf %parallel_loop3A_528, %parallel_loop3A_532 : vector<16xf32>
        %parallel_loop3A_534 = arith.index_cast %parallel_loop3A_405 : i32 to index
        %parallel_loop3A_535 = arith.constant 32 : index
        %parallel_loop3A_536 = tpu.vector_load %arg14[%parallel_loop3A_534, %parallel_loop3A_535] {strides = array<i32>} : memref<64x128xf32, #tpu.memory_space<vmem>>, vector<1x16xf32>,
        %parallel_loop3A_537 = vector.shape_cast %parallel_loop3A_536 : vector<1x16xf32> to vector<16xf32>
        %parallel_loop3A_538 = vector.shape_cast %parallel_loop3A_533 : vector<16xf32> to vector<1x16xf32>
        tpu.vector_store %arg14[%parallel_loop3A_534, %parallel_loop3A_535], %parallel_loop3A_538 {strides = array<i32>} : memref<64x128xf32, #tpu.memory_space<vmem>>, vector<1x16xf32>,
        %parallel_loop3A_539 = arith.index_cast %parallel_loop3A_405 : i32 to index
        %parallel_loop3A_540 = arith.constant 96 : index
        %parallel_loop3A_541 = tpu.vector_load %arg14[%parallel_loop3A_539, %parallel_loop3A_540] {strides = array<i32>} : memref<64x128xf32, #tpu.memory_space<vmem>>, vector<1x16xf32>,
        %parallel_loop3A_542 = vector.shape_cast %parallel_loop3A_541 : vector<1x16xf32> to vector<16xf32>
        %parallel_loop3A_543 = vector.shape_cast %parallel_loop3A_528 : vector<16xf32> to vector<1x16xf32>
        tpu.vector_store %arg14[%parallel_loop3A_539, %parallel_loop3A_540], %parallel_loop3A_543 {strides = array<i32>} : memref<64x128xf32, #tpu.memory_space<vmem>>, vector<1x16xf32>,
        %parallel_loop3A_544 = arith.addf %parallel_loop3A_398, %parallel_loop3A_513 : vector<16xf32>
        %parallel_loop3A_545 = arith.mulf %parallel_loop3A_513, %parallel_loop3A_513 : vector<16xf32>
        %parallel_loop3A_546 = arith.addf %parallel_loop3A_402, %parallel_loop3A_545 : vector<16xf32>
        %parallel_loop3A_547 = arith.index_cast %parallel_loop3A_405 : i32 to index
        %parallel_loop3A_548 = arith.constant 48 : index
        %parallel_loop3A_549 = tpu.vector_load %arg14[%parallel_loop3A_547, %parallel_loop3A_548] {strides = array<i32>} : memref<64x128xf32, #tpu.memory_space<vmem>>, vector<1x16xf32>,
        %parallel_loop3A_550 = vector.shape_cast %parallel_loop3A_549 : vector<1x16xf32> to vector<16xf32>
        %parallel_loop3A_551 = arith.index_cast %parallel_loop3A_405 : i32 to index
        %parallel_loop3A_552 = arith.constant 48 : index
        %parallel_loop3A_553 = tpu.vector_load %arg12[%parallel_loop3A_551, %parallel_loop3A_552] {strides = array<i32>} : memref<64x128xf32, #tpu.memory_space<vmem>>, vector<1x16xf32>,
        %parallel_loop3A_554 = vector.shape_cast %parallel_loop3A_553 : vector<1x16xf32> to vector<16xf32>
        %parallel_loop3A_555 = arith.addf %parallel_loop3A_550, %parallel_loop3A_554 : vector<16xf32>
        %parallel_loop3A_556 = arith.index_cast %parallel_loop3A_395 : i32 to index
        %parallel_loop3A_557 = arith.constant 48 : index
        %parallel_loop3A_558 = tpu.vector_load %arg13[%parallel_loop3A_556, %parallel_loop3A_557] {strides = array<i32>} : memref<32x128xf32, #tpu.memory_space<vmem>>, vector<1x16xf32>,
        %parallel_loop3A_559 = vector.shape_cast %parallel_loop3A_558 : vector<1x16xf32> to vector<16xf32>
        %parallel_loop3A_560 = arith.addf %parallel_loop3A_555, %parallel_loop3A_559 : vector<16xf32>
        %parallel_loop3A_561 = arith.index_cast %parallel_loop3A_395 : i32 to index
        %parallel_loop3A_562 = arith.constant 48 : index
        %parallel_loop3A_563 = tpu.vector_load %arg13[%parallel_loop3A_561, %parallel_loop3A_562] {strides = array<i32>} : memref<32x128xf32, #tpu.memory_space<vmem>>, vector<1x16xf32>,
        %parallel_loop3A_564 = vector.shape_cast %parallel_loop3A_563 : vector<1x16xf32> to vector<16xf32>
        %parallel_loop3A_565 = vector.shape_cast %parallel_loop3A_560 : vector<16xf32> to vector<1x16xf32>
        tpu.vector_store %arg13[%parallel_loop3A_561, %parallel_loop3A_562], %parallel_loop3A_565 {strides = array<i32>} : memref<32x128xf32, #tpu.memory_space<vmem>>, vector<1x16xf32>,
        %parallel_loop3A_566 = arith.constant 0.000000e+00 : f32
        %parallel_loop3A_567 = vector.broadcast %parallel_loop3A_566 : f32 to vector<16xf32>
        %parallel_loop3A_568 = arith.subf %parallel_loop3A_567, %parallel_loop3A_560 : vector<16xf32>
        %parallel_loop3A_569 = math.exp %parallel_loop3A_568 : vector<16xf32>
        %parallel_loop3A_570 = arith.constant 1.000000e+00 : f32
        %parallel_loop3A_571 = vector.broadcast %parallel_loop3A_570 : f32 to vector<16xf32>
        %parallel_loop3A_572 = arith.addf %parallel_loop3A_571, %parallel_loop3A_569 : vector<16xf32>
        %parallel_loop3A_573 = arith.constant 1.000000e+00 : f32
        %parallel_loop3A_574 = vector.broadcast %parallel_loop3A_573 : f32 to vector<16xf32>
        %parallel_loop3A_575 = arith.divf %parallel_loop3A_574, %parallel_loop3A_572 : vector<16xf32>
        %parallel_loop3A_576 = arith.index_cast %parallel_loop3A_405 : i32 to index
        %parallel_loop3A_577 = arith.constant 112 : index
        %parallel_loop3A_578 = tpu.vector_load %arg12[%parallel_loop3A_576, %parallel_loop3A_577] {strides = array<i32>} : memref<64x128xf32, #tpu.memory_space<vmem>>, vector<1x16xf32>,
        %parallel_loop3A_579 = vector.shape_cast %parallel_loop3A_578 : vector<1x16xf32> to vector<16xf32>
        %parallel_loop3A_580 = arith.mulf %parallel_loop3A_575, %parallel_loop3A_579 : vector<16xf32>
        %parallel_loop3A_581 = arith.index_cast %parallel_loop3A_405 : i32 to index
        %parallel_loop3A_582 = arith.constant 48 : index
        %parallel_loop3A_583 = tpu.vector_load %arg14[%parallel_loop3A_581, %parallel_loop3A_582] {strides = array<i32>} : memref<64x128xf32, #tpu.memory_space<vmem>>, vector<1x16xf32>,
        %parallel_loop3A_584 = vector.shape_cast %parallel_loop3A_583 : vector<1x16xf32> to vector<16xf32>
        %parallel_loop3A_585 = vector.shape_cast %parallel_loop3A_580 : vector<16xf32> to vector<1x16xf32>
        tpu.vector_store %arg14[%parallel_loop3A_581, %parallel_loop3A_582], %parallel_loop3A_585 {strides = array<i32>} : memref<64x128xf32, #tpu.memory_space<vmem>>, vector<1x16xf32>,
        %parallel_loop3A_586 = arith.index_cast %parallel_loop3A_405 : i32 to index
        %parallel_loop3A_587 = arith.constant 112 : index
        %parallel_loop3A_588 = tpu.vector_load %arg14[%parallel_loop3A_586, %parallel_loop3A_587] {strides = array<i32>} : memref<64x128xf32, #tpu.memory_space<vmem>>, vector<1x16xf32>,
        %parallel_loop3A_589 = vector.shape_cast %parallel_loop3A_588 : vector<1x16xf32> to vector<16xf32>
        %parallel_loop3A_590 = vector.shape_cast %parallel_loop3A_575 : vector<16xf32> to vector<1x16xf32>
        tpu.vector_store %arg14[%parallel_loop3A_586, %parallel_loop3A_587], %parallel_loop3A_590 {strides = array<i32>} : memref<64x128xf32, #tpu.memory_space<vmem>>, vector<1x16xf32>,
        %parallel_loop3A_591 = arith.addf %parallel_loop3A_399, %parallel_loop3A_560 : vector<16xf32>
        %parallel_loop3A_592 = arith.mulf %parallel_loop3A_560, %parallel_loop3A_560 : vector<16xf32>
        %parallel_loop3A_593 = arith.addf %parallel_loop3A_403, %parallel_loop3A_592 : vector<16xf32>
        %parallel_loop3A_594 = arith.constant 32 : i32
        %parallel_loop3A_595 = arith.addi %parallel_loop3A_395, %parallel_loop3A_594 : i32
        %parallel_loop3A_596 = arith.index_cast %parallel_loop3A_595 : i32 to index
        %parallel_loop3A_597 = arith.constant 0 : index
        %parallel_loop3A_598 = tpu.vector_load %arg14[%parallel_loop3A_596, %parallel_loop3A_597] {strides = array<i32>} : memref<64x128xf32, #tpu.memory_space<vmem>>, vector<1x16xf32>,
        %parallel_loop3A_599 = vector.shape_cast %parallel_loop3A_598 : vector<1x16xf32> to vector<16xf32>
        %parallel_loop3A_600 = arith.index_cast %parallel_loop3A_595 : i32 to index
        %parallel_loop3A_601 = arith.constant 0 : index
        %parallel_loop3A_602 = tpu.vector_load %arg12[%parallel_loop3A_600, %parallel_loop3A_601] {strides = array<i32>} : memref<64x128xf32, #tpu.memory_space<vmem>>, vector<1x16xf32>,
        %parallel_loop3A_603 = vector.shape_cast %parallel_loop3A_602 : vector<1x16xf32> to vector<16xf32>
        %parallel_loop3A_604 = arith.addf %parallel_loop3A_599, %parallel_loop3A_603 : vector<16xf32>
        %parallel_loop3A_605 = arith.index_cast %parallel_loop3A_395 : i32 to index
        %parallel_loop3A_606 = arith.constant 64 : index
        %parallel_loop3A_607 = tpu.vector_load %arg13[%parallel_loop3A_605, %parallel_loop3A_606] {strides = array<i32>} : memref<32x128xf32, #tpu.memory_space<vmem>>, vector<1x16xf32>,
        %parallel_loop3A_608 = vector.shape_cast %parallel_loop3A_607 : vector<1x16xf32> to vector<16xf32>
        %parallel_loop3A_609 = arith.addf %parallel_loop3A_604, %parallel_loop3A_608 : vector<16xf32>
        %parallel_loop3A_610 = arith.index_cast %parallel_loop3A_395 : i32 to index
        %parallel_loop3A_611 = arith.constant 64 : index
        %parallel_loop3A_612 = tpu.vector_load %arg13[%parallel_loop3A_610, %parallel_loop3A_611] {strides = array<i32>} : memref<32x128xf32, #tpu.memory_space<vmem>>, vector<1x16xf32>,
        %parallel_loop3A_613 = vector.shape_cast %parallel_loop3A_612 : vector<1x16xf32> to vector<16xf32>
        %parallel_loop3A_614 = vector.shape_cast %parallel_loop3A_609 : vector<16xf32> to vector<1x16xf32>
        tpu.vector_store %arg13[%parallel_loop3A_610, %parallel_loop3A_611], %parallel_loop3A_614 {strides = array<i32>} : memref<32x128xf32, #tpu.memory_space<vmem>>, vector<1x16xf32>,
        %parallel_loop3A_615 = arith.constant 0.000000e+00 : f32
        %parallel_loop3A_616 = vector.broadcast %parallel_loop3A_615 : f32 to vector<16xf32>
        %parallel_loop3A_617 = arith.subf %parallel_loop3A_616, %parallel_loop3A_609 : vector<16xf32>
        %parallel_loop3A_618 = math.exp %parallel_loop3A_617 : vector<16xf32>
        %parallel_loop3A_619 = arith.constant 1.000000e+00 : f32
        %parallel_loop3A_620 = vector.broadcast %parallel_loop3A_619 : f32 to vector<16xf32>
        %parallel_loop3A_621 = arith.addf %parallel_loop3A_620, %parallel_loop3A_618 : vector<16xf32>
        %parallel_loop3A_622 = arith.constant 1.000000e+00 : f32
        %parallel_loop3A_623 = vector.broadcast %parallel_loop3A_622 : f32 to vector<16xf32>
        %parallel_loop3A_624 = arith.divf %parallel_loop3A_623, %parallel_loop3A_621 : vector<16xf32>
        %parallel_loop3A_625 = arith.index_cast %parallel_loop3A_595 : i32 to index
        %parallel_loop3A_626 = arith.constant 64 : index
        %parallel_loop3A_627 = tpu.vector_load %arg12[%parallel_loop3A_625, %parallel_loop3A_626] {strides = array<i32>} : memref<64x128xf32, #tpu.memory_space<vmem>>, vector<1x16xf32>,
        %parallel_loop3A_628 = vector.shape_cast %parallel_loop3A_627 : vector<1x16xf32> to vector<16xf32>
        %parallel_loop3A_629 = arith.mulf %parallel_loop3A_624, %parallel_loop3A_628 : vector<16xf32>
        %parallel_loop3A_630 = arith.index_cast %parallel_loop3A_595 : i32 to index
        %parallel_loop3A_631 = arith.constant 0 : index
        %parallel_loop3A_632 = tpu.vector_load %arg14[%parallel_loop3A_630, %parallel_loop3A_631] {strides = array<i32>} : memref<64x128xf32, #tpu.memory_space<vmem>>, vector<1x16xf32>,
        %parallel_loop3A_633 = vector.shape_cast %parallel_loop3A_632 : vector<1x16xf32> to vector<16xf32>
        %parallel_loop3A_634 = vector.shape_cast %parallel_loop3A_629 : vector<16xf32> to vector<1x16xf32>
        tpu.vector_store %arg14[%parallel_loop3A_630, %parallel_loop3A_631], %parallel_loop3A_634 {strides = array<i32>} : memref<64x128xf32, #tpu.memory_space<vmem>>, vector<1x16xf32>,
        %parallel_loop3A_635 = arith.index_cast %parallel_loop3A_595 : i32 to index
        %parallel_loop3A_636 = arith.constant 64 : index
        %parallel_loop3A_637 = tpu.vector_load %arg14[%parallel_loop3A_635, %parallel_loop3A_636] {strides = array<i32>} : memref<64x128xf32, #tpu.memory_space<vmem>>, vector<1x16xf32>,
        %parallel_loop3A_638 = vector.shape_cast %parallel_loop3A_637 : vector<1x16xf32> to vector<16xf32>
        %parallel_loop3A_639 = vector.shape_cast %parallel_loop3A_624 : vector<16xf32> to vector<1x16xf32>
        tpu.vector_store %arg14[%parallel_loop3A_635, %parallel_loop3A_636], %parallel_loop3A_639 {strides = array<i32>} : memref<64x128xf32, #tpu.memory_space<vmem>>, vector<1x16xf32>,
        %parallel_loop3A_640 = arith.addf %parallel_loop3A_450, %parallel_loop3A_609 : vector<16xf32>
        %parallel_loop3A_641 = arith.mulf %parallel_loop3A_609, %parallel_loop3A_609 : vector<16xf32>
        %parallel_loop3A_642 = arith.addf %parallel_loop3A_452, %parallel_loop3A_641 : vector<16xf32>
        %parallel_loop3A_643 = arith.index_cast %parallel_loop3A_595 : i32 to index
        %parallel_loop3A_644 = arith.constant 16 : index
        %parallel_loop3A_645 = tpu.vector_load %arg14[%parallel_loop3A_643, %parallel_loop3A_644] {strides = array<i32>} : memref<64x128xf32, #tpu.memory_space<vmem>>, vector<1x16xf32>,
        %parallel_loop3A_646 = vector.shape_cast %parallel_loop3A_645 : vector<1x16xf32> to vector<16xf32>
        %parallel_loop3A_647 = arith.index_cast %parallel_loop3A_595 : i32 to index
        %parallel_loop3A_648 = arith.constant 16 : index
        %parallel_loop3A_649 = tpu.vector_load %arg12[%parallel_loop3A_647, %parallel_loop3A_648] {strides = array<i32>} : memref<64x128xf32, #tpu.memory_space<vmem>>, vector<1x16xf32>,
        %parallel_loop3A_650 = vector.shape_cast %parallel_loop3A_649 : vector<1x16xf32> to vector<16xf32>
        %parallel_loop3A_651 = arith.addf %parallel_loop3A_646, %parallel_loop3A_650 : vector<16xf32>
        %parallel_loop3A_652 = arith.index_cast %parallel_loop3A_395 : i32 to index
        %parallel_loop3A_653 = arith.constant 80 : index
        %parallel_loop3A_654 = tpu.vector_load %arg13[%parallel_loop3A_652, %parallel_loop3A_653] {strides = array<i32>} : memref<32x128xf32, #tpu.memory_space<vmem>>, vector<1x16xf32>,
        %parallel_loop3A_655 = vector.shape_cast %parallel_loop3A_654 : vector<1x16xf32> to vector<16xf32>
        %parallel_loop3A_656 = arith.addf %parallel_loop3A_651, %parallel_loop3A_655 : vector<16xf32>
        %parallel_loop3A_657 = arith.index_cast %parallel_loop3A_395 : i32 to index
        %parallel_loop3A_658 = arith.constant 80 : index
        %parallel_loop3A_659 = tpu.vector_load %arg13[%parallel_loop3A_657, %parallel_loop3A_658] {strides = array<i32>} : memref<32x128xf32, #tpu.memory_space<vmem>>, vector<1x16xf32>,
        %parallel_loop3A_660 = vector.shape_cast %parallel_loop3A_659 : vector<1x16xf32> to vector<16xf32>
        %parallel_loop3A_661 = vector.shape_cast %parallel_loop3A_656 : vector<16xf32> to vector<1x16xf32>
        tpu.vector_store %arg13[%parallel_loop3A_657, %parallel_loop3A_658], %parallel_loop3A_661 {strides = array<i32>} : memref<32x128xf32, #tpu.memory_space<vmem>>, vector<1x16xf32>,
        %parallel_loop3A_662 = arith.constant 0.000000e+00 : f32
        %parallel_loop3A_663 = vector.broadcast %parallel_loop3A_662 : f32 to vector<16xf32>
        %parallel_loop3A_664 = arith.subf %parallel_loop3A_663, %parallel_loop3A_656 : vector<16xf32>
        %parallel_loop3A_665 = math.exp %parallel_loop3A_664 : vector<16xf32>
        %parallel_loop3A_666 = arith.constant 1.000000e+00 : f32
        %parallel_loop3A_667 = vector.broadcast %parallel_loop3A_666 : f32 to vector<16xf32>
        %parallel_loop3A_668 = arith.addf %parallel_loop3A_667, %parallel_loop3A_665 : vector<16xf32>
        %parallel_loop3A_669 = arith.constant 1.000000e+00 : f32
        %parallel_loop3A_670 = vector.broadcast %parallel_loop3A_669 : f32 to vector<16xf32>
        %parallel_loop3A_671 = arith.divf %parallel_loop3A_670, %parallel_loop3A_668 : vector<16xf32>
        %parallel_loop3A_672 = arith.index_cast %parallel_loop3A_595 : i32 to index
        %parallel_loop3A_673 = arith.constant 80 : index
        %parallel_loop3A_674 = tpu.vector_load %arg12[%parallel_loop3A_672, %parallel_loop3A_673] {strides = array<i32>} : memref<64x128xf32, #tpu.memory_space<vmem>>, vector<1x16xf32>,
        %parallel_loop3A_675 = vector.shape_cast %parallel_loop3A_674 : vector<1x16xf32> to vector<16xf32>
        %parallel_loop3A_676 = arith.mulf %parallel_loop3A_671, %parallel_loop3A_675 : vector<16xf32>
        %parallel_loop3A_677 = arith.index_cast %parallel_loop3A_595 : i32 to index
        %parallel_loop3A_678 = arith.constant 16 : index
        %parallel_loop3A_679 = tpu.vector_load %arg14[%parallel_loop3A_677, %parallel_loop3A_678] {strides = array<i32>} : memref<64x128xf32, #tpu.memory_space<vmem>>, vector<1x16xf32>,
        %parallel_loop3A_680 = vector.shape_cast %parallel_loop3A_679 : vector<1x16xf32> to vector<16xf32>
        %parallel_loop3A_681 = vector.shape_cast %parallel_loop3A_676 : vector<16xf32> to vector<1x16xf32>
        tpu.vector_store %arg14[%parallel_loop3A_677, %parallel_loop3A_678], %parallel_loop3A_681 {strides = array<i32>} : memref<64x128xf32, #tpu.memory_space<vmem>>, vector<1x16xf32>,
        %parallel_loop3A_682 = arith.index_cast %parallel_loop3A_595 : i32 to index
        %parallel_loop3A_683 = arith.constant 80 : index
        %parallel_loop3A_684 = tpu.vector_load %arg14[%parallel_loop3A_682, %parallel_loop3A_683] {strides = array<i32>} : memref<64x128xf32, #tpu.memory_space<vmem>>, vector<1x16xf32>,
        %parallel_loop3A_685 = vector.shape_cast %parallel_loop3A_684 : vector<1x16xf32> to vector<16xf32>
        %parallel_loop3A_686 = vector.shape_cast %parallel_loop3A_671 : vector<16xf32> to vector<1x16xf32>
        tpu.vector_store %arg14[%parallel_loop3A_682, %parallel_loop3A_683], %parallel_loop3A_686 {strides = array<i32>} : memref<64x128xf32, #tpu.memory_space<vmem>>, vector<1x16xf32>,
        %parallel_loop3A_687 = arith.addf %parallel_loop3A_497, %parallel_loop3A_656 : vector<16xf32>
        %parallel_loop3A_688 = arith.mulf %parallel_loop3A_656, %parallel_loop3A_656 : vector<16xf32>
        %parallel_loop3A_689 = arith.addf %parallel_loop3A_499, %parallel_loop3A_688 : vector<16xf32>
        %parallel_loop3A_690 = arith.index_cast %parallel_loop3A_595 : i32 to index
        %parallel_loop3A_691 = arith.constant 32 : index
        %parallel_loop3A_692 = tpu.vector_load %arg14[%parallel_loop3A_690, %parallel_loop3A_691] {strides = array<i32>} : memref<64x128xf32, #tpu.memory_space<vmem>>, vector<1x16xf32>,
        %parallel_loop3A_693 = vector.shape_cast %parallel_loop3A_692 : vector<1x16xf32> to vector<16xf32>
        %parallel_loop3A_694 = arith.index_cast %parallel_loop3A_595 : i32 to index
        %parallel_loop3A_695 = arith.constant 32 : index
        %parallel_loop3A_696 = tpu.vector_load %arg12[%parallel_loop3A_694, %parallel_loop3A_695] {strides = array<i32>} : memref<64x128xf32, #tpu.memory_space<vmem>>, vector<1x16xf32>,
        %parallel_loop3A_697 = vector.shape_cast %parallel_loop3A_696 : vector<1x16xf32> to vector<16xf32>
        %parallel_loop3A_698 = arith.addf %parallel_loop3A_693, %parallel_loop3A_697 : vector<16xf32>
        %parallel_loop3A_699 = arith.index_cast %parallel_loop3A_395 : i32 to index
        %parallel_loop3A_700 = arith.constant 96 : index
        %parallel_loop3A_701 = tpu.vector_load %arg13[%parallel_loop3A_699, %parallel_loop3A_700] {strides = array<i32>} : memref<32x128xf32, #tpu.memory_space<vmem>>, vector<1x16xf32>,
        %parallel_loop3A_702 = vector.shape_cast %parallel_loop3A_701 : vector<1x16xf32> to vector<16xf32>
        %parallel_loop3A_703 = arith.addf %parallel_loop3A_698, %parallel_loop3A_702 : vector<16xf32>
        %parallel_loop3A_704 = arith.index_cast %parallel_loop3A_395 : i32 to index
        %parallel_loop3A_705 = arith.constant 96 : index
        %parallel_loop3A_706 = tpu.vector_load %arg13[%parallel_loop3A_704, %parallel_loop3A_705] {strides = array<i32>} : memref<32x128xf32, #tpu.memory_space<vmem>>, vector<1x16xf32>,
        %parallel_loop3A_707 = vector.shape_cast %parallel_loop3A_706 : vector<1x16xf32> to vector<16xf32>
        %parallel_loop3A_708 = vector.shape_cast %parallel_loop3A_703 : vector<16xf32> to vector<1x16xf32>
        tpu.vector_store %arg13[%parallel_loop3A_704, %parallel_loop3A_705], %parallel_loop3A_708 {strides = array<i32>} : memref<32x128xf32, #tpu.memory_space<vmem>>, vector<1x16xf32>,
        %parallel_loop3A_709 = arith.constant 0.000000e+00 : f32
        %parallel_loop3A_710 = vector.broadcast %parallel_loop3A_709 : f32 to vector<16xf32>
        %parallel_loop3A_711 = arith.subf %parallel_loop3A_710, %parallel_loop3A_703 : vector<16xf32>
        %parallel_loop3A_712 = math.exp %parallel_loop3A_711 : vector<16xf32>
        %parallel_loop3A_713 = arith.constant 1.000000e+00 : f32
        %parallel_loop3A_714 = vector.broadcast %parallel_loop3A_713 : f32 to vector<16xf32>
        %parallel_loop3A_715 = arith.addf %parallel_loop3A_714, %parallel_loop3A_712 : vector<16xf32>
        %parallel_loop3A_716 = arith.constant 1.000000e+00 : f32
        %parallel_loop3A_717 = vector.broadcast %parallel_loop3A_716 : f32 to vector<16xf32>
        %parallel_loop3A_718 = arith.divf %parallel_loop3A_717, %parallel_loop3A_715 : vector<16xf32>
        %parallel_loop3A_719 = arith.index_cast %parallel_loop3A_595 : i32 to index
        %parallel_loop3A_720 = arith.constant 96 : index
        %parallel_loop3A_721 = tpu.vector_load %arg12[%parallel_loop3A_719, %parallel_loop3A_720] {strides = array<i32>} : memref<64x128xf32, #tpu.memory_space<vmem>>, vector<1x16xf32>,
        %parallel_loop3A_722 = vector.shape_cast %parallel_loop3A_721 : vector<1x16xf32> to vector<16xf32>
        %parallel_loop3A_723 = arith.mulf %parallel_loop3A_718, %parallel_loop3A_722 : vector<16xf32>
        %parallel_loop3A_724 = arith.index_cast %parallel_loop3A_595 : i32 to index
        %parallel_loop3A_725 = arith.constant 32 : index
        %parallel_loop3A_726 = tpu.vector_load %arg14[%parallel_loop3A_724, %parallel_loop3A_725] {strides = array<i32>} : memref<64x128xf32, #tpu.memory_space<vmem>>, vector<1x16xf32>,
        %parallel_loop3A_727 = vector.shape_cast %parallel_loop3A_726 : vector<1x16xf32> to vector<16xf32>
        %parallel_loop3A_728 = vector.shape_cast %parallel_loop3A_723 : vector<16xf32> to vector<1x16xf32>
        tpu.vector_store %arg14[%parallel_loop3A_724, %parallel_loop3A_725], %parallel_loop3A_728 {strides = array<i32>} : memref<64x128xf32, #tpu.memory_space<vmem>>, vector<1x16xf32>,
        %parallel_loop3A_729 = arith.index_cast %parallel_loop3A_595 : i32 to index
        %parallel_loop3A_730 = arith.constant 96 : index
        %parallel_loop3A_731 = tpu.vector_load %arg14[%parallel_loop3A_729, %parallel_loop3A_730] {strides = array<i32>} : memref<64x128xf32, #tpu.memory_space<vmem>>, vector<1x16xf32>,
        %parallel_loop3A_732 = vector.shape_cast %parallel_loop3A_731 : vector<1x16xf32> to vector<16xf32>
        %parallel_loop3A_733 = vector.shape_cast %parallel_loop3A_718 : vector<16xf32> to vector<1x16xf32>
        tpu.vector_store %arg14[%parallel_loop3A_729, %parallel_loop3A_730], %parallel_loop3A_733 {strides = array<i32>} : memref<64x128xf32, #tpu.memory_space<vmem>>, vector<1x16xf32>,
        %parallel_loop3A_734 = arith.addf %parallel_loop3A_544, %parallel_loop3A_703 : vector<16xf32>
        %parallel_loop3A_735 = arith.mulf %parallel_loop3A_703, %parallel_loop3A_703 : vector<16xf32>
        %parallel_loop3A_736 = arith.addf %parallel_loop3A_546, %parallel_loop3A_735 : vector<16xf32>
        %parallel_loop3A_737 = arith.index_cast %parallel_loop3A_595 : i32 to index
        %parallel_loop3A_738 = arith.constant 48 : index
        %parallel_loop3A_739 = tpu.vector_load %arg14[%parallel_loop3A_737, %parallel_loop3A_738] {strides = array<i32>} : memref<64x128xf32, #tpu.memory_space<vmem>>, vector<1x16xf32>,
        %parallel_loop3A_740 = vector.shape_cast %parallel_loop3A_739 : vector<1x16xf32> to vector<16xf32>
        %parallel_loop3A_741 = arith.index_cast %parallel_loop3A_595 : i32 to index
        %parallel_loop3A_742 = arith.constant 48 : index
        %parallel_loop3A_743 = tpu.vector_load %arg12[%parallel_loop3A_741, %parallel_loop3A_742] {strides = array<i32>} : memref<64x128xf32, #tpu.memory_space<vmem>>, vector<1x16xf32>,
        %parallel_loop3A_744 = vector.shape_cast %parallel_loop3A_743 : vector<1x16xf32> to vector<16xf32>
        %parallel_loop3A_745 = arith.addf %parallel_loop3A_740, %parallel_loop3A_744 : vector<16xf32>
        %parallel_loop3A_746 = arith.index_cast %parallel_loop3A_395 : i32 to index
        %parallel_loop3A_747 = arith.constant 112 : index
        %parallel_loop3A_748 = tpu.vector_load %arg13[%parallel_loop3A_746, %parallel_loop3A_747] {strides = array<i32>} : memref<32x128xf32, #tpu.memory_space<vmem>>, vector<1x16xf32>,
        %parallel_loop3A_749 = vector.shape_cast %parallel_loop3A_748 : vector<1x16xf32> to vector<16xf32>
        %parallel_loop3A_750 = arith.addf %parallel_loop3A_745, %parallel_loop3A_749 : vector<16xf32>
        %parallel_loop3A_751 = arith.index_cast %parallel_loop3A_395 : i32 to index
        %parallel_loop3A_752 = arith.constant 112 : index
        %parallel_loop3A_753 = tpu.vector_load %arg13[%parallel_loop3A_751, %parallel_loop3A_752] {strides = array<i32>} : memref<32x128xf32, #tpu.memory_space<vmem>>, vector<1x16xf32>,
        %parallel_loop3A_754 = vector.shape_cast %parallel_loop3A_753 : vector<1x16xf32> to vector<16xf32>
        %parallel_loop3A_755 = vector.shape_cast %parallel_loop3A_750 : vector<16xf32> to vector<1x16xf32>
        tpu.vector_store %arg13[%parallel_loop3A_751, %parallel_loop3A_752], %parallel_loop3A_755 {strides = array<i32>} : memref<32x128xf32, #tpu.memory_space<vmem>>, vector<1x16xf32>,
        %parallel_loop3A_756 = arith.constant 0.000000e+00 : f32
        %parallel_loop3A_757 = vector.broadcast %parallel_loop3A_756 : f32 to vector<16xf32>
        %parallel_loop3A_758 = arith.subf %parallel_loop3A_757, %parallel_loop3A_750 : vector<16xf32>
        %parallel_loop3A_759 = math.exp %parallel_loop3A_758 : vector<16xf32>
        %parallel_loop3A_760 = arith.constant 1.000000e+00 : f32
        %parallel_loop3A_761 = vector.broadcast %parallel_loop3A_760 : f32 to vector<16xf32>
        %parallel_loop3A_762 = arith.addf %parallel_loop3A_761, %parallel_loop3A_759 : vector<16xf32>
        %parallel_loop3A_763 = arith.constant 1.000000e+00 : f32
        %parallel_loop3A_764 = vector.broadcast %parallel_loop3A_763 : f32 to vector<16xf32>
        %parallel_loop3A_765 = arith.divf %parallel_loop3A_764, %parallel_loop3A_762 : vector<16xf32>
        %parallel_loop3A_766 = arith.index_cast %parallel_loop3A_595 : i32 to index
        %parallel_loop3A_767 = arith.constant 112 : index
        %parallel_loop3A_768 = tpu.vector_load %arg12[%parallel_loop3A_766, %parallel_loop3A_767] {strides = array<i32>} : memref<64x128xf32, #tpu.memory_space<vmem>>, vector<1x16xf32>,
        %parallel_loop3A_769 = vector.shape_cast %parallel_loop3A_768 : vector<1x16xf32> to vector<16xf32>
        %parallel_loop3A_770 = arith.mulf %parallel_loop3A_765, %parallel_loop3A_769 : vector<16xf32>
        %parallel_loop3A_771 = arith.index_cast %parallel_loop3A_595 : i32 to index
        %parallel_loop3A_772 = arith.constant 48 : index
        %parallel_loop3A_773 = tpu.vector_load %arg14[%parallel_loop3A_771, %parallel_loop3A_772] {strides = array<i32>} : memref<64x128xf32, #tpu.memory_space<vmem>>, vector<1x16xf32>,
        %parallel_loop3A_774 = vector.shape_cast %parallel_loop3A_773 : vector<1x16xf32> to vector<16xf32>
        %parallel_loop3A_775 = vector.shape_cast %parallel_loop3A_770 : vector<16xf32> to vector<1x16xf32>
        tpu.vector_store %arg14[%parallel_loop3A_771, %parallel_loop3A_772], %parallel_loop3A_775 {strides = array<i32>} : memref<64x128xf32, #tpu.memory_space<vmem>>, vector<1x16xf32>,
        %parallel_loop3A_776 = arith.index_cast %parallel_loop3A_595 : i32 to index
        %parallel_loop3A_777 = arith.constant 112 : index
        %parallel_loop3A_778 = tpu.vector_load %arg14[%parallel_loop3A_776, %parallel_loop3A_777] {strides = array<i32>} : memref<64x128xf32, #tpu.memory_space<vmem>>, vector<1x16xf32>,
        %parallel_loop3A_779 = vector.shape_cast %parallel_loop3A_778 : vector<1x16xf32> to vector<16xf32>
        %parallel_loop3A_780 = vector.shape_cast %parallel_loop3A_765 : vector<16xf32> to vector<1x16xf32>
        tpu.vector_store %arg14[%parallel_loop3A_776, %parallel_loop3A_777], %parallel_loop3A_780 {strides = array<i32>} : memref<64x128xf32, #tpu.memory_space<vmem>>, vector<1x16xf32>,
        %parallel_loop3A_781 = arith.addf %parallel_loop3A_591, %parallel_loop3A_750 : vector<16xf32>
        %parallel_loop3A_782 = arith.mulf %parallel_loop3A_750, %parallel_loop3A_750 : vector<16xf32>
        %parallel_loop3A_783 = arith.addf %parallel_loop3A_593, %parallel_loop3A_782 : vector<16xf32>
        scf.yield %parallel_loop3A_640, %parallel_loop3A_687, %parallel_loop3A_734, %parallel_loop3A_781, %parallel_loop3A_642, %parallel_loop3A_689, %parallel_loop3A_736, %parallel_loop3A_783 : vector<16xf32>, vector<16xf32>, vector<16xf32>, vector<16xf32>, vector<16xf32>, vector<16xf32>, vector<16xf32>, vector<16xf32>
      } {sc.loop_unroll_factor = 2 : i64, sc.parallel_access}
      %mul3A_323 = arith.constant 32 : i32
      %mul3A_324 = arith.muli %mul3A_102, %mul3A_323 : i32
      %dma_start3A_325 = arith.constant 0 : i32
      %dma_start3A_326 = tpu.memref_slice %arg6[%arg0, %mul3A_324, %dma_start3A_325] : memref<2x160000x128xf32, #tpu.memory_space<hbm>> -> memref<1x32x128xf32, #tpu.memory_space<hbm>>
      %dma_start3A_327 = tpu.memref_squeeze %dma_start3A_326 : memref<1x32x128xf32, #tpu.memory_space<hbm>> -> memref<32x128xf32, #tpu.memory_space<hbm>>
      %dma_start3A_328 = arith.constant 0 : i32
      %dma_start3A_329 = tpu.memref_slice %arg6[%arg0, %mul3A_324, %dma_start3A_328] : memref<2x160000x128xf32, #tpu.memory_space<hbm>> -> memref<1x32x128xf32, #tpu.memory_space<hbm>>
      %dma_start3A_330 = tpu.memref_squeeze %dma_start3A_329 : memref<1x32x128xf32, #tpu.memory_space<hbm>> -> memref<32x128xf32, #tpu.memory_space<hbm>>
      tpu.enqueue_dma source(%arg13 : memref<32x128xf32, #tpu.memory_space<vmem>>) target(%dma_start3A_330 : memref<32x128xf32, #tpu.memory_space<hbm>>) target_semaphore(%arg25 : memref<!tpu.dma_semaphore, #tpu.memory_space<semaphore_mem>>)
      %dma_start3A_331 = arith.constant 1 : i32
      %dma_start3A_332 = arith.constant 0 : i32
      %dma_start3A_333 = tpu.memref_slice %arg9[%dma_start3A_331, %dma_start3A_332] : memref<2x64xi32, #tpu.memory_space<vmem>> -> memref<1x64xi32, #tpu.memory_space<vmem>>
      %dma_start3A_334 = tpu.memref_squeeze %dma_start3A_333 : memref<1x64xi32, #tpu.memory_space<vmem>> -> memref<64xi32, #tpu.memory_space<vmem>>
      %dma_start3A_335 = arith.constant 0 : i32
      %dma_start3A_336 = arith.constant 0 : i32
      %dma_start3A_337 = tpu.memref_slice %arg22[%dma_start3A_335, %dma_start3A_336] : memref<10000x128xf32, #tpu.memory_space<vmem_shared>> -> memref<10000x128xf32, #tpu.memory_space<vmem_shared>>
      tpu.enqueue_indirect_dma source(%arg14 : memref<64x128xf32, #tpu.memory_space<vmem>>) target(%dma_start3A_337 : memref<10000x128xf32, #tpu.memory_space<vmem_shared>>) offsets(%dma_start3A_334 : memref<64xi32, #tpu.memory_space<vmem>>) semaphore(%arg26 : memref<!tpu.dma_semaphore, #tpu.memory_space<semaphore_mem>>) {add = true}
      %dma_wait3A_338 = arith.constant 0 : i32
      %dma_wait3A_339 = arith.constant 0 : i32
      %dma_wait3A_340 = tpu.memref_slice %arg2[%dma_wait3A_338, %dma_wait3A_339] : memref<20000x128xf32, #tpu.memory_space<hbm>> -> memref<20000x128xf32, #tpu.memory_space<hbm>>
      tpu.wait_indirect_dma semaphore(%arg27 : memref<!tpu.dma_semaphore, #tpu.memory_space<semaphore_mem>>) src(%dma_wait3A_340 : memref<20000x128xf32, #tpu.memory_space<hbm>>) dst(%arg20 : memref<64x128xf32, #tpu.memory_space<vmem>>)
      %dma_wait3A_341 = arith.constant 0 : i32
      %dma_wait3A_342 = arith.constant 0 : i32
      %dma_wait3A_343 = tpu.memref_slice %arg3[%dma_wait3A_341, %dma_wait3A_342] : memref<20000x128xf32, #tpu.memory_space<hbm>> -> memref<20000x128xf32, #tpu.memory_space<hbm>>
      tpu.wait_indirect_dma semaphore(%arg27 : memref<!tpu.dma_semaphore, #tpu.memory_space<semaphore_mem>>) src(%dma_wait3A_343 : memref<20000x128xf32, #tpu.memory_space<hbm>>) dst(%arg18 : memref<64x128xf32, #tpu.memory_space<vmem>>)
      %dma_wait3A_344 = arith.constant 0 : i32
      %dma_wait3A_345 = tpu.memref_slice %arg4[%arg0, %mul3A_302, %dma_wait3A_344] : memref<2x160000x128xf32, #tpu.memory_space<hbm>> -> memref<1x32x128xf32, #tpu.memory_space<hbm>>
      %dma_wait3A_346 = tpu.memref_squeeze %dma_wait3A_345 : memref<1x32x128xf32, #tpu.memory_space<hbm>> -> memref<32x128xf32, #tpu.memory_space<hbm>>
      %dma_wait3A_347 = arith.constant 0 : i32
      %dma_wait3A_348 = tpu.memref_slice %arg4[%arg0, %mul3A_302, %dma_wait3A_347] : memref<2x160000x128xf32, #tpu.memory_space<hbm>> -> memref<1x32x128xf32, #tpu.memory_space<hbm>>
      %dma_wait3A_349 = tpu.memref_squeeze %dma_wait3A_348 : memref<1x32x128xf32, #tpu.memory_space<hbm>> -> memref<32x128xf32, #tpu.memory_space<hbm>>
      tpu.wait_dma2 semaphore(%arg28 : memref<!tpu.dma_semaphore, #tpu.memory_space<semaphore_mem>>) src(%dma_wait3A_349 : memref<32x128xf32, #tpu.memory_space<hbm>>) dst(%arg19 : memref<32x128xf32, #tpu.memory_space<vmem>>)
      %parallel_loop3A_350 = arith.constant 0 : i32
      %parallel_loop3A_351 = arith.constant 32 : i32
      %parallel_loop3A_352 = arith.constant 1 : i32
      %parallel_loop3A_353:8 = scf.for %parallel_loop3A_395 = %parallel_loop3A_350 to %parallel_loop3A_351 step %parallel_loop3A_352 iter_args(%parallel_loop3A_396 = %parallel_loop3A_322#0, %parallel_loop3A_397 = %parallel_loop3A_322#1, %parallel_loop3A_398 = %parallel_loop3A_322#2, %parallel_loop3A_399 = %parallel_loop3A_322#3, %parallel_loop3A_400 = %parallel_loop3A_322#4, %parallel_loop3A_401 = %parallel_loop3A_322#5, %parallel_loop3A_402 = %parallel_loop3A_322#6, %parallel_loop3A_403 = %parallel_loop3A_322#7) -> (vector<16xf32>, vector<16xf32>, vector<16xf32>, vector<16xf32>, vector<16xf32>, vector<16xf32>, vector<16xf32>, vector<16xf32>)  : i32 {
        %parallel_loop3A_404 = arith.constant 0 : i32
        %parallel_loop3A_405 = arith.addi %parallel_loop3A_395, %parallel_loop3A_404 : i32
        %parallel_loop3A_406 = arith.index_cast %parallel_loop3A_405 : i32 to index
        %parallel_loop3A_407 = arith.constant 0 : index
        %parallel_loop3A_408 = tpu.vector_load %arg20[%parallel_loop3A_406, %parallel_loop3A_407] {strides = array<i32>} : memref<64x128xf32, #tpu.memory_space<vmem>>, vector<1x16xf32>,
        %parallel_loop3A_409 = vector.shape_cast %parallel_loop3A_408 : vector<1x16xf32> to vector<16xf32>
        %parallel_loop3A_410 = arith.index_cast %parallel_loop3A_405 : i32 to index
        %parallel_loop3A_411 = arith.constant 0 : index
        %parallel_loop3A_412 = tpu.vector_load %arg18[%parallel_loop3A_410, %parallel_loop3A_411] {strides = array<i32>} : memref<64x128xf32, #tpu.memory_space<vmem>>, vector<1x16xf32>,
        %parallel_loop3A_413 = vector.shape_cast %parallel_loop3A_412 : vector<1x16xf32> to vector<16xf32>
        %parallel_loop3A_414 = arith.addf %parallel_loop3A_409, %parallel_loop3A_413 : vector<16xf32>
        %parallel_loop3A_415 = arith.index_cast %parallel_loop3A_395 : i32 to index
        %parallel_loop3A_416 = arith.constant 0 : index
        %parallel_loop3A_417 = tpu.vector_load %arg19[%parallel_loop3A_415, %parallel_loop3A_416] {strides = array<i32>} : memref<32x128xf32, #tpu.memory_space<vmem>>, vector<1x16xf32>,
        %parallel_loop3A_418 = vector.shape_cast %parallel_loop3A_417 : vector<1x16xf32> to vector<16xf32>
        %parallel_loop3A_419 = arith.addf %parallel_loop3A_414, %parallel_loop3A_418 : vector<16xf32>
        %parallel_loop3A_420 = arith.index_cast %parallel_loop3A_395 : i32 to index
        %parallel_loop3A_421 = arith.constant 0 : index
        %parallel_loop3A_422 = tpu.vector_load %arg19[%parallel_loop3A_420, %parallel_loop3A_421] {strides = array<i32>} : memref<32x128xf32, #tpu.memory_space<vmem>>, vector<1x16xf32>,
        %parallel_loop3A_423 = vector.shape_cast %parallel_loop3A_422 : vector<1x16xf32> to vector<16xf32>
        %parallel_loop3A_424 = vector.shape_cast %parallel_loop3A_419 : vector<16xf32> to vector<1x16xf32>
        tpu.vector_store %arg19[%parallel_loop3A_420, %parallel_loop3A_421], %parallel_loop3A_424 {strides = array<i32>} : memref<32x128xf32, #tpu.memory_space<vmem>>, vector<1x16xf32>,
        %parallel_loop3A_425 = arith.constant 0.000000e+00 : f32
        %parallel_loop3A_426 = vector.broadcast %parallel_loop3A_425 : f32 to vector<16xf32>
        %parallel_loop3A_427 = arith.subf %parallel_loop3A_426, %parallel_loop3A_419 : vector<16xf32>
        %parallel_loop3A_428 = math.exp %parallel_loop3A_427 : vector<16xf32>
        %parallel_loop3A_429 = arith.constant 1.000000e+00 : f32
        %parallel_loop3A_430 = vector.broadcast %parallel_loop3A_429 : f32 to vector<16xf32>
        %parallel_loop3A_431 = arith.addf %parallel_loop3A_430, %parallel_loop3A_428 : vector<16xf32>
        %parallel_loop3A_432 = arith.constant 1.000000e+00 : f32
        %parallel_loop3A_433 = vector.broadcast %parallel_loop3A_432 : f32 to vector<16xf32>
        %parallel_loop3A_434 = arith.divf %parallel_loop3A_433, %parallel_loop3A_431 : vector<16xf32>
        %parallel_loop3A_435 = arith.index_cast %parallel_loop3A_405 : i32 to index
        %parallel_loop3A_436 = arith.constant 64 : index
        %parallel_loop3A_437 = tpu.vector_load %arg18[%parallel_loop3A_435, %parallel_loop3A_436] {strides = array<i32>} : memref<64x128xf32, #tpu.memory_space<vmem>>, vector<1x16xf32>,
        %parallel_loop3A_438 = vector.shape_cast %parallel_loop3A_437 : vector<1x16xf32> to vector<16xf32>
        %parallel_loop3A_439 = arith.mulf %parallel_loop3A_434, %parallel_loop3A_438 : vector<16xf32>
        %parallel_loop3A_440 = arith.index_cast %parallel_loop3A_405 : i32 to index
        %parallel_loop3A_441 = arith.constant 0 : index
        %parallel_loop3A_442 = tpu.vector_load %arg20[%parallel_loop3A_440, %parallel_loop3A_441] {strides = array<i32>} : memref<64x128xf32, #tpu.memory_space<vmem>>, vector<1x16xf32>,
        %parallel_loop3A_443 = vector.shape_cast %parallel_loop3A_442 : vector<1x16xf32> to vector<16xf32>
        %parallel_loop3A_444 = vector.shape_cast %parallel_loop3A_439 : vector<16xf32> to vector<1x16xf32>
        tpu.vector_store %arg20[%parallel_loop3A_440, %parallel_loop3A_441], %parallel_loop3A_444 {strides = array<i32>} : memref<64x128xf32, #tpu.memory_space<vmem>>, vector<1x16xf32>,
        %parallel_loop3A_445 = arith.index_cast %parallel_loop3A_405 : i32 to index
        %parallel_loop3A_446 = arith.constant 64 : index
        %parallel_loop3A_447 = tpu.vector_load %arg20[%parallel_loop3A_445, %parallel_loop3A_446] {strides = array<i32>} : memref<64x128xf32, #tpu.memory_space<vmem>>, vector<1x16xf32>,
        %parallel_loop3A_448 = vector.shape_cast %parallel_loop3A_447 : vector<1x16xf32> to vector<16xf32>
        %parallel_loop3A_449 = vector.shape_cast %parallel_loop3A_434 : vector<16xf32> to vector<1x16xf32>
        tpu.vector_store %arg20[%parallel_loop3A_445, %parallel_loop3A_446], %parallel_loop3A_449 {strides = array<i32>} : memref<64x128xf32, #tpu.memory_space<vmem>>, vector<1x16xf32>,
        %parallel_loop3A_450 = arith.addf %parallel_loop3A_396, %parallel_loop3A_419 : vector<16xf32>
        %parallel_loop3A_451 = arith.mulf %parallel_loop3A_419, %parallel_loop3A_419 : vector<16xf32>
        %parallel_loop3A_452 = arith.addf %parallel_loop3A_400, %parallel_loop3A_451 : vector<16xf32>
        %parallel_loop3A_453 = arith.index_cast %parallel_loop3A_405 : i32 to index
        %parallel_loop3A_454 = arith.constant 16 : index
        %parallel_loop3A_455 = tpu.vector_load %arg20[%parallel_loop3A_453, %parallel_loop3A_454] {strides = array<i32>} : memref<64x128xf32, #tpu.memory_space<vmem>>, vector<1x16xf32>,
        %parallel_loop3A_456 = vector.shape_cast %parallel_loop3A_455 : vector<1x16xf32> to vector<16xf32>
        %parallel_loop3A_457 = arith.index_cast %parallel_loop3A_405 : i32 to index
        %parallel_loop3A_458 = arith.constant 16 : index
        %parallel_loop3A_459 = tpu.vector_load %arg18[%parallel_loop3A_457, %parallel_loop3A_458] {strides = array<i32>} : memref<64x128xf32, #tpu.memory_space<vmem>>, vector<1x16xf32>,
        %parallel_loop3A_460 = vector.shape_cast %parallel_loop3A_459 : vector<1x16xf32> to vector<16xf32>
        %parallel_loop3A_461 = arith.addf %parallel_loop3A_456, %parallel_loop3A_460 : vector<16xf32>
        %parallel_loop3A_462 = arith.index_cast %parallel_loop3A_395 : i32 to index
        %parallel_loop3A_463 = arith.constant 16 : index
        %parallel_loop3A_464 = tpu.vector_load %arg19[%parallel_loop3A_462, %parallel_loop3A_463] {strides = array<i32>} : memref<32x128xf32, #tpu.memory_space<vmem>>, vector<1x16xf32>,
        %parallel_loop3A_465 = vector.shape_cast %parallel_loop3A_464 : vector<1x16xf32> to vector<16xf32>
        %parallel_loop3A_466 = arith.addf %parallel_loop3A_461, %parallel_loop3A_465 : vector<16xf32>
        %parallel_loop3A_467 = arith.index_cast %parallel_loop3A_395 : i32 to index
        %parallel_loop3A_468 = arith.constant 16 : index
        %parallel_loop3A_469 = tpu.vector_load %arg19[%parallel_loop3A_467, %parallel_loop3A_468] {strides = array<i32>} : memref<32x128xf32, #tpu.memory_space<vmem>>, vector<1x16xf32>,
        %parallel_loop3A_470 = vector.shape_cast %parallel_loop3A_469 : vector<1x16xf32> to vector<16xf32>
        %parallel_loop3A_471 = vector.shape_cast %parallel_loop3A_466 : vector<16xf32> to vector<1x16xf32>
        tpu.vector_store %arg19[%parallel_loop3A_467, %parallel_loop3A_468], %parallel_loop3A_471 {strides = array<i32>} : memref<32x128xf32, #tpu.memory_space<vmem>>, vector<1x16xf32>,
        %parallel_loop3A_472 = arith.constant 0.000000e+00 : f32
        %parallel_loop3A_473 = vector.broadcast %parallel_loop3A_472 : f32 to vector<16xf32>
        %parallel_loop3A_474 = arith.subf %parallel_loop3A_473, %parallel_loop3A_466 : vector<16xf32>
        %parallel_loop3A_475 = math.exp %parallel_loop3A_474 : vector<16xf32>
        %parallel_loop3A_476 = arith.constant 1.000000e+00 : f32
        %parallel_loop3A_477 = vector.broadcast %parallel_loop3A_476 : f32 to vector<16xf32>
        %parallel_loop3A_478 = arith.addf %parallel_loop3A_477, %parallel_loop3A_475 : vector<16xf32>
        %parallel_loop3A_479 = arith.constant 1.000000e+00 : f32
        %parallel_loop3A_480 = vector.broadcast %parallel_loop3A_479 : f32 to vector<16xf32>
        %parallel_loop3A_481 = arith.divf %parallel_loop3A_480, %parallel_loop3A_478 : vector<16xf32>
        %parallel_loop3A_482 = arith.index_cast %parallel_loop3A_405 : i32 to index
        %parallel_loop3A_483 = arith.constant 80 : index
        %parallel_loop3A_484 = tpu.vector_load %arg18[%parallel_loop3A_482, %parallel_loop3A_483] {strides = array<i32>} : memref<64x128xf32, #tpu.memory_space<vmem>>, vector<1x16xf32>,
        %parallel_loop3A_485 = vector.shape_cast %parallel_loop3A_484 : vector<1x16xf32> to vector<16xf32>
        %parallel_loop3A_486 = arith.mulf %parallel_loop3A_481, %parallel_loop3A_485 : vector<16xf32>
        %parallel_loop3A_487 = arith.index_cast %parallel_loop3A_405 : i32 to index
        %parallel_loop3A_488 = arith.constant 16 : index
        %parallel_loop3A_489 = tpu.vector_load %arg20[%parallel_loop3A_487, %parallel_loop3A_488] {strides = array<i32>} : memref<64x128xf32, #tpu.memory_space<vmem>>, vector<1x16xf32>,
        %parallel_loop3A_490 = vector.shape_cast %parallel_loop3A_489 : vector<1x16xf32> to vector<16xf32>
        %parallel_loop3A_491 = vector.shape_cast %parallel_loop3A_486 : vector<16xf32> to vector<1x16xf32>
        tpu.vector_store %arg20[%parallel_loop3A_487, %parallel_loop3A_488], %parallel_loop3A_491 {strides = array<i32>} : memref<64x128xf32, #tpu.memory_space<vmem>>, vector<1x16xf32>,
        %parallel_loop3A_492 = arith.index_cast %parallel_loop3A_405 : i32 to index
        %parallel_loop3A_493 = arith.constant 80 : index
        %parallel_loop3A_494 = tpu.vector_load %arg20[%parallel_loop3A_492, %parallel_loop3A_493] {strides = array<i32>} : memref<64x128xf32, #tpu.memory_space<vmem>>, vector<1x16xf32>,
        %parallel_loop3A_495 = vector.shape_cast %parallel_loop3A_494 : vector<1x16xf32> to vector<16xf32>
        %parallel_loop3A_496 = vector.shape_cast %parallel_loop3A_481 : vector<16xf32> to vector<1x16xf32>
        tpu.vector_store %arg20[%parallel_loop3A_492, %parallel_loop3A_493], %parallel_loop3A_496 {strides = array<i32>} : memref<64x128xf32, #tpu.memory_space<vmem>>, vector<1x16xf32>,
        %parallel_loop3A_497 = arith.addf %parallel_loop3A_397, %parallel_loop3A_466 : vector<16xf32>
        %parallel_loop3A_498 = arith.mulf %parallel_loop3A_466, %parallel_loop3A_466 : vector<16xf32>
        %parallel_loop3A_499 = arith.addf %parallel_loop3A_401, %parallel_loop3A_498 : vector<16xf32>
        %parallel_loop3A_500 = arith.index_cast %parallel_loop3A_405 : i32 to index
        %parallel_loop3A_501 = arith.constant 32 : index
        %parallel_loop3A_502 = tpu.vector_load %arg20[%parallel_loop3A_500, %parallel_loop3A_501] {strides = array<i32>} : memref<64x128xf32, #tpu.memory_space<vmem>>, vector<1x16xf32>,
        %parallel_loop3A_503 = vector.shape_cast %parallel_loop3A_502 : vector<1x16xf32> to vector<16xf32>
        %parallel_loop3A_504 = arith.index_cast %parallel_loop3A_405 : i32 to index
        %parallel_loop3A_505 = arith.constant 32 : index
        %parallel_loop3A_506 = tpu.vector_load %arg18[%parallel_loop3A_504, %parallel_loop3A_505] {strides = array<i32>} : memref<64x128xf32, #tpu.memory_space<vmem>>, vector<1x16xf32>,
        %parallel_loop3A_507 = vector.shape_cast %parallel_loop3A_506 : vector<1x16xf32> to vector<16xf32>
        %parallel_loop3A_508 = arith.addf %parallel_loop3A_503, %parallel_loop3A_507 : vector<16xf32>
        %parallel_loop3A_509 = arith.index_cast %parallel_loop3A_395 : i32 to index
        %parallel_loop3A_510 = arith.constant 32 : index
        %parallel_loop3A_511 = tpu.vector_load %arg19[%parallel_loop3A_509, %parallel_loop3A_510] {strides = array<i32>} : memref<32x128xf32, #tpu.memory_space<vmem>>, vector<1x16xf32>,
        %parallel_loop3A_512 = vector.shape_cast %parallel_loop3A_511 : vector<1x16xf32> to vector<16xf32>
        %parallel_loop3A_513 = arith.addf %parallel_loop3A_508, %parallel_loop3A_512 : vector<16xf32>
        %parallel_loop3A_514 = arith.index_cast %parallel_loop3A_395 : i32 to index
        %parallel_loop3A_515 = arith.constant 32 : index
        %parallel_loop3A_516 = tpu.vector_load %arg19[%parallel_loop3A_514, %parallel_loop3A_515] {strides = array<i32>} : memref<32x128xf32, #tpu.memory_space<vmem>>, vector<1x16xf32>,
        %parallel_loop3A_517 = vector.shape_cast %parallel_loop3A_516 : vector<1x16xf32> to vector<16xf32>
        %parallel_loop3A_518 = vector.shape_cast %parallel_loop3A_513 : vector<16xf32> to vector<1x16xf32>
        tpu.vector_store %arg19[%parallel_loop3A_514, %parallel_loop3A_515], %parallel_loop3A_518 {strides = array<i32>} : memref<32x128xf32, #tpu.memory_space<vmem>>, vector<1x16xf32>,
        %parallel_loop3A_519 = arith.constant 0.000000e+00 : f32
        %parallel_loop3A_520 = vector.broadcast %parallel_loop3A_519 : f32 to vector<16xf32>
        %parallel_loop3A_521 = arith.subf %parallel_loop3A_520, %parallel_loop3A_513 : vector<16xf32>
        %parallel_loop3A_522 = math.exp %parallel_loop3A_521 : vector<16xf32>
        %parallel_loop3A_523 = arith.constant 1.000000e+00 : f32
        %parallel_loop3A_524 = vector.broadcast %parallel_loop3A_523 : f32 to vector<16xf32>
        %parallel_loop3A_525 = arith.addf %parallel_loop3A_524, %parallel_loop3A_522 : vector<16xf32>
        %parallel_loop3A_526 = arith.constant 1.000000e+00 : f32
        %parallel_loop3A_527 = vector.broadcast %parallel_loop3A_526 : f32 to vector<16xf32>
        %parallel_loop3A_528 = arith.divf %parallel_loop3A_527, %parallel_loop3A_525 : vector<16xf32>
        %parallel_loop3A_529 = arith.index_cast %parallel_loop3A_405 : i32 to index
        %parallel_loop3A_530 = arith.constant 96 : index
        %parallel_loop3A_531 = tpu.vector_load %arg18[%parallel_loop3A_529, %parallel_loop3A_530] {strides = array<i32>} : memref<64x128xf32, #tpu.memory_space<vmem>>, vector<1x16xf32>,
        %parallel_loop3A_532 = vector.shape_cast %parallel_loop3A_531 : vector<1x16xf32> to vector<16xf32>
        %parallel_loop3A_533 = arith.mulf %parallel_loop3A_528, %parallel_loop3A_532 : vector<16xf32>
        %parallel_loop3A_534 = arith.index_cast %parallel_loop3A_405 : i32 to index
        %parallel_loop3A_535 = arith.constant 32 : index
        %parallel_loop3A_536 = tpu.vector_load %arg20[%parallel_loop3A_534, %parallel_loop3A_535] {strides = array<i32>} : memref<64x128xf32, #tpu.memory_space<vmem>>, vector<1x16xf32>,
        %parallel_loop3A_537 = vector.shape_cast %parallel_loop3A_536 : vector<1x16xf32> to vector<16xf32>
        %parallel_loop3A_538 = vector.shape_cast %parallel_loop3A_533 : vector<16xf32> to vector<1x16xf32>
        tpu.vector_store %arg20[%parallel_loop3A_534, %parallel_loop3A_535], %parallel_loop3A_538 {strides = array<i32>} : memref<64x128xf32, #tpu.memory_space<vmem>>, vector<1x16xf32>,
        %parallel_loop3A_539 = arith.index_cast %parallel_loop3A_405 : i32 to index
        %parallel_loop3A_540 = arith.constant 96 : index
        %parallel_loop3A_541 = tpu.vector_load %arg20[%parallel_loop3A_539, %parallel_loop3A_540] {strides = array<i32>} : memref<64x128xf32, #tpu.memory_space<vmem>>, vector<1x16xf32>,
        %parallel_loop3A_542 = vector.shape_cast %parallel_loop3A_541 : vector<1x16xf32> to vector<16xf32>
        %parallel_loop3A_543 = vector.shape_cast %parallel_loop3A_528 : vector<16xf32> to vector<1x16xf32>
        tpu.vector_store %arg20[%parallel_loop3A_539, %parallel_loop3A_540], %parallel_loop3A_543 {strides = array<i32>} : memref<64x128xf32, #tpu.memory_space<vmem>>, vector<1x16xf32>,
        %parallel_loop3A_544 = arith.addf %parallel_loop3A_398, %parallel_loop3A_513 : vector<16xf32>
        %parallel_loop3A_545 = arith.mulf %parallel_loop3A_513, %parallel_loop3A_513 : vector<16xf32>
        %parallel_loop3A_546 = arith.addf %parallel_loop3A_402, %parallel_loop3A_545 : vector<16xf32>
        %parallel_loop3A_547 = arith.index_cast %parallel_loop3A_405 : i32 to index
        %parallel_loop3A_548 = arith.constant 48 : index
        %parallel_loop3A_549 = tpu.vector_load %arg20[%parallel_loop3A_547, %parallel_loop3A_548] {strides = array<i32>} : memref<64x128xf32, #tpu.memory_space<vmem>>, vector<1x16xf32>,
        %parallel_loop3A_550 = vector.shape_cast %parallel_loop3A_549 : vector<1x16xf32> to vector<16xf32>
        %parallel_loop3A_551 = arith.index_cast %parallel_loop3A_405 : i32 to index
        %parallel_loop3A_552 = arith.constant 48 : index
        %parallel_loop3A_553 = tpu.vector_load %arg18[%parallel_loop3A_551, %parallel_loop3A_552] {strides = array<i32>} : memref<64x128xf32, #tpu.memory_space<vmem>>, vector<1x16xf32>,
        %parallel_loop3A_554 = vector.shape_cast %parallel_loop3A_553 : vector<1x16xf32> to vector<16xf32>
        %parallel_loop3A_555 = arith.addf %parallel_loop3A_550, %parallel_loop3A_554 : vector<16xf32>
        %parallel_loop3A_556 = arith.index_cast %parallel_loop3A_395 : i32 to index
        %parallel_loop3A_557 = arith.constant 48 : index
        %parallel_loop3A_558 = tpu.vector_load %arg19[%parallel_loop3A_556, %parallel_loop3A_557] {strides = array<i32>} : memref<32x128xf32, #tpu.memory_space<vmem>>, vector<1x16xf32>,
        %parallel_loop3A_559 = vector.shape_cast %parallel_loop3A_558 : vector<1x16xf32> to vector<16xf32>
        %parallel_loop3A_560 = arith.addf %parallel_loop3A_555, %parallel_loop3A_559 : vector<16xf32>
        %parallel_loop3A_561 = arith.index_cast %parallel_loop3A_395 : i32 to index
        %parallel_loop3A_562 = arith.constant 48 : index
        %parallel_loop3A_563 = tpu.vector_load %arg19[%parallel_loop3A_561, %parallel_loop3A_562] {strides = array<i32>} : memref<32x128xf32, #tpu.memory_space<vmem>>, vector<1x16xf32>,
        %parallel_loop3A_564 = vector.shape_cast %parallel_loop3A_563 : vector<1x16xf32> to vector<16xf32>
        %parallel_loop3A_565 = vector.shape_cast %parallel_loop3A_560 : vector<16xf32> to vector<1x16xf32>
        tpu.vector_store %arg19[%parallel_loop3A_561, %parallel_loop3A_562], %parallel_loop3A_565 {strides = array<i32>} : memref<32x128xf32, #tpu.memory_space<vmem>>, vector<1x16xf32>,
        %parallel_loop3A_566 = arith.constant 0.000000e+00 : f32
        %parallel_loop3A_567 = vector.broadcast %parallel_loop3A_566 : f32 to vector<16xf32>
        %parallel_loop3A_568 = arith.subf %parallel_loop3A_567, %parallel_loop3A_560 : vector<16xf32>
        %parallel_loop3A_569 = math.exp %parallel_loop3A_568 : vector<16xf32>
        %parallel_loop3A_570 = arith.constant 1.000000e+00 : f32
        %parallel_loop3A_571 = vector.broadcast %parallel_loop3A_570 : f32 to vector<16xf32>
        %parallel_loop3A_572 = arith.addf %parallel_loop3A_571, %parallel_loop3A_569 : vector<16xf32>
        %parallel_loop3A_573 = arith.constant 1.000000e+00 : f32
        %parallel_loop3A_574 = vector.broadcast %parallel_loop3A_573 : f32 to vector<16xf32>
        %parallel_loop3A_575 = arith.divf %parallel_loop3A_574, %parallel_loop3A_572 : vector<16xf32>
        %parallel_loop3A_576 = arith.index_cast %parallel_loop3A_405 : i32 to index
        %parallel_loop3A_577 = arith.constant 112 : index
        %parallel_loop3A_578 = tpu.vector_load %arg18[%parallel_loop3A_576, %parallel_loop3A_577] {strides = array<i32>} : memref<64x128xf32, #tpu.memory_space<vmem>>, vector<1x16xf32>,
        %parallel_loop3A_579 = vector.shape_cast %parallel_loop3A_578 : vector<1x16xf32> to vector<16xf32>
        %parallel_loop3A_580 = arith.mulf %parallel_loop3A_575, %parallel_loop3A_579 : vector<16xf32>
        %parallel_loop3A_581 = arith.index_cast %parallel_loop3A_405 : i32 to index
        %parallel_loop3A_582 = arith.constant 48 : index
        %parallel_loop3A_583 = tpu.vector_load %arg20[%parallel_loop3A_581, %parallel_loop3A_582] {strides = array<i32>} : memref<64x128xf32, #tpu.memory_space<vmem>>, vector<1x16xf32>,
        %parallel_loop3A_584 = vector.shape_cast %parallel_loop3A_583 : vector<1x16xf32> to vector<16xf32>
        %parallel_loop3A_585 = vector.shape_cast %parallel_loop3A_580 : vector<16xf32> to vector<1x16xf32>
        tpu.vector_store %arg20[%parallel_loop3A_581, %parallel_loop3A_582], %parallel_loop3A_585 {strides = array<i32>} : memref<64x128xf32, #tpu.memory_space<vmem>>, vector<1x16xf32>,
        %parallel_loop3A_586 = arith.index_cast %parallel_loop3A_405 : i32 to index
        %parallel_loop3A_587 = arith.constant 112 : index
        %parallel_loop3A_588 = tpu.vector_load %arg20[%parallel_loop3A_586, %parallel_loop3A_587] {strides = array<i32>} : memref<64x128xf32, #tpu.memory_space<vmem>>, vector<1x16xf32>,
        %parallel_loop3A_589 = vector.shape_cast %parallel_loop3A_588 : vector<1x16xf32> to vector<16xf32>
        %parallel_loop3A_590 = vector.shape_cast %parallel_loop3A_575 : vector<16xf32> to vector<1x16xf32>
        tpu.vector_store %arg20[%parallel_loop3A_586, %parallel_loop3A_587], %parallel_loop3A_590 {strides = array<i32>} : memref<64x128xf32, #tpu.memory_space<vmem>>, vector<1x16xf32>,
        %parallel_loop3A_591 = arith.addf %parallel_loop3A_399, %parallel_loop3A_560 : vector<16xf32>
        %parallel_loop3A_592 = arith.mulf %parallel_loop3A_560, %parallel_loop3A_560 : vector<16xf32>
        %parallel_loop3A_593 = arith.addf %parallel_loop3A_403, %parallel_loop3A_592 : vector<16xf32>
        %parallel_loop3A_594 = arith.constant 32 : i32
        %parallel_loop3A_595 = arith.addi %parallel_loop3A_395, %parallel_loop3A_594 : i32
        %parallel_loop3A_596 = arith.index_cast %parallel_loop3A_595 : i32 to index
        %parallel_loop3A_597 = arith.constant 0 : index
        %parallel_loop3A_598 = tpu.vector_load %arg20[%parallel_loop3A_596, %parallel_loop3A_597] {strides = array<i32>} : memref<64x128xf32, #tpu.memory_space<vmem>>, vector<1x16xf32>,
        %parallel_loop3A_599 = vector.shape_cast %parallel_loop3A_598 : vector<1x16xf32> to vector<16xf32>
        %parallel_loop3A_600 = arith.index_cast %parallel_loop3A_595 : i32 to index
        %parallel_loop3A_601 = arith.constant 0 : index
        %parallel_loop3A_602 = tpu.vector_load %arg18[%parallel_loop3A_600, %parallel_loop3A_601] {strides = array<i32>} : memref<64x128xf32, #tpu.memory_space<vmem>>, vector<1x16xf32>,
        %parallel_loop3A_603 = vector.shape_cast %parallel_loop3A_602 : vector<1x16xf32> to vector<16xf32>
        %parallel_loop3A_604 = arith.addf %parallel_loop3A_599, %parallel_loop3A_603 : vector<16xf32>
        %parallel_loop3A_605 = arith.index_cast %parallel_loop3A_395 : i32 to index
        %parallel_loop3A_606 = arith.constant 64 : index
        %parallel_loop3A_607 = tpu.vector_load %arg19[%parallel_loop3A_605, %parallel_loop3A_606] {strides = array<i32>} : memref<32x128xf32, #tpu.memory_space<vmem>>, vector<1x16xf32>,
        %parallel_loop3A_608 = vector.shape_cast %parallel_loop3A_607 : vector<1x16xf32> to vector<16xf32>
        %parallel_loop3A_609 = arith.addf %parallel_loop3A_604, %parallel_loop3A_608 : vector<16xf32>
        %parallel_loop3A_610 = arith.index_cast %parallel_loop3A_395 : i32 to index
        %parallel_loop3A_611 = arith.constant 64 : index
        %parallel_loop3A_612 = tpu.vector_load %arg19[%parallel_loop3A_610, %parallel_loop3A_611] {strides = array<i32>} : memref<32x128xf32, #tpu.memory_space<vmem>>, vector<1x16xf32>,
        %parallel_loop3A_613 = vector.shape_cast %parallel_loop3A_612 : vector<1x16xf32> to vector<16xf32>
        %parallel_loop3A_614 = vector.shape_cast %parallel_loop3A_609 : vector<16xf32> to vector<1x16xf32>
        tpu.vector_store %arg19[%parallel_loop3A_610, %parallel_loop3A_611], %parallel_loop3A_614 {strides = array<i32>} : memref<32x128xf32, #tpu.memory_space<vmem>>, vector<1x16xf32>,
        %parallel_loop3A_615 = arith.constant 0.000000e+00 : f32
        %parallel_loop3A_616 = vector.broadcast %parallel_loop3A_615 : f32 to vector<16xf32>
        %parallel_loop3A_617 = arith.subf %parallel_loop3A_616, %parallel_loop3A_609 : vector<16xf32>
        %parallel_loop3A_618 = math.exp %parallel_loop3A_617 : vector<16xf32>
        %parallel_loop3A_619 = arith.constant 1.000000e+00 : f32
        %parallel_loop3A_620 = vector.broadcast %parallel_loop3A_619 : f32 to vector<16xf32>
        %parallel_loop3A_621 = arith.addf %parallel_loop3A_620, %parallel_loop3A_618 : vector<16xf32>
        %parallel_loop3A_622 = arith.constant 1.000000e+00 : f32
        %parallel_loop3A_623 = vector.broadcast %parallel_loop3A_622 : f32 to vector<16xf32>
        %parallel_loop3A_624 = arith.divf %parallel_loop3A_623, %parallel_loop3A_621 : vector<16xf32>
        %parallel_loop3A_625 = arith.index_cast %parallel_loop3A_595 : i32 to index
        %parallel_loop3A_626 = arith.constant 64 : index
        %parallel_loop3A_627 = tpu.vector_load %arg18[%parallel_loop3A_625, %parallel_loop3A_626] {strides = array<i32>} : memref<64x128xf32, #tpu.memory_space<vmem>>, vector<1x16xf32>,
        %parallel_loop3A_628 = vector.shape_cast %parallel_loop3A_627 : vector<1x16xf32> to vector<16xf32>
        %parallel_loop3A_629 = arith.mulf %parallel_loop3A_624, %parallel_loop3A_628 : vector<16xf32>
        %parallel_loop3A_630 = arith.index_cast %parallel_loop3A_595 : i32 to index
        %parallel_loop3A_631 = arith.constant 0 : index
        %parallel_loop3A_632 = tpu.vector_load %arg20[%parallel_loop3A_630, %parallel_loop3A_631] {strides = array<i32>} : memref<64x128xf32, #tpu.memory_space<vmem>>, vector<1x16xf32>,
        %parallel_loop3A_633 = vector.shape_cast %parallel_loop3A_632 : vector<1x16xf32> to vector<16xf32>
        %parallel_loop3A_634 = vector.shape_cast %parallel_loop3A_629 : vector<16xf32> to vector<1x16xf32>
        tpu.vector_store %arg20[%parallel_loop3A_630, %parallel_loop3A_631], %parallel_loop3A_634 {strides = array<i32>} : memref<64x128xf32, #tpu.memory_space<vmem>>, vector<1x16xf32>,
        %parallel_loop3A_635 = arith.index_cast %parallel_loop3A_595 : i32 to index
        %parallel_loop3A_636 = arith.constant 64 : index
        %parallel_loop3A_637 = tpu.vector_load %arg20[%parallel_loop3A_635, %parallel_loop3A_636] {strides = array<i32>} : memref<64x128xf32, #tpu.memory_space<vmem>>, vector<1x16xf32>,
        %parallel_loop3A_638 = vector.shape_cast %parallel_loop3A_637 : vector<1x16xf32> to vector<16xf32>
        %parallel_loop3A_639 = vector.shape_cast %parallel_loop3A_624 : vector<16xf32> to vector<1x16xf32>
        tpu.vector_store %arg20[%parallel_loop3A_635, %parallel_loop3A_636], %parallel_loop3A_639 {strides = array<i32>} : memref<64x128xf32, #tpu.memory_space<vmem>>, vector<1x16xf32>,
        %parallel_loop3A_640 = arith.addf %parallel_loop3A_450, %parallel_loop3A_609 : vector<16xf32>
        %parallel_loop3A_641 = arith.mulf %parallel_loop3A_609, %parallel_loop3A_609 : vector<16xf32>
        %parallel_loop3A_642 = arith.addf %parallel_loop3A_452, %parallel_loop3A_641 : vector<16xf32>
        %parallel_loop3A_643 = arith.index_cast %parallel_loop3A_595 : i32 to index
        %parallel_loop3A_644 = arith.constant 16 : index
        %parallel_loop3A_645 = tpu.vector_load %arg20[%parallel_loop3A_643, %parallel_loop3A_644] {strides = array<i32>} : memref<64x128xf32, #tpu.memory_space<vmem>>, vector<1x16xf32>,
        %parallel_loop3A_646 = vector.shape_cast %parallel_loop3A_645 : vector<1x16xf32> to vector<16xf32>
        %parallel_loop3A_647 = arith.index_cast %parallel_loop3A_595 : i32 to index
        %parallel_loop3A_648 = arith.constant 16 : index
        %parallel_loop3A_649 = tpu.vector_load %arg18[%parallel_loop3A_647, %parallel_loop3A_648] {strides = array<i32>} : memref<64x128xf32, #tpu.memory_space<vmem>>, vector<1x16xf32>,
        %parallel_loop3A_650 = vector.shape_cast %parallel_loop3A_649 : vector<1x16xf32> to vector<16xf32>
        %parallel_loop3A_651 = arith.addf %parallel_loop3A_646, %parallel_loop3A_650 : vector<16xf32>
        %parallel_loop3A_652 = arith.index_cast %parallel_loop3A_395 : i32 to index
        %parallel_loop3A_653 = arith.constant 80 : index
        %parallel_loop3A_654 = tpu.vector_load %arg19[%parallel_loop3A_652, %parallel_loop3A_653] {strides = array<i32>} : memref<32x128xf32, #tpu.memory_space<vmem>>, vector<1x16xf32>,
        %parallel_loop3A_655 = vector.shape_cast %parallel_loop3A_654 : vector<1x16xf32> to vector<16xf32>
        %parallel_loop3A_656 = arith.addf %parallel_loop3A_651, %parallel_loop3A_655 : vector<16xf32>
        %parallel_loop3A_657 = arith.index_cast %parallel_loop3A_395 : i32 to index
        %parallel_loop3A_658 = arith.constant 80 : index
        %parallel_loop3A_659 = tpu.vector_load %arg19[%parallel_loop3A_657, %parallel_loop3A_658] {strides = array<i32>} : memref<32x128xf32, #tpu.memory_space<vmem>>, vector<1x16xf32>,
        %parallel_loop3A_660 = vector.shape_cast %parallel_loop3A_659 : vector<1x16xf32> to vector<16xf32>
        %parallel_loop3A_661 = vector.shape_cast %parallel_loop3A_656 : vector<16xf32> to vector<1x16xf32>
        tpu.vector_store %arg19[%parallel_loop3A_657, %parallel_loop3A_658], %parallel_loop3A_661 {strides = array<i32>} : memref<32x128xf32, #tpu.memory_space<vmem>>, vector<1x16xf32>,
        %parallel_loop3A_662 = arith.constant 0.000000e+00 : f32
        %parallel_loop3A_663 = vector.broadcast %parallel_loop3A_662 : f32 to vector<16xf32>
        %parallel_loop3A_664 = arith.subf %parallel_loop3A_663, %parallel_loop3A_656 : vector<16xf32>
        %parallel_loop3A_665 = math.exp %parallel_loop3A_664 : vector<16xf32>
        %parallel_loop3A_666 = arith.constant 1.000000e+00 : f32
        %parallel_loop3A_667 = vector.broadcast %parallel_loop3A_666 : f32 to vector<16xf32>
        %parallel_loop3A_668 = arith.addf %parallel_loop3A_667, %parallel_loop3A_665 : vector<16xf32>
        %parallel_loop3A_669 = arith.constant 1.000000e+00 : f32
        %parallel_loop3A_670 = vector.broadcast %parallel_loop3A_669 : f32 to vector<16xf32>
        %parallel_loop3A_671 = arith.divf %parallel_loop3A_670, %parallel_loop3A_668 : vector<16xf32>
        %parallel_loop3A_672 = arith.index_cast %parallel_loop3A_595 : i32 to index
        %parallel_loop3A_673 = arith.constant 80 : index
        %parallel_loop3A_674 = tpu.vector_load %arg18[%parallel_loop3A_672, %parallel_loop3A_673] {strides = array<i32>} : memref<64x128xf32, #tpu.memory_space<vmem>>, vector<1x16xf32>,
        %parallel_loop3A_675 = vector.shape_cast %parallel_loop3A_674 : vector<1x16xf32> to vector<16xf32>
        %parallel_loop3A_676 = arith.mulf %parallel_loop3A_671, %parallel_loop3A_675 : vector<16xf32>
        %parallel_loop3A_677 = arith.index_cast %parallel_loop3A_595 : i32 to index
        %parallel_loop3A_678 = arith.constant 16 : index
        %parallel_loop3A_679 = tpu.vector_load %arg20[%parallel_loop3A_677, %parallel_loop3A_678] {strides = array<i32>} : memref<64x128xf32, #tpu.memory_space<vmem>>, vector<1x16xf32>,
        %parallel_loop3A_680 = vector.shape_cast %parallel_loop3A_679 : vector<1x16xf32> to vector<16xf32>
        %parallel_loop3A_681 = vector.shape_cast %parallel_loop3A_676 : vector<16xf32> to vector<1x16xf32>
        tpu.vector_store %arg20[%parallel_loop3A_677, %parallel_loop3A_678], %parallel_loop3A_681 {strides = array<i32>} : memref<64x128xf32, #tpu.memory_space<vmem>>, vector<1x16xf32>,
        %parallel_loop3A_682 = arith.index_cast %parallel_loop3A_595 : i32 to index
        %parallel_loop3A_683 = arith.constant 80 : index
        %parallel_loop3A_684 = tpu.vector_load %arg20[%parallel_loop3A_682, %parallel_loop3A_683] {strides = array<i32>} : memref<64x128xf32, #tpu.memory_space<vmem>>, vector<1x16xf32>,
        %parallel_loop3A_685 = vector.shape_cast %parallel_loop3A_684 : vector<1x16xf32> to vector<16xf32>
        %parallel_loop3A_686 = vector.shape_cast %parallel_loop3A_671 : vector<16xf32> to vector<1x16xf32>
        tpu.vector_store %arg20[%parallel_loop3A_682, %parallel_loop3A_683], %parallel_loop3A_686 {strides = array<i32>} : memref<64x128xf32, #tpu.memory_space<vmem>>, vector<1x16xf32>,
        %parallel_loop3A_687 = arith.addf %parallel_loop3A_497, %parallel_loop3A_656 : vector<16xf32>
        %parallel_loop3A_688 = arith.mulf %parallel_loop3A_656, %parallel_loop3A_656 : vector<16xf32>
        %parallel_loop3A_689 = arith.addf %parallel_loop3A_499, %parallel_loop3A_688 : vector<16xf32>
        %parallel_loop3A_690 = arith.index_cast %parallel_loop3A_595 : i32 to index
        %parallel_loop3A_691 = arith.constant 32 : index
        %parallel_loop3A_692 = tpu.vector_load %arg20[%parallel_loop3A_690, %parallel_loop3A_691] {strides = array<i32>} : memref<64x128xf32, #tpu.memory_space<vmem>>, vector<1x16xf32>,
        %parallel_loop3A_693 = vector.shape_cast %parallel_loop3A_692 : vector<1x16xf32> to vector<16xf32>
        %parallel_loop3A_694 = arith.index_cast %parallel_loop3A_595 : i32 to index
        %parallel_loop3A_695 = arith.constant 32 : index
        %parallel_loop3A_696 = tpu.vector_load %arg18[%parallel_loop3A_694, %parallel_loop3A_695] {strides = array<i32>} : memref<64x128xf32, #tpu.memory_space<vmem>>, vector<1x16xf32>,
        %parallel_loop3A_697 = vector.shape_cast %parallel_loop3A_696 : vector<1x16xf32> to vector<16xf32>
        %parallel_loop3A_698 = arith.addf %parallel_loop3A_693, %parallel_loop3A_697 : vector<16xf32>
        %parallel_loop3A_699 = arith.index_cast %parallel_loop3A_395 : i32 to index
        %parallel_loop3A_700 = arith.constant 96 : index
        %parallel_loop3A_701 = tpu.vector_load %arg19[%parallel_loop3A_699, %parallel_loop3A_700] {strides = array<i32>} : memref<32x128xf32, #tpu.memory_space<vmem>>, vector<1x16xf32>,
        %parallel_loop3A_702 = vector.shape_cast %parallel_loop3A_701 : vector<1x16xf32> to vector<16xf32>
        %parallel_loop3A_703 = arith.addf %parallel_loop3A_698, %parallel_loop3A_702 : vector<16xf32>
        %parallel_loop3A_704 = arith.index_cast %parallel_loop3A_395 : i32 to index
        %parallel_loop3A_705 = arith.constant 96 : index
        %parallel_loop3A_706 = tpu.vector_load %arg19[%parallel_loop3A_704, %parallel_loop3A_705] {strides = array<i32>} : memref<32x128xf32, #tpu.memory_space<vmem>>, vector<1x16xf32>,
        %parallel_loop3A_707 = vector.shape_cast %parallel_loop3A_706 : vector<1x16xf32> to vector<16xf32>
        %parallel_loop3A_708 = vector.shape_cast %parallel_loop3A_703 : vector<16xf32> to vector<1x16xf32>
        tpu.vector_store %arg19[%parallel_loop3A_704, %parallel_loop3A_705], %parallel_loop3A_708 {strides = array<i32>} : memref<32x128xf32, #tpu.memory_space<vmem>>, vector<1x16xf32>,
        %parallel_loop3A_709 = arith.constant 0.000000e+00 : f32
        %parallel_loop3A_710 = vector.broadcast %parallel_loop3A_709 : f32 to vector<16xf32>
        %parallel_loop3A_711 = arith.subf %parallel_loop3A_710, %parallel_loop3A_703 : vector<16xf32>
        %parallel_loop3A_712 = math.exp %parallel_loop3A_711 : vector<16xf32>
        %parallel_loop3A_713 = arith.constant 1.000000e+00 : f32
        %parallel_loop3A_714 = vector.broadcast %parallel_loop3A_713 : f32 to vector<16xf32>
        %parallel_loop3A_715 = arith.addf %parallel_loop3A_714, %parallel_loop3A_712 : vector<16xf32>
        %parallel_loop3A_716 = arith.constant 1.000000e+00 : f32
        %parallel_loop3A_717 = vector.broadcast %parallel_loop3A_716 : f32 to vector<16xf32>
        %parallel_loop3A_718 = arith.divf %parallel_loop3A_717, %parallel_loop3A_715 : vector<16xf32>
        %parallel_loop3A_719 = arith.index_cast %parallel_loop3A_595 : i32 to index
        %parallel_loop3A_720 = arith.constant 96 : index
        %parallel_loop3A_721 = tpu.vector_load %arg18[%parallel_loop3A_719, %parallel_loop3A_720] {strides = array<i32>} : memref<64x128xf32, #tpu.memory_space<vmem>>, vector<1x16xf32>,
        %parallel_loop3A_722 = vector.shape_cast %parallel_loop3A_721 : vector<1x16xf32> to vector<16xf32>
        %parallel_loop3A_723 = arith.mulf %parallel_loop3A_718, %parallel_loop3A_722 : vector<16xf32>
        %parallel_loop3A_724 = arith.index_cast %parallel_loop3A_595 : i32 to index
        %parallel_loop3A_725 = arith.constant 32 : index
        %parallel_loop3A_726 = tpu.vector_load %arg20[%parallel_loop3A_724, %parallel_loop3A_725] {strides = array<i32>} : memref<64x128xf32, #tpu.memory_space<vmem>>, vector<1x16xf32>,
        %parallel_loop3A_727 = vector.shape_cast %parallel_loop3A_726 : vector<1x16xf32> to vector<16xf32>
        %parallel_loop3A_728 = vector.shape_cast %parallel_loop3A_723 : vector<16xf32> to vector<1x16xf32>
        tpu.vector_store %arg20[%parallel_loop3A_724, %parallel_loop3A_725], %parallel_loop3A_728 {strides = array<i32>} : memref<64x128xf32, #tpu.memory_space<vmem>>, vector<1x16xf32>,
        %parallel_loop3A_729 = arith.index_cast %parallel_loop3A_595 : i32 to index
        %parallel_loop3A_730 = arith.constant 96 : index
        %parallel_loop3A_731 = tpu.vector_load %arg20[%parallel_loop3A_729, %parallel_loop3A_730] {strides = array<i32>} : memref<64x128xf32, #tpu.memory_space<vmem>>, vector<1x16xf32>,
        %parallel_loop3A_732 = vector.shape_cast %parallel_loop3A_731 : vector<1x16xf32> to vector<16xf32>
        %parallel_loop3A_733 = vector.shape_cast %parallel_loop3A_718 : vector<16xf32> to vector<1x16xf32>
        tpu.vector_store %arg20[%parallel_loop3A_729, %parallel_loop3A_730], %parallel_loop3A_733 {strides = array<i32>} : memref<64x128xf32, #tpu.memory_space<vmem>>, vector<1x16xf32>,
        %parallel_loop3A_734 = arith.addf %parallel_loop3A_544, %parallel_loop3A_703 : vector<16xf32>
        %parallel_loop3A_735 = arith.mulf %parallel_loop3A_703, %parallel_loop3A_703 : vector<16xf32>
        %parallel_loop3A_736 = arith.addf %parallel_loop3A_546, %parallel_loop3A_735 : vector<16xf32>
        %parallel_loop3A_737 = arith.index_cast %parallel_loop3A_595 : i32 to index
        %parallel_loop3A_738 = arith.constant 48 : index
        %parallel_loop3A_739 = tpu.vector_load %arg20[%parallel_loop3A_737, %parallel_loop3A_738] {strides = array<i32>} : memref<64x128xf32, #tpu.memory_space<vmem>>, vector<1x16xf32>,
        %parallel_loop3A_740 = vector.shape_cast %parallel_loop3A_739 : vector<1x16xf32> to vector<16xf32>
        %parallel_loop3A_741 = arith.index_cast %parallel_loop3A_595 : i32 to index
        %parallel_loop3A_742 = arith.constant 48 : index
        %parallel_loop3A_743 = tpu.vector_load %arg18[%parallel_loop3A_741, %parallel_loop3A_742] {strides = array<i32>} : memref<64x128xf32, #tpu.memory_space<vmem>>, vector<1x16xf32>,
        %parallel_loop3A_744 = vector.shape_cast %parallel_loop3A_743 : vector<1x16xf32> to vector<16xf32>
        %parallel_loop3A_745 = arith.addf %parallel_loop3A_740, %parallel_loop3A_744 : vector<16xf32>
        %parallel_loop3A_746 = arith.index_cast %parallel_loop3A_395 : i32 to index
        %parallel_loop3A_747 = arith.constant 112 : index
        %parallel_loop3A_748 = tpu.vector_load %arg19[%parallel_loop3A_746, %parallel_loop3A_747] {strides = array<i32>} : memref<32x128xf32, #tpu.memory_space<vmem>>, vector<1x16xf32>,
        %parallel_loop3A_749 = vector.shape_cast %parallel_loop3A_748 : vector<1x16xf32> to vector<16xf32>
        %parallel_loop3A_750 = arith.addf %parallel_loop3A_745, %parallel_loop3A_749 : vector<16xf32>
        %parallel_loop3A_751 = arith.index_cast %parallel_loop3A_395 : i32 to index
        %parallel_loop3A_752 = arith.constant 112 : index
        %parallel_loop3A_753 = tpu.vector_load %arg19[%parallel_loop3A_751, %parallel_loop3A_752] {strides = array<i32>} : memref<32x128xf32, #tpu.memory_space<vmem>>, vector<1x16xf32>,
        %parallel_loop3A_754 = vector.shape_cast %parallel_loop3A_753 : vector<1x16xf32> to vector<16xf32>
        %parallel_loop3A_755 = vector.shape_cast %parallel_loop3A_750 : vector<16xf32> to vector<1x16xf32>
        tpu.vector_store %arg19[%parallel_loop3A_751, %parallel_loop3A_752], %parallel_loop3A_755 {strides = array<i32>} : memref<32x128xf32, #tpu.memory_space<vmem>>, vector<1x16xf32>,
        %parallel_loop3A_756 = arith.constant 0.000000e+00 : f32
        %parallel_loop3A_757 = vector.broadcast %parallel_loop3A_756 : f32 to vector<16xf32>
        %parallel_loop3A_758 = arith.subf %parallel_loop3A_757, %parallel_loop3A_750 : vector<16xf32>
        %parallel_loop3A_759 = math.exp %parallel_loop3A_758 : vector<16xf32>
        %parallel_loop3A_760 = arith.constant 1.000000e+00 : f32
        %parallel_loop3A_761 = vector.broadcast %parallel_loop3A_760 : f32 to vector<16xf32>
        %parallel_loop3A_762 = arith.addf %parallel_loop3A_761, %parallel_loop3A_759 : vector<16xf32>
        %parallel_loop3A_763 = arith.constant 1.000000e+00 : f32
        %parallel_loop3A_764 = vector.broadcast %parallel_loop3A_763 : f32 to vector<16xf32>
        %parallel_loop3A_765 = arith.divf %parallel_loop3A_764, %parallel_loop3A_762 : vector<16xf32>
        %parallel_loop3A_766 = arith.index_cast %parallel_loop3A_595 : i32 to index
        %parallel_loop3A_767 = arith.constant 112 : index
        %parallel_loop3A_768 = tpu.vector_load %arg18[%parallel_loop3A_766, %parallel_loop3A_767] {strides = array<i32>} : memref<64x128xf32, #tpu.memory_space<vmem>>, vector<1x16xf32>,
        %parallel_loop3A_769 = vector.shape_cast %parallel_loop3A_768 : vector<1x16xf32> to vector<16xf32>
        %parallel_loop3A_770 = arith.mulf %parallel_loop3A_765, %parallel_loop3A_769 : vector<16xf32>
        %parallel_loop3A_771 = arith.index_cast %parallel_loop3A_595 : i32 to index
        %parallel_loop3A_772 = arith.constant 48 : index
        %parallel_loop3A_773 = tpu.vector_load %arg20[%parallel_loop3A_771, %parallel_loop3A_772] {strides = array<i32>} : memref<64x128xf32, #tpu.memory_space<vmem>>, vector<1x16xf32>,
        %parallel_loop3A_774 = vector.shape_cast %parallel_loop3A_773 : vector<1x16xf32> to vector<16xf32>
        %parallel_loop3A_775 = vector.shape_cast %parallel_loop3A_770 : vector<16xf32> to vector<1x16xf32>
        tpu.vector_store %arg20[%parallel_loop3A_771, %parallel_loop3A_772], %parallel_loop3A_775 {strides = array<i32>} : memref<64x128xf32, #tpu.memory_space<vmem>>, vector<1x16xf32>,
        %parallel_loop3A_776 = arith.index_cast %parallel_loop3A_595 : i32 to index
        %parallel_loop3A_777 = arith.constant 112 : index
        %parallel_loop3A_778 = tpu.vector_load %arg20[%parallel_loop3A_776, %parallel_loop3A_777] {strides = array<i32>} : memref<64x128xf32, #tpu.memory_space<vmem>>, vector<1x16xf32>,
        %parallel_loop3A_779 = vector.shape_cast %parallel_loop3A_778 : vector<1x16xf32> to vector<16xf32>
        %parallel_loop3A_780 = vector.shape_cast %parallel_loop3A_765 : vector<16xf32> to vector<1x16xf32>
        tpu.vector_store %arg20[%parallel_loop3A_776, %parallel_loop3A_777], %parallel_loop3A_780 {strides = array<i32>} : memref<64x128xf32, #tpu.memory_space<vmem>>, vector<1x16xf32>,
        %parallel_loop3A_781 = arith.addf %parallel_loop3A_591, %parallel_loop3A_750 : vector<16xf32>
        %parallel_loop3A_782 = arith.mulf %parallel_loop3A_750, %parallel_loop3A_750 : vector<16xf32>
        %parallel_loop3A_783 = arith.addf %parallel_loop3A_593, %parallel_loop3A_782 : vector<16xf32>
        scf.yield %parallel_loop3A_640, %parallel_loop3A_687, %parallel_loop3A_734, %parallel_loop3A_781, %parallel_loop3A_642, %parallel_loop3A_689, %parallel_loop3A_736, %parallel_loop3A_783 : vector<16xf32>, vector<16xf32>, vector<16xf32>, vector<16xf32>, vector<16xf32>, vector<16xf32>, vector<16xf32>, vector<16xf32>
      } {sc.loop_unroll_factor = 2 : i64, sc.parallel_access}
      %mul3A_354 = arith.constant 32 : i32
      %mul3A_355 = arith.muli %add3A_106, %mul3A_354 : i32
      %dma_start3A_356 = arith.constant 0 : i32
      %dma_start3A_357 = tpu.memref_slice %arg6[%arg0, %mul3A_355, %dma_start3A_356] : memref<2x160000x128xf32, #tpu.memory_space<hbm>> -> memref<1x32x128xf32, #tpu.memory_space<hbm>>
      %dma_start3A_358 = tpu.memref_squeeze %dma_start3A_357 : memref<1x32x128xf32, #tpu.memory_space<hbm>> -> memref<32x128xf32, #tpu.memory_space<hbm>>
      %dma_start3A_359 = arith.constant 0 : i32
      %dma_start3A_360 = tpu.memref_slice %arg6[%arg0, %mul3A_355, %dma_start3A_359] : memref<2x160000x128xf32, #tpu.memory_space<hbm>> -> memref<1x32x128xf32, #tpu.memory_space<hbm>>
      %dma_start3A_361 = tpu.memref_squeeze %dma_start3A_360 : memref<1x32x128xf32, #tpu.memory_space<hbm>> -> memref<32x128xf32, #tpu.memory_space<hbm>>
      tpu.enqueue_dma source(%arg19 : memref<32x128xf32, #tpu.memory_space<vmem>>) target(%dma_start3A_361 : memref<32x128xf32, #tpu.memory_space<hbm>>) target_semaphore(%arg29 : memref<!tpu.dma_semaphore, #tpu.memory_space<semaphore_mem>>)
      %dma_start3A_362 = arith.constant 1 : i32
      %dma_start3A_363 = arith.constant 0 : i32
      %dma_start3A_364 = tpu.memref_slice %arg15[%dma_start3A_362, %dma_start3A_363] : memref<2x64xi32, #tpu.memory_space<vmem>> -> memref<1x64xi32, #tpu.memory_space<vmem>>
      %dma_start3A_365 = tpu.memref_squeeze %dma_start3A_364 : memref<1x64xi32, #tpu.memory_space<vmem>> -> memref<64xi32, #tpu.memory_space<vmem>>
      %dma_start3A_366 = arith.constant 0 : i32
      %dma_start3A_367 = arith.constant 0 : i32
      %dma_start3A_368 = tpu.memref_slice %arg22[%dma_start3A_366, %dma_start3A_367] : memref<10000x128xf32, #tpu.memory_space<vmem_shared>> -> memref<10000x128xf32, #tpu.memory_space<vmem_shared>>
      tpu.enqueue_indirect_dma source(%arg20 : memref<64x128xf32, #tpu.memory_space<vmem>>) target(%dma_start3A_368 : memref<10000x128xf32, #tpu.memory_space<vmem_shared>>) offsets(%dma_start3A_365 : memref<64xi32, #tpu.memory_space<vmem>>) semaphore(%arg30 : memref<!tpu.dma_semaphore, #tpu.memory_space<semaphore_mem>>) {add = true}
      %dma_wait3A_369 = arith.constant 0 : i32
      %dma_wait3A_370 = tpu.memref_slice %arg6[%arg0, %mul3A_324, %dma_wait3A_369] : memref<2x160000x128xf32, #tpu.memory_space<hbm>> -> memref<1x32x128xf32, #tpu.memory_space<hbm>>
      %dma_wait3A_371 = tpu.memref_squeeze %dma_wait3A_370 : memref<1x32x128xf32, #tpu.memory_space<hbm>> -> memref<32x128xf32, #tpu.memory_space<hbm>>
      %dma_wait3A_372 = arith.constant 0 : i32
      %dma_wait3A_373 = tpu.memref_slice %arg6[%arg0, %mul3A_324, %dma_wait3A_372] : memref<2x160000x128xf32, #tpu.memory_space<hbm>> -> memref<1x32x128xf32, #tpu.memory_space<hbm>>
      %dma_wait3A_374 = tpu.memref_squeeze %dma_wait3A_373 : memref<1x32x128xf32, #tpu.memory_space<hbm>> -> memref<32x128xf32, #tpu.memory_space<hbm>>
      tpu.wait_dma2 semaphore(%arg25 : memref<!tpu.dma_semaphore, #tpu.memory_space<semaphore_mem>>) src(%arg13 : memref<32x128xf32, #tpu.memory_space<vmem>>) dst(%dma_wait3A_374 : memref<32x128xf32, #tpu.memory_space<hbm>>)
      %dma_wait3A_375 = arith.constant 1 : i32
      %dma_wait3A_376 = arith.constant 0 : i32
      %dma_wait3A_377 = tpu.memref_slice %arg9[%dma_wait3A_375, %dma_wait3A_376] : memref<2x64xi32, #tpu.memory_space<vmem>> -> memref<1x64xi32, #tpu.memory_space<vmem>>
      %dma_wait3A_378 = tpu.memref_squeeze %dma_wait3A_377 : memref<1x64xi32, #tpu.memory_space<vmem>> -> memref<64xi32, #tpu.memory_space<vmem>>
      %dma_wait3A_379 = arith.constant 0 : i32
      %dma_wait3A_380 = arith.constant 0 : i32
      %dma_wait3A_381 = tpu.memref_slice %arg22[%dma_wait3A_379, %dma_wait3A_380] : memref<10000x128xf32, #tpu.memory_space<vmem_shared>> -> memref<10000x128xf32, #tpu.memory_space<vmem_shared>>
      tpu.wait_indirect_dma semaphore(%arg26 : memref<!tpu.dma_semaphore, #tpu.memory_space<semaphore_mem>>) src(%arg14 : memref<64x128xf32, #tpu.memory_space<vmem>>) dst(%dma_wait3A_381 : memref<10000x128xf32, #tpu.memory_space<vmem_shared>>)
      %dma_wait3A_382 = arith.constant 0 : i32
      %dma_wait3A_383 = tpu.memref_slice %arg6[%arg0, %mul3A_355, %dma_wait3A_382] : memref<2x160000x128xf32, #tpu.memory_space<hbm>> -> memref<1x32x128xf32, #tpu.memory_space<hbm>>
      %dma_wait3A_384 = tpu.memref_squeeze %dma_wait3A_383 : memref<1x32x128xf32, #tpu.memory_space<hbm>> -> memref<32x128xf32, #tpu.memory_space<hbm>>
      %dma_wait3A_385 = arith.constant 0 : i32
      %dma_wait3A_386 = tpu.memref_slice %arg6[%arg0, %mul3A_355, %dma_wait3A_385] : memref<2x160000x128xf32, #tpu.memory_space<hbm>> -> memref<1x32x128xf32, #tpu.memory_space<hbm>>
      %dma_wait3A_387 = tpu.memref_squeeze %dma_wait3A_386 : memref<1x32x128xf32, #tpu.memory_space<hbm>> -> memref<32x128xf32, #tpu.memory_space<hbm>>
      tpu.wait_dma2 semaphore(%arg29 : memref<!tpu.dma_semaphore, #tpu.memory_space<semaphore_mem>>) src(%arg19 : memref<32x128xf32, #tpu.memory_space<vmem>>) dst(%dma_wait3A_387 : memref<32x128xf32, #tpu.memory_space<hbm>>)
      %dma_wait3A_388 = arith.constant 1 : i32
      %dma_wait3A_389 = arith.constant 0 : i32
      %dma_wait3A_390 = tpu.memref_slice %arg15[%dma_wait3A_388, %dma_wait3A_389] : memref<2x64xi32, #tpu.memory_space<vmem>> -> memref<1x64xi32, #tpu.memory_space<vmem>>
      %dma_wait3A_391 = tpu.memref_squeeze %dma_wait3A_390 : memref<1x64xi32, #tpu.memory_space<vmem>> -> memref<64xi32, #tpu.memory_space<vmem>>
      %dma_wait3A_392 = arith.constant 0 : i32
      %dma_wait3A_393 = arith.constant 0 : i32
      %dma_wait3A_394 = tpu.memref_slice %arg22[%dma_wait3A_392, %dma_wait3A_393] : memref<10000x128xf32, #tpu.memory_space<vmem_shared>> -> memref<10000x128xf32, #tpu.memory_space<vmem_shared>>
      tpu.wait_indirect_dma semaphore(%arg30 : memref<!tpu.dma_semaphore, #tpu.memory_space<semaphore_mem>>) src(%arg20 : memref<64x128xf32, #tpu.memory_space<vmem>>) dst(%dma_wait3A_394 : memref<10000x128xf32, #tpu.memory_space<vmem_shared>>)
      scf.yield %parallel_loop3A_353#0, %parallel_loop3A_353#1, %parallel_loop3A_353#2, %parallel_loop3A_353#3, %parallel_loop3A_353#4, %parallel_loop3A_353#5, %parallel_loop3A_353#6, %parallel_loop3A_353#7 : vector<16xf32>, vector<16xf32>, vector<16xf32>, vector<16xf32>, vector<16xf32>, vector<16xf32>, vector<16xf32>, vector<16xf32>
    }
    %swap3A = arith.constant 0 : i32
    %swap3A_35 = arith.index_cast %swap3A : i32 to index
    %swap3A_36 = arith.constant 0 : index
    %swap3A_37 = tpu.vector_load %arg21[%swap3A_35, %swap3A_36] {strides = array<i32>} : memref<8x128xf32, #tpu.memory_space<vmem>>, vector<1x16xf32>,
    %swap3A_38 = vector.shape_cast %swap3A_37 : vector<1x16xf32> to vector<16xf32>
    %swap3A_39 = vector.shape_cast %while3A_34#0 : vector<16xf32> to vector<1x16xf32>
    tpu.vector_store %arg21[%swap3A_35, %swap3A_36], %swap3A_39 {strides = array<i32>} : memref<8x128xf32, #tpu.memory_space<vmem>>, vector<1x16xf32>,
    %swap3A_40 = arith.constant 0 : i32
    %swap3A_41 = arith.index_cast %swap3A_40 : i32 to index
    %swap3A_42 = arith.constant 64 : index
    %swap3A_43 = tpu.vector_load %arg21[%swap3A_41, %swap3A_42] {strides = array<i32>} : memref<8x128xf32, #tpu.memory_space<vmem>>, vector<1x16xf32>,
    %swap3A_44 = vector.shape_cast %swap3A_43 : vector<1x16xf32> to vector<16xf32>
    %swap3A_45 = vector.shape_cast %while3A_34#4 : vector<16xf32> to vector<1x16xf32>
    tpu.vector_store %arg21[%swap3A_41, %swap3A_42], %swap3A_45 {strides = array<i32>} : memref<8x128xf32, #tpu.memory_space<vmem>>, vector<1x16xf32>,
    %swap3A_46 = arith.constant 0 : i32
    %swap3A_47 = arith.index_cast %swap3A_46 : i32 to index
    %swap3A_48 = arith.constant 16 : index
    %swap3A_49 = tpu.vector_load %arg21[%swap3A_47, %swap3A_48] {strides = array<i32>} : memref<8x128xf32, #tpu.memory_space<vmem>>, vector<1x16xf32>,
    %swap3A_50 = vector.shape_cast %swap3A_49 : vector<1x16xf32> to vector<16xf32>
    %swap3A_51 = vector.shape_cast %while3A_34#1 : vector<16xf32> to vector<1x16xf32>
    tpu.vector_store %arg21[%swap3A_47, %swap3A_48], %swap3A_51 {strides = array<i32>} : memref<8x128xf32, #tpu.memory_space<vmem>>, vector<1x16xf32>,
    %swap3A_52 = arith.constant 0 : i32
    %swap3A_53 = arith.index_cast %swap3A_52 : i32 to index
    %swap3A_54 = arith.constant 80 : index
    %swap3A_55 = tpu.vector_load %arg21[%swap3A_53, %swap3A_54] {strides = array<i32>} : memref<8x128xf32, #tpu.memory_space<vmem>>, vector<1x16xf32>,
    %swap3A_56 = vector.shape_cast %swap3A_55 : vector<1x16xf32> to vector<16xf32>
    %swap3A_57 = vector.shape_cast %while3A_34#5 : vector<16xf32> to vector<1x16xf32>
    tpu.vector_store %arg21[%swap3A_53, %swap3A_54], %swap3A_57 {strides = array<i32>} : memref<8x128xf32, #tpu.memory_space<vmem>>, vector<1x16xf32>,
    %swap3A_58 = arith.constant 0 : i32
    %swap3A_59 = arith.index_cast %swap3A_58 : i32 to index
    %swap3A_60 = arith.constant 32 : index
    %swap3A_61 = tpu.vector_load %arg21[%swap3A_59, %swap3A_60] {strides = array<i32>} : memref<8x128xf32, #tpu.memory_space<vmem>>, vector<1x16xf32>,
    %swap3A_62 = vector.shape_cast %swap3A_61 : vector<1x16xf32> to vector<16xf32>
    %swap3A_63 = vector.shape_cast %while3A_34#2 : vector<16xf32> to vector<1x16xf32>
    tpu.vector_store %arg21[%swap3A_59, %swap3A_60], %swap3A_63 {strides = array<i32>} : memref<8x128xf32, #tpu.memory_space<vmem>>, vector<1x16xf32>,
    %swap3A_64 = arith.constant 0 : i32
    %swap3A_65 = arith.index_cast %swap3A_64 : i32 to index
    %swap3A_66 = arith.constant 96 : index
    %swap3A_67 = tpu.vector_load %arg21[%swap3A_65, %swap3A_66] {strides = array<i32>} : memref<8x128xf32, #tpu.memory_space<vmem>>, vector<1x16xf32>,
    %swap3A_68 = vector.shape_cast %swap3A_67 : vector<1x16xf32> to vector<16xf32>
    %swap3A_69 = vector.shape_cast %while3A_34#6 : vector<16xf32> to vector<1x16xf32>
    tpu.vector_store %arg21[%swap3A_65, %swap3A_66], %swap3A_69 {strides = array<i32>} : memref<8x128xf32, #tpu.memory_space<vmem>>, vector<1x16xf32>,
    %swap3A_70 = arith.constant 0 : i32
    %swap3A_71 = arith.index_cast %swap3A_70 : i32 to index
    %swap3A_72 = arith.constant 48 : index
    %swap3A_73 = tpu.vector_load %arg21[%swap3A_71, %swap3A_72] {strides = array<i32>} : memref<8x128xf32, #tpu.memory_space<vmem>>, vector<1x16xf32>,
    %swap3A_74 = vector.shape_cast %swap3A_73 : vector<1x16xf32> to vector<16xf32>
    %swap3A_75 = vector.shape_cast %while3A_34#3 : vector<16xf32> to vector<1x16xf32>
    tpu.vector_store %arg21[%swap3A_71, %swap3A_72], %swap3A_75 {strides = array<i32>} : memref<8x128xf32, #tpu.memory_space<vmem>>, vector<1x16xf32>,
    %swap3A_76 = arith.constant 0 : i32
    %swap3A_77 = arith.index_cast %swap3A_76 : i32 to index
    %swap3A_78 = arith.constant 112 : index
    %swap3A_79 = tpu.vector_load %arg21[%swap3A_77, %swap3A_78] {strides = array<i32>} : memref<8x128xf32, #tpu.memory_space<vmem>>, vector<1x16xf32>,
    %swap3A_80 = vector.shape_cast %swap3A_79 : vector<1x16xf32> to vector<16xf32>
    %swap3A_81 = vector.shape_cast %while3A_34#7 : vector<16xf32> to vector<1x16xf32>
    tpu.vector_store %arg21[%swap3A_77, %swap3A_78], %swap3A_81 {strides = array<i32>} : memref<8x128xf32, #tpu.memory_space<vmem>>, vector<1x16xf32>,
    "tpu.region"() ({
      %run_scoped3A = tpu.sem_alloc : memref<!tpu.dma_semaphore, #tpu.memory_space<semaphore_mem>>
      %dma_start3A = arith.constant 0 : i32
      %dma_start3A_90 = arith.constant 0 : i32
      %dma_start3A_91 = tpu.memref_slice %arg8[%arg0, %arg1, %dma_start3A, %dma_start3A_90] : memref<2x16x8x128xf32, #tpu.memory_space<hbm>> -> memref<1x1x8x128xf32, #tpu.memory_space<hbm>>
      %dma_start3A_92 = tpu.memref_squeeze %dma_start3A_91 : memref<1x1x8x128xf32, #tpu.memory_space<hbm>> -> memref<8x128xf32, #tpu.memory_space<hbm>>
      %dma_start3A_93 = arith.constant 0 : i32
      %dma_start3A_94 = arith.constant 0 : i32
      %dma_start3A_95 = tpu.memref_slice %arg8[%arg0, %arg1, %dma_start3A_93, %dma_start3A_94] : memref<2x16x8x128xf32, #tpu.memory_space<hbm>> -> memref<1x1x8x128xf32, #tpu.memory_space<hbm>>
      %dma_start3A_96 = tpu.memref_squeeze %dma_start3A_95 : memref<1x1x8x128xf32, #tpu.memory_space<hbm>> -> memref<8x128xf32, #tpu.memory_space<hbm>>
      tpu.enqueue_dma source(%arg21 : memref<8x128xf32, #tpu.memory_space<vmem>>) target(%dma_start3A_96 : memref<8x128xf32, #tpu.memory_space<hbm>>) target_semaphore(%run_scoped3A : memref<!tpu.dma_semaphore, #tpu.memory_space<semaphore_mem>>)
      %dma_wait3A = arith.constant 0 : i32
      %dma_wait3A_97 = arith.constant 0 : i32
      %dma_wait3A_98 = tpu.memref_slice %arg8[%arg0, %arg1, %dma_wait3A, %dma_wait3A_97] : memref<2x16x8x128xf32, #tpu.memory_space<hbm>> -> memref<1x1x8x128xf32, #tpu.memory_space<hbm>>
      %dma_wait3A_99 = tpu.memref_squeeze %dma_wait3A_98 : memref<1x1x8x128xf32, #tpu.memory_space<hbm>> -> memref<8x128xf32, #tpu.memory_space<hbm>>
      %dma_wait3A_100 = arith.constant 0 : i32
      %dma_wait3A_101 = arith.constant 0 : i32
      %dma_wait3A_102 = tpu.memref_slice %arg8[%arg0, %arg1, %dma_wait3A_100, %dma_wait3A_101] : memref<2x16x8x128xf32, #tpu.memory_space<hbm>> -> memref<1x1x8x128xf32, #tpu.memory_space<hbm>>
      %dma_wait3A_103 = tpu.memref_squeeze %dma_wait3A_102 : memref<1x1x8x128xf32, #tpu.memory_space<hbm>> -> memref<8x128xf32, #tpu.memory_space<hbm>>
      tpu.wait_dma2 semaphore(%run_scoped3A : memref<!tpu.dma_semaphore, #tpu.memory_space<semaphore_mem>>) src(%arg21 : memref<8x128xf32, #tpu.memory_space<vmem>>) dst(%dma_wait3A_103 : memref<8x128xf32, #tpu.memory_space<hbm>>)
      tpu.yield
    }) : () -> ()
    %barrier3A_82 = arith.constant 0 : index
    tpu.barrier barrier_id(%barrier3A_82)
    %scan3A_83 = arith.constant 0 : i32
    %scan3A_84 = arith.constant 10 : i32
    %scan3A_85 = arith.addi %scan3A_83, %scan3A_84 : i32
    %scan3A_86 = arith.constant 1 : i32
    scf.for %scan3A_90 = %scan3A_83 to %scan3A_85 step %scan3A_86  : i32 {
      %mul3A_91 = arith.constant 1 : i32
      %mul3A_92 = arith.muli %scan3A_90, %mul3A_91 : i32
      %add3A_93 = arith.constant 0 : i32
      %add3A_94 = arith.addi %add3A_93, %mul3A_92 : i32
      %mul3A_95 = arith.constant 624 : i32
      %mul3A_96 = arith.muli %arg1, %mul3A_95 : i32
      %mul3A_97 = arith.constant 64 : i32
      %mul3A_98 = arith.muli %add3A_94, %mul3A_97 : i32
      %add3A_99 = arith.addi %mul3A_96, %mul3A_98 : i32
      "tpu.region"() ({
        %run_scoped3A = tpu.sem_alloc : memref<!tpu.dma_semaphore, #tpu.memory_space<semaphore_mem>>
        %dma_start3A = arith.constant 0 : i32
        %dma_start3A_105 = tpu.memref_slice %arg22[%add3A_99, %dma_start3A] : memref<10000x128xf32, #tpu.memory_space<vmem_shared>> -> memref<64x128xf32, #tpu.memory_space<vmem_shared>>
        %dma_start3A_106 = arith.constant 0 : i32
        %dma_start3A_107 = tpu.memref_slice %arg22[%add3A_99, %dma_start3A_106] : memref<10000x128xf32, #tpu.memory_space<vmem_shared>> -> memref<64x128xf32, #tpu.memory_space<vmem_shared>>
        tpu.enqueue_dma source(%dma_start3A_107 : memref<64x128xf32, #tpu.memory_space<vmem_shared>>) target(%arg14 : memref<64x128xf32, #tpu.memory_space<vmem>>) target_semaphore(%run_scoped3A : memref<!tpu.dma_semaphore, #tpu.memory_space<semaphore_mem>>)
        %dma_wait3A = arith.constant 0 : i32
        %dma_wait3A_108 = tpu.memref_slice %arg22[%add3A_99, %dma_wait3A] : memref<10000x128xf32, #tpu.memory_space<vmem_shared>> -> memref<64x128xf32, #tpu.memory_space<vmem_shared>>
        %dma_wait3A_109 = arith.constant 0 : i32
        %dma_wait3A_110 = tpu.memref_slice %arg22[%add3A_99, %dma_wait3A_109] : memref<10000x128xf32, #tpu.memory_space<vmem_shared>> -> memref<64x128xf32, #tpu.memory_space<vmem_shared>>
        tpu.wait_dma2 semaphore(%run_scoped3A : memref<!tpu.dma_semaphore, #tpu.memory_space<semaphore_mem>>) src(%dma_wait3A_110 : memref<64x128xf32, #tpu.memory_space<vmem_shared>>) dst(%arg14 : memref<64x128xf32, #tpu.memory_space<vmem>>)
        tpu.yield
      }) : () -> ()
      %mul3A_100 = arith.constant 624 : i32
      %mul3A_101 = arith.muli %arg1, %mul3A_100 : i32
      %mul3A_102 = arith.constant 64 : i32
      %mul3A_103 = arith.muli %add3A_94, %mul3A_102 : i32
      %add3A_104 = arith.addi %mul3A_101, %mul3A_103 : i32
      "tpu.region"() ({
        %run_scoped3A = tpu.sem_alloc : memref<!tpu.dma_semaphore, #tpu.memory_space<semaphore_mem>>
        %dma_start3A = arith.constant 0 : i32
        %dma_start3A_105 = tpu.memref_slice %arg7[%arg0, %add3A_104, %dma_start3A] : memref<2x10000x128xf32, #tpu.memory_space<hbm>> -> memref<1x64x128xf32, #tpu.memory_space<hbm>>
        %dma_start3A_106 = tpu.memref_squeeze %dma_start3A_105 : memref<1x64x128xf32, #tpu.memory_space<hbm>> -> memref<64x128xf32, #tpu.memory_space<hbm>>
        %dma_start3A_107 = arith.constant 0 : i32
        %dma_start3A_108 = tpu.memref_slice %arg7[%arg0, %add3A_104, %dma_start3A_107] : memref<2x10000x128xf32, #tpu.memory_space<hbm>> -> memref<1x64x128xf32, #tpu.memory_space<hbm>>
        %dma_start3A_109 = tpu.memref_squeeze %dma_start3A_108 : memref<1x64x128xf32, #tpu.memory_space<hbm>> -> memref<64x128xf32, #tpu.memory_space<hbm>>
        tpu.enqueue_dma source(%arg14 : memref<64x128xf32, #tpu.memory_space<vmem>>) target(%dma_start3A_109 : memref<64x128xf32, #tpu.memory_space<hbm>>) target_semaphore(%run_scoped3A : memref<!tpu.dma_semaphore, #tpu.memory_space<semaphore_mem>>)
        %dma_wait3A = arith.constant 0 : i32
        %dma_wait3A_110 = tpu.memref_slice %arg7[%arg0, %add3A_104, %dma_wait3A] : memref<2x10000x128xf32, #tpu.memory_space<hbm>> -> memref<1x64x128xf32, #tpu.memory_space<hbm>>
        %dma_wait3A_111 = tpu.memref_squeeze %dma_wait3A_110 : memref<1x64x128xf32, #tpu.memory_space<hbm>> -> memref<64x128xf32, #tpu.memory_space<hbm>>
        %dma_wait3A_112 = arith.constant 0 : i32
        %dma_wait3A_113 = tpu.memref_slice %arg7[%arg0, %add3A_104, %dma_wait3A_112] : memref<2x10000x128xf32, #tpu.memory_space<hbm>> -> memref<1x64x128xf32, #tpu.memory_space<hbm>>
        %dma_wait3A_114 = tpu.memref_squeeze %dma_wait3A_113 : memref<1x64x128xf32, #tpu.memory_space<hbm>> -> memref<64x128xf32, #tpu.memory_space<hbm>>
        tpu.wait_dma2 semaphore(%run_scoped3A : memref<!tpu.dma_semaphore, #tpu.memory_space<semaphore_mem>>) src(%arg14 : memref<64x128xf32, #tpu.memory_space<vmem>>) dst(%dma_wait3A_114 : memref<64x128xf32, #tpu.memory_space<hbm>>)
        tpu.yield
      }) : () -> ()
    }
    %scan3A_87 = arith.constant 10 : i32
    %eq3A = arith.constant 15 : i32
    %eq3A_88 = arith.cmpi eq, %arg1, %eq3A : i32
    %convert_element_type3A = arith.extui %eq3A_88 : i1 to i32
    %cond3A = arith.constant 0 : i32
    %cond3A_89 = arith.cmpi ne, %convert_element_type3A, %cond3A : i32
    scf.if %cond3A_89 {
      "tpu.region"() ({
        %run_scoped3A = tpu.sem_alloc : memref<!tpu.dma_semaphore, #tpu.memory_space<semaphore_mem>>
        %dma_start3A = arith.constant 0 : i32
        %dma_start3A_90 = arith.constant 0 : i32
        %dma_start3A_91 = tpu.memref_slice %arg14[%dma_start3A, %dma_start3A_90] : memref<64x128xf32, #tpu.memory_space<vmem>> -> memref<16x128xf32, #tpu.memory_space<vmem>>
        %dma_start3A_92 = arith.constant 9984 : i32
        %dma_start3A_93 = arith.constant 0 : i32
        %dma_start3A_94 = tpu.memref_slice %arg22[%dma_start3A_92, %dma_start3A_93] : memref<10000x128xf32, #tpu.memory_space<vmem_shared>> -> memref<16x128xf32, #tpu.memory_space<vmem_shared>>
        %dma_start3A_95 = arith.constant 0 : i32
        %dma_start3A_96 = arith.constant 0 : i32
        %dma_start3A_97 = tpu.memref_slice %arg14[%dma_start3A_95, %dma_start3A_96] : memref<64x128xf32, #tpu.memory_space<vmem>> -> memref<16x128xf32, #tpu.memory_space<vmem>>
        %dma_start3A_98 = arith.constant 9984 : i32
        %dma_start3A_99 = arith.constant 0 : i32
        %dma_start3A_100 = tpu.memref_slice %arg22[%dma_start3A_98, %dma_start3A_99] : memref<10000x128xf32, #tpu.memory_space<vmem_shared>> -> memref<16x128xf32, #tpu.memory_space<vmem_shared>>
        tpu.enqueue_dma source(%dma_start3A_100 : memref<16x128xf32, #tpu.memory_space<vmem_shared>>) target(%dma_start3A_97 : memref<16x128xf32, #tpu.memory_space<vmem>>) target_semaphore(%run_scoped3A : memref<!tpu.dma_semaphore, #tpu.memory_space<semaphore_mem>>)
        %dma_wait3A = arith.constant 0 : i32
        %dma_wait3A_101 = arith.constant 0 : i32
        %dma_wait3A_102 = tpu.memref_slice %arg14[%dma_wait3A, %dma_wait3A_101] : memref<64x128xf32, #tpu.memory_space<vmem>> -> memref<16x128xf32, #tpu.memory_space<vmem>>
        %dma_wait3A_103 = arith.constant 9984 : i32
        %dma_wait3A_104 = arith.constant 0 : i32
        %dma_wait3A_105 = tpu.memref_slice %arg22[%dma_wait3A_103, %dma_wait3A_104] : memref<10000x128xf32, #tpu.memory_space<vmem_shared>> -> memref<16x128xf32, #tpu.memory_space<vmem_shared>>
        %dma_wait3A_106 = arith.constant 0 : i32
        %dma_wait3A_107 = arith.constant 0 : i32
        %dma_wait3A_108 = tpu.memref_slice %arg14[%dma_wait3A_106, %dma_wait3A_107] : memref<64x128xf32, #tpu.memory_space<vmem>> -> memref<16x128xf32, #tpu.memory_space<vmem>>
        %dma_wait3A_109 = arith.constant 9984 : i32
        %dma_wait3A_110 = arith.constant 0 : i32
        %dma_wait3A_111 = tpu.memref_slice %arg22[%dma_wait3A_109, %dma_wait3A_110] : memref<10000x128xf32, #tpu.memory_space<vmem_shared>> -> memref<16x128xf32, #tpu.memory_space<vmem_shared>>
        tpu.wait_dma2 semaphore(%run_scoped3A : memref<!tpu.dma_semaphore, #tpu.memory_space<semaphore_mem>>) src(%dma_wait3A_111 : memref<16x128xf32, #tpu.memory_space<vmem_shared>>) dst(%dma_wait3A_108 : memref<16x128xf32, #tpu.memory_space<vmem>>)
        tpu.yield
      }) : () -> ()
      "tpu.region"() ({
        %run_scoped3A = tpu.sem_alloc : memref<!tpu.dma_semaphore, #tpu.memory_space<semaphore_mem>>
        %dma_start3A = arith.constant 0 : i32
        %dma_start3A_90 = arith.constant 0 : i32
        %dma_start3A_91 = tpu.memref_slice %arg14[%dma_start3A, %dma_start3A_90] : memref<64x128xf32, #tpu.memory_space<vmem>> -> memref<16x128xf32, #tpu.memory_space<vmem>>
        %dma_start3A_92 = arith.constant 9984 : i32
        %dma_start3A_93 = arith.constant 0 : i32
        %dma_start3A_94 = tpu.memref_slice %arg7[%arg0, %dma_start3A_92, %dma_start3A_93] : memref<2x10000x128xf32, #tpu.memory_space<hbm>> -> memref<1x16x128xf32, #tpu.memory_space<hbm>>
        %dma_start3A_95 = tpu.memref_squeeze %dma_start3A_94 : memref<1x16x128xf32, #tpu.memory_space<hbm>> -> memref<16x128xf32, #tpu.memory_space<hbm>>
        %dma_start3A_96 = arith.constant 9984 : i32
        %dma_start3A_97 = arith.constant 0 : i32
        %dma_start3A_98 = tpu.memref_slice %arg7[%arg0, %dma_start3A_96, %dma_start3A_97] : memref<2x10000x128xf32, #tpu.memory_space<hbm>> -> memref<1x16x128xf32, #tpu.memory_space<hbm>>
        %dma_start3A_99 = tpu.memref_squeeze %dma_start3A_98 : memref<1x16x128xf32, #tpu.memory_space<hbm>> -> memref<16x128xf32, #tpu.memory_space<hbm>>
        %dma_start3A_100 = arith.constant 0 : i32
        %dma_start3A_101 = arith.constant 0 : i32
        %dma_start3A_102 = tpu.memref_slice %arg14[%dma_start3A_100, %dma_start3A_101] : memref<64x128xf32, #tpu.memory_space<vmem>> -> memref<16x128xf32, #tpu.memory_space<vmem>>
        tpu.enqueue_dma source(%dma_start3A_102 : memref<16x128xf32, #tpu.memory_space<vmem>>) target(%dma_start3A_99 : memref<16x128xf32, #tpu.memory_space<hbm>>) target_semaphore(%run_scoped3A : memref<!tpu.dma_semaphore, #tpu.memory_space<semaphore_mem>>)
        %dma_wait3A = arith.constant 0 : i32
        %dma_wait3A_103 = arith.constant 0 : i32
        %dma_wait3A_104 = tpu.memref_slice %arg14[%dma_wait3A, %dma_wait3A_103] : memref<64x128xf32, #tpu.memory_space<vmem>> -> memref<16x128xf32, #tpu.memory_space<vmem>>
        %dma_wait3A_105 = arith.constant 9984 : i32
        %dma_wait3A_106 = arith.constant 0 : i32
        %dma_wait3A_107 = tpu.memref_slice %arg7[%arg0, %dma_wait3A_105, %dma_wait3A_106] : memref<2x10000x128xf32, #tpu.memory_space<hbm>> -> memref<1x16x128xf32, #tpu.memory_space<hbm>>
        %dma_wait3A_108 = tpu.memref_squeeze %dma_wait3A_107 : memref<1x16x128xf32, #tpu.memory_space<hbm>> -> memref<16x128xf32, #tpu.memory_space<hbm>>
        %dma_wait3A_109 = arith.constant 9984 : i32
        %dma_wait3A_110 = arith.constant 0 : i32
        %dma_wait3A_111 = tpu.memref_slice %arg7[%arg0, %dma_wait3A_109, %dma_wait3A_110] : memref<2x10000x128xf32, #tpu.memory_space<hbm>> -> memref<1x16x128xf32, #tpu.memory_space<hbm>>
        %dma_wait3A_112 = tpu.memref_squeeze %dma_wait3A_111 : memref<1x16x128xf32, #tpu.memory_space<hbm>> -> memref<16x128xf32, #tpu.memory_space<hbm>>
        %dma_wait3A_113 = arith.constant 0 : i32
        %dma_wait3A_114 = arith.constant 0 : i32
        %dma_wait3A_115 = tpu.memref_slice %arg14[%dma_wait3A_113, %dma_wait3A_114] : memref<64x128xf32, #tpu.memory_space<vmem>> -> memref<16x128xf32, #tpu.memory_space<vmem>>
        tpu.wait_dma2 semaphore(%run_scoped3A : memref<!tpu.dma_semaphore, #tpu.memory_space<semaphore_mem>>) src(%dma_wait3A_115 : memref<16x128xf32, #tpu.memory_space<vmem>>) dst(%dma_wait3A_112 : memref<16x128xf32, #tpu.memory_space<hbm>>)
        tpu.yield
      }) : () -> ()
    } else {
    }
    return
  }
}

module attributes {stable_mosaic.version = 14 : i64} {
  func.func @_ce_body(%arg0: i32, %arg1: memref<2x2000x128xf32, #tpu.memory_space<vmem>>, %arg2: memref<128x128xf32, #tpu.memory_space<vmem>>, %arg3: memref<1x128xf32, #tpu.memory_space<vmem>>, %arg4: memref<2x2000x128xf32, #tpu.memory_space<vmem>>) attributes {dimension_semantics = [#tpu.dimension_semantics<arbitrary>], iteration_bounds = array<i64: 80>, scalar_prefetch = 0 : i64, scratch_operands = 0 : i64, tpu.core_type = #tpu.core_type<tc>, window_params = [{transform_indices = @transform_0, window_bounds = array<i64: 2, 2000, 128>}, {pipeline_mode = #tpu.pipeline_mode<synchronous>, transform_indices = @transform_1, window_bounds = array<i64: 128, 128>}, {pipeline_mode = #tpu.pipeline_mode<synchronous>, transform_indices = @transform_2, window_bounds = array<i64: 1, 128>}, {transform_indices = @transform_3, window_bounds = array<i64: 2, 2000, 128>}]} {
    %get3A = arith.constant 0 : index
    %get3A_0 = arith.constant 0 : index
    %get3A_1 = arith.constant 0 : index
    %get3A_2 = vector.load %arg1[%get3A, %get3A_0, %get3A_1] : memref<2x2000x128xf32, #tpu.memory_space<vmem>>, vector<1x2000x128xf32>
    %get3A_3 = vector.shape_cast %get3A_2 : vector<1x2000x128xf32> to vector<2000x128xf32>
    %get3A_4 = arith.constant 0 : index
    %get3A_5 = arith.constant 0 : index
    %get3A_6 = vector.load %arg2[%get3A_4, %get3A_5] : memref<128x128xf32, #tpu.memory_space<vmem>>, vector<128x128xf32>
    %dot_general3A = arith.constant dense<0.000000e+00> : vector<2000x128xf32>
    %dot_general3A_7 = tpu.matmul %get3A_3, %get3A_6, %dot_general3A {dimension_numbers = #tpu.dot_dimension_numbers<[1], [0], [0], [1], [0, 0, 1, 1], [], []>, transpose_lhs_hint = false} : vector<2000x128xf32>, vector<128x128xf32>, vector<2000x128xf32> -> vector<2000x128xf32>
    %get3A_8 = arith.constant 0 : index
    %get3A_9 = arith.constant 0 : index
    %get3A_10 = vector.load %arg3[%get3A_8, %get3A_9] : memref<1x128xf32, #tpu.memory_space<vmem>>, vector<1x128xf32>
    %add3A = vector.broadcast %get3A_10 : vector<1x128xf32> to vector<2000x128xf32>
    %add3A_11 = arith.addf %dot_general3A_7, %add3A : vector<2000x128xf32>
    %get3A_12 = arith.constant 1 : index
    %get3A_13 = arith.constant 0 : index
    %get3A_14 = arith.constant 0 : index
    %get3A_15 = vector.load %arg1[%get3A_12, %get3A_13, %get3A_14] : memref<2x2000x128xf32, #tpu.memory_space<vmem>>, vector<1x2000x128xf32>
    %get3A_16 = vector.shape_cast %get3A_15 : vector<1x2000x128xf32> to vector<2000x128xf32>
    %get3A_17 = arith.constant 0 : index
    %get3A_18 = arith.constant 0 : index
    %get3A_19 = vector.load %arg2[%get3A_17, %get3A_18] : memref<128x128xf32, #tpu.memory_space<vmem>>, vector<128x128xf32>
    %dot_general3A_20 = arith.constant dense<0.000000e+00> : vector<2000x128xf32>
    %dot_general3A_21 = tpu.matmul %get3A_16, %get3A_19, %dot_general3A_20 {dimension_numbers = #tpu.dot_dimension_numbers<[1], [0], [0], [1], [0, 0, 1, 1], [], []>, transpose_lhs_hint = false} : vector<2000x128xf32>, vector<128x128xf32>, vector<2000x128xf32> -> vector<2000x128xf32>
    %get3A_22 = arith.constant 0 : index
    %get3A_23 = arith.constant 0 : index
    %get3A_24 = vector.load %arg3[%get3A_22, %get3A_23] : memref<1x128xf32, #tpu.memory_space<vmem>>, vector<1x128xf32>
    %add3A_25 = vector.broadcast %get3A_24 : vector<1x128xf32> to vector<2000x128xf32>
    %add3A_26 = arith.addf %dot_general3A_21, %add3A_25 : vector<2000x128xf32>
    %slice3A = vector.extract_strided_slice %add3A_11 {offsets = [0, 0], sizes = [2000, 64], strides = [1, 1]} : vector<2000x128xf32> to vector<2000x64xf32>
    %slice3A_27 = vector.extract_strided_slice %add3A_26 {offsets = [0, 0], sizes = [2000, 64], strides = [1, 1]} : vector<2000x128xf32> to vector<2000x64xf32>
    %concatenate3A = tpu.concatenate %slice3A, %slice3A_27 in 1 : vector<2000x64xf32>, vector<2000x64xf32> -> vector<2000x128xf32>
    %swap3A = arith.constant 0 : index
    %swap3A_28 = arith.constant 0 : index
    %swap3A_29 = arith.constant 0 : index
    %swap3A_30 = vector.load %arg4[%swap3A, %swap3A_28, %swap3A_29] : memref<2x2000x128xf32, #tpu.memory_space<vmem>>, vector<1x2000x128xf32>
    %swap3A_31 = vector.shape_cast %swap3A_30 : vector<1x2000x128xf32> to vector<2000x128xf32>
    %swap3A_32 = vector.shape_cast %concatenate3A : vector<2000x128xf32> to vector<1x2000x128xf32>
    tpu.vector_store %arg4[%swap3A, %swap3A_28, %swap3A_29], %swap3A_32 {strides = array<i32>} : memref<2x2000x128xf32, #tpu.memory_space<vmem>>, vector<1x2000x128xf32>,
    %slice3A_33 = vector.extract_strided_slice %add3A_11 {offsets = [0, 64], sizes = [2000, 64], strides = [1, 1]} : vector<2000x128xf32> to vector<2000x64xf32>
    %slice3A_34 = vector.extract_strided_slice %add3A_26 {offsets = [0, 64], sizes = [2000, 64], strides = [1, 1]} : vector<2000x128xf32> to vector<2000x64xf32>
    %concatenate3A_35 = tpu.concatenate %slice3A_33, %slice3A_34 in 1 : vector<2000x64xf32>, vector<2000x64xf32> -> vector<2000x128xf32>
    %swap3A_36 = arith.constant 1 : index
    %swap3A_37 = arith.constant 0 : index
    %swap3A_38 = arith.constant 0 : index
    %swap3A_39 = vector.load %arg4[%swap3A_36, %swap3A_37, %swap3A_38] : memref<2x2000x128xf32, #tpu.memory_space<vmem>>, vector<1x2000x128xf32>
    %swap3A_40 = vector.shape_cast %swap3A_39 : vector<1x2000x128xf32> to vector<2000x128xf32>
    %swap3A_41 = vector.shape_cast %concatenate3A_35 : vector<2000x128xf32> to vector<1x2000x128xf32>
    tpu.vector_store %arg4[%swap3A_36, %swap3A_37, %swap3A_38], %swap3A_41 {strides = array<i32>} : memref<2x2000x128xf32, #tpu.memory_space<vmem>>, vector<1x2000x128xf32>,
    return
  }
  func.func @transform_0(%arg0: i32) -> (i32, i32, i32) {
    %c0_i32 = arith.constant 0 : i32
    %c0_i32_0 = arith.constant 0 : i32
    %c0_i32_1 = arith.constant 0 : i32
    return %c0_i32, %arg0, %c0_i32_0 : i32, i32, i32
  }
  func.func @transform_1(%arg0: i32) -> (i32, i32) {
    %c0_i32 = arith.constant 0 : i32
    %c0_i32_0 = arith.constant 0 : i32
    %c0_i32_1 = arith.constant 0 : i32
    return %c0_i32, %c0_i32_0 : i32, i32
  }
  func.func @transform_2(%arg0: i32) -> (i32, i32) {
    %c0_i32 = arith.constant 0 : i32
    %c0_i32_0 = arith.constant 0 : i32
    %c0_i32_1 = arith.constant 0 : i32
    return %c0_i32, %c0_i32_0 : i32, i32
  }
  func.func @transform_3(%arg0: i32) -> (i32, i32, i32) {
    %c0_i32 = arith.constant 0 : i32
    %c0_i32_0 = arith.constant 0 : i32
    %c0_i32_1 = arith.constant 0 : i32
    return %c0_i32, %arg0, %c0_i32_0 : i32, i32, i32
  }
}

module attributes {stable_mosaic.version = 14 : i64} {
  func.func @_prep_body(%arg0: i32, %arg1: memref<2000x128xf32, #tpu.memory_space<vmem>>, %arg2: memref<128x128xf32, #tpu.memory_space<vmem>>, %arg3: memref<1x128xf32, #tpu.memory_space<vmem>>, %arg4: memref<128x128xf32, #tpu.memory_space<vmem>>, %arg5: memref<1x128xf32, #tpu.memory_space<vmem>>, %arg6: memref<128x128xf32, #tpu.memory_space<vmem>>, %arg7: memref<1x128xf32, #tpu.memory_space<vmem>>, %arg8: memref<128x128xf32, #tpu.memory_space<vmem>>, %arg9: memref<1x128xf32, #tpu.memory_space<vmem>>, %arg10: memref<2000x128xf32, #tpu.memory_space<vmem>>, %arg11: memref<2x2000x128xf32, #tpu.memory_space<vmem>>, %arg12: memref<2x2000x128xf32, #tpu.memory_space<vmem>>) attributes {dimension_semantics = [#tpu.dimension_semantics<arbitrary>], iteration_bounds = array<i64: 5>, scalar_prefetch = 0 : i64, scratch_operands = 0 : i64, tpu.core_type = #tpu.core_type<tc>, window_params = [{transform_indices = @transform_0, window_bounds = array<i64: 2000, 128>}, {pipeline_mode = #tpu.pipeline_mode<synchronous>, transform_indices = @transform_1, window_bounds = array<i64: 128, 128>}, {pipeline_mode = #tpu.pipeline_mode<synchronous>, transform_indices = @transform_2, window_bounds = array<i64: 1, 128>}, {pipeline_mode = #tpu.pipeline_mode<synchronous>, transform_indices = @transform_3, window_bounds = array<i64: 128, 128>}, {pipeline_mode = #tpu.pipeline_mode<synchronous>, transform_indices = @transform_4, window_bounds = array<i64: 1, 128>}, {pipeline_mode = #tpu.pipeline_mode<synchronous>, transform_indices = @transform_5, window_bounds = array<i64: 128, 128>}, {pipeline_mode = #tpu.pipeline_mode<synchronous>, transform_indices = @transform_6, window_bounds = array<i64: 1, 128>}, {pipeline_mode = #tpu.pipeline_mode<synchronous>, transform_indices = @transform_7, window_bounds = array<i64: 128, 128>}, {pipeline_mode = #tpu.pipeline_mode<synchronous>, transform_indices = @transform_8, window_bounds = array<i64: 1, 128>}, {transform_indices = @transform_9, window_bounds = array<i64: 2000, 128>}, {transform_indices = @transform_10, window_bounds = array<i64: 2, 2000, 128>}, {transform_indices = @transform_11, window_bounds = array<i64: 2, 2000, 128>}]} {
    %get3A = arith.constant 0 : index
    %get3A_0 = arith.constant 0 : index
    %get3A_1 = vector.load %arg1[%get3A, %get3A_0] : memref<2000x128xf32, #tpu.memory_space<vmem>>, vector<2000x128xf32>
    %get3A_2 = arith.constant 0 : index
    %get3A_3 = arith.constant 0 : index
    %get3A_4 = vector.load %arg2[%get3A_2, %get3A_3] : memref<128x128xf32, #tpu.memory_space<vmem>>, vector<128x128xf32>
    %dot_general3A = arith.constant dense<0.000000e+00> : vector<2000x128xf32>
    %dot_general3A_5 = tpu.matmul %get3A_1, %get3A_4, %dot_general3A {dimension_numbers = #tpu.dot_dimension_numbers<[1], [0], [0], [1], [0, 0, 1, 1], [], []>, transpose_lhs_hint = false} : vector<2000x128xf32>, vector<128x128xf32>, vector<2000x128xf32> -> vector<2000x128xf32>
    %get3A_6 = arith.constant 0 : index
    %get3A_7 = arith.constant 0 : index
    %get3A_8 = vector.load %arg3[%get3A_6, %get3A_7] : memref<1x128xf32, #tpu.memory_space<vmem>>, vector<1x128xf32>
    %add3A = vector.broadcast %get3A_8 : vector<1x128xf32> to vector<2000x128xf32>
    %add3A_9 = arith.addf %dot_general3A_5, %add3A : vector<2000x128xf32>
    %swap3A = arith.constant 0 : index
    %swap3A_10 = arith.constant 0 : index
    %swap3A_11 = vector.load %arg10[%swap3A, %swap3A_10] : memref<2000x128xf32, #tpu.memory_space<vmem>>, vector<2000x128xf32>
    tpu.vector_store %arg10[%swap3A, %swap3A_10], %add3A_9 {strides = array<i32>} : memref<2000x128xf32, #tpu.memory_space<vmem>>, vector<2000x128xf32>,
    %get3A_12 = arith.constant 0 : index
    %get3A_13 = arith.constant 0 : index
    %get3A_14 = vector.load %arg6[%get3A_12, %get3A_13] : memref<128x128xf32, #tpu.memory_space<vmem>>, vector<128x128xf32>
    %dot_general3A_15 = arith.constant dense<0.000000e+00> : vector<2000x128xf32>
    %dot_general3A_16 = tpu.matmul %get3A_1, %get3A_14, %dot_general3A_15 {dimension_numbers = #tpu.dot_dimension_numbers<[1], [0], [0], [1], [0, 0, 1, 1], [], []>, transpose_lhs_hint = false} : vector<2000x128xf32>, vector<128x128xf32>, vector<2000x128xf32> -> vector<2000x128xf32>
    %get3A_17 = arith.constant 0 : index
    %get3A_18 = arith.constant 0 : index
    %get3A_19 = vector.load %arg7[%get3A_17, %get3A_18] : memref<1x128xf32, #tpu.memory_space<vmem>>, vector<1x128xf32>
    %add3A_20 = vector.broadcast %get3A_19 : vector<1x128xf32> to vector<2000x128xf32>
    %add3A_21 = arith.addf %dot_general3A_16, %add3A_20 : vector<2000x128xf32>
    %get3A_22 = arith.constant 0 : index
    %get3A_23 = arith.constant 0 : index
    %get3A_24 = vector.load %arg8[%get3A_22, %get3A_23] : memref<128x128xf32, #tpu.memory_space<vmem>>, vector<128x128xf32>
    %dot_general3A_25 = arith.constant dense<0.000000e+00> : vector<2000x128xf32>
    %dot_general3A_26 = tpu.matmul %get3A_1, %get3A_24, %dot_general3A_25 {dimension_numbers = #tpu.dot_dimension_numbers<[1], [0], [0], [1], [0, 0, 1, 1], [], []>, transpose_lhs_hint = false} : vector<2000x128xf32>, vector<128x128xf32>, vector<2000x128xf32> -> vector<2000x128xf32>
    %get3A_27 = arith.constant 0 : index
    %get3A_28 = arith.constant 0 : index
    %get3A_29 = vector.load %arg9[%get3A_27, %get3A_28] : memref<1x128xf32, #tpu.memory_space<vmem>>, vector<1x128xf32>
    %add3A_30 = vector.broadcast %get3A_29 : vector<1x128xf32> to vector<2000x128xf32>
    %add3A_31 = arith.addf %dot_general3A_26, %add3A_30 : vector<2000x128xf32>
    %get3A_32 = arith.constant 0 : index
    %get3A_33 = arith.constant 0 : index
    %get3A_34 = vector.load %arg4[%get3A_32, %get3A_33] : memref<128x128xf32, #tpu.memory_space<vmem>>, vector<128x128xf32>
    %dot_general3A_35 = arith.constant dense<0.000000e+00> : vector<2000x128xf32>
    %dot_general3A_36 = tpu.matmul %get3A_1, %get3A_34, %dot_general3A_35 {dimension_numbers = #tpu.dot_dimension_numbers<[1], [0], [0], [1], [0, 0, 1, 1], [], []>, transpose_lhs_hint = false} : vector<2000x128xf32>, vector<128x128xf32>, vector<2000x128xf32> -> vector<2000x128xf32>
    %get3A_37 = arith.constant 0 : index
    %get3A_38 = arith.constant 0 : index
    %get3A_39 = vector.load %arg5[%get3A_37, %get3A_38] : memref<1x128xf32, #tpu.memory_space<vmem>>, vector<1x128xf32>
    %add3A_40 = vector.broadcast %get3A_39 : vector<1x128xf32> to vector<2000x128xf32>
    %add3A_41 = arith.addf %dot_general3A_36, %add3A_40 : vector<2000x128xf32>
    %swap3A_42 = arith.constant 0 : index
    %swap3A_43 = arith.constant 0 : index
    %swap3A_44 = arith.constant 0 : index
    %swap3A_45 = vector.load %arg11[%swap3A_42, %swap3A_43, %swap3A_44] : memref<2x2000x128xf32, #tpu.memory_space<vmem>>, vector<1x2000x128xf32>
    %swap3A_46 = vector.shape_cast %swap3A_45 : vector<1x2000x128xf32> to vector<2000x128xf32>
    %swap3A_47 = vector.shape_cast %add3A_21 : vector<2000x128xf32> to vector<1x2000x128xf32>
    tpu.vector_store %arg11[%swap3A_42, %swap3A_43, %swap3A_44], %swap3A_47 {strides = array<i32>} : memref<2x2000x128xf32, #tpu.memory_space<vmem>>, vector<1x2000x128xf32>,
    %slice3A = vector.extract_strided_slice %add3A_21 {offsets = [0, 64], sizes = [2000, 64], strides = [1, 1]} : vector<2000x128xf32> to vector<2000x64xf32>
    %slice3A_48 = vector.extract_strided_slice %add3A_21 {offsets = [0, 0], sizes = [2000, 64], strides = [1, 1]} : vector<2000x128xf32> to vector<2000x64xf32>
    %concatenate3A = tpu.concatenate %slice3A, %slice3A_48 in 1 : vector<2000x64xf32>, vector<2000x64xf32> -> vector<2000x128xf32>
    %swap3A_49 = arith.constant 1 : index
    %swap3A_50 = arith.constant 0 : index
    %swap3A_51 = arith.constant 0 : index
    %swap3A_52 = vector.load %arg11[%swap3A_49, %swap3A_50, %swap3A_51] : memref<2x2000x128xf32, #tpu.memory_space<vmem>>, vector<1x2000x128xf32>
    %swap3A_53 = vector.shape_cast %swap3A_52 : vector<1x2000x128xf32> to vector<2000x128xf32>
    %swap3A_54 = vector.shape_cast %concatenate3A : vector<2000x128xf32> to vector<1x2000x128xf32>
    tpu.vector_store %arg11[%swap3A_49, %swap3A_50, %swap3A_51], %swap3A_54 {strides = array<i32>} : memref<2x2000x128xf32, #tpu.memory_space<vmem>>, vector<1x2000x128xf32>,
    %slice3A_55 = vector.extract_strided_slice %add3A_31 {offsets = [0, 0], sizes = [2000, 64], strides = [1, 1]} : vector<2000x128xf32> to vector<2000x64xf32>
    %slice3A_56 = vector.extract_strided_slice %add3A_41 {offsets = [0, 0], sizes = [2000, 64], strides = [1, 1]} : vector<2000x128xf32> to vector<2000x64xf32>
    %concatenate3A_57 = tpu.concatenate %slice3A_55, %slice3A_56 in 1 : vector<2000x64xf32>, vector<2000x64xf32> -> vector<2000x128xf32>
    %swap3A_58 = arith.constant 0 : index
    %swap3A_59 = arith.constant 0 : index
    %swap3A_60 = arith.constant 0 : index
    %swap3A_61 = vector.load %arg12[%swap3A_58, %swap3A_59, %swap3A_60] : memref<2x2000x128xf32, #tpu.memory_space<vmem>>, vector<1x2000x128xf32>
    %swap3A_62 = vector.shape_cast %swap3A_61 : vector<1x2000x128xf32> to vector<2000x128xf32>
    %swap3A_63 = vector.shape_cast %concatenate3A_57 : vector<2000x128xf32> to vector<1x2000x128xf32>
    tpu.vector_store %arg12[%swap3A_58, %swap3A_59, %swap3A_60], %swap3A_63 {strides = array<i32>} : memref<2x2000x128xf32, #tpu.memory_space<vmem>>, vector<1x2000x128xf32>,
    %slice3A_64 = vector.extract_strided_slice %add3A_31 {offsets = [0, 64], sizes = [2000, 64], strides = [1, 1]} : vector<2000x128xf32> to vector<2000x64xf32>
    %slice3A_65 = vector.extract_strided_slice %add3A_41 {offsets = [0, 64], sizes = [2000, 64], strides = [1, 1]} : vector<2000x128xf32> to vector<2000x64xf32>
    %concatenate3A_66 = tpu.concatenate %slice3A_64, %slice3A_65 in 1 : vector<2000x64xf32>, vector<2000x64xf32> -> vector<2000x128xf32>
    %swap3A_67 = arith.constant 1 : index
    %swap3A_68 = arith.constant 0 : index
    %swap3A_69 = arith.constant 0 : index
    %swap3A_70 = vector.load %arg12[%swap3A_67, %swap3A_68, %swap3A_69] : memref<2x2000x128xf32, #tpu.memory_space<vmem>>, vector<1x2000x128xf32>
    %swap3A_71 = vector.shape_cast %swap3A_70 : vector<1x2000x128xf32> to vector<2000x128xf32>
    %swap3A_72 = vector.shape_cast %concatenate3A_66 : vector<2000x128xf32> to vector<1x2000x128xf32>
    tpu.vector_store %arg12[%swap3A_67, %swap3A_68, %swap3A_69], %swap3A_72 {strides = array<i32>} : memref<2x2000x128xf32, #tpu.memory_space<vmem>>, vector<1x2000x128xf32>,
    return
  }
  func.func @transform_0(%arg0: i32) -> (i32, i32) {
    %c0_i32 = arith.constant 0 : i32
    %c0_i32_0 = arith.constant 0 : i32
    return %arg0, %c0_i32 : i32, i32
  }
  func.func @transform_1(%arg0: i32) -> (i32, i32) {
    %c0_i32 = arith.constant 0 : i32
    %c0_i32_0 = arith.constant 0 : i32
    %c0_i32_1 = arith.constant 0 : i32
    return %c0_i32, %c0_i32_0 : i32, i32
  }
  func.func @transform_2(%arg0: i32) -> (i32, i32) {
    %c0_i32 = arith.constant 0 : i32
    %c0_i32_0 = arith.constant 0 : i32
    %c0_i32_1 = arith.constant 0 : i32
    return %c0_i32, %c0_i32_0 : i32, i32
  }
  func.func @transform_3(%arg0: i32) -> (i32, i32) {
    %c0_i32 = arith.constant 0 : i32
    %c0_i32_0 = arith.constant 0 : i32
    %c0_i32_1 = arith.constant 0 : i32
    return %c0_i32, %c0_i32_0 : i32, i32
  }
  func.func @transform_4(%arg0: i32) -> (i32, i32) {
    %c0_i32 = arith.constant 0 : i32
    %c0_i32_0 = arith.constant 0 : i32
    %c0_i32_1 = arith.constant 0 : i32
    return %c0_i32, %c0_i32_0 : i32, i32
  }
  func.func @transform_5(%arg0: i32) -> (i32, i32) {
    %c0_i32 = arith.constant 0 : i32
    %c0_i32_0 = arith.constant 0 : i32
    %c0_i32_1 = arith.constant 0 : i32
    return %c0_i32, %c0_i32_0 : i32, i32
  }
  func.func @transform_6(%arg0: i32) -> (i32, i32) {
    %c0_i32 = arith.constant 0 : i32
    %c0_i32_0 = arith.constant 0 : i32
    %c0_i32_1 = arith.constant 0 : i32
    return %c0_i32, %c0_i32_0 : i32, i32
  }
  func.func @transform_7(%arg0: i32) -> (i32, i32) {
    %c0_i32 = arith.constant 0 : i32
    %c0_i32_0 = arith.constant 0 : i32
    %c0_i32_1 = arith.constant 0 : i32
    return %c0_i32, %c0_i32_0 : i32, i32
  }
  func.func @transform_8(%arg0: i32) -> (i32, i32) {
    %c0_i32 = arith.constant 0 : i32
    %c0_i32_0 = arith.constant 0 : i32
    %c0_i32_1 = arith.constant 0 : i32
    return %c0_i32, %c0_i32_0 : i32, i32
  }
  func.func @transform_9(%arg0: i32) -> (i32, i32) {
    %c0_i32 = arith.constant 0 : i32
    %c0_i32_0 = arith.constant 0 : i32
    return %arg0, %c0_i32 : i32, i32
  }
  func.func @transform_10(%arg0: i32) -> (i32, i32, i32) {
    %c0_i32 = arith.constant 0 : i32
    %c0_i32_0 = arith.constant 0 : i32
    %c0_i32_1 = arith.constant 0 : i32
    return %c0_i32, %arg0, %c0_i32_0 : i32, i32, i32
  }
  func.func @transform_11(%arg0: i32) -> (i32, i32, i32) {
    %c0_i32 = arith.constant 0 : i32
    %c0_i32_0 = arith.constant 0 : i32
    %c0_i32_1 = arith.constant 0 : i32
    return %c0_i32, %arg0, %c0_i32_0 : i32, i32, i32
  }
}

module attributes {stable_mosaic.version = 14 : i64} {
  func.func @_eout_body(%arg0: i32, %arg1: memref<2x2000x128xf32, #tpu.memory_space<vmem>>, %arg2: memref<2x2000x128xf32, #tpu.memory_space<vmem>>, %arg3: memref<32x8x128xf32, #tpu.memory_space<vmem>>, %arg4: memref<1x128xf32, #tpu.memory_space<vmem>>, %arg5: memref<1x128xf32, #tpu.memory_space<vmem>>, %arg6: memref<2x2000x128xf32, #tpu.memory_space<vmem>>) attributes {dimension_semantics = [#tpu.dimension_semantics<arbitrary>], iteration_bounds = array<i64: 80>, scalar_prefetch = 0 : i64, scratch_operands = 0 : i64, tpu.core_type = #tpu.core_type<tc>, window_params = [{transform_indices = @transform_0, window_bounds = array<i64: 2, 2000, 128>}, {transform_indices = @transform_1, window_bounds = array<i64: 2, 2000, 128>}, {pipeline_mode = #tpu.pipeline_mode<synchronous>, transform_indices = @transform_2, window_bounds = array<i64: 32, 8, 128>}, {pipeline_mode = #tpu.pipeline_mode<synchronous>, transform_indices = @transform_3, window_bounds = array<i64: 1, 128>}, {pipeline_mode = #tpu.pipeline_mode<synchronous>, transform_indices = @transform_4, window_bounds = array<i64: 1, 128>}, {transform_indices = @transform_5, window_bounds = array<i64: 2, 2000, 128>}]} {
    %get3A = arith.constant 0 : index
    %get3A_0 = arith.constant 0 : index
    %get3A_1 = arith.constant 0 : index
    %get3A_2 = vector.load %arg3[%get3A, %get3A_0, %get3A_1] : memref<32x8x128xf32, #tpu.memory_space<vmem>>, vector<32x8x128xf32>
    %slice3A = vector.extract_strided_slice %get3A_2 {offsets = [0, 0, 0], sizes = [32, 1, 128], strides = [1, 1, 1]} : vector<32x8x128xf32> to vector<32x1x128xf32>
    %squeeze3A = vector.shape_cast %slice3A : vector<32x1x128xf32> to vector<32x128xf32>
    %slice3A_3 = vector.extract_strided_slice %squeeze3A {offsets = [0, 0], sizes = [16, 128], strides = [1, 1]} : vector<32x128xf32> to vector<16x128xf32>
    %reduce_sum3A = arith.constant dense<0.000000e+00> : vector<128xf32>
    %reduce_sum3A_4 = vector.multi_reduction <add>, %slice3A_3, %reduce_sum3A [0] : vector<16x128xf32> to vector<128xf32>
    %slice3A_5 = vector.extract_strided_slice %squeeze3A {offsets = [16, 0], sizes = [16, 128], strides = [1, 1]} : vector<32x128xf32> to vector<16x128xf32>
    %reduce_sum3A_6 = arith.constant dense<0.000000e+00> : vector<128xf32>
    %reduce_sum3A_7 = vector.multi_reduction <add>, %slice3A_5, %reduce_sum3A_6 [0] : vector<16x128xf32> to vector<128xf32>
    %slice3A_8 = vector.extract_strided_slice %reduce_sum3A_4 {offsets = [0], sizes = [64], strides = [1]} : vector<128xf32> to vector<64xf32>
    %slice3A_9 = vector.extract_strided_slice %reduce_sum3A_7 {offsets = [0], sizes = [64], strides = [1]} : vector<128xf32> to vector<64xf32>
    %concatenate3A = tpu.concatenate %slice3A_8, %slice3A_9 in 0 : vector<64xf32>, vector<64xf32> -> vector<128xf32>
    %mul3A = arith.constant 3.125000e-06 : f32
    %mul3A_10 = vector.broadcast %mul3A : f32 to vector<128xf32>
    %mul3A_11 = arith.mulf %concatenate3A, %mul3A_10 : vector<128xf32>
    %slice3A_12 = vector.extract_strided_slice %reduce_sum3A_4 {offsets = [64], sizes = [64], strides = [1]} : vector<128xf32> to vector<64xf32>
    %slice3A_13 = vector.extract_strided_slice %reduce_sum3A_7 {offsets = [64], sizes = [64], strides = [1]} : vector<128xf32> to vector<64xf32>
    %concatenate3A_14 = tpu.concatenate %slice3A_12, %slice3A_13 in 0 : vector<64xf32>, vector<64xf32> -> vector<128xf32>
    %mul3A_15 = arith.constant 3.125000e-06 : f32
    %mul3A_16 = vector.broadcast %mul3A_15 : f32 to vector<128xf32>
    %mul3A_17 = arith.mulf %concatenate3A_14, %mul3A_16 : vector<128xf32>
    %mul3A_18 = arith.mulf %mul3A_11, %mul3A_11 : vector<128xf32>
    %sub3A = arith.subf %mul3A_17, %mul3A_18 : vector<128xf32>
    %add3A = arith.constant 9.99999974E-6 : f32
    %add3A_19 = vector.broadcast %add3A : f32 to vector<128xf32>
    %add3A_20 = arith.addf %sub3A, %add3A_19 : vector<128xf32>
    %rsqrt3A = math.rsqrt %add3A_20 : vector<128xf32>
    %get3A_21 = arith.constant 0 : index
    %get3A_22 = arith.constant 0 : index
    %get3A_23 = arith.constant 0 : index
    %get3A_24 = vector.load %arg1[%get3A_21, %get3A_22, %get3A_23] : memref<2x2000x128xf32, #tpu.memory_space<vmem>>, vector<1x2000x128xf32>
    %get3A_25 = vector.shape_cast %get3A_24 : vector<1x2000x128xf32> to vector<2000x128xf32>
    %slice3A_26 = vector.extract_strided_slice %get3A_25 {offsets = [0, 0], sizes = [2000, 64], strides = [1, 1]} : vector<2000x128xf32> to vector<2000x64xf32>
    %get3A_27 = arith.constant 1 : index
    %get3A_28 = arith.constant 0 : index
    %get3A_29 = arith.constant 0 : index
    %get3A_30 = vector.load %arg1[%get3A_27, %get3A_28, %get3A_29] : memref<2x2000x128xf32, #tpu.memory_space<vmem>>, vector<1x2000x128xf32>
    %get3A_31 = vector.shape_cast %get3A_30 : vector<1x2000x128xf32> to vector<2000x128xf32>
    %slice3A_32 = vector.extract_strided_slice %get3A_31 {offsets = [0, 0], sizes = [2000, 64], strides = [1, 1]} : vector<2000x128xf32> to vector<2000x64xf32>
    %concatenate3A_33 = tpu.concatenate %slice3A_26, %slice3A_32 in 1 : vector<2000x64xf32>, vector<2000x64xf32> -> vector<2000x128xf32>
    %get3A_34 = arith.constant 0 : index
    %get3A_35 = arith.constant 0 : index
    %get3A_36 = arith.constant 0 : index
    %get3A_37 = vector.load %arg1[%get3A_34, %get3A_35, %get3A_36] : memref<2x2000x128xf32, #tpu.memory_space<vmem>>, vector<1x2000x128xf32>
    %get3A_38 = vector.shape_cast %get3A_37 : vector<1x2000x128xf32> to vector<2000x128xf32>
    %slice3A_39 = vector.extract_strided_slice %get3A_38 {offsets = [0, 64], sizes = [2000, 64], strides = [1, 1]} : vector<2000x128xf32> to vector<2000x64xf32>
    %get3A_40 = arith.constant 1 : index
    %get3A_41 = arith.constant 0 : index
    %get3A_42 = arith.constant 0 : index
    %get3A_43 = vector.load %arg1[%get3A_40, %get3A_41, %get3A_42] : memref<2x2000x128xf32, #tpu.memory_space<vmem>>, vector<1x2000x128xf32>
    %get3A_44 = vector.shape_cast %get3A_43 : vector<1x2000x128xf32> to vector<2000x128xf32>
    %slice3A_45 = vector.extract_strided_slice %get3A_44 {offsets = [0, 64], sizes = [2000, 64], strides = [1, 1]} : vector<2000x128xf32> to vector<2000x64xf32>
    %concatenate3A_46 = tpu.concatenate %slice3A_39, %slice3A_45 in 1 : vector<2000x64xf32>, vector<2000x64xf32> -> vector<2000x128xf32>
    %get3A_47 = arith.constant 0 : index
    %get3A_48 = arith.constant 0 : index
    %get3A_49 = arith.constant 0 : index
    %get3A_50 = vector.load %arg2[%get3A_47, %get3A_48, %get3A_49] : memref<2x2000x128xf32, #tpu.memory_space<vmem>>, vector<1x2000x128xf32>
    %get3A_51 = vector.shape_cast %get3A_50 : vector<1x2000x128xf32> to vector<2000x128xf32>
    %broadcast_in_dim3A = vector.shape_cast %mul3A_11 : vector<128xf32> to vector<1x128xf32>
    %sub3A_52 = vector.broadcast %broadcast_in_dim3A : vector<1x128xf32> to vector<2000x128xf32>
    %sub3A_53 = arith.subf %concatenate3A_33, %sub3A_52 : vector<2000x128xf32>
    %broadcast_in_dim3A_54 = vector.shape_cast %rsqrt3A : vector<128xf32> to vector<1x128xf32>
    %mul3A_55 = vector.broadcast %broadcast_in_dim3A_54 : vector<1x128xf32> to vector<2000x128xf32>
    %mul3A_56 = arith.mulf %sub3A_53, %mul3A_55 : vector<2000x128xf32>
    %get3A_57 = arith.constant 0 : index
    %get3A_58 = arith.constant 0 : index
    %get3A_59 = vector.load %arg4[%get3A_57, %get3A_58] : memref<1x128xf32, #tpu.memory_space<vmem>>, vector<1x128xf32>
    %mul3A_60 = vector.broadcast %get3A_59 : vector<1x128xf32> to vector<2000x128xf32>
    %mul3A_61 = arith.mulf %mul3A_56, %mul3A_60 : vector<2000x128xf32>
    %get3A_62 = arith.constant 0 : index
    %get3A_63 = arith.constant 0 : index
    %get3A_64 = vector.load %arg5[%get3A_62, %get3A_63] : memref<1x128xf32, #tpu.memory_space<vmem>>, vector<1x128xf32>
    %add3A_65 = vector.broadcast %get3A_64 : vector<1x128xf32> to vector<2000x128xf32>
    %add3A_66 = arith.addf %mul3A_61, %add3A_65 : vector<2000x128xf32>
    %max3A = arith.constant 0.000000e+00 : f32
    %max3A_67 = vector.broadcast %max3A : f32 to vector<2000x128xf32>
    %max3A_68 = arith.maximumf %add3A_66, %max3A_67 : vector<2000x128xf32>
    %add3A_69 = arith.addf %get3A_51, %max3A_68 : vector<2000x128xf32>
    %swap3A = arith.constant 0 : index
    %swap3A_70 = arith.constant 0 : index
    %swap3A_71 = arith.constant 0 : index
    %swap3A_72 = vector.load %arg6[%swap3A, %swap3A_70, %swap3A_71] : memref<2x2000x128xf32, #tpu.memory_space<vmem>>, vector<1x2000x128xf32>
    %swap3A_73 = vector.shape_cast %swap3A_72 : vector<1x2000x128xf32> to vector<2000x128xf32>
    %swap3A_74 = vector.shape_cast %add3A_69 : vector<2000x128xf32> to vector<1x2000x128xf32>
    tpu.vector_store %arg6[%swap3A, %swap3A_70, %swap3A_71], %swap3A_74 {strides = array<i32>} : memref<2x2000x128xf32, #tpu.memory_space<vmem>>, vector<1x2000x128xf32>,
    %get3A_75 = arith.constant 1 : index
    %get3A_76 = arith.constant 0 : index
    %get3A_77 = arith.constant 0 : index
    %get3A_78 = vector.load %arg2[%get3A_75, %get3A_76, %get3A_77] : memref<2x2000x128xf32, #tpu.memory_space<vmem>>, vector<1x2000x128xf32>
    %get3A_79 = vector.shape_cast %get3A_78 : vector<1x2000x128xf32> to vector<2000x128xf32>
    %broadcast_in_dim3A_80 = vector.shape_cast %mul3A_11 : vector<128xf32> to vector<1x128xf32>
    %sub3A_81 = vector.broadcast %broadcast_in_dim3A_80 : vector<1x128xf32> to vector<2000x128xf32>
    %sub3A_82 = arith.subf %concatenate3A_46, %sub3A_81 : vector<2000x128xf32>
    %broadcast_in_dim3A_83 = vector.shape_cast %rsqrt3A : vector<128xf32> to vector<1x128xf32>
    %mul3A_84 = vector.broadcast %broadcast_in_dim3A_83 : vector<1x128xf32> to vector<2000x128xf32>
    %mul3A_85 = arith.mulf %sub3A_82, %mul3A_84 : vector<2000x128xf32>
    %get3A_86 = arith.constant 0 : index
    %get3A_87 = arith.constant 0 : index
    %get3A_88 = vector.load %arg4[%get3A_86, %get3A_87] : memref<1x128xf32, #tpu.memory_space<vmem>>, vector<1x128xf32>
    %mul3A_89 = vector.broadcast %get3A_88 : vector<1x128xf32> to vector<2000x128xf32>
    %mul3A_90 = arith.mulf %mul3A_85, %mul3A_89 : vector<2000x128xf32>
    %get3A_91 = arith.constant 0 : index
    %get3A_92 = arith.constant 0 : index
    %get3A_93 = vector.load %arg5[%get3A_91, %get3A_92] : memref<1x128xf32, #tpu.memory_space<vmem>>, vector<1x128xf32>
    %add3A_94 = vector.broadcast %get3A_93 : vector<1x128xf32> to vector<2000x128xf32>
    %add3A_95 = arith.addf %mul3A_90, %add3A_94 : vector<2000x128xf32>
    %max3A_96 = arith.constant 0.000000e+00 : f32
    %max3A_97 = vector.broadcast %max3A_96 : f32 to vector<2000x128xf32>
    %max3A_98 = arith.maximumf %add3A_95, %max3A_97 : vector<2000x128xf32>
    %add3A_99 = arith.addf %get3A_79, %max3A_98 : vector<2000x128xf32>
    %swap3A_100 = arith.constant 1 : index
    %swap3A_101 = arith.constant 0 : index
    %swap3A_102 = arith.constant 0 : index
    %swap3A_103 = vector.load %arg6[%swap3A_100, %swap3A_101, %swap3A_102] : memref<2x2000x128xf32, #tpu.memory_space<vmem>>, vector<1x2000x128xf32>
    %swap3A_104 = vector.shape_cast %swap3A_103 : vector<1x2000x128xf32> to vector<2000x128xf32>
    %swap3A_105 = vector.shape_cast %add3A_99 : vector<2000x128xf32> to vector<1x2000x128xf32>
    tpu.vector_store %arg6[%swap3A_100, %swap3A_101, %swap3A_102], %swap3A_105 {strides = array<i32>} : memref<2x2000x128xf32, #tpu.memory_space<vmem>>, vector<1x2000x128xf32>,
    return
  }
  func.func @transform_0(%arg0: i32) -> (i32, i32, i32) {
    %c0_i32 = arith.constant 0 : i32
    %c0_i32_0 = arith.constant 0 : i32
    %c0_i32_1 = arith.constant 0 : i32
    return %c0_i32, %arg0, %c0_i32_0 : i32, i32, i32
  }
  func.func @transform_1(%arg0: i32) -> (i32, i32, i32) {
    %c0_i32 = arith.constant 0 : i32
    %c0_i32_0 = arith.constant 0 : i32
    %c0_i32_1 = arith.constant 0 : i32
    return %c0_i32, %arg0, %c0_i32_0 : i32, i32, i32
  }
  func.func @transform_2(%arg0: i32) -> (i32, i32, i32) {
    %c0_i32 = arith.constant 0 : i32
    %c0_i32_0 = arith.constant 0 : i32
    %c0_i32_1 = arith.constant 0 : i32
    %c0_i32_2 = arith.constant 0 : i32
    return %c0_i32, %c0_i32_0, %c0_i32_1 : i32, i32, i32
  }
  func.func @transform_3(%arg0: i32) -> (i32, i32) {
    %c0_i32 = arith.constant 0 : i32
    %c0_i32_0 = arith.constant 0 : i32
    %c0_i32_1 = arith.constant 0 : i32
    return %c0_i32, %c0_i32_0 : i32, i32
  }
  func.func @transform_4(%arg0: i32) -> (i32, i32) {
    %c0_i32 = arith.constant 0 : i32
    %c0_i32_0 = arith.constant 0 : i32
    %c0_i32_1 = arith.constant 0 : i32
    return %c0_i32, %c0_i32_0 : i32, i32
  }
  func.func @transform_5(%arg0: i32) -> (i32, i32, i32) {
    %c0_i32 = arith.constant 0 : i32
    %c0_i32_0 = arith.constant 0 : i32
    %c0_i32_1 = arith.constant 0 : i32
    return %c0_i32, %arg0, %c0_i32_0 : i32, i32, i32
  }
}

module attributes {stable_mosaic.version = 14 : i64} {
  func.func @_x_body(%arg0: memref<10000x128xf32, #tpu.memory_space<vmem>>, %arg1: memref<10000x128xf32, #tpu.memory_space<vmem>>, %arg2: memref<2x10000x128xf32, #tpu.memory_space<vmem>>, %arg3: memref<1x128xf32, #tpu.memory_space<vmem>>, %arg4: memref<1x128xf32, #tpu.memory_space<vmem>>, %arg5: memref<1x128xf32, #tpu.memory_space<vmem>>, %arg6: memref<1x128xf32, #tpu.memory_space<vmem>>, %arg7: memref<1x128xf32, #tpu.memory_space<vmem>>, %arg8: memref<1x128xf32, #tpu.memory_space<vmem>>, %arg9: memref<128x256xf32, #tpu.memory_space<vmem>>, %arg10: memref<1x256xf32, #tpu.memory_space<vmem>>, %arg11: memref<256x128xf32, #tpu.memory_space<vmem>>, %arg12: memref<1x128xf32, #tpu.memory_space<vmem>>, %arg13: memref<10000x128xf32, #tpu.memory_space<vmem>>) attributes {dimension_semantics = [], scalar_prefetch = 0 : i64, scratch_operands = 0 : i64, tpu.core_type = #tpu.core_type<tc>} {
    %get3A = arith.constant 0 : index
    %get3A_0 = arith.constant 0 : index
    %get3A_1 = arith.constant 0 : index
    %get3A_2 = vector.load %arg2[%get3A, %get3A_0, %get3A_1] : memref<2x10000x128xf32, #tpu.memory_space<vmem>>, vector<1x10000x128xf32>
    %get3A_3 = vector.shape_cast %get3A_2 : vector<1x10000x128xf32> to vector<10000x128xf32>
    %slice3A = vector.extract_strided_slice %get3A_3 {offsets = [0, 0], sizes = [10000, 64], strides = [1, 1]} : vector<10000x128xf32> to vector<10000x64xf32>
    %get3A_4 = arith.constant 1 : index
    %get3A_5 = arith.constant 0 : index
    %get3A_6 = arith.constant 0 : index
    %get3A_7 = vector.load %arg2[%get3A_4, %get3A_5, %get3A_6] : memref<2x10000x128xf32, #tpu.memory_space<vmem>>, vector<1x10000x128xf32>
    %get3A_8 = vector.shape_cast %get3A_7 : vector<1x10000x128xf32> to vector<10000x128xf32>
    %slice3A_9 = vector.extract_strided_slice %get3A_8 {offsets = [0, 0], sizes = [10000, 64], strides = [1, 1]} : vector<10000x128xf32> to vector<10000x64xf32>
    %concatenate3A = tpu.concatenate %slice3A, %slice3A_9 in 1 : vector<10000x64xf32>, vector<10000x64xf32> -> vector<10000x128xf32>
    %get3A_10 = arith.constant 0 : index
    %get3A_11 = arith.constant 0 : index
    %get3A_12 = arith.constant 0 : index
    %get3A_13 = vector.load %arg2[%get3A_10, %get3A_11, %get3A_12] : memref<2x10000x128xf32, #tpu.memory_space<vmem>>, vector<1x10000x128xf32>
    %get3A_14 = vector.shape_cast %get3A_13 : vector<1x10000x128xf32> to vector<10000x128xf32>
    %slice3A_15 = vector.extract_strided_slice %get3A_14 {offsets = [0, 64], sizes = [10000, 64], strides = [1, 1]} : vector<10000x128xf32> to vector<10000x64xf32>
    %get3A_16 = arith.constant 1 : index
    %get3A_17 = arith.constant 0 : index
    %get3A_18 = arith.constant 0 : index
    %get3A_19 = vector.load %arg2[%get3A_16, %get3A_17, %get3A_18] : memref<2x10000x128xf32, #tpu.memory_space<vmem>>, vector<1x10000x128xf32>
    %get3A_20 = vector.shape_cast %get3A_19 : vector<1x10000x128xf32> to vector<10000x128xf32>
    %slice3A_21 = vector.extract_strided_slice %get3A_20 {offsets = [0, 64], sizes = [10000, 64], strides = [1, 1]} : vector<10000x128xf32> to vector<10000x64xf32>
    %concatenate3A_22 = tpu.concatenate %slice3A_15, %slice3A_21 in 1 : vector<10000x64xf32>, vector<10000x64xf32> -> vector<10000x128xf32>
    %get3A_23 = arith.constant 0 : index
    %get3A_24 = arith.constant 0 : index
    %get3A_25 = vector.load %arg1[%get3A_23, %get3A_24] : memref<10000x128xf32, #tpu.memory_space<vmem>>, vector<10000x128xf32>
    %add3A = arith.constant 9.99999997E-7 : f32
    %add3A_26 = vector.broadcast %add3A : f32 to vector<10000x128xf32>
    %add3A_27 = arith.addf %concatenate3A_22, %add3A_26 : vector<10000x128xf32>
    %div3A = arith.divf %concatenate3A, %add3A_27 : vector<10000x128xf32>
    %add3A_28 = arith.addf %get3A_25, %div3A : vector<10000x128xf32>
    %get3A_29 = arith.constant 0 : index
    %get3A_30 = arith.constant 0 : index
    %get3A_31 = vector.load %arg3[%get3A_29, %get3A_30] : memref<1x128xf32, #tpu.memory_space<vmem>>, vector<1x128xf32>
    %get3A_32 = arith.constant 0 : index
    %get3A_33 = arith.constant 0 : index
    %get3A_34 = vector.load %arg4[%get3A_32, %get3A_33] : memref<1x128xf32, #tpu.memory_space<vmem>>, vector<1x128xf32>
    %reduce_sum3A = arith.constant dense<0.000000e+00> : vector<128xf32>
    %reduce_sum3A_35 = vector.multi_reduction <add>, %add3A_28, %reduce_sum3A [0] : vector<10000x128xf32> to vector<128xf32>
    %broadcast_in_dim3A = vector.shape_cast %reduce_sum3A_35 : vector<128xf32> to vector<1x128xf32>
    %div3A_36 = arith.constant 1.000000e+04 : f32
    %div3A_37 = vector.broadcast %div3A_36 : f32 to vector<1x128xf32>
    %div3A_38 = arith.divf %broadcast_in_dim3A, %div3A_37 : vector<1x128xf32>
    %mul3A = arith.mulf %add3A_28, %add3A_28 : vector<10000x128xf32>
    %reduce_sum3A_39 = arith.constant dense<0.000000e+00> : vector<128xf32>
    %reduce_sum3A_40 = vector.multi_reduction <add>, %mul3A, %reduce_sum3A_39 [0] : vector<10000x128xf32> to vector<128xf32>
    %broadcast_in_dim3A_41 = vector.shape_cast %reduce_sum3A_40 : vector<128xf32> to vector<1x128xf32>
    %div3A_42 = arith.constant 1.000000e+04 : f32
    %div3A_43 = vector.broadcast %div3A_42 : f32 to vector<1x128xf32>
    %div3A_44 = arith.divf %broadcast_in_dim3A_41, %div3A_43 : vector<1x128xf32>
    %mul3A_45 = arith.mulf %div3A_38, %div3A_38 : vector<1x128xf32>
    %sub3A = arith.subf %div3A_44, %mul3A_45 : vector<1x128xf32>
    %sub3A_46 = vector.broadcast %div3A_38 : vector<1x128xf32> to vector<10000x128xf32>
    %sub3A_47 = arith.subf %add3A_28, %sub3A_46 : vector<10000x128xf32>
    %add3A_48 = arith.constant 9.99999974E-6 : f32
    %add3A_49 = vector.broadcast %add3A_48 : f32 to vector<1x128xf32>
    %add3A_50 = arith.addf %sub3A, %add3A_49 : vector<1x128xf32>
    %rsqrt3A = math.rsqrt %add3A_50 : vector<1x128xf32>
    %mul3A_51 = vector.broadcast %rsqrt3A : vector<1x128xf32> to vector<10000x128xf32>
    %mul3A_52 = arith.mulf %sub3A_47, %mul3A_51 : vector<10000x128xf32>
    %mul3A_53 = vector.broadcast %get3A_31 : vector<1x128xf32> to vector<10000x128xf32>
    %mul3A_54 = arith.mulf %mul3A_52, %mul3A_53 : vector<10000x128xf32>
    %add3A_55 = vector.broadcast %get3A_34 : vector<1x128xf32> to vector<10000x128xf32>
    %add3A_56 = arith.addf %mul3A_54, %add3A_55 : vector<10000x128xf32>
    %max3A = arith.constant 0.000000e+00 : f32
    %max3A_57 = vector.broadcast %max3A : f32 to vector<10000x128xf32>
    %max3A_58 = arith.maximumf %add3A_56, %max3A_57 : vector<10000x128xf32>
    %get3A_59 = arith.constant 0 : index
    %get3A_60 = arith.constant 0 : index
    %get3A_61 = vector.load %arg0[%get3A_59, %get3A_60] : memref<10000x128xf32, #tpu.memory_space<vmem>>, vector<10000x128xf32>
    %add3A_62 = arith.addf %get3A_61, %max3A_58 : vector<10000x128xf32>
    %get3A_63 = arith.constant 0 : index
    %get3A_64 = arith.constant 0 : index
    %get3A_65 = vector.load %arg5[%get3A_63, %get3A_64] : memref<1x128xf32, #tpu.memory_space<vmem>>, vector<1x128xf32>
    %get3A_66 = arith.constant 0 : index
    %get3A_67 = arith.constant 0 : index
    %get3A_68 = vector.load %arg6[%get3A_66, %get3A_67] : memref<1x128xf32, #tpu.memory_space<vmem>>, vector<1x128xf32>
    %reduce_sum3A_69 = arith.constant dense<0.000000e+00> : vector<128xf32>
    %reduce_sum3A_70 = vector.multi_reduction <add>, %add3A_62, %reduce_sum3A_69 [0] : vector<10000x128xf32> to vector<128xf32>
    %broadcast_in_dim3A_71 = vector.shape_cast %reduce_sum3A_70 : vector<128xf32> to vector<1x128xf32>
    %div3A_72 = arith.constant 1.000000e+04 : f32
    %div3A_73 = vector.broadcast %div3A_72 : f32 to vector<1x128xf32>
    %div3A_74 = arith.divf %broadcast_in_dim3A_71, %div3A_73 : vector<1x128xf32>
    %mul3A_75 = arith.mulf %add3A_62, %add3A_62 : vector<10000x128xf32>
    %reduce_sum3A_76 = arith.constant dense<0.000000e+00> : vector<128xf32>
    %reduce_sum3A_77 = vector.multi_reduction <add>, %mul3A_75, %reduce_sum3A_76 [0] : vector<10000x128xf32> to vector<128xf32>
    %broadcast_in_dim3A_78 = vector.shape_cast %reduce_sum3A_77 : vector<128xf32> to vector<1x128xf32>
    %div3A_79 = arith.constant 1.000000e+04 : f32
    %div3A_80 = vector.broadcast %div3A_79 : f32 to vector<1x128xf32>
    %div3A_81 = arith.divf %broadcast_in_dim3A_78, %div3A_80 : vector<1x128xf32>
    %mul3A_82 = arith.mulf %div3A_74, %div3A_74 : vector<1x128xf32>
    %sub3A_83 = arith.subf %div3A_81, %mul3A_82 : vector<1x128xf32>
    %sub3A_84 = vector.broadcast %div3A_74 : vector<1x128xf32> to vector<10000x128xf32>
    %sub3A_85 = arith.subf %add3A_62, %sub3A_84 : vector<10000x128xf32>
    %add3A_86 = arith.constant 9.99999974E-6 : f32
    %add3A_87 = vector.broadcast %add3A_86 : f32 to vector<1x128xf32>
    %add3A_88 = arith.addf %sub3A_83, %add3A_87 : vector<1x128xf32>
    %rsqrt3A_89 = math.rsqrt %add3A_88 : vector<1x128xf32>
    %mul3A_90 = vector.broadcast %rsqrt3A_89 : vector<1x128xf32> to vector<10000x128xf32>
    %mul3A_91 = arith.mulf %sub3A_85, %mul3A_90 : vector<10000x128xf32>
    %mul3A_92 = vector.broadcast %get3A_65 : vector<1x128xf32> to vector<10000x128xf32>
    %mul3A_93 = arith.mulf %mul3A_91, %mul3A_92 : vector<10000x128xf32>
    %add3A_94 = vector.broadcast %get3A_68 : vector<1x128xf32> to vector<10000x128xf32>
    %add3A_95 = arith.addf %mul3A_93, %add3A_94 : vector<10000x128xf32>
    %get3A_96 = arith.constant 0 : index
    %get3A_97 = arith.constant 0 : index
    %get3A_98 = vector.load %arg9[%get3A_96, %get3A_97] : memref<128x256xf32, #tpu.memory_space<vmem>>, vector<128x256xf32>
    %dot_general3A = arith.constant dense<0.000000e+00> : vector<10000x256xf32>
    %dot_general3A_99 = tpu.matmul %add3A_95, %get3A_98, %dot_general3A {dimension_numbers = #tpu.dot_dimension_numbers<[1], [0], [0], [1], [0, 0, 1, 1], [], []>, transpose_lhs_hint = false} : vector<10000x128xf32>, vector<128x256xf32>, vector<10000x256xf32> -> vector<10000x256xf32>
    %get3A_100 = arith.constant 0 : index
    %get3A_101 = arith.constant 0 : index
    %get3A_102 = vector.load %arg10[%get3A_100, %get3A_101] : memref<1x256xf32, #tpu.memory_space<vmem>>, vector<1x256xf32>
    %add3A_103 = vector.broadcast %get3A_102 : vector<1x256xf32> to vector<10000x256xf32>
    %add3A_104 = arith.addf %dot_general3A_99, %add3A_103 : vector<10000x256xf32>
    %max3A_105 = arith.constant 0.000000e+00 : f32
    %max3A_106 = vector.broadcast %max3A_105 : f32 to vector<10000x256xf32>
    %max3A_107 = arith.maximumf %add3A_104, %max3A_106 : vector<10000x256xf32>
    %get3A_108 = arith.constant 0 : index
    %get3A_109 = arith.constant 0 : index
    %get3A_110 = vector.load %arg11[%get3A_108, %get3A_109] : memref<256x128xf32, #tpu.memory_space<vmem>>, vector<256x128xf32>
    %dot_general3A_111 = arith.constant dense<0.000000e+00> : vector<10000x128xf32>
    %dot_general3A_112 = tpu.matmul %max3A_107, %get3A_110, %dot_general3A_111 {dimension_numbers = #tpu.dot_dimension_numbers<[1], [0], [0], [1], [0, 0, 1, 1], [], []>, transpose_lhs_hint = false} : vector<10000x256xf32>, vector<256x128xf32>, vector<10000x128xf32> -> vector<10000x128xf32>
    %add3A_113 = arith.addf %add3A_95, %dot_general3A_112 : vector<10000x128xf32>
    %get3A_114 = arith.constant 0 : index
    %get3A_115 = arith.constant 0 : index
    %get3A_116 = vector.load %arg12[%get3A_114, %get3A_115] : memref<1x128xf32, #tpu.memory_space<vmem>>, vector<1x128xf32>
    %add3A_117 = vector.broadcast %get3A_116 : vector<1x128xf32> to vector<10000x128xf32>
    %add3A_118 = arith.addf %add3A_113, %add3A_117 : vector<10000x128xf32>
    %get3A_119 = arith.constant 0 : index
    %get3A_120 = arith.constant 0 : index
    %get3A_121 = vector.load %arg7[%get3A_119, %get3A_120] : memref<1x128xf32, #tpu.memory_space<vmem>>, vector<1x128xf32>
    %get3A_122 = arith.constant 0 : index
    %get3A_123 = arith.constant 0 : index
    %get3A_124 = vector.load %arg8[%get3A_122, %get3A_123] : memref<1x128xf32, #tpu.memory_space<vmem>>, vector<1x128xf32>
    %reduce_sum3A_125 = arith.constant dense<0.000000e+00> : vector<128xf32>
    %reduce_sum3A_126 = vector.multi_reduction <add>, %add3A_118, %reduce_sum3A_125 [0] : vector<10000x128xf32> to vector<128xf32>
    %broadcast_in_dim3A_127 = vector.shape_cast %reduce_sum3A_126 : vector<128xf32> to vector<1x128xf32>
    %div3A_128 = arith.constant 1.000000e+04 : f32
    %div3A_129 = vector.broadcast %div3A_128 : f32 to vector<1x128xf32>
    %div3A_130 = arith.divf %broadcast_in_dim3A_127, %div3A_129 : vector<1x128xf32>
    %mul3A_131 = arith.mulf %add3A_118, %add3A_118 : vector<10000x128xf32>
    %reduce_sum3A_132 = arith.constant dense<0.000000e+00> : vector<128xf32>
    %reduce_sum3A_133 = vector.multi_reduction <add>, %mul3A_131, %reduce_sum3A_132 [0] : vector<10000x128xf32> to vector<128xf32>
    %broadcast_in_dim3A_134 = vector.shape_cast %reduce_sum3A_133 : vector<128xf32> to vector<1x128xf32>
    %div3A_135 = arith.constant 1.000000e+04 : f32
    %div3A_136 = vector.broadcast %div3A_135 : f32 to vector<1x128xf32>
    %div3A_137 = arith.divf %broadcast_in_dim3A_134, %div3A_136 : vector<1x128xf32>
    %mul3A_138 = arith.mulf %div3A_130, %div3A_130 : vector<1x128xf32>
    %sub3A_139 = arith.subf %div3A_137, %mul3A_138 : vector<1x128xf32>
    %sub3A_140 = vector.broadcast %div3A_130 : vector<1x128xf32> to vector<10000x128xf32>
    %sub3A_141 = arith.subf %add3A_118, %sub3A_140 : vector<10000x128xf32>
    %add3A_142 = arith.constant 9.99999974E-6 : f32
    %add3A_143 = vector.broadcast %add3A_142 : f32 to vector<1x128xf32>
    %add3A_144 = arith.addf %sub3A_139, %add3A_143 : vector<1x128xf32>
    %rsqrt3A_145 = math.rsqrt %add3A_144 : vector<1x128xf32>
    %mul3A_146 = vector.broadcast %rsqrt3A_145 : vector<1x128xf32> to vector<10000x128xf32>
    %mul3A_147 = arith.mulf %sub3A_141, %mul3A_146 : vector<10000x128xf32>
    %mul3A_148 = vector.broadcast %get3A_121 : vector<1x128xf32> to vector<10000x128xf32>
    %mul3A_149 = arith.mulf %mul3A_147, %mul3A_148 : vector<10000x128xf32>
    %add3A_150 = vector.broadcast %get3A_124 : vector<1x128xf32> to vector<10000x128xf32>
    %add3A_151 = arith.addf %mul3A_149, %add3A_150 : vector<10000x128xf32>
    %swap3A = arith.constant 0 : index
    %swap3A_152 = arith.constant 0 : index
    %swap3A_153 = vector.load %arg13[%swap3A, %swap3A_152] : memref<10000x128xf32, #tpu.memory_space<vmem>>, vector<10000x128xf32>
    tpu.vector_store %arg13[%swap3A, %swap3A_152], %add3A_151 {strides = array<i32>} : memref<10000x128xf32, #tpu.memory_space<vmem>>, vector<10000x128xf32>,
    return
  }
}

</mosaic_0001>

<sc_bundles>
// kernel: kernel.7.cloned.1.call-start
scs
__scs_entry_jumppad:
0x0: {  	(pc) =	sbr.rel $0x88, $3  }
0x1: {  	(tag) =	ssettag $0x0;
	lr =	simm.s32 $0x1  }
0x2: {  	[smem:$0x3F88] =	sst lr;
	_ =	strace $0xD0000000  }
0x3: {  	_ = 	snop  }
0x4: {  	_ = 	snop  }
0x5: {  	_ = 	snop  }
0x6: {  	_ = 	snop  }
0x7: {  	_ = 	snop  }
__scs_overlays_trampoline_lowered:
0x8: {  	[smem:$0x3F97] =	sst s0  }
0x9: {  	[smem:$0x3F98] =	sst s1  }
0xa: {  	[smem:$0x3F99] =	sst s2  }
0xb: {  	[smem:$0x3F9A] =	sst s3  }
0xc: {  	[smem:$0x3F9B] =	sst s4  }
0xd: {  	[smem:$0x3F9C] =	sst s5  }
0xe: {  	[smem:$0x3F9D] =	sst s6  }
0xf: {  	[smem:$0x3F9E] =	sst s7  }
0x10: {  	[smem:$0x3F9F] =	sst s8  }
0x11: {  	[smem:$0x3FA0] =	sst s9;
	s0 =	simm.s32 @!p0 $0x0  }
0x12: {  	s1 =	sld [smem:$0x3F86];
	s0 =	simm.s32 @p0 $0x1  }
0x13: {  	[smem:$0x3FA1] =	sst s0;
	s0 =	simm.s32 @!p1 $0x0  }
0x14: {  	s2 =	sld [smem:$0x3F85];
	s0 =	simm.s32 @p1 $0x1  }
0x15: {  	[smem:$0x3FA2] =	sst s0;
	s0 =	simm.s32 @!p2 $0x0  }
0x16: {  	s3 =	sld [smem:$0x3FDB];
	s0 =	simm.s32 @p2 $0x1  }
0x17: {  	s4 =	simm.s32 $0x1BF5;
	[smem:$0x3FA4] =	sst s0  }
0x18: {  	s0 =	sld [smem:$0x3F87];
	_ =	swait.ge [sflag:s4], $0x0  }
0x19: {  	s7 =	sld [smem:$0x3F88]  }
0x1a: {  	s8 =	sadd.s32 $0xFFFFE003, lr  }
0x1b: {  	s9 =	sadd.s32 $0xFFFFFEF7, lr;
	s5 =	simm.s32 $0xFFFFFFFF;
	p2 =	slt.u32 s8, $0xFFFFF086  }
0x1c: {  	p1 =	slt.u32 s9, $0xF7A;
	s5 =	simm.s32 @!p2 $0x0  }
0x1d: {  	s5 =	simm.s32 @p1 $0x1;
	p0 =	seq.s32 s7, s2  }
0x1e: {  	s7 =	smul.u32 @!p0 $0xF7A, s2;
	p2 =	seq.s32 @!p0 s5, $0x0  }
0x1f: {  	s9 =	smul.u32 $0xF7A, s1;
	s8 =	simm.s32 @!p0 $0x1BF5;
	p2 =	por !p2, p0  }
0x20: {  	[sflag:s8] =	ssyncset.s32 @!p0 $0xFFFFF086;
	s6 =	sadd.s32 @!p0 s3, s7;
	s7 =	simm.s32 @!p0 $0x108  }
0x21: {  	s3 =	sadd.s32 s3, s9;
	s6 =	sadd.s32 @!p0 $0x88, s6;
	s7 =	simm.s32 @p2 $0x1082  }
0x22: {  	[simem:s7], [sflag:s8] =	dma.local @!p0 [hbm:s6], $0xF7A  }
0x23: {  	s9 =	sor.u32 $0xD0000000, s2;
	s6 =	simm.s32 $0x108;
	_ =	swait.ge @!p0 [sflag:s8], $0x0  }
0x24: {  	s3 =	sadd.s32 $0x88, s3;
	s6 =	simm.s32 @!p1 $0x1082;
	[sflag:s4] =	ssyncset.s32 $0xFFFFF086  }
0x25: {  	[simem:s6], [sflag:s4] =	dma.local [hbm:s3], $0xF7A  }
0x26: {  	[smem:$0x3F88] =	sst s1;
	(tag) =	ssettag s2;
	_ =	strace s9  }
0x27: {  	s1 =	sld [smem:$0x3F98]  }
0x28: {  	s2 =	sld [smem:$0x3F99]  }
0x29: {  	s4 =	sld [smem:$0x3F9B]  }
0x2a: {  	p0 =	seq.s32 s5, $0x0;
	s5 =	sld [smem:$0x3F9C]  }
0x2b: {  	s6 =	sld [smem:$0x3F9D]  }
0x2c: {  	s7 =	sld [smem:$0x3F9E]  }
0x2d: {  	s3 =	simm.s32 $0x108;
	s8 =	sld [smem:$0x3F9F]  }
0x2e: {  	s3 =	simm.s32 @!p0 $0x1082;
	s9 =	sld [smem:$0x3FA0]  }
0x2f: {  	lr =	sadd.s32 s0, s3;
	s0 =	sld [smem:$0x3F97]  }
0x30: {  	s3 =	sld [smem:$0x3F9A]  }
0x31: {  	[smem:$0x3FA3] =	sst s10  }
0x32: {  	s10 =	sld [smem:$0x3FA1];
	_ =	sdelay $0x3  }
0x33: {  	p0 =	seq.s32 s10, $0x1;
	s10 =	sld [smem:$0x3FA3];
	_ =	sdelay $0x3  }
0x34: {  	[smem:$0x3FA3] =	sst s10  }
0x35: {  	s10 =	sld [smem:$0x3FA2];
	_ =	sdelay $0x3  }
0x36: {  	p1 =	seq.s32 s10, $0x1;
	s10 =	sld [smem:$0x3FA3];
	_ =	sdelay $0x3  }
0x37: {  	[smem:$0x3FA3] =	sst s10  }
0x38: {  	s10 =	sld [smem:$0x3FA4]  }
0x39: {  	_ = 	snop;
	(pc) =	sbr.ind lr, $3  }
0x3a: {  	_ = 	snop  }
0x3b: {  	_ = 	snop  }
0x3c: {  	p2 =	seq.s32 s10, $0x1;
	s10 =	sld [smem:$0x3FA3]  }
0x3d: {  	_ =	shalt  }
0x3e: {  	_ =	shalt  }
0x3f: {  	_ =	shalt  }
0x40: {  	_ =	shalt  }
0x41: {  	_ =	shalt  }
0x42: {  	_ =	shalt  }
0x43: {  	_ =	shalt  }
0x44: {  	_ =	shalt  }
0x45: {  	_ =	shalt  }
0x46: {  	_ =	shalt  }
0x47: {  	_ =	shalt  }
0x48: {  	_ =	shalt  }
0x49: {  	_ =	shalt  }
0x4a: {  	_ =	shalt  }
0x4b: {  	_ =	shalt  }
0x4c: {  	_ =	shalt  }
0x4d: {  	_ =	shalt  }
0x4e: {  	_ =	shalt  }
0x4f: {  	_ =	shalt  }
0x50: {  	_ =	shalt  }
0x51: {  	_ =	shalt  }
0x52: {  	_ =	shalt  }
0x53: {  	_ =	shalt  }
0x54: {  	_ =	shalt  }
0x55: {  	_ =	shalt  }
0x56: {  	_ =	shalt  }
0x57: {  	_ =	shalt  }
0x58: {  	_ =	shalt  }
0x59: {  	_ =	shalt  }
0x5a: {  	_ =	shalt  }
0x5b: {  	_ =	shalt  }
0x5c: {  	_ =	shalt  }
0x5d: {  	_ =	shalt  }
0x5e: {  	_ =	shalt  }
0x5f: {  	_ =	shalt  }
0x60: {  	_ =	shalt  }
0x61: {  	_ =	shalt  }
0x62: {  	_ =	shalt  }
0x63: {  	_ =	shalt  }
0x64: {  	_ =	shalt  }
0x65: {  	_ =	shalt  }
0x66: {  	_ =	shalt  }
0x67: {  	_ =	shalt  }
0x68: {  	_ =	shalt  }
0x69: {  	_ =	shalt  }
0x6a: {  	_ =	shalt  }
0x6b: {  	_ =	shalt  }
0x6c: {  	_ =	shalt  }
0x6d: {  	_ =	shalt  }
0x6e: {  	_ =	shalt  }
0x6f: {  	_ =	shalt  }
0x70: {  	_ =	shalt  }
0x71: {  	_ =	shalt  }
0x72: {  	_ =	shalt  }
0x73: {  	_ =	shalt  }
0x74: {  	_ =	shalt  }
0x75: {  	_ =	shalt  }
0x76: {  	_ =	shalt  }
0x77: {  	_ =	shalt  }
0x78: {  	_ =	shalt  }
0x79: {  	_ =	shalt  }
0x7a: {  	_ =	shalt  }
0x7b: {  	_ =	shalt  }
0x7c: {  	_ =	shalt  }
0x7d: {  	_ =	shalt  }
0x7e: {  	_ =	shalt  }
0x7f: {  	_ =	shalt  }
0x80: {  	_ =	shalt  }
0x81: {  	_ =	shalt  }
0x82: {  	_ =	shalt  }
0x83: {  	_ =	shalt  }
0x84: {  	_ =	shalt  }
0x85: {  	_ =	shalt  }
0x86: {  	_ =	shalt  }
0x87: {  	_ =	shalt  }
.Lfunc_end0:
.L_simem_size_0:
called_computation_lowered:
.L_overlay_start_0:
0x88: {  	s2 =	sld [smem:$0x3FD9]  }
0x89: {  	s3 =	sld [smem:$0x3FFE];
	_ =	sdelay $0x1  }
0x8a: {  	s1 =	srdreg.scid  }
0x8b: {  	s0 =	sand.u32 $0x1, s1  }
0x8c: {  	s14 =	sshll.u32 s0, $0xA;
	s2 =	sadd.s32 s3, s2  }
0x8d: {  	s2 =	sadd.s32 s2, s14  }
0x8e: {  	[smem:$0x3FAF] =	sst s2  }
0x8f: {  	_ = 	snop  }
0x90: {  	s2 =	sld [smem:$0x3FD0];
	_ =	sdelay $0x2  }
0x91: {  	s15 =	simm.s32 $0xA;
	s4 =	simm.s32 $0x10  }
0x92: {  	[smem:s4], [sflag:s15] =	dma.local [hbm:s2], $0x1  }
0x93: {  	_ =	swait.eq [sflag:s15], $0x1  }
0x94: {  	[sflag:s15] =	ssyncset.done $0x0  }
0x95: {  	[sflag:s15] =	ssyncadd.s32 $0xFFFFFFFF  }
0x96: {  	s16 =	sld [smem:$0x11];
	(tm) =	ssettm $0x1  }
0x97: {  	s17 =	sld [smem:$0x3FFB];
	_ =	sdelay $0x3  }
0x98: {  	_ =	strace s17  }
0x99: {  	s3 =	sld [smem:$0x3FFC];
	_ =	sdelay $0x3  }
0x9a: {  	_ =	strace s3  }
0x9b: {  	s3 =	sld [smem:$0x3FFD];
	_ =	sdelay $0x3  }
0x9c: {  	_ =	strace s3  }
0x9d: {  	_ =	strace $0x8FFFFFFF  }
0x9e: {  	s18 =	sld [smem:$0x3FDB];
	_ =	sdelay $0x1  }
0x9f: {  	s19 =	simm.s32 $_scs_section_size  }
0xa0: {  	s5 =	simm.s32 $_size__tile_overlayer_lowered;
	s6 =	simm.s32 $_tile_overlayer_lowered  }
0xa1: {  	s22 =	simm.s32 $0x1BFF;
	s21 =	sshll.u32 s6, $0x1;
	s3 =	sadd.s32 s19, s18  }
0xa2: {  	s7 =	simm.s32 $0x0;
	s20 =	sshll.u32 s5, $0x1;
	s5 =	sadd.s32 s21, s3  }
0xa3: {  	[timem:s7], [sflag:s22] =	dma.local [hbm:s5], s20  }
0xa4: {  	_ =	swait.ge [sflag:s22], s20  }
0xa5: {  	s4 =	ssub.s32 $0x0, s20;
	[sflag:s22] =	ssyncset.done $0x0  }
0xa6: {  	[sflag:s22] =	ssyncadd.s32 s4;
	_ =	sdelay $0x1  }
0xa7: {  	s23 =	simm.s32 $0x1B8B  }
0xa8: {  	_ =	swait.ge [sflag:s23], $0x1  }
0xa9: {  	[sflag:s23] =	ssyncset.done $0x0  }
0xaa: {  	s25 =	simm.s32 $0x1B8E;
	s24 =	sld [smem:$0x3FFE];
	[sflag:s23] =	ssyncadd.s32 $0xFFFFFFFF  }
0xab: {  	s26 =	simm.s32 $execute0_lowered;
	[smem:$0x3FD2] =	sst s25  }
0xac: {  	s5 =	sshll.u32 s26, $0x1;
	_ =	strace $0x80000046;
	[dreg:$0x1] =	wrdreg $0xFFFFFFFF  }
0xad: {  	s28 =	simm.s32 $_size_execute0_lowered;
	s3 =	sadd.s32 s3, s5;
	[dreg:$0x0] =	wrdreg $0x0  }
0xae: {  	s5 =	sshll.u32 s28, $0x1;
	[dreg:$0x2] =	wrdreg s3  }
0xaf: {  	[dreg:$0x3] =	wrdreg s5  }
0xb0: {  	[dreg:$0x4] =	wrdreg $0xC0  }
0xb1: {  	_ =	task [dreg:s7], $0x5FFFF  }
0xb2: {  	[dreg:$0x1] =	wrdreg $0xFFFFFFFF  }
0xb3: {  	[dreg:$0x0] =	wrdreg $0x60  }
0xb4: {  	[dreg:$0x2] =	wrdreg s24  }
0xb5: {  	[dreg:$0x3] =	wrdreg s16  }
0xb6: {  	[dreg:$0x4] =	wrdreg $0xA6000  }
0xb7: {  	[dreg:$0x5] =	wrdreg $0x9  }
0xb8: {  	_ =	task.clear_ibuf [dreg:s7], $0x6FFFF;
	_ =	strace $0x90000046  }
0xb9: {  	s29 =	simm.s32 $0x9;
	_ =	strace $0x80000048  }
0xba: {  	_ =	swait.ge [sflag:s29], $0x1  }
0xbb: {  	[sflag:s29] =	ssyncadd.s32 $0xFFFFFFFF  }
0xbc: {  	_ =	strace $0x90000048  }
0xbd: {  	_ =	sfence  }
0xbe: {  	s30 =	sld [smem:$0x0];
	_ =	sdelay $0x2  }
0xbf: {  	s31 =	sshll.u32 s1, $0xD;
	s1 =	sshrl.u32 s1, $0x2  }
0xc0: {  	s3 =	sand.u32 $0x4000, s31;
	s1 =	sadd.s32 s1, s30  }
0xc1: {  	s0 =	sor.u32 s3, s0;
	s1 =	sshll.u32 s1, $0x11  }
0xc2: {  	s0 =	sor.u32 s1, s0  }
0xc3: {  	s0 =	sadd.s32 $0x8F2B, s0  }
0xc4: {  	[sflag:s0] =	ssyncadd.remote.s32 $0x1  }
0xc5: {  	_ =	sfence.sel $0xFFFF  }
0xc6: {  	[dreg:$0x0] =	wrdreg $0xFFFFFFFF;
	(pc) =	sbr.abs _section_cstart, $3  }
0xc7: {  	[dreg:$0x1] =	wrdreg $0xFFFFFFFF  }
0xc8: {  	_ =	task.clear_ibuf [dreg:s7], $0x2FFFF;
	_ =	strace $0x9FFFFFFF  }
0xc9: {  	(tm) =	ssettm $0x7FFFFFFF  }
tec
execute0_lowered:
.L_overlay_start_1:
0x0: {  	(tag) =	ssettag $0x1  }
0x1: {  	s1 =	rddreg [dreg:$0x0];
	s0 =	simm.s32 $0x0;
	s23 =	srdreg.scid  }
0x2: {  	s28 =	stileid.u32;
	[smem:$0x7FF] =	sst s0;
	s4 =	sadd.s32 $0x596E00, s1  }
0x3: {  	s0 =	sand.u32 $0x1, s23;
	s2 =	sshll.u32 s28, $0x7;
	s6 =	smul.u32 $0x9C, s28  }
0x4: {  	s3 =	smul.u32 $0x13800, s28;
	s8 =	smin.u32 s28, $0x4;
	s5 =	ssub.s32 $0x2, s0  }
0x5: {  	s7 =	sadd.s32 s2, s1;
	s9 =	sshll.u32 s0, $0xB;
	s10 =	smul.u32 $0x138800, s0  }
0x6: {  	s24 =	sshrl.u32 s5, $0x1;
	s25 =	sadd.s32 s8, s6;
	s6 =	sadd.s32 s9, s7  }
0x7: {  	s9 =	sadd.s32 $0x2000, s3;
	s21 =	sadd.s32 $0xA000, s3;
	s23 =	sadd.s32 $0xC000, s3  }
0x8: {  	s5 =	ssub.s32 s5, s24;
	[dreg:$0x4] =	wrdreg s25;
	s26 =	sshrl.u32 s10, $0x3  }
0x9: {  	s2 =	sadd.s32 s10, s3;
	s11 =	sadd.s32 s10, s9;
	s20 =	sadd.s32 s10, s21  }
0xa: {  	s22 =	sadd.s32 s10, s23;
	s24 =	sadd.s32 $0xE000, s3;
	s7 =	sadd.s32 s4, s26  }
0xb: {  	s8 =	sshrl.u32 s2, $0x3;
	s13 =	sshrl.u32 s11, $0x3;
	s11 =	sadd.s32 $0x4000, s3  }
0xc: {  	s25 =	sshrl.u32 s22, $0x3;
	s26 =	sadd.s32 s10, s24;
	s8 =	sadd.s32 s4, s8  }
0xd: {  	s14 =	sadd.s32 s4, s13;
	s15 =	sadd.s32 s10, s11;
	[dreg:$0x5] =	wrdreg s8  }
0xe: {  	s13 =	sadd.s32 $0x6000, s3;
	[dreg:$0x6] =	wrdreg s14;
	s8 =	sshrl.u32 s15, $0x3  }
0xf: {  	s16 =	sadd.s32 s10, s13;
	s15 =	sadd.s32 $0x8000, s3;
	s14 =	sshrl.u32 s26, $0x3  }
0x10: {  	s8 =	sadd.s32 s4, s8;
	s17 =	sshrl.u32 s16, $0x3;
	s18 =	sadd.s32 s10, s15  }
0x11: {  	[dreg:$0x7] =	wrdreg s8;
	s8 =	sadd.s32 s4, s17;
	s19 =	sshrl.u32 s18, $0x3  }
0x12: {  	[dreg:$0x8] =	wrdreg s8;
	s2 =	sadd.s32 s4, s19;
	s8 =	sshrl.u32 s20, $0x3  }
0x13: {  	s26 =	sadd.s32 $0x12000, s3;
	[dreg:$0x9] =	wrdreg s2;
	s8 =	sadd.s32 s4, s8  }
0x14: {  	[dreg:$0xa] =	wrdreg s8;
	s8 =	sadd.s32 s4, s25;
	s25 =	sadd.s32 $0x10000, s3  }
0x15: {  	s2 =	sadd.s32 s4, s14;
	s14 =	rddreg [dreg:$0x2];
	s16 =	sadd.s32 s10, s25  }
0x16: {  	[dreg:$0xb] =	wrdreg s8;
	s10 =	sadd.s32 s10, s26;
	s8 =	sshrl.u32 s16, $0x3  }
0x17: {  	[dreg:$0xc] =	wrdreg s2;
	s18 =	sshrl.u32 s10, $0x3;
	s17 =	sadd.s32 s4, s8  }
0x18: {  	s19 =	sadd.s32 s4, s18;
	[dreg:$0xd] =	wrdreg s17  }
0x19: {  	s2 =	sadd.s32 $0xB3E00, s6;
	[dreg:$0xe] =	wrdreg s19  }
0x1a: {  	s6 =	sadd.s32 $0x27000, s7;
	_ =	strace $0x80000047;
	[dreg:$0x10] =	wrdreg s2  }
0x1b: {  	s7 =	smax.u32 s5, $0x1;
	[dreg:$0x11] =	wrdreg s6  }
0x1c: {  	s12 =	simm.s32 $0x0;
	s8 =	sadd.s32 s3, s14;
	[dreg:$0x12] =	wrdreg s7  }
0x1d: {  	s20 =	smul.u32 $0x4E000, s28;
	s10 =	sadd.s32 s9, s14;
	[dreg:$0x13] =	wrdreg s8  }
0x1e: {  	s29 =	simm.s32 $0x40;
	s11 =	sadd.s32 s11, s14;
	[dreg:$0x14] =	wrdreg s10  }
0x1f: {  	s22 =	sshrl.u32 s20, $0x2;
	s13 =	sadd.s32 s13, s14;
	[dreg:$0x15] =	wrdreg s11  }
0x20: {  	s5 =	sadd.s32 s23, s14;
	s3 =	sadd.s32 s21, s14;
	[dreg:$0x16] =	wrdreg s13  }
0x21: {  	s16 =	sadd.s32 $0x65C00, s1;
	s9 =	sadd.s32 $0x138000, s14;
	[dreg:$0x18] =	wrdreg s3  }
0x22: {  	s18 =	sadd.s32 $0x4000, s1;
	s17 =	sadd.s32 $0x17A00, s1;
	[dreg:$0x19] =	wrdreg s5  }
0x23: {  	s19 =	sadd.s32 $0xB4E00, s1;
	s1 =	sadd.s32 s22, s14;
	[dreg:$0x1d] =	wrdreg s9  }
0x24: {  	s30 =	simm.s32 $0x8;
	s2 =	sadd.s32 s15, s14;
	[dreg:$0xf] =	wrdreg s1  }
0x25: {  	s31 =	simm.s32 $0x0;
	s6 =	sadd.s32 s24, s14;
	[dreg:$0x17] =	wrdreg s2  }
0x26: {  	p0 =	slt.u32 s28, $0x4;
	s7 =	sadd.s32 s25, s14;
	[dreg:$0x1a] =	wrdreg s6  }
0x27: {  	s20 =	simm.s32 $0x9D;
	s8 =	sadd.s32 s26, s14;
	[dreg:$0x1b] =	wrdreg s7  }
0x28: {  	s20 =	simm.s32 @!p0 $0x9C;
	s10 =	sadd.s32 $0x2000, s1;
	[dreg:$0x1c] =	wrdreg s8  }
0x29: {  	p0 =	sne.s32 s28, $0xF;
	s11 =	sadd.s32 $0x4000, s1;
	[dreg:$0x1e] =	wrdreg s10  }
0x2a: {  	s28 =	simm.s32 $0x9;
	s13 =	sadd.s32 $0x6000, s1;
	[dreg:$0x1f] =	wrdreg s11  }
0x2b: {  	s4 =	smul.u32 $0x2710, s0;
	s15 =	sadd.s32 $0x8000, s1;
	[smem:$0x7F7] =	sst s13  }
0x2c: {  	s22 =	smul.u32 $0x1388000, s0;
	s21 =	sadd.s32 $0xA000, s1;
	[smem:$0x7F8] =	sst s15  }
0x2d: {  	s0 =	simm.s32 $0x2100;
	s23 =	sadd.s32 $0xC000, s1;
	[smem:$0x7F9] =	sst s21  }
0x2e: {  	s24 =	sadd.s32 $0xE000, s1;
	s25 =	sadd.s32 $0x10000, s1;
	[smem:$0x7FA] =	sst s23  }
0x2f: {  	s26 =	sadd.s32 $0x12000, s1;
	s5 =	simm.s32 $0x8200;
	[smem:$0x7FB] =	sst s24  }
0x30: {  	s9 =	simm.s32 $0x1;
	s3 =	simm.s32 $0x0;
	[smem:$0x7FC] =	sst s25  }
0x31: {  	[smem:$0x7FD] =	sst s26;
	s26 =	simm.s32 $0x3100;
	s8 =	simm.s32 $0x7200  }
0x32: {  	s10 =	simm.s32 $0x2;
	s13 =	simm.s32 $0x5;
	s15 =	simm.s32 $0x6  }
0x33: {  	v1 =	vimm.f32 $0.0e+00;
	v0 =	vmov s4;
	s24 =	simm.s32 $0x3;
	s25 =	simm.s32 $0x4;
	s21 =	simm.s32 $0x7  }
.LBB2_1:
0x34: {  	[smem:$0x7F6] =	sst s3;
	s1 =	simm.s32 $0x0;
	s3 =	simm.s32 $0x200  }
.LBB2_2:
0x35: {  	p1 =	sne.s32 s3, $0x7E00;
	[tilespmem:s1+$0x3170] =	vst v1  }
0x36: {  	[tilespmem:s1+$0x3100] =	vst v1  }
0x37: {  	[tilespmem:s1+$0x3110] =	vst v1  }
.Ltmp0:
0x38: {  	[tilespmem:s1+$0x3120] =	vst v1;
	(pc) =	sbr.rel @p1 .LBB2_2-.Ltmp0, $4  }
0x39: {  	[tilespmem:s1+$0x3130] =	vst v1  }
0x3a: {  	[tilespmem:s1+$0x3140] =	vst v1  }
0x3b: {  	[tilespmem:s1+$0x3150] =	vst v1  }
0x3c: {  	[tilespmem:s1+$0x3160] =	vst v1;
	s1 =	sshra.s32 s3, $0x2;
	s3 =	sadd.s32 $0x200, s3  }
0x3d: {  	[tilespmem:s1+$0x3170] =	vst v1  }
0x3e: {  	[tilespmem:s1+$0x3100] =	vst v1  }
0x3f: {  	[tilespmem:s1+$0x3110] =	vst v1  }
0x40: {  	[tilespmem:s1+$0x3120] =	vst v1  }
0x41: {  	[tilespmem:s1+$0x3130] =	vst v1  }
0x42: {  	[tilespmem:s1+$0x3140] =	vst v1  }
0x43: {  	[tilespmem:s1+$0x3150] =	vst v1  }
0x44: {  	[tilespmem:s1+$0x3160] =	vst v1;
	s7 =	rddreg [dreg:$0xf]  }
0x45: {  	[spmem:s7] =	stream.linear.scatter [tilespmem:s26], [sflag:$0x9], $0x2000, $0x38;
	[tilespmem:$0x1DE80] =	vst v63  }
0x46: {  	_ =	swait.ge [sflag:s28], $0x2000  }
0x47: {  	[sflag:s28] =	ssyncset.done $0x0  }
0x48: {  	s11 =	rddreg [dreg:$0x1e];
	[sflag:s28] =	ssyncadd.s32 $0xFFFFE000  }
0x49: {  	[spmem:s11] =	stream.linear.scatter [tilespmem:s26], [sflag:$0x9], $0x2000, $0x38;
	[tilespmem:$0x1DE80] =	vst v63  }
0x4a: {  	_ =	swait.ge [sflag:s28], $0x2000  }
0x4b: {  	[sflag:s28] =	ssyncset.done $0x0  }
0x4c: {  	s23 =	rddreg [dreg:$0x1f];
	[sflag:s28] =	ssyncadd.s32 $0xFFFFE000  }
0x4d: {  	[spmem:s23] =	stream.linear.scatter [tilespmem:s26], [sflag:$0x9], $0x2000, $0x38;
	[tilespmem:$0x1DE80] =	vst v63  }
0x4e: {  	_ =	swait.ge [sflag:s28], $0x2000  }
0x4f: {  	s2 =	sld [smem:$0x7F7]  }
0x50: {  	[sflag:s28] =	ssyncset.done $0x0  }
0x51: {  	[sflag:s28] =	ssyncadd.s32 $0xFFFFE000  }
0x52: {  	[spmem:s2] =	stream.linear.scatter [tilespmem:s26], [sflag:$0x9], $0x2000, $0x38;
	[tilespmem:$0x1DE80] =	vst v63  }
0x53: {  	_ =	swait.ge [sflag:s28], $0x2000  }
0x54: {  	s3 =	sld [smem:$0x7F8]  }
0x55: {  	[sflag:s28] =	ssyncset.done $0x0  }
0x56: {  	[sflag:s28] =	ssyncadd.s32 $0xFFFFE000  }
0x57: {  	[spmem:s3] =	stream.linear.scatter [tilespmem:s26], [sflag:$0x9], $0x2000, $0x38;
	[tilespmem:$0x1DE80] =	vst v63  }
0x58: {  	_ =	swait.ge [sflag:s28], $0x2000  }
0x59: {  	s4 =	sld [smem:$0x7F9]  }
0x5a: {  	[sflag:s28] =	ssyncset.done $0x0  }
0x5b: {  	[sflag:s28] =	ssyncadd.s32 $0xFFFFE000  }
0x5c: {  	[spmem:s4] =	stream.linear.scatter [tilespmem:s26], [sflag:$0x9], $0x2000, $0x38;
	[tilespmem:$0x1DE80] =	vst v63  }
0x5d: {  	_ =	swait.ge [sflag:s28], $0x2000  }
0x5e: {  	s6 =	sld [smem:$0x7FA]  }
0x5f: {  	[sflag:s28] =	ssyncset.done $0x0  }
0x60: {  	[sflag:s28] =	ssyncadd.s32 $0xFFFFE000  }
0x61: {  	[spmem:s6] =	stream.linear.scatter [tilespmem:s26], [sflag:$0x9], $0x2000, $0x38;
	[tilespmem:$0x1DE80] =	vst v63  }
0x62: {  	_ =	swait.ge [sflag:s28], $0x2000  }
0x63: {  	s7 =	sld [smem:$0x7FB]  }
0x64: {  	[sflag:s28] =	ssyncset.done $0x0  }
0x65: {  	[sflag:s28] =	ssyncadd.s32 $0xFFFFE000  }
0x66: {  	[spmem:s7] =	stream.linear.scatter [tilespmem:s26], [sflag:$0x9], $0x2000, $0x38;
	[tilespmem:$0x1DE80] =	vst v63  }
0x67: {  	_ =	swait.ge [sflag:s28], $0x2000  }
0x68: {  	s11 =	sld [smem:$0x7FC]  }
0x69: {  	[sflag:s28] =	ssyncset.done $0x0  }
0x6a: {  	[sflag:s28] =	ssyncadd.s32 $0xFFFFE000  }
0x6b: {  	[spmem:s11] =	stream.linear.scatter [tilespmem:s26], [sflag:$0x9], $0x2000, $0x38;
	[tilespmem:$0x1DE80] =	vst v63  }
0x6c: {  	_ =	swait.ge [sflag:s28], $0x2000  }
0x6d: {  	s23 =	sld [smem:$0x7FD]  }
0x6e: {  	[sflag:s28] =	ssyncset.done $0x0  }
0x6f: {  	[sflag:s28] =	ssyncadd.s32 $0xFFFFE000  }
0x70: {  	[spmem:s23] =	stream.linear.scatter [tilespmem:s26], [sflag:$0x9], $0x2000, $0x38;
	[tilespmem:$0x1DE80] =	vst v63  }
0x71: {  	_ =	swait.ge [sflag:s28], $0x2000  }
0x72: {  	v3 =	vimm.f32 $0.0e+00;
	v8 =	vimm.f32 $0.0e+00;
	[sflag:s28] =	ssyncset.done $0x0  }
0x73: {  	v5 =	vimm.f32 $0.0e+00;
	v7 =	vimm.f32 $0.0e+00;
	v6 =	vimm.f32 $0.0e+00;
	[sflag:s28] =	ssyncadd.s32 $0xFFFFE000  }
0x74: {  	v2 =	vimm.f32 $0.0e+00;
	v4 =	vimm.f32 $0.0e+00;
	v9 =	vimm.f32 $0.0e+00;
	s11 =	simm.s32 $0x0;
	[bflag:$0x0] =	sbarrier.arrive $0xFFFF  }
.LBB2_4:
0x75: {  	s1 =	rddreg [dreg:$0x4]  }
0x76: {  	s1 =	sadd.s32 s11, s1  }
0x77: {  	s3 =	sshll.u32 s1, $0x5  }
0x78: {  	s3 =	sadd.s32 s18, s3  }
0x79: {  	[tilespmem:s31], [sflag:$0x9] =	stream.linear.gather [hbm4b:s3+s31], $0x80, $0x38;
	[tilespmem:$0x1DE80] =	vst v63  }
0x7a: {  	_ =	swait.ge [sflag:s28], $0x80  }
0x7b: {  	[sflag:s28] =	ssyncset.done $0x0  }
0x7c: {  	[sflag:s28] =	ssyncadd.s32 $0xFFFFFF80  }
0x7d: {  	v10 =	vld [tilespmem:$0x0]  }
0x7e: {  	v11 =	vld [tilespmem:$0x40]  }
0x7f: {  	v12 =	vld [tilespmem:$0x10]  }
0x80: {  	v13 =	vld [tilespmem:$0x50]  }
0x81: {  	v14 =	vld [tilespmem:$0x20]  }
0x82: {  	v15 =	vld [tilespmem:$0x60];
	v10 =	vadd.s32 v0, v10  }
0x83: {  	[tilespmem:$0x80] =	vst v10;
	v10 =	vadd.s32 v0, v11;
	v11 =	vld [tilespmem:$0x30]  }
0x84: {  	[tilespmem:$0xC0] =	vst v10;
	v10 =	vadd.s32 v0, v12;
	v12 =	vld [tilespmem:$0x70]  }
0x85: {  	[tilespmem:$0x90] =	vst v10;
	v10 =	vadd.s32 v0, v13  }
0x86: {  	[tilespmem:$0xD0] =	vst v10;
	v10 =	vadd.s32 v0, v14  }
0x87: {  	[tilespmem:$0xA0] =	vst v10;
	v10 =	vadd.s32 v0, v15  }
0x88: {  	[tilespmem:$0xE0] =	vst v10;
	v10 =	vadd.s32 v0, v11  }
0x89: {  	[tilespmem:$0xB0] =	vst v10;
	v10 =	vadd.s32 v0, v12  }
0x8a: {  	s2 =	simm.s32 $0xC0;
	s7 =	sshll.u32 s1, $0xD;
	[tilespmem:$0xF0] =	vst v10  }
0x8b: {  	[tilespmem:s26], [sflag:$0x1] =	stream.indirect.gather [hbm4b:s16+s29], $0x80, s2, s29, $0xb8;
	[tilespmem:$0x1DE80] =	vst v63  }
0x8c: {  	s4 =	simm.s32 $0x80;
	s6 =	simm.s32 $0x100;
	s3 =	sadd.s32 s22, s7  }
0x8d: {  	[tilespmem:s6], [sflag:$0x1] =	stream.indirect.gather [hbm4b:s17+s29], $0x80, s4, s29, $0xb8;
	[tilespmem:$0x1DE80] =	vst v63  }
0x8e: {  	s1 =	sshllo.u32 s1, $0x1;
	s2 =	rddreg [dreg:$0x1];
	s4 =	sshrl.u32 s3, $0x3  }
0x8f: {  	s23 =	sshll.u32 s1, $0x4;
	s3 =	sadd.s32 s2, s4  }
0x90: {  	[tilespmem:s0], [sflag:$0x2] =	stream.linear.gather [hbm4b:s3+s31], $0x1000, $0x38;
	[tilespmem:$0x1DE80] =	vst v63  }
0x91: {  	s3 =	sand.u32 $0x1FFFFFF0, s23  }
0x92: {  	s6 =	simm.s32 $0x5100;
	s3 =	sadd.s32 s18, s3  }
0x93: {  	[tilespmem:s6], [sflag:$0x9] =	stream.linear.gather [hbm4b:s3+s31], $0x80, $0x38;
	[tilespmem:$0x1DE80] =	vst v63  }
0x94: {  	_ =	swait.ge [sflag:s28], $0x80  }
0x95: {  	[sflag:s28] =	ssyncset.done $0x0  }
0x96: {  	[sflag:s28] =	ssyncadd.s32 $0xFFFFFF80  }
0x97: {  	v10 =	vld [tilespmem:$0x5100]  }
0x98: {  	v11 =	vld [tilespmem:$0x5140]  }
0x99: {  	v12 =	vld [tilespmem:$0x5110]  }
0x9a: {  	v13 =	vld [tilespmem:$0x5150]  }
0x9b: {  	v14 =	vld [tilespmem:$0x5120]  }
0x9c: {  	v15 =	vld [tilespmem:$0x5160];
	v10 =	vadd.s32 v0, v10  }
0x9d: {  	[tilespmem:$0x5180] =	vst v10;
	v10 =	vadd.s32 v0, v11;
	v11 =	vld [tilespmem:$0x5130]  }
0x9e: {  	[tilespmem:$0x51C0] =	vst v10;
	v10 =	vadd.s32 v0, v12;
	v12 =	vld [tilespmem:$0x5170]  }
0x9f: {  	[tilespmem:$0x5190] =	vst v10;
	v10 =	vadd.s32 v0, v13  }
0xa0: {  	[tilespmem:$0x51D0] =	vst v10;
	v10 =	vadd.s32 v0, v14  }
0xa1: {  	[tilespmem:$0x51A0] =	vst v10;
	v10 =	vadd.s32 v0, v15  }
0xa2: {  	[tilespmem:$0x51E0] =	vst v10;
	v10 =	vadd.s32 v0, v11  }
0xa3: {  	s1 =	sshll.u32 s1, $0xC;
	[tilespmem:$0x51B0] =	vst v10;
	v10 =	vadd.s32 v0, v12  }
0xa4: {  	s1 =	sadd.s32 s22, s1;
	s6 =	simm.s32 $0x51C0;
	[tilespmem:$0x51F0] =	vst v10  }
0xa5: {  	[tilespmem:s5], [sflag:$0x5] =	stream.indirect.gather [hbm4b:s16+s29], $0x80, s6, s29, $0xb8;
	[tilespmem:$0x1DE80] =	vst v63  }
0xa6: {  	s7 =	simm.s32 $0x5180;
	s23 =	simm.s32 $0x5200;
	s3 =	sshrl.u32 s1, $0x3  }
0xa7: {  	[tilespmem:s23], [sflag:$0x5] =	stream.indirect.gather [hbm4b:s17+s29], $0x80, s7, s29, $0xb8;
	[tilespmem:$0x1DE80] =	vst v63  }
0xa8: {  	s1 =	sadd.s32 s2, s3  }
0xa9: {  	[tilespmem:s8], [sflag:$0x6] =	stream.linear.gather [hbm4b:s1+s31], $0x1000, $0x38;
	[tilespmem:$0x1DE80] =	vst v63  }
0xaa: {  	_ =	swait.ge [sflag:s9], $0x2000  }
0xab: {  	[sflag:s9] =	ssyncset.done $0x0  }
0xac: {  	[sflag:s9] =	ssyncadd.s32 $0xFFFFE000  }
0xad: {  	_ =	swait.ge [sflag:s9], $0x2000  }
0xae: {  	[sflag:s9] =	ssyncset.done $0x0  }
0xaf: {  	[sflag:s9] =	ssyncadd.s32 $0xFFFFE000  }
0xb0: {  	_ =	swait.ge [sflag:s10], $0x1000  }
0xb1: {  	[sflag:s10] =	ssyncset.done $0x0  }
0xb2: {  	s7 =	simm.s32 $0x0;
	[sflag:s10] =	ssyncadd.s32 $0xFFFFF000  }
0xb3: {  	v10 =	vld [tilespmem:s7+$0x1110]  }
0xb4: {  	v11 =	vld [tilespmem:s7+$0x2110]  }
0xb5: {  	v12 =	vld [tilespmem:s7+$0x110]  }
0xb6: {  	v13 =	vld [tilespmem:s7+$0x2140]  }
0xb7: {  	v14 =	vld [tilespmem:s7+$0x120]  }
0xb8: {  	v15 =	vld [tilespmem:s7+$0x1100]  }
0xb9: {  	v16 =	vld [tilespmem:s7+$0x4100]  }
0xba: {  	v17 =	vld [tilespmem:s7+$0x3110]  }
0xbb: {  	v18 =	vld [tilespmem:s7+$0x3120]  }
0xbc: {  	v19 =	vld [tilespmem:s7+$0x4110]  }
0xbd: {  	v20 =	vld [tilespmem:s7+$0x2120]  }
0xbe: {  	v15 =	vadd.f32 v15, v16;
	v16 =	vld [tilespmem:s7+$0x2150]  }
0xbf: {  	v12 =	vadd.f32 v12, v17  }
0xc0: {  	v14 =	vadd.f32 v14, v18;
	v13 =	vadd.f32 v13, v15  }
0xc1: {  	v21 =	vld [tilespmem:s7+$0x100];
	v19 =	vadd.f32 v10, v19;
	v11 =	vadd.f32 v11, v12  }
0xc2: {  	v15 =	vld [tilespmem:s7+$0x3100];
	v10 =	vadd.f32 v20, v14;
	v17 =	vsub.f32 $0.0e+00, v13  }
0xc3: {  	v14 =	vld [tilespmem:s7+$0x130];
	v16 =	vadd.f32 v16, v19;
	v19 =	vsub.f32 $0.0e+00, v11  }
0xc4: {  	v12 =	vld [tilespmem:s7+$0x3130];
	v17 =	vmul.f32 $1.442695020e+00, v17  }
0xc5: {  	v18 =	vld [tilespmem:s7+$0x2100];
	v19 =	vmul.f32 $1.442695020e+00, v19  }
0xc6: {  	v20 =	vld [tilespmem:s7+$0x2130];
	(erf) = vpow2.f32 v17  }
0xc7: {  	v17 =	vsub.f32 $0.0e+00, v10;
	(erf) = vpow2.f32 v19  }
0xc8: {  	v15 =	vadd.f32 v21, v15;
	v19 =	vsub.f32 $0.0e+00, v16  }
0xc9: {  	v12 =	vadd.f32 v14, v12;
	v17 =	vmul.f32 $1.442695020e+00, v17  }
0xca: {  	v15 =	vadd.f32 v18, v15;
	v19 =	vmul.f32 $1.442695020e+00, v19  }
0xcb: {  	v12 =	vadd.f32 v20, v12;
	(erf) = vpow2.f32 v17  }
0xcc: {  	v17 =	vsub.f32 $0.0e+00, v15;
	(erf) = vpow2.f32 v19  }
0xcd: {  	v22 =	vsub.f32 $0.0e+00, v12  }
0xce: {  	v14 =	vld [tilespmem:s7+$0x1130];
	v17 =	vmul.f32 $1.442695020e+00, v17  }
0xcf: {  	v18 =	vld [tilespmem:s7+$0x4130];
	v19 =	vmul.f32 $1.442695020e+00, v22;
	v38 =	vpop (erf)  }
0xd0: {  	(erf) = vpow2.f32 v17;
	v17 =	vadd.f32 $1.000000000e+00, v38;
	v23 =	vpop (erf)  }
0xd1: {  	v37 =	vld [tilespmem:s7+$0x2170];
	(erf) = vpow2.f32 v19;
	v40 =	vadd.f32 $1.000000000e+00, v23  }
0xd2: {  	(erf) = vrcp.f32 v17  }
0xd3: {  	(erf) = vrcp.f32 v40  }
0xd4: {  	v41 =	vld [tilespmem:s7+$0x1120];
	[tilespmem:s7+$0x2140] =	vst v13;
	v14 =	vadd.f32 v14, v18;
	v42 =	vpop (erf)  }
0xd5: {  	v24 =	vld [tilespmem:s7+$0x1140];
	[tilespmem:s7+$0x2120] =	vst v10;
	v23 =	vadd.f32 $1.000000000e+00, v42;
	v26 =	vpop (erf)  }
0xd6: {  	v27 =	vld [tilespmem:s7+$0x4120];
	[tilespmem:s7+$0x2110] =	vst v11;
	v14 =	vadd.f32 v37, v14;
	v26 =	vadd.f32 $1.000000000e+00, v26  }
0xd7: {  	v43 =	vld [tilespmem:s7+$0x2160];
	[tilespmem:s7+$0x2150] =	vst v16;
	(erf) = vrcp.f32 v23  }
0xd8: {  	[tilespmem:s7+$0x2100] =	vst v15;
	v33 =	vsub.f32 $0.0e+00, v14;
	v17 =	vld [tilespmem:s7+$0x150];
	(erf) = vrcp.f32 v26  }
0xd9: {  	v20 =	vld [tilespmem:s7+$0x1150];
	[tilespmem:s7+$0x2130] =	vst v12;
	v28 =	vpop (erf)  }
0xda: {  	s6 =	simm.s32 $0x80;
	v19 =	vld [tilespmem:s7+$0x160];
	[tilespmem:s7+$0x2170] =	vst v14;
	v45 =	vmul.f32 $1.442695020e+00, v33;
	v44 =	vpop (erf)  }
0xdb: {  	v25 =	vld [tilespmem:s6+$0x1110];
	v28 =	vadd.f32 $1.000000000e+00, v28;
	v31 =	vpop (erf)  }
0xdc: {  	v29 =	vld [tilespmem:s6+$0x2110];
	(erf) = vpow2.f32 v45;
	v34 =	vpop (erf)  }
0xdd: {  	v30 =	vld [tilespmem:s6+$0x110];
	(erf) = vrcp.f32 v28;
	v17 =	vmul.f32 v34, v17  }
0xde: {  	v32 =	vld [tilespmem:s6+$0x2140];
	[tilespmem:s7+$0x4140] =	vst v31;
	v24 =	vmul.f32 v31, v24  }
0xdf: {  	v35 =	vld [tilespmem:s6+$0x120];
	[tilespmem:s7+$0x3150] =	vst v34  }
0xe0: {  	v46 =	vld [tilespmem:s6+$0x1100];
	[tilespmem:s7+$0x4100] =	vst v24;
	v47 =	vpop (erf)  }
0xe1: {  	v48 =	vld [tilespmem:s6+$0x4100];
	[tilespmem:s7+$0x3110] =	vst v17;
	v19 =	vmul.f32 v47, v19;
	v17 =	vpop (erf)  }
0xe2: {  	v39 =	vld [tilespmem:s7+$0x140];
	v21 =	vadd.f32 v41, v27;
	v20 =	vmul.f32 v17, v20  }
0xe3: {  	v26 =	vadd.f32 $1.000000000e+00, v44;
	v49 =	vld [tilespmem:s6+$0x3110];
	[tilespmem:s7+$0x3120] =	vst v19  }
0xe4: {  	v51 =	vmul.f32 v10, v10;
	v21 =	vadd.f32 v43, v21;
	v9 =	vadd.f32 v15, v9;
	v19 =	vld [tilespmem:s6+$0x3120];
	[tilespmem:s7+$0x4110] =	vst v20  }
0xe5: {  	v4 =	vadd.f32 v11, v4;
	(erf) = vrcp.f32 v26;
	v52 =	vpop (erf);
	v20 =	vld [tilespmem:s6+$0x4110];
	[tilespmem:s7+$0x4150] =	vst v17;
	v17 =	vmul.f32 v15, v15  }
0xe6: {  	v53 =	vmul.f32 v13, v13;
	v2 =	vadd.f32 v10, v2;
	v13 =	vadd.f32 v13, v9;
	v15 =	vpop (erf);
	v50 =	vld [tilespmem:s6+$0x2120];
	[tilespmem:s7+$0x2160] =	vst v21  }
0xe7: {  	v9 =	vmul.f32 v11, v11;
	v11 =	vmul.f32 v15, v39;
	v7 =	vadd.f32 v17, v7;
	v17 =	vld [tilespmem:s6+$0x2150];
	[tilespmem:s7+$0x3140] =	vst v15  }
0xe8: {  	v4 =	vadd.f32 v16, v4;
	v6 =	vadd.f32 v12, v6;
	v12 =	vmul.f32 v12, v12;
	[tilespmem:s7+$0x3160] =	vst v47  }
0xe9: {  	v5 =	vadd.f32 v9, v5;
	v9 =	vmul.f32 v16, v16;
	v16 =	vld [tilespmem:s6+$0x100];
	[tilespmem:s7+$0x3100] =	vst v11;
	v11 =	vadd.f32 $1.000000000e+00, v52  }
0xea: {  	v8 =	vadd.f32 v51, v8;
	v2 =	vadd.f32 v21, v2;
	v18 =	vld [tilespmem:s7+$0x170]  }
0xeb: {  	v3 =	vadd.f32 v12, v3;
	v55 =	vadd.f32 v9, v5;
	(erf) = vrcp.f32 v11  }
0xec: {  	v54 =	vadd.f32 v46, v48;
	v11 =	vsub.f32 $0.0e+00, v21  }
0xed: {  	v56 =	vadd.f32 v14, v6;
	v14 =	vmul.f32 v14, v14;
	v57 =	vadd.f32 v30, v49  }
0xee: {  	v12 =	vadd.f32 v32, v54;
	v6 =	vadd.f32 v35, v19;
	v9 =	vld [tilespmem:s6+$0x3100];
	v5 =	vpop (erf);
	v11 =	vmul.f32 $1.442695020e+00, v11  }
0xef: {  	v3 =	vadd.f32 v14, v3;
	v15 =	vld [tilespmem:s7+$0x1170];
	[tilespmem:s7+$0x3170] =	vst v5;
	v5 =	vmul.f32 v5, v18;
	v18 =	vadd.f32 v25, v20  }
0xf0: {  	v6 =	vadd.f32 v50, v6;
	v19 =	vld [tilespmem:s6+$0x2100];
	[tilespmem:s6+$0x2140] =	vst v12;
	(erf) = vpow2.f32 v11;
	v11 =	vadd.f32 v29, v57  }
0xf1: {  	v10 =	vsub.f32 $0.0e+00, v12;
	v20 =	vld [tilespmem:s6+$0x130];
	[tilespmem:s7+$0x3130] =	vst v5;
	v17 =	vadd.f32 v17, v18;
	v5 =	vmul.f32 v21, v21  }
0xf2: {  	v58 =	vsub.f32 $0.0e+00, v6;
	v18 =	vld [tilespmem:s6+$0x3130];
	v14 =	vsub.f32 $0.0e+00, v11  }
0xf3: {  	v9 =	vadd.f32 v16, v9;
	v5 =	vadd.f32 v5, v8;
	v8 =	vmul.f32 $1.442695020e+00, v10  }
0xf4: {  	[tilespmem:s6+$0x2120] =	vst v6;
	v59 =	vld [tilespmem:s6+$0x2130];
	v16 =	vmul.f32 $1.442695020e+00, v58;
	v10 =	vmul.f32 $1.442695020e+00, v14;
	v14 =	vsub.f32 $0.0e+00, v17;
	v60 =	vpop (erf)  }
0xf5: {  	v7 =	vadd.f32 v53, v7;
	[tilespmem:s6+$0x2150] =	vst v17;
	(erf) = vpow2.f32 v8;
	v8 =	vmul.f32 v60, v15  }
0xf6: {  	[tilespmem:s6+$0x2110] =	vst v11;
	v14 =	vmul.f32 $1.442695020e+00, v14;
	(erf) = vpow2.f32 v10;
	v10 =	vadd.f32 v19, v9  }
0xf7: {  	[tilespmem:s7+$0x4170] =	vst v60;
	v15 =	vmul.f32 v11, v11;
	v9 =	vadd.f32 v20, v18;
	(erf) = vpow2.f32 v16  }
0xf8: {  	v4 =	vadd.f32 v11, v4;
	v19 =	vld [tilespmem:s6+$0x1130];
	[tilespmem:s7+$0x4130] =	vst v8;
	v8 =	vmul.f32 v6, v6;
	v16 =	vmul.f32 v10, v10  }
0xf9: {  	v18 =	vadd.f32 v59, v9;
	v61 =	vsub.f32 $0.0e+00, v10;
	v11 =	vpop (erf);
	(erf) = vpow2.f32 v14;
	v20 =	vld [tilespmem:s6+$0x4130]  }
0xfa: {  	v11 =	vadd.f32 $1.000000000e+00, v11;
	v9 =	vadd.f32 v8, v5  }
0xfb: {  	v5 =	vmul.f32 v12, v12;
	v8 =	vadd.f32 v10, v13;
	v7 =	vadd.f32 v16, v7  }
0xfc: {  	v13 =	vmul.f32 $1.442695020e+00, v61;
	v16 =	vsub.f32 $0.0e+00, v18;
	(erf) = vrcp.f32 v11  }
0xfd: {  	v4 =	vadd.f32 v17, v4;
	v62 =	vld [tilespmem:s6+$0x2170];
	v8 =	vadd.f32 v12, v8  }
0xfe: {  	[tilespmem:s6+$0x2100] =	vst v10;
	v5 =	vadd.f32 v5, v7;
	v12 =	vmul.f32 $1.442695020e+00, v16;
	v19 =	vadd.f32 v19, v20  }
0xff: {  	v14 =	vld [tilespmem:s6+$0x1150];
	[tilespmem:s6+$0x2130] =	vst v18;
	v7 =	vadd.f32 v15, v55;
	v16 =	vmul.f32 v17, v17;
	v17 =	vpop (erf);
	(erf) = vpow2.f32 v13  }
0x100: {  	v10 =	vadd.f32 v18, v56;
	v11 =	vmul.f32 v18, v18;
	v15 =	vld [tilespmem:s7+$0x1160];
	v63 =	vadd.f32 $1.000000000e+00, v17;
	v13 =	vpop (erf)  }
0x101: {  	v7 =	vadd.f32 v16, v7;
	(erf) = vpow2.f32 v12;
	v16 =	vld [tilespmem:s6+$0x140];
	v17 =	vadd.f32 $1.000000000e+00, v13;
	v18 =	vpop (erf)  }
0x102: {  	s23 =	simm.s32 $0x400;
	s1 =	simm.s32 $0x600;
	(erf) = vrcp.f32 v63;
	v13 =	vld [tilespmem:s6+$0x170];
	v12 =	vadd.f32 v62, v19;
	v18 =	vadd.f32 $1.000000000e+00, v18;
	v19 =	vpop (erf)  }
.LBB2_5:
0x103: {  	p1 =	sne.s32 s1, $0x3E00  }
0x104: {  	s2 =	sshra.s32 s23, $0x2;
	v20 =	vld [tilespmem:s6+$0x160];
	v3 =	vadd.f32 v11, v3;
	v11 =	vadd.f32 $1.000000000e+00, v19;
	(erf) = vrcp.f32 v17;
	s23 =	smov.u32 s1;
	s1 =	sadd.s32 $0x200, s1  }
0x105: {  	v17 =	vld [tilespmem:s6+$0x150];
	[tilespmem:s6+$0x2170] =	vst v12;
	v23 =	vsub.f32 $0.0e+00, v12;
	v21 =	vmul.f32 v12, v12;
	(erf) = vrcp.f32 v18;
	v18 =	vpop (erf)  }
0x106: {  	v10 =	vadd.f32 v12, v10;
	v22 =	vld [tilespmem:s6+$0x1120];
	(erf) = vrcp.f32 v11;
	v11 =	vmul.f32 v18, v15;
	[tilespmem:s7+$0x4160] =	vst v18  }
0x107: {  	v12 =	vld [tilespmem:s6+$0x1140];
	v15 =	vmul.f32 $1.442695020e+00, v23;
	v3 =	vadd.f32 v21, v3  }
0x108: {  	v18 =	vld [tilespmem:s2+$0x1110];
	v19 =	vpop (erf);
	[tilespmem:s7+$0x4120] =	vst v11;
	s7 =	smov.u32 s6;
	s6 =	smov.u32 s2  }
0x109: {  	v23 =	vadd.f32 $1.000000000e+00, v19;
	v19 =	vld [tilespmem:s7+$0x4120];
	(erf) = vpow2.f32 v15  }
0x10a: {  	v15 =	vld [tilespmem:s7+$0x2160]  }
0x10b: {  	v21 =	vld [tilespmem:s6+$0x2110];
	(erf) = vrcp.f32 v23;
	v11 =	vpop (erf)  }
0x10c: {  	v23 =	vld [tilespmem:s6+$0x110];
	v11 =	vadd.f32 $1.000000000e+00, v11;
	v24 =	vpop (erf)  }
0x10d: {  	v25 =	vld [tilespmem:s6+$0x2140];
	v27 =	vmul.f32 v24, v12;
	[tilespmem:s7+$0x4140] =	vst v24;
	v24 =	vpop (erf)  }
0x10e: {  	v26 =	vld [tilespmem:s6+$0x120];
	v17 =	vmul.f32 v24, v17;
	[tilespmem:s7+$0x3150] =	vst v24;
	v19 =	vadd.f32 v22, v19;
	v22 =	vpop (erf);
	(erf) = vrcp.f32 v11  }
0x10f: {  	v11 =	vld [tilespmem:s6+$0x1100];
	v28 =	vmul.f32 v22, v20;
	[tilespmem:s7+$0x4100] =	vst v27;
	v12 =	vpop (erf)  }
0x110: {  	v2 =	vadd.f32 v6, v2;
	v24 =	vld [tilespmem:s6+$0x4100];
	[tilespmem:s7+$0x3110] =	vst v17;
	v6 =	vmul.f32 v12, v14;
	v14 =	vadd.f32 v15, v19  }
0x111: {  	v15 =	vld [tilespmem:s6+$0x3110];
	[tilespmem:s7+$0x3120] =	vst v28  }
0x112: {  	v17 =	vld [tilespmem:s6+$0x3120];
	[tilespmem:s7+$0x4110] =	vst v6;
	v6 =	vsub.f32 $0.0e+00, v14;
	v2 =	vadd.f32 v14, v2;
	v19 =	vmul.f32 v14, v14;
	v20 =	vpop (erf)  }
0x113: {  	v27 =	vld [tilespmem:s6+$0x4110];
	[tilespmem:s7+$0x4150] =	vst v12;
	v12 =	vadd.f32 $1.000000000e+00, v20  }
0x114: {  	v20 =	vld [tilespmem:s6+$0x2120];
	[tilespmem:s7+$0x2160] =	vst v14;
	v6 =	vmul.f32 $1.442695020e+00, v6;
	v9 =	vadd.f32 v19, v9;
	v14 =	vpop (erf)  }
0x115: {  	v24 =	vadd.f32 v11, v24;
	v19 =	vld [tilespmem:s6+$0x2150];
	v16 =	vmul.f32 v14, v16;
	[tilespmem:s7+$0x3140] =	vst v14;
	(erf) = vrcp.f32 v12  }
0x116: {  	v12 =	vadd.f32 v23, v15;
	[tilespmem:s7+$0x3160] =	vst v22;
	v14 =	vld [tilespmem:s7+$0x1170];
	(erf) = vpow2.f32 v6  }
0x117: {  	v15 =	vld [tilespmem:s6+$0x100];
	v6 =	vadd.f32 v26, v17;
	v17 =	vadd.f32 v25, v24;
	[tilespmem:s7+$0x3100] =	vst v16;
	v11 =	vpop (erf)  }
0x118: {  	v16 =	vld [tilespmem:s6+$0x3100];
	v12 =	vadd.f32 v21, v12;
	v18 =	vadd.f32 v18, v27;
	v13 =	vmul.f32 v11, v13;
	[tilespmem:s7+$0x3170] =	vst v11  }
0x119: {  	v11 =	vld [tilespmem:s6+$0x2100];
	v6 =	vadd.f32 v20, v6;
	[tilespmem:s6+$0x2140] =	vst v17;
	v20 =	vsub.f32 $0.0e+00, v17  }
0x11a: {  	v21 =	vsub.f32 $0.0e+00, v12;
	v22 =	vmul.f32 v12, v12;
	v23 =	vld [tilespmem:s6+$0x130];
	v18 =	vadd.f32 v19, v18;
	[tilespmem:s7+$0x3130] =	vst v13  }
0x11b: {  	v4 =	vadd.f32 v12, v4;
	[tilespmem:s6+$0x2120] =	vst v6;
	v13 =	vsub.f32 $0.0e+00, v6;
	v19 =	vld [tilespmem:s6+$0x3130];
	v26 =	vmul.f32 $1.442695020e+00, v20  }
0x11c: {  	v24 =	vmul.f32 v6, v6;
	v21 =	vmul.f32 $1.442695020e+00, v21;
	[tilespmem:s6+$0x2150] =	vst v18;
	v25 =	vsub.f32 $0.0e+00, v18  }
0x11d: {  	v15 =	vadd.f32 v15, v16;
	[tilespmem:s6+$0x2110] =	vst v12;
	v12 =	vmul.f32 $1.442695020e+00, v13;
	v13 =	vld [tilespmem:s6+$0x2130];
	(erf) = vpow2.f32 v26  }
0x11e: {  	v4 =	vadd.f32 v18, v4;
	v16 =	vmul.f32 $1.442695020e+00, v25;
	(erf) = vpow2.f32 v21;
	v20 =	vpop (erf)  }
0x11f: {  	v11 =	vadd.f32 v11, v15;
	(erf) = vpow2.f32 v12;
	v12 =	vmul.f32 v20, v14;
	[tilespmem:s7+$0x4170] =	vst v20;
	v14 =	vpop (erf)  }
0x120: {  	v15 =	vadd.f32 v23, v19;
	(erf) = vpow2.f32 v16;
	v14 =	vadd.f32 $1.000000000e+00, v14  }
0x121: {  	v9 =	vadd.f32 v24, v9;
	v16 =	vsub.f32 $0.0e+00, v11;
	v19 =	vmul.f32 v11, v11;
	v20 =	vld [tilespmem:s6+$0x1130];
	[tilespmem:s7+$0x4130] =	vst v12  }
0x122: {  	[tilespmem:s6+$0x2100] =	vst v11;
	v12 =	vadd.f32 v13, v15;
	v13 =	vmul.f32 v17, v17;
	v21 =	vld [tilespmem:s6+$0x4130];
	(erf) = vrcp.f32 v14  }
0x123: {  	v8 =	vadd.f32 v11, v8;
	v15 =	vmul.f32 $1.442695020e+00, v16;
	v5 =	vadd.f32 v19, v5;
	v14 =	vld [tilespmem:s6+$0x1150]  }
0x124: {  	[tilespmem:s6+$0x2130] =	vst v12;
	v16 =	vsub.f32 $0.0e+00, v12;
	v10 =	vadd.f32 v12, v10;
	v11 =	vmul.f32 v12, v12;
	v12 =	vld [tilespmem:s6+$0x2170]  }
.Ltmp1:
0x125: {  	v8 =	vadd.f32 v17, v8;
	v5 =	vadd.f32 v13, v5;
	(erf) = vpow2.f32 v15;
	(pc) =	sbr.rel @p1 .LBB2_5-.Ltmp1, $4  }
0x126: {  	v7 =	vadd.f32 v22, v7;
	v22 =	vmul.f32 v18, v18;
	v16 =	vmul.f32 $1.442695020e+00, v16;
	v13 =	vpop (erf);
	v15 =	vld [tilespmem:s7+$0x1160]  }
0x127: {  	v23 =	vadd.f32 $1.000000000e+00, v13;
	v20 =	vadd.f32 v20, v21;
	v13 =	vpop (erf)  }
0x128: {  	v7 =	vadd.f32 v22, v7;
	v17 =	vadd.f32 $1.000000000e+00, v13;
	v13 =	vld [tilespmem:s6+$0x170];
	v18 =	vpop (erf);
	(erf) = vpow2.f32 v16  }
0x129: {  	v16 =	vld [tilespmem:s6+$0x140];
	v18 =	vadd.f32 $1.000000000e+00, v18;
	v12 =	vadd.f32 v12, v20;
	(erf) = vrcp.f32 v23;
	v19 =	vpop (erf)  }
0x12a: {  	_ = 	snop  }
0x12b: {  	v20 =	vld [tilespmem:s6+$0x160]  }
0x12c: {  	v21 =	vld [tilespmem:s6+$0x150];
	(erf) = vrcp.f32 v17;
	[tilespmem:s6+$0x2170] =	vst v12;
	v22 =	vpop (erf)  }
0x12d: {  	v23 =	vld [tilespmem:s6+$0x1120];
	v19 =	vadd.f32 $1.000000000e+00, v19;
	[tilespmem:s7+$0x4160] =	vst v22  }
0x12e: {  	(erf) = vrcp.f32 v18;
	v15 =	vmul.f32 v22, v15;
	v17 =	vld [tilespmem:s6+$0x1140]  }
0x12f: {  	s1 =	sshra.s32 s23, $0x2;
	(erf) = vrcp.f32 v19  }
0x130: {  	v29 =	vsub.f32 $0.0e+00, v12;
	v55 =	vld [tilespmem:s1+$0x1110];
	[tilespmem:s7+$0x4120] =	vst v15;
	v24 =	vpop (erf)  }
0x131: {  	v15 =	vld [tilespmem:s6+$0x4120];
	v19 =	vpop (erf)  }
0x132: {  	v56 =	vmul.f32 $1.442695020e+00, v29;
	v18 =	vld [tilespmem:s6+$0x2160];
	v27 =	vpop (erf)  }
0x133: {  	v25 =	vld [tilespmem:s1+$0x2110];
	v17 =	vmul.f32 v27, v17  }
0x134: {  	v26 =	vld [tilespmem:s1+$0x110];
	v24 =	vadd.f32 $1.000000000e+00, v24;
	(erf) = vpow2.f32 v56  }
0x135: {  	v28 =	vld [tilespmem:s1+$0x2140];
	[tilespmem:s6+$0x4140] =	vst v27;
	v30 =	vpop (erf)  }
0x136: {  	(erf) = vrcp.f32 v24;
	v31 =	vld [tilespmem:s1+$0x120];
	[tilespmem:s6+$0x3150] =	vst v30  }
0x137: {  	v57 =	vld [tilespmem:s1+$0x1100];
	[tilespmem:s6+$0x4100] =	vst v17;
	v17 =	vpop (erf)  }
0x138: {  	v19 =	vadd.f32 $1.000000000e+00, v19;
	v21 =	vmul.f32 v30, v21;
	v59 =	vpop (erf)  }
0x139: {  	v15 =	vadd.f32 v23, v15;
	v20 =	vmul.f32 v17, v20;
	v14 =	vmul.f32 v59, v14  }
0x13a: {  	v58 =	vld [tilespmem:s1+$0x4100];
	[tilespmem:s6+$0x3110] =	vst v21;
	(erf) = vrcp.f32 v19  }
0x13b: {  	v15 =	vadd.f32 v18, v15;
	v60 =	vld [tilespmem:s1+$0x3110];
	[tilespmem:s6+$0x3120] =	vst v20  }
0x13c: {  	v20 =	vld [tilespmem:s1+$0x3120];
	[tilespmem:s6+$0x4110] =	vst v14  }
0x13d: {  	v62 =	vsub.f32 $0.0e+00, v15;
	v61 =	vld [tilespmem:s1+$0x4110];
	[tilespmem:s6+$0x4150] =	vst v59;
	v14 =	vpop (erf)  }
0x13e: {  	v18 =	vld [tilespmem:s1+$0x2120];
	[tilespmem:s6+$0x2160] =	vst v15;
	v14 =	vadd.f32 $1.000000000e+00, v14  }
0x13f: {  	v19 =	vpop (erf);
	v21 =	vld [tilespmem:s1+$0x2150];
	[tilespmem:s6+$0x3160] =	vst v17;
	v17 =	vmul.f32 $1.442695020e+00, v62  }
0x140: {  	v16 =	vmul.f32 v19, v16;
	(erf) = vrcp.f32 v14  }
0x141: {  	[tilespmem:s6+$0x3140] =	vst v19;
	v14 =	vadd.f32 v57, v58;
	(erf) = vpow2.f32 v17  }
0x142: {  	v63 =	vld [tilespmem:s1+$0x100];
	v20 =	vadd.f32 v31, v20;
	[tilespmem:s6+$0x3100] =	vst v16;
	v16 =	vadd.f32 v26, v60  }
0x143: {  	v32 =	vpop (erf);
	v22 =	vadd.f32 v55, v61;
	v14 =	vadd.f32 v28, v14  }
0x144: {  	v19 =	vld [tilespmem:s6+$0x1170];
	v34 =	vmul.f32 v32, v13;
	v13 =	vadd.f32 v18, v20;
	v17 =	vadd.f32 v25, v16  }
0x145: {  	v33 =	vld [tilespmem:s1+$0x3100];
	[tilespmem:s6+$0x3170] =	vst v32;
	v16 =	vadd.f32 v21, v22;
	v18 =	vsub.f32 $0.0e+00, v14  }
0x146: {  	v35 =	vld [tilespmem:s1+$0x2100];
	[tilespmem:s1+$0x2140] =	vst v14;
	v37 =	vsub.f32 $0.0e+00, v13;
	v36 =	vsub.f32 $0.0e+00, v17  }
0x147: {  	v20 =	vld [tilespmem:s1+$0x130];
	[tilespmem:s6+$0x3130] =	vst v34;
	v38 =	vsub.f32 $0.0e+00, v16;
	v18 =	vmul.f32 $1.442695020e+00, v18  }
0x148: {  	[tilespmem:s1+$0x2120] =	vst v13;
	v23 =	vld [tilespmem:s1+$0x3130];
	v22 =	vmul.f32 $1.442695020e+00, v37;
	v21 =	vmul.f32 $1.442695020e+00, v36  }
0x149: {  	[tilespmem:s1+$0x2150] =	vst v16;
	(erf) = vpow2.f32 v18;
	v18 =	vmul.f32 $1.442695020e+00, v38;
	v40 =	vpop (erf)  }
0x14a: {  	[tilespmem:s1+$0x2110] =	vst v17;
	v39 =	vld [tilespmem:s1+$0x2130];
	(erf) = vpow2.f32 v21;
	v19 =	vmul.f32 v40, v19;
	v41 =	vpop (erf)  }
0x14b: {  	[tilespmem:s6+$0x4170] =	vst v40;
	(erf) = vpow2.f32 v22;
	v21 =	vadd.f32 $1.000000000e+00, v41  }
0x14c: {  	v42 =	vadd.f32 v63, v33;
	v43 =	vld [tilespmem:s1+$0x1130];
	(erf) = vpow2.f32 v18;
	[tilespmem:s6+$0x4130] =	vst v19  }
0x14d: {  	v23 =	vadd.f32 v20, v23;
	v19 =	vld [tilespmem:s1+$0x4130];
	(erf) = vrcp.f32 v21  }
0x14e: {  	v20 =	vadd.f32 v35, v42  }
0x14f: {  	v18 =	vadd.f32 v39, v23;
	v44 =	vld [tilespmem:s1+$0x2170]  }
0x150: {  	[tilespmem:s1+$0x2100] =	vst v20;
	v45 =	vsub.f32 $0.0e+00, v20  }
0x151: {  	[tilespmem:s1+$0x2130] =	vst v18;
	v46 =	vsub.f32 $0.0e+00, v18  }
0x152: {  	v23 =	vmul.f32 $1.442695020e+00, v45;
	v47 =	vld [tilespmem:s6+$0x1160];
	v48 =	vpop (erf);
	v19 =	vadd.f32 v43, v19  }
0x153: {  	v24 =	vld [tilespmem:s1+$0x1150];
	v25 =	vmul.f32 $1.442695020e+00, v46;
	v49 =	vpop (erf)  }
0x154: {  	v22 =	vld [tilespmem:s1+$0x170];
	(erf) = vpow2.f32 v23;
	v51 =	vadd.f32 $1.000000000e+00, v48;
	v52 =	vpop (erf);
	v19 =	vadd.f32 v44, v19  }
0x155: {  	v50 =	vld [tilespmem:s1+$0x140];
	v54 =	vadd.f32 $1.000000000e+00, v49;
	(erf) = vpow2.f32 v25;
	v55 =	vpop (erf)  }
0x156: {  	v53 =	vld [tilespmem:s1+$0x160];
	v27 =	vadd.f32 $1.000000000e+00, v52;
	(erf) = vrcp.f32 v51;
	v57 =	vsub.f32 $0.0e+00, v19;
	v58 =	vpop (erf)  }
0x157: {  	v56 =	vld [tilespmem:s1+$0x150];
	v25 =	vadd.f32 $1.000000000e+00, v55;
	(erf) = vrcp.f32 v54;
	[tilespmem:s1+$0x2170] =	vst v19;
	v59 =	vmul.f32 v58, v47  }
0x158: {  	v32 =	vld [tilespmem:s1+$0x1120];
	(erf) = vrcp.f32 v27;
	[tilespmem:s6+$0x4160] =	vst v58;
	v23 =	vmul.f32 $1.442695020e+00, v57  }
0x159: {  	(erf) = vrcp.f32 v25;
	v60 =	vld [tilespmem:s1+$0x1140];
	[tilespmem:s6+$0x4120] =	vst v59  }
0x15a: {  	v21 =	vld [tilespmem:s1+$0x4120];
	(erf) = vpow2.f32 v23;
	_ =	sdelay $0x1  }
0x15b: {  	v61 =	vld [tilespmem:s1+$0x2160]  }
0x15c: {  	v62 =	vpop (erf)  }
0x15d: {  	v63 =	vpop (erf)  }
0x15e: {  	v36 =	vpop (erf);
	v21 =	vadd.f32 v32, v21  }
0x15f: {  	v37 =	vpop (erf)  }
0x160: {  	v33 =	vpop (erf);
	v21 =	vadd.f32 v61, v21  }
0x161: {  	v38 =	vadd.f32 $1.000000000e+00, v62;
	v39 =	vpop (erf)  }
0x162: {  	v27 =	vadd.f32 $1.000000000e+00, v63;
	v34 =	vsub.f32 $0.0e+00, v21;
	v35 =	vpop (erf)  }
0x163: {  	(erf) = vrcp.f32 v38;
	v40 =	vadd.f32 $1.000000000e+00, v35  }
0x164: {  	(erf) = vrcp.f32 v27;
	v41 =	vmul.f32 $1.442695020e+00, v34  }
0x165: {  	(erf) = vrcp.f32 v40  }
0x166: {  	(erf) = vpow2.f32 v41;
	_ =	sdelay $0x5  }
0x167: {  	v42 =	vpop (erf)  }
0x168: {  	v43 =	vpop (erf)  }
0x169: {  	v26 =	vmul.f32 v36, v60;
	[tilespmem:s1+$0x4140] =	vst v36;
	v44 =	vpop (erf)  }
0x16a: {  	[tilespmem:s1+$0x3150] =	vst v37;
	v45 =	vpop (erf)  }
0x16b: {  	v28 =	vmul.f32 v37, v56;
	[tilespmem:s1+$0x4100] =	vst v26;
	v46 =	vadd.f32 $1.000000000e+00, v45  }
0x16c: {  	[tilespmem:s1+$0x3160] =	vst v33  }
0x16d: {  	v30 =	vmul.f32 v33, v53;
	[tilespmem:s1+$0x3110] =	vst v28;
	(erf) = vrcp.f32 v46  }
0x16e: {  	v24 =	vmul.f32 v39, v24;
	[tilespmem:s1+$0x4150] =	vst v39  }
0x16f: {  	[tilespmem:s1+$0x3120] =	vst v30  }
0x170: {  	v47 =	vld [tilespmem:s1+$0x1170];
	[tilespmem:s1+$0x4110] =	vst v24  }
0x171: {  	[tilespmem:s1+$0x2160] =	vst v21;
	v48 =	vmul.f32 v42, v50  }
0x172: {  	v49 =	vld [tilespmem:s1+$0x1160];
	[tilespmem:s1+$0x3140] =	vst v42  }
0x173: {  	[tilespmem:s1+$0x3100] =	vst v48;
	v22 =	vmul.f32 v43, v22  }
0x174: {  	[tilespmem:s1+$0x3170] =	vst v43  }
0x175: {  	[tilespmem:s1+$0x3130] =	vst v22;
	v50 =	vmul.f32 v44, v47  }
0x176: {  	[tilespmem:s1+$0x4170] =	vst v44;
	v51 =	vpop (erf)  }
0x177: {  	[tilespmem:s1+$0x4130] =	vst v50;
	v52 =	vmul.f32 v51, v49  }
0x178: {  	[tilespmem:s1+$0x4160] =	vst v51  }
0x179: {  	s23 =	sadd.s32 s19, s4;
	s2 =	simm.s32 $0x0;
	[tilespmem:s1+$0x4120] =	vst v52  }
0x17a: {  	[hbm4b:s23+s2] =	stream.linear.scatter [tilespmem:s0], [sflag:$0x3], $0x1000, $0x38;
	[tilespmem:$0x1DE80] =	vst v63  }
0x17b: {  	_ = 	snop  }
0x17c: {  	[spmem:s14] =	stream.indirect.scatter.add.f32 [tilespmem:s26], [sflag:$0x4], $0x80, s29, s29, $0xb8;
	[tilespmem:$0x1DE80] =	vst v63  }
0x17d: {  	_ =	swait.ge [sflag:s13], $0x2000  }
0x17e: {  	[sflag:s13] =	ssyncset.done $0x0  }
0x17f: {  	[sflag:s13] =	ssyncadd.s32 $0xFFFFE000  }
0x180: {  	_ =	swait.ge [sflag:s13], $0x2000  }
0x181: {  	[sflag:s13] =	ssyncset.done $0x0  }
0x182: {  	[sflag:s13] =	ssyncadd.s32 $0xFFFFE000  }
0x183: {  	_ =	swait.ge [sflag:s15], $0x1000  }
0x184: {  	[sflag:s15] =	ssyncset.done $0x0  }
0x185: {  	s6 =	simm.s32 $0x0;
	[sflag:s15] =	ssyncadd.s32 $0xFFFFF000  }
0x186: {  	v53 =	vld [tilespmem:s6+$0x6210]  }
0x187: {  	v54 =	vld [tilespmem:s6+$0x7210]  }
0x188: {  	v55 =	vld [tilespmem:s6+$0x5210]  }
0x189: {  	v58 =	vld [tilespmem:s6+$0x6200]  }
0x18a: {  	v59 =	vld [tilespmem:s6+$0x9200]  }
0x18b: {  	v60 =	vld [tilespmem:s6+$0x8210]  }
0x18c: {  	v56 =	vld [tilespmem:s6+$0x7240]  }
0x18d: {  	v57 =	vld [tilespmem:s6+$0x5220]  }
0x18e: {  	v61 =	vld [tilespmem:s6+$0x8220]  }
0x18f: {  	v62 =	vld [tilespmem:s6+$0x9210];
	v27 =	vadd.f32 v58, v59  }
0x190: {  	v63 =	vld [tilespmem:s6+$0x7220];
	v40 =	vadd.f32 v55, v60  }
0x191: {  	v36 =	vld [tilespmem:s6+$0x7250];
	v24 =	vadd.f32 v56, v27  }
0x192: {  	v37 =	vld [tilespmem:s6+$0x5200];
	v25 =	vadd.f32 v54, v40  }
0x193: {  	v38 =	vld [tilespmem:s6+$0x8200];
	v26 =	vadd.f32 v57, v61;
	v43 =	vsub.f32 $0.0e+00, v24  }
0x194: {  	v41 =	vld [tilespmem:s6+$0x5230];
	v31 =	vadd.f32 v53, v62;
	v44 =	vsub.f32 $0.0e+00, v25  }
0x195: {  	v42 =	vld [tilespmem:s6+$0x8230];
	v22 =	vadd.f32 v63, v26;
	v28 =	vmul.f32 $1.442695020e+00, v43  }
0x196: {  	v39 =	vld [tilespmem:s6+$0x7200];
	v23 =	vadd.f32 v36, v31;
	v31 =	vmul.f32 $1.442695020e+00, v44  }
0x197: {  	v45 =	vld [tilespmem:s6+$0x7230];
	v47 =	vsub.f32 $0.0e+00, v22;
	(erf) = vpow2.f32 v28  }
0x198: {  	v49 =	vsub.f32 $0.0e+00, v23;
	(erf) = vpow2.f32 v31  }
0x199: {  	v27 =	vadd.f32 v37, v38;
	v30 =	vmul.f32 $1.442695020e+00, v47  }
0x19a: {  	v26 =	vadd.f32 v41, v42;
	v31 =	vmul.f32 $1.442695020e+00, v49  }
0x19b: {  	v28 =	vadd.f32 v39, v27;
	(erf) = vpow2.f32 v30  }
0x19c: {  	v27 =	vadd.f32 v45, v26;
	(erf) = vpow2.f32 v31  }
0x19d: {  	v46 =	vld [tilespmem:s6+$0x6230];
	v50 =	vsub.f32 $0.0e+00, v28  }
0x19e: {  	v48 =	vld [tilespmem:s6+$0x9230];
	v52 =	vsub.f32 $0.0e+00, v27  }
0x19f: {  	v30 =	vmul.f32 $1.442695020e+00, v50  }
0x1a0: {  	v51 =	vld [tilespmem:s6+$0x7270];
	v53 =	vmul.f32 $1.442695020e+00, v52;
	v54 =	vpop (erf)  }
0x1a1: {  	(erf) = vpow2.f32 v30;
	v55 =	vadd.f32 $1.000000000e+00, v54;
	v57 =	vpop (erf)  }
0x1a2: {  	(erf) = vpow2.f32 v53;
	v59 =	vadd.f32 $1.000000000e+00, v57  }
0x1a3: {  	v29 =	vadd.f32 v46, v48;
	[tilespmem:s6+$0x7240] =	vst v24;
	(erf) = vrcp.f32 v55  }
0x1a4: {  	v2 =	vadd.f32 v6, v2;
	v32 =	vld [tilespmem:s6+$0x6250];
	[tilespmem:s6+$0x7220] =	vst v22;
	v62 =	vpop (erf);
	(erf) = vrcp.f32 v59  }
0x1a5: {  	v58 =	vld [tilespmem:s6+$0x5260];
	v29 =	vadd.f32 v51, v29;
	[tilespmem:s6+$0x7250] =	vst v23;
	v35 =	vadd.f32 $1.000000000e+00, v62;
	v38 =	vpop (erf)  }
0x1a6: {  	v60 =	vld [tilespmem:s6+$0x5250];
	[tilespmem:s6+$0x7210] =	vst v25;
	v38 =	vadd.f32 $1.000000000e+00, v38  }
0x1a7: {  	v2 =	vadd.f32 v15, v2;
	v61 =	vld [tilespmem:s6+$0x6220];
	[tilespmem:s6+$0x7270] =	vst v29;
	(erf) = vrcp.f32 v35  }
0x1a8: {  	v3 =	vadd.f32 v11, v3;
	v4 =	vadd.f32 v17, v4;
	v36 =	vld [tilespmem:s6+$0x6240];
	[tilespmem:s6+$0x7200] =	vst v28;
	(erf) = vrcp.f32 v38  }
0x1a9: {  	s4 =	simm.s32 $0x80;
	v10 =	vadd.f32 v12, v10;
	v2 =	vadd.f32 v13, v2;
	v17 =	vmul.f32 v17, v17;
	v39 =	vld [tilespmem:s6+$0x9220];
	[tilespmem:s6+$0x7230] =	vst v27  }
0x1aa: {  	v4 =	vadd.f32 v16, v4;
	v8 =	vadd.f32 v20, v8;
	v20 =	vmul.f32 v20, v20;
	v37 =	vld [tilespmem:s4+$0x6210];
	v40 =	vpop (erf)  }
0x1ab: {  	v42 =	vmul.f32 v12, v12;
	v12 =	vmul.f32 v15, v15;
	v6 =	vsub.f32 $0.0e+00, v29;
	v41 =	vld [tilespmem:s4+$0x7210];
	v11 =	vpop (erf)  }
0x1ac: {  	v7 =	vadd.f32 v17, v7;
	v5 =	vadd.f32 v20, v5;
	v48 =	vld [tilespmem:s4+$0x5210];
	v43 =	vpop (erf)  }
0x1ad: {  	v9 =	vadd.f32 v12, v9;
	v6 =	vmul.f32 $1.442695020e+00, v6;
	v44 =	vld [tilespmem:s4+$0x7240];
	[tilespmem:s6+$0x9240] =	vst v43;
	v15 =	vpop (erf);
	v12 =	vmul.f32 v43, v36  }
0x1ae: {  	v8 =	vadd.f32 v14, v8;
	v50 =	vadd.f32 $1.000000000e+00, v40;
	v49 =	vld [tilespmem:s4+$0x5220];
	[tilespmem:s6+$0x8250] =	vst v15;
	v15 =	vmul.f32 v15, v60  }
0x1af: {  	v10 =	vadd.f32 v18, v10;
	(erf) = vpow2.f32 v6;
	v6 =	vld [tilespmem:s4+$0x6200];
	[tilespmem:s6+$0x9200] =	vst v12;
	v12 =	vmul.f32 v13, v13  }
0x1b0: {  	v3 =	vadd.f32 v42, v3;
	(erf) = vrcp.f32 v50;
	v20 =	vpop (erf);
	v51 =	vld [tilespmem:s4+$0x9200];
	[tilespmem:s6+$0x8210] =	vst v15;
	v15 =	vmul.f32 v14, v14  }
0x1b1: {  	v31 =	vmul.f32 v20, v58;
	v9 =	vadd.f32 v12, v9;
	v12 =	vmul.f32 v16, v16;
	v16 =	vpop (erf)  }
0x1b2: {  	v63 =	vld [tilespmem:s6+$0x7260];
	v5 =	vadd.f32 v15, v5;
	v14 =	vmul.f32 v16, v32;
	v15 =	vmul.f32 v18, v18  }
0x1b3: {  	v10 =	vadd.f32 v19, v10;
	v2 =	vadd.f32 v21, v2;
	v17 =	vld [tilespmem:s4+$0x8210];
	[tilespmem:s6+$0x8220] =	vst v31  }
0x1b4: {  	v7 =	vadd.f32 v12, v7;
	v12 =	vld [tilespmem:s4+$0x8220];
	[tilespmem:s6+$0x9210] =	vst v14;
	v3 =	vadd.f32 v15, v3;
	v14 =	vmul.f32 v19, v19  }
0x1b5: {  	v11 =	vadd.f32 $1.000000000e+00, v11;
	v18 =	vadd.f32 v61, v39  }
0x1b6: {  	v56 =	vld [tilespmem:s6+$0x5240];
	v15 =	vmul.f32 v21, v21;
	v3 =	vadd.f32 v14, v3;
	v14 =	vmul.f32 v28, v28  }
0x1b7: {  	(erf) = vrcp.f32 v11;
	v11 =	vadd.f32 v63, v18;
	v19 =	vmul.f32 v24, v24  }
0x1b8: {  	v9 =	vadd.f32 v15, v9;
	v15 =	vmul.f32 v22, v22;
	v5 =	vadd.f32 v14, v5  }
0x1b9: {  	v4 =	vadd.f32 v25, v4;
	v2 =	vadd.f32 v22, v2;
	v13 =	vld [tilespmem:s4+$0x9210];
	[tilespmem:s6+$0x9250] =	vst v16;
	v18 =	vpop (erf)  }
0x1ba: {  	v16 =	vld [tilespmem:s4+$0x7220];
	[tilespmem:s6+$0x7260] =	vst v11;
	v9 =	vadd.f32 v15, v9;
	v14 =	vpop (erf);
	v15 =	vadd.f32 v19, v5;
	v5 =	vmul.f32 v25, v25  }
0x1bb: {  	v52 =	vld [tilespmem:s4+$0x7250];
	[tilespmem:s6+$0x8260] =	vst v20;
	v19 =	vadd.f32 v23, v4;
	v4 =	vadd.f32 v27, v10;
	v10 =	vmul.f32 v14, v56  }
0x1bc: {  	v26 =	vld [tilespmem:s6+$0x5270];
	v8 =	vadd.f32 v28, v8;
	v6 =	vadd.f32 v6, v51;
	[tilespmem:s6+$0x8240] =	vst v14  }
0x1bd: {  	v5 =	vadd.f32 v5, v7;
	v53 =	vld [tilespmem:s4+$0x5200];
	[tilespmem:s6+$0x8200] =	vst v10;
	v10 =	vadd.f32 $1.000000000e+00, v18  }
0x1be: {  	v8 =	vadd.f32 v24, v8;
	v20 =	vmul.f32 v27, v27;
	v6 =	vadd.f32 v44, v6  }
0x1bf: {  	v7 =	vmul.f32 v23, v23;
	(erf) = vrcp.f32 v10;
	v10 =	vsub.f32 $0.0e+00, v11  }
0x1c0: {  	v3 =	vadd.f32 v20, v3;
	v20 =	vadd.f32 v29, v4  }
0x1c1: {  	v14 =	vld [tilespmem:s6+$0x6270];
	v4 =	vadd.f32 v49, v12;
	v18 =	vadd.f32 v7, v5;
	v5 =	vpop (erf);
	v10 =	vmul.f32 $1.442695020e+00, v10  }
0x1c2: {  	v17 =	vadd.f32 v48, v17;
	v2 =	vadd.f32 v11, v2;
	v7 =	vld [tilespmem:s4+$0x8200];
	[tilespmem:s6+$0x8270] =	vst v5;
	v5 =	vmul.f32 v5, v26  }
0x1c3: {  	v13 =	vadd.f32 v37, v13;
	v4 =	vadd.f32 v16, v4;
	v12 =	vld [tilespmem:s4+$0x7200];
	[tilespmem:s4+$0x7240] =	vst v6;
	(erf) = vpow2.f32 v10  }
0x1c4: {  	v16 =	vld [tilespmem:s4+$0x5230];
	v10 =	vadd.f32 v41, v17;
	[tilespmem:s6+$0x8230] =	vst v5;
	v5 =	vmul.f32 v11, v11;
	v17 =	vsub.f32 $0.0e+00, v6  }
0x1c5: {  	v54 =	vmul.f32 v29, v29;
	v13 =	vadd.f32 v52, v13;
	v11 =	vsub.f32 $0.0e+00, v4;
	v56 =	vld [tilespmem:s4+$0x8230]  }
0x1c6: {  	v55 =	vsub.f32 $0.0e+00, v10;
	v9 =	vadd.f32 v5, v9;
	v5 =	vmul.f32 $1.442695020e+00, v17  }
0x1c7: {  	v3 =	vadd.f32 v54, v3;
	v57 =	vsub.f32 $0.0e+00, v13;
	v58 =	vld [tilespmem:s4+$0x7230];
	v11 =	vmul.f32 $1.442695020e+00, v11  }
0x1c8: {  	v7 =	vadd.f32 v53, v7;
	[tilespmem:s4+$0x7220] =	vst v4;
	v17 =	vmul.f32 $1.442695020e+00, v55;
	(erf) = vpow2.f32 v5;
	v59 =	vpop (erf)  }
0x1c9: {  	[tilespmem:s4+$0x7250] =	vst v13;
	v19 =	vadd.f32 v10, v19;
	v5 =	vmul.f32 v59, v14;
	v14 =	vmul.f32 $1.442695020e+00, v57  }
0x1ca: {  	[tilespmem:s4+$0x7210] =	vst v10;
	(erf) = vpow2.f32 v17;
	v17 =	vmul.f32 v10, v10;
	v10 =	vadd.f32 v16, v56  }
0x1cb: {  	v7 =	vadd.f32 v12, v7;
	[tilespmem:s6+$0x9270] =	vst v59;
	(erf) = vpow2.f32 v11;
	v11 =	vmul.f32 v4, v4  }
0x1cc: {  	v12 =	vld [tilespmem:s4+$0x6230];
	[tilespmem:s6+$0x9230] =	vst v5;
	v5 =	vadd.f32 v13, v19;
	v60 =	vadd.f32 v58, v10;
	v16 =	vpop (erf);
	(erf) = vpow2.f32 v14  }
0x1cd: {  	v19 =	vmul.f32 v7, v7;
	v10 =	vsub.f32 $0.0e+00, v7;
	v16 =	vadd.f32 $1.000000000e+00, v16  }
0x1ce: {  	v62 =	vmul.f32 v6, v6;
	[tilespmem:s4+$0x7200] =	vst v7;
	v61 =	vld [tilespmem:s4+$0x9230];
	v9 =	vadd.f32 v11, v9;
	v7 =	vadd.f32 v7, v8  }
0x1cf: {  	v8 =	vadd.f32 v19, v15;
	v15 =	vmul.f32 $1.442695020e+00, v10;
	(erf) = vrcp.f32 v16  }
0x1d0: {  	v10 =	vadd.f32 v60, v20;
	v19 =	vld [tilespmem:s4+$0x7270];
	v20 =	vmul.f32 v13, v13;
	v16 =	vsub.f32 $0.0e+00, v60  }
0x1d1: {  	v7 =	vadd.f32 v6, v7;
	v6 =	vadd.f32 v62, v8  }
0x1d2: {  	v14 =	vld [tilespmem:s4+$0x6250];
	v8 =	vadd.f32 v17, v18;
	v13 =	vpop (erf);
	(erf) = vpow2.f32 v15;
	v18 =	vmul.f32 $1.442695020e+00, v16  }
0x1d3: {  	[tilespmem:s4+$0x7230] =	vst v60;
	v11 =	vmul.f32 v60, v60;
	v15 =	vld [tilespmem:s4+$0x5240];
	v63 =	vadd.f32 $1.000000000e+00, v13;
	v12 =	vadd.f32 v12, v61;
	v13 =	vpop (erf)  }
0x1d4: {  	v16 =	vld [tilespmem:s6+$0x6260];
	v8 =	vadd.f32 v20, v8;
	v17 =	vadd.f32 $1.000000000e+00, v13;
	v20 =	vpop (erf);
	(erf) = vpow2.f32 v18  }
0x1d5: {  	s7 =	simm.s32 $0x400;
	s1 =	simm.s32 $0x600;
	v13 =	vld [tilespmem:s4+$0x5270];
	v12 =	vadd.f32 v19, v12;
	v18 =	vadd.f32 $1.000000000e+00, v20;
	(erf) = vrcp.f32 v63;
	v19 =	vpop (erf)  }
.LBB2_7:
0x1d6: {  	p1 =	sne.s32 s1, $0x3E00  }
0x1d7: {  	s2 =	sshra.s32 s7, $0x2;
	v20 =	vld [tilespmem:s4+$0x5260];
	v3 =	vadd.f32 v11, v3;
	v11 =	vadd.f32 $1.000000000e+00, v19;
	(erf) = vrcp.f32 v17;
	s7 =	smov.u32 s1;
	s1 =	sadd.s32 $0x200, s1  }
0x1d8: {  	v17 =	vld [tilespmem:s4+$0x5250];
	[tilespmem:s4+$0x7270] =	vst v12;
	v23 =	vsub.f32 $0.0e+00, v12;
	v21 =	vmul.f32 v12, v12;
	(erf) = vrcp.f32 v18;
	v18 =	vpop (erf)  }
0x1d9: {  	v10 =	vadd.f32 v12, v10;
	v22 =	vld [tilespmem:s4+$0x6220];
	(erf) = vrcp.f32 v11;
	v11 =	vmul.f32 v18, v16;
	[tilespmem:s6+$0x9260] =	vst v18  }
0x1da: {  	v12 =	vld [tilespmem:s4+$0x6240];
	v16 =	vmul.f32 $1.442695020e+00, v23;
	v3 =	vadd.f32 v21, v3  }
0x1db: {  	v18 =	vld [tilespmem:s2+$0x6210];
	v19 =	vpop (erf);
	[tilespmem:s6+$0x9220] =	vst v11;
	s6 =	smov.u32 s4;
	s4 =	smov.u32 s2  }
0x1dc: {  	v23 =	vadd.f32 $1.000000000e+00, v19;
	v19 =	vld [tilespmem:s6+$0x9220];
	(erf) = vpow2.f32 v16  }
0x1dd: {  	v16 =	vld [tilespmem:s6+$0x7260]  }
0x1de: {  	v21 =	vld [tilespmem:s4+$0x7210];
	(erf) = vrcp.f32 v23;
	v11 =	vpop (erf)  }
0x1df: {  	v23 =	vld [tilespmem:s4+$0x5210];
	v11 =	vadd.f32 $1.000000000e+00, v11;
	v24 =	vpop (erf)  }
0x1e0: {  	v25 =	vld [tilespmem:s4+$0x7240];
	v27 =	vmul.f32 v24, v12;
	[tilespmem:s6+$0x9240] =	vst v24;
	v24 =	vpop (erf)  }
0x1e1: {  	v26 =	vld [tilespmem:s4+$0x5220];
	v17 =	vmul.f32 v24, v17;
	[tilespmem:s6+$0x8250] =	vst v24;
	v19 =	vadd.f32 v22, v19;
	v22 =	vpop (erf);
	(erf) = vrcp.f32 v11  }
0x1e2: {  	v11 =	vld [tilespmem:s4+$0x6200];
	v28 =	vmul.f32 v22, v20;
	[tilespmem:s6+$0x9200] =	vst v27;
	v12 =	vpop (erf)  }
0x1e3: {  	v2 =	vadd.f32 v4, v2;
	v24 =	vld [tilespmem:s4+$0x9200];
	[tilespmem:s6+$0x8210] =	vst v17;
	v4 =	vmul.f32 v12, v14;
	v14 =	vadd.f32 v16, v19  }
0x1e4: {  	v16 =	vld [tilespmem:s4+$0x8210];
	[tilespmem:s6+$0x8220] =	vst v28  }
0x1e5: {  	v17 =	vld [tilespmem:s4+$0x8220];
	[tilespmem:s6+$0x9210] =	vst v4;
	v4 =	vsub.f32 $0.0e+00, v14;
	v2 =	vadd.f32 v14, v2;
	v19 =	vmul.f32 v14, v14;
	v20 =	vpop (erf)  }
0x1e6: {  	v27 =	vld [tilespmem:s4+$0x9210];
	[tilespmem:s6+$0x9250] =	vst v12;
	v12 =	vadd.f32 $1.000000000e+00, v20  }
0x1e7: {  	v20 =	vld [tilespmem:s4+$0x7220];
	[tilespmem:s6+$0x7260] =	vst v14;
	v4 =	vmul.f32 $1.442695020e+00, v4;
	v9 =	vadd.f32 v19, v9;
	v14 =	vpop (erf)  }
0x1e8: {  	v24 =	vadd.f32 v11, v24;
	v19 =	vld [tilespmem:s4+$0x7250];
	v15 =	vmul.f32 v14, v15;
	[tilespmem:s6+$0x8240] =	vst v14;
	(erf) = vrcp.f32 v12  }
0x1e9: {  	v12 =	vadd.f32 v23, v16;
	[tilespmem:s6+$0x8260] =	vst v22;
	v14 =	vld [tilespmem:s6+$0x6270];
	(erf) = vpow2.f32 v4  }
0x1ea: {  	v16 =	vld [tilespmem:s4+$0x5200];
	v4 =	vadd.f32 v26, v17;
	v17 =	vadd.f32 v25, v24;
	[tilespmem:s6+$0x8200] =	vst v15;
	v11 =	vpop (erf)  }
0x1eb: {  	v15 =	vld [tilespmem:s4+$0x8200];
	v12 =	vadd.f32 v21, v12;
	v18 =	vadd.f32 v18, v27;
	v13 =	vmul.f32 v11, v13;
	[tilespmem:s6+$0x8270] =	vst v11  }
0x1ec: {  	v11 =	vld [tilespmem:s4+$0x7200];
	v4 =	vadd.f32 v20, v4;
	[tilespmem:s4+$0x7240] =	vst v17;
	v20 =	vsub.f32 $0.0e+00, v17  }
0x1ed: {  	v21 =	vsub.f32 $0.0e+00, v12;
	v22 =	vmul.f32 v12, v12;
	v23 =	vld [tilespmem:s4+$0x5230];
	v18 =	vadd.f32 v19, v18;
	[tilespmem:s6+$0x8230] =	vst v13  }
0x1ee: {  	v5 =	vadd.f32 v12, v5;
	[tilespmem:s4+$0x7220] =	vst v4;
	v13 =	vsub.f32 $0.0e+00, v4;
	v19 =	vld [tilespmem:s4+$0x8230];
	v26 =	vmul.f32 $1.442695020e+00, v20  }
0x1ef: {  	v24 =	vmul.f32 v4, v4;
	v21 =	vmul.f32 $1.442695020e+00, v21;
	[tilespmem:s4+$0x7250] =	vst v18;
	v25 =	vsub.f32 $0.0e+00, v18  }
0x1f0: {  	v15 =	vadd.f32 v16, v15;
	[tilespmem:s4+$0x7210] =	vst v12;
	v12 =	vmul.f32 $1.442695020e+00, v13;
	v13 =	vld [tilespmem:s4+$0x7230];
	(erf) = vpow2.f32 v26  }
0x1f1: {  	v5 =	vadd.f32 v18, v5;
	v16 =	vmul.f32 $1.442695020e+00, v25;
	(erf) = vpow2.f32 v21;
	v20 =	vpop (erf)  }
0x1f2: {  	v11 =	vadd.f32 v11, v15;
	(erf) = vpow2.f32 v12;
	v12 =	vmul.f32 v20, v14;
	[tilespmem:s6+$0x9270] =	vst v20;
	v14 =	vpop (erf)  }
0x1f3: {  	v15 =	vadd.f32 v23, v19;
	(erf) = vpow2.f32 v16;
	v14 =	vadd.f32 $1.000000000e+00, v14  }
0x1f4: {  	v9 =	vadd.f32 v24, v9;
	v16 =	vsub.f32 $0.0e+00, v11;
	v19 =	vmul.f32 v11, v11;
	v20 =	vld [tilespmem:s4+$0x6230];
	[tilespmem:s6+$0x9230] =	vst v12  }
0x1f5: {  	[tilespmem:s4+$0x7200] =	vst v11;
	v12 =	vadd.f32 v13, v15;
	v13 =	vmul.f32 v17, v17;
	v15 =	vld [tilespmem:s4+$0x9230];
	(erf) = vrcp.f32 v14  }
0x1f6: {  	v7 =	vadd.f32 v11, v7;
	v16 =	vmul.f32 $1.442695020e+00, v16;
	v6 =	vadd.f32 v19, v6;
	v14 =	vld [tilespmem:s4+$0x6250]  }
0x1f7: {  	[tilespmem:s4+$0x7230] =	vst v12;
	v19 =	vsub.f32 $0.0e+00, v12;
	v10 =	vadd.f32 v12, v10;
	v11 =	vmul.f32 v12, v12;
	v12 =	vld [tilespmem:s4+$0x7270]  }
.Ltmp2:
0x1f8: {  	v7 =	vadd.f32 v17, v7;
	v6 =	vadd.f32 v13, v6;
	(erf) = vpow2.f32 v16;
	(pc) =	sbr.rel @p1 .LBB2_7-.Ltmp2, $4  }
0x1f9: {  	v8 =	vadd.f32 v22, v8;
	v22 =	vmul.f32 v18, v18;
	v23 =	vmul.f32 $1.442695020e+00, v19;
	v13 =	vpop (erf);
	v16 =	vld [tilespmem:s6+$0x6260]  }
0x1fa: {  	v21 =	vadd.f32 $1.000000000e+00, v13;
	v20 =	vadd.f32 v20, v15;
	v13 =	vpop (erf)  }
0x1fb: {  	v8 =	vadd.f32 v22, v8;
	v17 =	vadd.f32 $1.000000000e+00, v13;
	v13 =	vld [tilespmem:s4+$0x5270];
	v18 =	vpop (erf);
	(erf) = vpow2.f32 v23  }
0x1fc: {  	v15 =	vld [tilespmem:s4+$0x5240];
	v18 =	vadd.f32 $1.000000000e+00, v18;
	v12 =	vadd.f32 v12, v20;
	(erf) = vrcp.f32 v21;
	v19 =	vpop (erf)  }
0x1fd: {  	v20 =	vld [tilespmem:s4+$0x5260];
	(erf) = vrcp.f32 v17;
	v19 =	vadd.f32 $1.000000000e+00, v19  }
0x1fe: {  	v21 =	vld [tilespmem:s4+$0x5250];
	[tilespmem:s4+$0x7270] =	vst v12;
	v22 =	vpop (erf);
	(erf) = vrcp.f32 v18  }
0x1ff: {  	v23 =	vld [tilespmem:s4+$0x6220];
	[tilespmem:s6+$0x9260] =	vst v22;
	v16 =	vmul.f32 v22, v16;
	(erf) = vrcp.f32 v19  }
0x200: {  	s1 =	sshra.s32 s7, $0x2;
	v29 =	vsub.f32 $0.0e+00, v12;
	v52 =	vld [tilespmem:s4+$0x6240]  }
0x201: {  	v53 =	vld [tilespmem:s1+$0x6210];
	[tilespmem:s6+$0x9220] =	vst v16  }
0x202: {  	v56 =	vmul.f32 $1.442695020e+00, v29;
	v16 =	vld [tilespmem:s4+$0x9220]  }
0x203: {  	v24 =	vpop (erf);
	v54 =	vld [tilespmem:s4+$0x7260]  }
0x204: {  	v25 =	vld [tilespmem:s1+$0x7210];
	v55 =	vpop (erf);
	(erf) = vpow2.f32 v56  }
0x205: {  	v26 =	vld [tilespmem:s1+$0x5210];
	v24 =	vadd.f32 $1.000000000e+00, v24;
	v27 =	vpop (erf)  }
0x206: {  	v28 =	vld [tilespmem:s1+$0x7240];
	[tilespmem:s4+$0x9240] =	vst v27;
	v30 =	vpop (erf);
	v17 =	vmul.f32 v27, v52  }
0x207: {  	(erf) = vrcp.f32 v24;
	v31 =	vld [tilespmem:s1+$0x5220];
	[tilespmem:s4+$0x8250] =	vst v30;
	v21 =	vmul.f32 v30, v21;
	v58 =	vpop (erf)  }
0x208: {  	v19 =	vadd.f32 $1.000000000e+00, v55;
	v57 =	vld [tilespmem:s1+$0x6200];
	[tilespmem:s4+$0x9200] =	vst v17;
	v20 =	vmul.f32 v58, v20;
	v60 =	vpop (erf)  }
0x209: {  	v16 =	vadd.f32 v23, v16;
	v59 =	vld [tilespmem:s1+$0x9200];
	[tilespmem:s4+$0x8210] =	vst v21;
	v14 =	vmul.f32 v60, v14  }
0x20a: {  	(erf) = vrcp.f32 v19;
	v61 =	vld [tilespmem:s1+$0x8210];
	[tilespmem:s4+$0x8220] =	vst v20  }
0x20b: {  	v20 =	vld [tilespmem:s1+$0x8220];
	[tilespmem:s4+$0x9210] =	vst v14;
	v14 =	vadd.f32 v54, v16;
	_ =	sdelay $0x1  }
0x20c: {  	v33 =	vpop (erf);
	v35 =	vsub.f32 $0.0e+00, v14  }
0x20d: {  	v62 =	vld [tilespmem:s1+$0x9210];
	[tilespmem:s4+$0x9250] =	vst v60;
	v18 =	vadd.f32 $1.000000000e+00, v33  }
0x20e: {  	v63 =	vld [tilespmem:s1+$0x7220];
	[tilespmem:s4+$0x7260] =	vst v14;
	v36 =	vmul.f32 $1.442695020e+00, v35  }
0x20f: {  	v34 =	vpop (erf);
	v21 =	vld [tilespmem:s1+$0x7250];
	(erf) = vrcp.f32 v18  }
0x210: {  	[tilespmem:s4+$0x8260] =	vst v58;
	v27 =	vadd.f32 v57, v59;
	v15 =	vmul.f32 v34, v15;
	(erf) = vpow2.f32 v36  }
0x211: {  	[tilespmem:s4+$0x8240] =	vst v34;
	v39 =	vadd.f32 v26, v61;
	v20 =	vadd.f32 v31, v20  }
0x212: {  	v38 =	vld [tilespmem:s1+$0x5200];
	v40 =	vpop (erf);
	[tilespmem:s4+$0x8200] =	vst v15;
	v15 =	vadd.f32 v28, v27;
	v22 =	vadd.f32 v53, v62  }
0x213: {  	v37 =	vld [tilespmem:s4+$0x6270];
	v17 =	vadd.f32 v25, v39;
	v42 =	vmul.f32 v40, v13;
	v13 =	vadd.f32 v63, v20  }
0x214: {  	v41 =	vld [tilespmem:s1+$0x8200];
	[tilespmem:s4+$0x8270] =	vst v40;
	v44 =	vsub.f32 $0.0e+00, v15;
	v16 =	vadd.f32 v21, v22  }
0x215: {  	v43 =	vld [tilespmem:s1+$0x7200];
	[tilespmem:s1+$0x7240] =	vst v15;
	v46 =	vsub.f32 $0.0e+00, v17;
	v47 =	vsub.f32 $0.0e+00, v13  }
0x216: {  	v45 =	vld [tilespmem:s1+$0x5230];
	[tilespmem:s4+$0x8230] =	vst v42;
	v20 =	vmul.f32 $1.442695020e+00, v44;
	v48 =	vsub.f32 $0.0e+00, v16  }
0x217: {  	[tilespmem:s1+$0x7220] =	vst v13;
	v23 =	vld [tilespmem:s1+$0x8230];
	v21 =	vmul.f32 $1.442695020e+00, v46;
	v22 =	vmul.f32 $1.442695020e+00, v47  }
0x218: {  	[tilespmem:s1+$0x7250] =	vst v16;
	(erf) = vpow2.f32 v20;
	v50 =	vmul.f32 $1.442695020e+00, v48;
	v51 =	vpop (erf)  }
0x219: {  	[tilespmem:s1+$0x7210] =	vst v17;
	v49 =	vld [tilespmem:s1+$0x7230];
	(erf) = vpow2.f32 v21;
	v19 =	vmul.f32 v51, v37;
	v52 =	vpop (erf)  }
0x21a: {  	(erf) = vpow2.f32 v22;
	[tilespmem:s4+$0x9270] =	vst v51;
	v21 =	vadd.f32 $1.000000000e+00, v52  }
0x21b: {  	v18 =	vadd.f32 v38, v41;
	(erf) = vpow2.f32 v50;
	v53 =	vld [tilespmem:s1+$0x6230];
	[tilespmem:s4+$0x9230] =	vst v19  }
0x21c: {  	v23 =	vadd.f32 v45, v23;
	v19 =	vld [tilespmem:s1+$0x9230];
	(erf) = vrcp.f32 v21  }
0x21d: {  	v18 =	vadd.f32 v43, v18  }
0x21e: {  	v20 =	vadd.f32 v49, v23;
	v54 =	vld [tilespmem:s1+$0x7270]  }
0x21f: {  	v55 =	vsub.f32 $0.0e+00, v18;
	[tilespmem:s1+$0x7200] =	vst v18  }
0x220: {  	[tilespmem:s1+$0x7230] =	vst v20;
	v56 =	vsub.f32 $0.0e+00, v20  }
0x221: {  	v23 =	vmul.f32 $1.442695020e+00, v55;
	v57 =	vld [tilespmem:s4+$0x6260];
	v58 =	vpop (erf);
	v19 =	vadd.f32 v53, v19  }
0x222: {  	v24 =	vld [tilespmem:s1+$0x6250];
	v25 =	vmul.f32 $1.442695020e+00, v56;
	v59 =	vpop (erf)  }
0x223: {  	v22 =	vld [tilespmem:s1+$0x5270];
	(erf) = vpow2.f32 v23;
	v61 =	vadd.f32 $1.000000000e+00, v58;
	v62 =	vpop (erf);
	v19 =	vadd.f32 v54, v19  }
0x224: {  	v60 =	vld [tilespmem:s1+$0x5240];
	v28 =	vadd.f32 $1.000000000e+00, v59;
	(erf) = vpow2.f32 v25;
	v36 =	vpop (erf)  }
0x225: {  	v63 =	vld [tilespmem:s1+$0x5260];
	v27 =	vadd.f32 $1.000000000e+00, v62;
	(erf) = vrcp.f32 v61;
	v38 =	vsub.f32 $0.0e+00, v19;
	v39 =	vpop (erf)  }
0x226: {  	v37 =	vld [tilespmem:s1+$0x5250];
	v25 =	vadd.f32 $1.000000000e+00, v36;
	(erf) = vrcp.f32 v28;
	[tilespmem:s1+$0x7270] =	vst v19;
	v26 =	vmul.f32 v39, v57  }
0x227: {  	v32 =	vld [tilespmem:s1+$0x6220];
	(erf) = vrcp.f32 v27;
	[tilespmem:s4+$0x9260] =	vst v39;
	v23 =	vmul.f32 $1.442695020e+00, v38  }
0x228: {  	(erf) = vrcp.f32 v25;
	v40 =	vld [tilespmem:s1+$0x6240];
	[tilespmem:s4+$0x9220] =	vst v26  }
0x229: {  	v41 =	vld [tilespmem:s1+$0x9220];
	(erf) = vpow2.f32 v23;
	_ =	sdelay $0x1  }
0x22a: {  	v42 =	vld [tilespmem:s1+$0x7260]  }
0x22b: {  	v43 =	vpop (erf)  }
0x22c: {  	v44 =	vpop (erf)  }
0x22d: {  	v45 =	vpop (erf);
	v25 =	vadd.f32 v32, v41  }
0x22e: {  	v46 =	vpop (erf)  }
0x22f: {  	v33 =	vpop (erf);
	v23 =	vadd.f32 v42, v25  }
0x230: {  	v47 =	vadd.f32 $1.000000000e+00, v43;
	v48 =	vpop (erf)  }
0x231: {  	v28 =	vadd.f32 $1.000000000e+00, v44;
	v34 =	vsub.f32 $0.0e+00, v23;
	v35 =	vpop (erf)  }
0x232: {  	(erf) = vrcp.f32 v47;
	v49 =	vadd.f32 $1.000000000e+00, v35  }
0x233: {  	(erf) = vrcp.f32 v28;
	v50 =	vmul.f32 $1.442695020e+00, v34  }
0x234: {  	(erf) = vrcp.f32 v49  }
0x235: {  	(erf) = vpow2.f32 v50;
	_ =	sdelay $0x5  }
0x236: {  	v51 =	vpop (erf)  }
0x237: {  	v52 =	vpop (erf)  }
0x238: {  	v27 =	vmul.f32 v45, v40;
	[tilespmem:s1+$0x9240] =	vst v45;
	v53 =	vpop (erf)  }
0x239: {  	[tilespmem:s1+$0x8250] =	vst v46;
	v54 =	vpop (erf)  }
0x23a: {  	v30 =	vmul.f32 v46, v37;
	[tilespmem:s1+$0x9200] =	vst v27;
	v55 =	vadd.f32 $1.000000000e+00, v54  }
0x23b: {  	[tilespmem:s1+$0x8260] =	vst v33  }
0x23c: {  	v21 =	vmul.f32 v33, v63;
	[tilespmem:s1+$0x8210] =	vst v30;
	(erf) = vrcp.f32 v55  }
0x23d: {  	v24 =	vmul.f32 v48, v24;
	[tilespmem:s1+$0x9250] =	vst v48  }
0x23e: {  	[tilespmem:s1+$0x8220] =	vst v21  }
0x23f: {  	v56 =	vld [tilespmem:s1+$0x6270];
	[tilespmem:s1+$0x9210] =	vst v24  }
0x240: {  	[tilespmem:s1+$0x7260] =	vst v23;
	v57 =	vmul.f32 v51, v60  }
0x241: {  	v58 =	vld [tilespmem:s1+$0x6260];
	[tilespmem:s1+$0x8240] =	vst v51  }
0x242: {  	[tilespmem:s1+$0x8200] =	vst v57;
	v22 =	vmul.f32 v52, v22  }
0x243: {  	[tilespmem:s1+$0x8270] =	vst v52  }
0x244: {  	[tilespmem:s1+$0x8230] =	vst v22;
	v21 =	vmul.f32 v53, v56  }
0x245: {  	[tilespmem:s1+$0x9270] =	vst v53;
	v59 =	vpop (erf)  }
0x246: {  	[tilespmem:s1+$0x9230] =	vst v21;
	v60 =	vmul.f32 v59, v58  }
0x247: {  	[tilespmem:s1+$0x9260] =	vst v59  }
0x248: {  	s7 =	sadd.s32 s19, s3;
	[tilespmem:s1+$0x9220] =	vst v60  }
0x249: {  	[hbm4b:s7+s12] =	stream.linear.scatter [tilespmem:s8], [sflag:$0x7], $0x1000, $0x38;
	[tilespmem:$0x1DE80] =	vst v63  }
0x24a: {  	s23 =	simm.s32 $0x5140  }
0x24b: {  	[spmem:s14] =	stream.indirect.scatter.add.f32 [tilespmem:s5], [sflag:$0x8], $0x80, s23, s29, $0xb8;
	[tilespmem:$0x1DE80] =	vst v63  }
0x24c: {  	v3 =	vadd.f32 v11, v3;
	v2 =	vadd.f32 v4, v2;
	_ =	swait.ge [sflag:s24], $0x1000  }
0x24d: {  	v11 =	vmul.f32 v12, v12;
	v10 =	vadd.f32 v12, v10;
	v4 =	vmul.f32 v14, v14;
	[sflag:s24] =	ssyncset.done $0x0  }
0x24e: {  	v2 =	vadd.f32 v14, v2;
	v5 =	vadd.f32 v17, v5;
	[sflag:s24] =	ssyncadd.s32 $0xFFFFF000  }
0x24f: {  	v3 =	vadd.f32 v11, v3;
	v9 =	vadd.f32 v4, v9;
	v11 =	vmul.f32 v13, v13;
	_ =	swait.ge [sflag:s25], $0x2000  }
0x250: {  	v2 =	vadd.f32 v13, v2;
	v4 =	vadd.f32 v16, v5;
	v5 =	vmul.f32 v18, v18;
	[sflag:s25] =	ssyncset.done $0x0  }
0x251: {  	s11 =	sadd.s32 $0x1, s11;
	v11 =	vadd.f32 v11, v9;
	v7 =	vadd.f32 v18, v7;
	v61 =	vmul.f32 v17, v17;
	[sflag:s25] =	ssyncadd.s32 $0xFFFFE000  }
0x252: {  	p1 =	sne.s32 s11, s20;
	v5 =	vadd.f32 v5, v6;
	v6 =	vadd.f32 v20, v10;
	v10 =	vmul.f32 v20, v20;
	_ =	swait.ge [sflag:s21], $0x1000  }
.Ltmp3:
0x253: {  	v62 =	vmul.f32 v15, v15;
	v8 =	vadd.f32 v61, v8;
	v63 =	vmul.f32 v16, v16;
	[sflag:s21] =	ssyncset.done $0x0;
	(pc) =	sbr.rel @p1 .LBB2_4-.Ltmp3, $4  }
0x254: {  	v9 =	vadd.f32 v15, v7;
	v3 =	vadd.f32 v10, v3;
	v10 =	vmul.f32 v19, v19;
	[sflag:s21] =	ssyncadd.s32 $0xFFFFF000  }
0x255: {  	v7 =	vadd.f32 v62, v5;
	v5 =	vadd.f32 v63, v8;
	v8 =	vmul.f32 v23, v23;
	_ =	swait.ge [sflag:s30], $0x2000  }
0x256: {  	v6 =	vadd.f32 v19, v6;
	v3 =	vadd.f32 v10, v3;
	[sflag:s30] =	ssyncset.done $0x0  }
0x257: {  	v2 =	vadd.f32 v23, v2;
	v8 =	vadd.f32 v8, v11;
	[sflag:s30] =	ssyncadd.s32 $0xFFFFE000  }
0x258: {  	[tilespmem:$0xA200] =	vst v9  }
0x259: {  	[tilespmem:$0xA240] =	vst v7  }
0x25a: {  	[tilespmem:$0xA210] =	vst v4  }
0x25b: {  	[tilespmem:$0xA250] =	vst v5  }
0x25c: {  	[tilespmem:$0xA230] =	vst v6  }
0x25d: {  	[tilespmem:$0xA270] =	vst v3  }
0x25e: {  	[tilespmem:$0xA220] =	vst v2  }
0x25f: {  	s1 =	simm.s32 $0x0;
	s2 =	rddreg [dreg:$0x10];
	s3 =	simm.s32 $0xA200;
	[tilespmem:$0xA260] =	vst v8  }
0x260: {  	[hbm4b:s2+s1] =	stream.linear.scatter [tilespmem:s3], [sflag:$0x9], $0x400, $0x38;
	[tilespmem:$0x1DE80] =	vst v63  }
0x261: {  	_ =	swait.ge [sflag:s28], $0x400  }
0x262: {  	[sflag:s28] =	ssyncset.done $0x0  }
0x263: {  	[sflag:s28] =	ssyncadd.s32 $0xFFFFFC00  }
0x264: {  	[bflag:$0x0] =	sbarrier.arrive $0xFFFF  }
0x265: {  	s12 =	rddreg [dreg:$0x13]  }
0x266: {  	[tilespmem:s26], [sflag:$0x9] =	stream.linear.gather [spmem:s12], $0x2000, $0x38;
	[tilespmem:$0x1DE80] =	vst v63  }
0x267: {  	_ =	swait.ge [sflag:s28], $0x2000  }
0x268: {  	[sflag:s28] =	ssyncset.done $0x0  }
0x269: {  	s23 =	rddreg [dreg:$0x5];
	[sflag:s28] =	ssyncadd.s32 $0xFFFFE000  }
0x26a: {  	[hbm4b:s23+s1] =	stream.linear.scatter [tilespmem:s26], [sflag:$0x9], $0x2000, $0x38;
	[tilespmem:$0x1DE80] =	vst v63  }
0x26b: {  	_ =	swait.ge [sflag:s28], $0x2000  }
0x26c: {  	[sflag:s28] =	ssyncset.done $0x0  }
0x26d: {  	s3 =	rddreg [dreg:$0x14];
	[sflag:s28] =	ssyncadd.s32 $0xFFFFE000  }
0x26e: {  	[tilespmem:s26], [sflag:$0x9] =	stream.linear.gather [spmem:s3], $0x2000, $0x38;
	[tilespmem:$0x1DE80] =	vst v63  }
0x26f: {  	_ =	swait.ge [sflag:s28], $0x2000  }
0x270: {  	[sflag:s28] =	ssyncset.done $0x0  }
0x271: {  	s4 =	rddreg [dreg:$0x6];
	[sflag:s28] =	ssyncadd.s32 $0xFFFFE000  }
0x272: {  	[hbm4b:s4+s1] =	stream.linear.scatter [tilespmem:s26], [sflag:$0x9], $0x2000, $0x38;
	[tilespmem:$0x1DE80] =	vst v63  }
0x273: {  	_ =	swait.ge [sflag:s28], $0x2000  }
0x274: {  	[sflag:s28] =	ssyncset.done $0x0  }
0x275: {  	s6 =	rddreg [dreg:$0x15];
	[sflag:s28] =	ssyncadd.s32 $0xFFFFE000  }
0x276: {  	[tilespmem:s26], [sflag:$0x9] =	stream.linear.gather [spmem:s6], $0x2000, $0x38;
	[tilespmem:$0x1DE80] =	vst v63  }
0x277: {  	_ =	swait.ge [sflag:s28], $0x2000  }
0x278: {  	[sflag:s28] =	ssyncset.done $0x0  }
0x279: {  	s7 =	rddreg [dreg:$0x7];
	[sflag:s28] =	ssyncadd.s32 $0xFFFFE000  }
0x27a: {  	[hbm4b:s7+s1] =	stream.linear.scatter [tilespmem:s26], [sflag:$0x9], $0x2000, $0x38;
	[tilespmem:$0x1DE80] =	vst v63  }
0x27b: {  	_ =	swait.ge [sflag:s28], $0x2000  }
0x27c: {  	[sflag:s28] =	ssyncset.done $0x0  }
0x27d: {  	s11 =	rddreg [dreg:$0x16];
	[sflag:s28] =	ssyncadd.s32 $0xFFFFE000  }
0x27e: {  	[tilespmem:s26], [sflag:$0x9] =	stream.linear.gather [spmem:s11], $0x2000, $0x38;
	[tilespmem:$0x1DE80] =	vst v63  }
0x27f: {  	_ =	swait.ge [sflag:s28], $0x2000  }
0x280: {  	[sflag:s28] =	ssyncset.done $0x0  }
0x281: {  	s12 =	rddreg [dreg:$0x8];
	[sflag:s28] =	ssyncadd.s32 $0xFFFFE000  }
0x282: {  	[hbm4b:s12+s1] =	stream.linear.scatter [tilespmem:s26], [sflag:$0x9], $0x2000, $0x38;
	[tilespmem:$0x1DE80] =	vst v63  }
0x283: {  	_ =	swait.ge [sflag:s28], $0x2000  }
0x284: {  	[sflag:s28] =	ssyncset.done $0x0  }
0x285: {  	s23 =	rddreg [dreg:$0x17];
	[sflag:s28] =	ssyncadd.s32 $0xFFFFE000  }
0x286: {  	[tilespmem:s26], [sflag:$0x9] =	stream.linear.gather [spmem:s23], $0x2000, $0x38;
	[tilespmem:$0x1DE80] =	vst v63  }
0x287: {  	_ =	swait.ge [sflag:s28], $0x2000  }
0x288: {  	[sflag:s28] =	ssyncset.done $0x0  }
0x289: {  	s3 =	rddreg [dreg:$0x9];
	[sflag:s28] =	ssyncadd.s32 $0xFFFFE000  }
0x28a: {  	[hbm4b:s3+s1] =	stream.linear.scatter [tilespmem:s26], [sflag:$0x9], $0x2000, $0x38;
	[tilespmem:$0x1DE80] =	vst v63  }
0x28b: {  	_ =	swait.ge [sflag:s28], $0x2000  }
0x28c: {  	[sflag:s28] =	ssyncset.done $0x0  }
0x28d: {  	s4 =	rddreg [dreg:$0x18];
	[sflag:s28] =	ssyncadd.s32 $0xFFFFE000  }
0x28e: {  	[tilespmem:s26], [sflag:$0x9] =	stream.linear.gather [spmem:s4], $0x2000, $0x38;
	[tilespmem:$0x1DE80] =	vst v63  }
0x28f: {  	_ =	swait.ge [sflag:s28], $0x2000  }
0x290: {  	[sflag:s28] =	ssyncset.done $0x0  }
0x291: {  	s6 =	rddreg [dreg:$0xa];
	[sflag:s28] =	ssyncadd.s32 $0xFFFFE000  }
0x292: {  	[hbm4b:s6+s1] =	stream.linear.scatter [tilespmem:s26], [sflag:$0x9], $0x2000, $0x38;
	[tilespmem:$0x1DE80] =	vst v63  }
0x293: {  	_ =	swait.ge [sflag:s28], $0x2000  }
0x294: {  	[sflag:s28] =	ssyncset.done $0x0  }
0x295: {  	s7 =	rddreg [dreg:$0x19];
	[sflag:s28] =	ssyncadd.s32 $0xFFFFE000  }
0x296: {  	[tilespmem:s26], [sflag:$0x9] =	stream.linear.gather [spmem:s7], $0x2000, $0x38;
	[tilespmem:$0x1DE80] =	vst v63  }
0x297: {  	_ =	swait.ge [sflag:s28], $0x2000  }
0x298: {  	[sflag:s28] =	ssyncset.done $0x0  }
0x299: {  	s11 =	rddreg [dreg:$0xb];
	[sflag:s28] =	ssyncadd.s32 $0xFFFFE000  }
0x29a: {  	[hbm4b:s11+s1] =	stream.linear.scatter [tilespmem:s26], [sflag:$0x9], $0x2000, $0x38;
	[tilespmem:$0x1DE80] =	vst v63  }
0x29b: {  	_ =	swait.ge [sflag:s28], $0x2000  }
0x29c: {  	[sflag:s28] =	ssyncset.done $0x0  }
0x29d: {  	s12 =	rddreg [dreg:$0x1a];
	[sflag:s28] =	ssyncadd.s32 $0xFFFFE000  }
0x29e: {  	[tilespmem:s26], [sflag:$0x9] =	stream.linear.gather [spmem:s12], $0x2000, $0x38;
	[tilespmem:$0x1DE80] =	vst v63  }
0x29f: {  	_ =	swait.ge [sflag:s28], $0x2000  }
0x2a0: {  	[sflag:s28] =	ssyncset.done $0x0  }
0x2a1: {  	s23 =	rddreg [dreg:$0xc];
	[sflag:s28] =	ssyncadd.s32 $0xFFFFE000  }
0x2a2: {  	[hbm4b:s23+s1] =	stream.linear.scatter [tilespmem:s26], [sflag:$0x9], $0x2000, $0x38;
	[tilespmem:$0x1DE80] =	vst v63  }
0x2a3: {  	_ =	swait.ge [sflag:s28], $0x2000  }
0x2a4: {  	[sflag:s28] =	ssyncset.done $0x0  }
0x2a5: {  	s3 =	rddreg [dreg:$0x1b];
	[sflag:s28] =	ssyncadd.s32 $0xFFFFE000  }
0x2a6: {  	[tilespmem:s26], [sflag:$0x9] =	stream.linear.gather [spmem:s3], $0x2000, $0x38;
	[tilespmem:$0x1DE80] =	vst v63  }
0x2a7: {  	_ =	swait.ge [sflag:s28], $0x2000  }
0x2a8: {  	[sflag:s28] =	ssyncset.done $0x0  }
0x2a9: {  	s4 =	rddreg [dreg:$0xd];
	[sflag:s28] =	ssyncadd.s32 $0xFFFFE000  }
0x2aa: {  	[hbm4b:s4+s1] =	stream.linear.scatter [tilespmem:s26], [sflag:$0x9], $0x2000, $0x38;
	[tilespmem:$0x1DE80] =	vst v63  }
0x2ab: {  	_ =	swait.ge [sflag:s28], $0x2000  }
0x2ac: {  	[sflag:s28] =	ssyncset.done $0x0  }
0x2ad: {  	s6 =	rddreg [dreg:$0x1c];
	[sflag:s28] =	ssyncadd.s32 $0xFFFFE000  }
0x2ae: {  	[tilespmem:s26], [sflag:$0x9] =	stream.linear.gather [spmem:s6], $0x2000, $0x38;
	[tilespmem:$0x1DE80] =	vst v63  }
0x2af: {  	_ =	swait.ge [sflag:s28], $0x2000  }
0x2b0: {  	[sflag:s28] =	ssyncset.done $0x0  }
0x2b1: {  	s7 =	rddreg [dreg:$0xe];
	[sflag:s28] =	ssyncadd.s32 $0xFFFFE000  }
0x2b2: {  	[hbm4b:s7+s1] =	stream.linear.scatter [tilespmem:s26], [sflag:$0x9], $0x2000, $0x38;
	[tilespmem:$0x1DE80] =	vst v63  }
0x2b3: {  	_ =	swait.ge [sflag:s28], $0x2000  }
0x2b4: {  	[sflag:s28] =	ssyncset.done $0x0  }
0x2b5: {  	s1 =	simm.s32 @!p0 $0x3100;
	s2 =	rddreg [dreg:$0x1d];
	[sflag:s28] =	ssyncadd.s32 $0xFFFFE000  }
0x2b6: {  	[tilespmem:s1], [sflag:$0x9] =	stream.linear.gather @!p0 [spmem:s2], $0x800, $0x38;
	[tilespmem:$0x1DE80] =	vst v63  }
0x2b7: {  	s2 =	simm.s32 @!p0 $0x9  }
0x2b8: {  	_ =	swait.ge @!p0 [sflag:s2], $0x800  }
0x2b9: {  	[sflag:s2] =	ssyncset.done @!p0 $0x0  }
0x2ba: {  	s3 =	simm.s32 @!p0 $0x0;
	s4 =	rddreg [dreg:$0x11];
	[sflag:s2] =	ssyncadd.s32 @!p0 $0xFFFFF800  }
0x2bb: {  	[hbm4b:s4+s3] =	stream.linear.scatter @!p0 [tilespmem:s1], [sflag:$0x9], $0x800, $0x38;
	[tilespmem:$0x1DE80] =	vst v63  }
0x2bc: {  	_ =	swait.ge @!p0 [sflag:s2], $0x800  }
0x2bd: {  	s11 =	sld [smem:$0x7F6];
	_ =	sdelay $0x2  }
0x2be: {  	s23 =	rddreg [dreg:$0x12];
	s3 =	sadd.s32 $0x1, s11  }
0x2bf: {  	p1 =	sne.s32 s3, s23  }
.Ltmp4:
0x2c0: {  	_ = 	snop;
	(pc) =	sbr.rel @p1 .LBB2_1-.Ltmp4, $3  }
0x2c1: {  	_ =	sdelay $0x1  }
0x2c2: {  	[sflag:s2] =	ssyncset.done @!p0 $0x0  }
0x2c3: {  	s12 =	simm.s32 $0x0;
	[sflag:s2] =	ssyncadd.s32 @!p0 $0xFFFFF800  }
0x2c4: {  	_ =	sfence.sel $0x180000  }
0x2c5: {  	[bflag:$0x0] =	sbarrier.arrive $0xFFFF  }
0x2c6: {  	_ =	strace $0x90000047  }
0x2c7: {  	s0 =	stileid.u32;
	[bflag:$0x2] =	sbarrier.arrive $0xFFFF  }
0x2c8: {  	p0 =	sne.s32 s0, $0x0;
	s0 =	rddreg [dreg:$0x3]  }
0x2c9: {  	s0 =	sadd.s32 @!p0 $0x100000, s0  }
0x2ca: {  	[sflag:s0] =	ssyncadd.tile.s32 @!p0 $0x1;
	_ =	shalt  }
.Lfunc_end2:
_tile_overlayer_lowered:
.L_overlay_start_2:
0x2cb: {  	(tag) =	ssettag $0x2  }
0x2cc: {  	s0 =	rddreg [dreg:$0x0];
	s2 =	stileid.u32  }
0x2cd: {  	s1 =	rddreg [dreg:$0x1];
	p0 =	sne.s32 s2, $0x0  }
0x2ce: {  	s3 =	rddreg [dreg:$0x2];
	[bflag:$0x3] =	sbarrier.arrive $0xFFFF;
	s2 =	simm.s32 @!p0 $0x1C09  }
0x2cf: {  	[timem:s3], [sflag:s2] =	dma.local @!p0 [hbm:s0], s1  }
0x2d0: {  	s0 =	simm.s32 @!p0 $0x9  }
0x2d1: {  	_ =	swait.ge @!p0 [sflag:s0], s1  }
0x2d2: {  	s1 =	ssub.s32 @!p0 $0x0, s1;
	[sflag:s0] =	ssyncset.done @!p0 $0x0  }
0x2d3: {  	[sflag:s0] =	ssyncadd.s32 @!p0 s1  }
0x2d4: {  	[bflag:$0x3] =	sbarrier.arrive $0xFFFF  }
0x2d5: {  	_ =	shalt  }

</sc_bundles>
